<compile_context>
chip_gen: v7x
topology: tpu7x:2x2x1
jax: 0.10.2.dev20260603
libtpu: 0.0.44.dev20260713+nightly
codegen_flags: <defaults>
</compile_context>

<pallas_src>
import functools

import jax
import jax.numpy as jnp
from jax import lax
from jax.experimental import pallas as pl
from jax.experimental.pallas import tpu as pltpu
from jax.experimental.pallas import tpu_sc as plsc

N = 10000
E = 320000
D_IN = 128
H = 256
OUT = 10
G = 64
EPS = 1e-5

NPAD = 10112
CHUNK = 112
NBUF = 3
EPAD = 322560
ZROWS = NPAD // 16

_f32 = jnp.float32



def _seg_body(edge_split, gather, *refs):
    if gather:
        (tcat, src_hbm, dst_hbm, zs_hbm, s_out,
         srcb, dstb, gbuf, s_sh) = refs[:9]
        sems = refs[9:]
    else:
        (ones_hbm, dst_hbm, zs_hbm, s_out,
         srcb, dstb, gbuf, s_sh) = refs[:8]
        sems = refs[8:]
    gsem = sems[:NBUF]
    ssem = sems[NBUF:]
    c = lax.axis_index("c")
    s = lax.axis_index("s")
    nchunks = EPAD // CHUNK // (32 if edge_split else 16)
    tile = c * 16 + s if edge_split else s
    e0 = tile * nchunks * CHUNK
    se0 = c * EPAD + e0

    z0 = s * ZROWS
    pltpu.sync_copy(zs_hbm.at[pl.ds(z0, ZROWS)], s_sh.at[pl.ds(z0, ZROWS)])
    if not gather:
        for b in range(NBUF):
            pltpu.sync_copy(ones_hbm, gbuf.at[b])
    plsc.subcore_barrier()

    def stage(j, b):
        pltpu.sync_copy(dst_hbm.at[pl.ds(e0 + j * CHUNK, CHUNK)], dstb.at[b])
        if gather:
            pltpu.sync_copy(src_hbm.at[pl.ds(se0 + j * CHUNK, CHUNK)],
                            srcb.at[b])

    def fire_gather(b):
        if gather:
            pltpu.async_copy(tcat.at[srcb.at[b]], gbuf.at[b], gsem[b])

    def wait_gather(b):
        if gather:
            pltpu.make_async_copy(tcat.at[srcb.at[b]], gbuf.at[b],
                                  gsem[b]).wait()

    def fire_scatter(b):
        pltpu.async_copy(gbuf.at[b], s_sh.at[dstb.at[b]], ssem[b], add=True)

    def wait_scatter(b):
        pltpu.make_async_copy(gbuf.at[b], s_sh.at[dstb.at[b]], ssem[b]).wait()

    for b in range(NBUF):
        stage(b, b)
        fire_gather(b)

    def _step(jn, carry):
        j = jn * NBUF
        for b in range(NBUF):
            wait_gather(b)
            fire_scatter(b)
        for b in range(NBUF):
            wait_scatter(b)
            stage(j + NBUF + b, b)
            fire_gather(b)
        return carry

    lax.fori_loop(0, nchunks // NBUF - 1, _step, 0)

    for b in range(NBUF):
        wait_gather(b)
        fire_scatter(b)
    for b in range(NBUF):
        wait_scatter(b)

    plsc.subcore_barrier()

    o0 = c * NPAD + z0
    pltpu.sync_copy(s_sh.at[pl.ds(z0, ZROWS)], s_out.at[pl.ds(o0, ZROWS)])


def _make_seg(edge_split, gather=True):
    return pl.kernel(
        functools.partial(_seg_body, edge_split, gather),
        out_type=[jax.ShapeDtypeStruct((2 * NPAD, 128), _f32)],
        mesh=plsc.VectorSubcoreMesh(core_axis_name="c", subcore_axis_name="s",
                                    num_cores=2, num_subcores=16),
        scratch_types=[
            pltpu.VMEM((NBUF, CHUNK), jnp.int32),
            pltpu.VMEM((NBUF, CHUNK), jnp.int32),
            pltpu.VMEM((NBUF, CHUNK, 128), _f32),
            pltpu.VMEM_SHARED((NPAD, 128), _f32),
        ] + [pltpu.SemaphoreType.DMA] * (2 * NBUF),
    )



def _norm_body(x_ref, o_ref):
    x = x_ref[...]
    c0 = x[:, 0:1]
    c1 = x[:, 1:2]
    mn0, mx0 = jnp.min(c0), jnp.max(c0)
    mn1, mx1 = jnp.min(c1), jnp.max(c1)
    col = lax.broadcasted_iota(jnp.int32, (1, D_IN), 1)
    scale = jnp.where(col == 0, 1.0 / mx0, jnp.where(col == 1, 1.0 / mx1, 1.0))
    shift = jnp.where(col == 0, -mn0 / mx0, jnp.where(col == 1, -mn1 / mx1, 0.0))
    o_ref[...] = x * scale + shift


def _norm_x(x):
    return pl.pallas_call(
        _norm_body,
        out_shape=jax.ShapeDtypeStruct((N, D_IN), _f32),
    )(x)


_BN_SCALE = 1.0 / (1.0 + EPS) ** 0.5
_RBLK = 1000
_GRID = N // _RBLK


def _row_spec(w):
    return pl.BlockSpec((_RBLK, w), lambda i: (i, 0))


def _full_spec(h, w):
    return pl.BlockSpec((h, w), lambda i: (0, 0))


def _pre1_body(xn_ref, wr_ref, b_ref, r_ref):
    r_ref[...] = (jnp.dot(xn_ref[...], wr_ref[...],
                          preferred_element_type=_f32) + b_ref[...])


def _pre1(xn, wr, b):
    return pl.pallas_call(
        _pre1_body,
        grid=(_GRID,),
        in_specs=[_row_spec(128), _full_spec(128, 256), _full_spec(1, 256)],
        out_specs=_row_spec(256),
        out_shape=jax.ShapeDtypeStruct((N, 256), _f32),
    )(xn, wr, b)


def _pre23_body(h0_ref, h1_ref, wra_ref, wrb_ref, b_ref, r_ref):
    r_ref[...] = (jnp.dot(h0_ref[...], wra_ref[...],
                          preferred_element_type=_f32)
                  + jnp.dot(h1_ref[...], wrb_ref[...],
                            preferred_element_type=_f32)
                  + b_ref[...])


def _pre23(h0, h1, wra, wrb, b):
    return pl.pallas_call(
        _pre23_body,
        grid=(_GRID,),
        in_specs=[_row_spec(128), _row_spec(128),
                  _full_spec(128, 256), _full_spec(128, 256),
                  _full_spec(1, 256)],
        out_specs=_row_spec(256),
        out_shape=jax.ShapeDtypeStruct((N, 256), _f32),
    )(h0, h1, wra, wrb, b)


def _post1_body(xn_ref, s0_ref, s1_ref, c0_ref, c1_ref, r_ref, wl_ref,
                g_ref, be_ref, h0_ref, h1_ref):
    deg = c0_ref[:, 0:1] + c1_ref[:, 0:1]
    inv = 1.0 / (deg + 1.0)
    mean = (s0_ref[...] + s1_ref[...] + xn_ref[...]) * inv
    y = jnp.dot(mean, wl_ref[...], preferred_element_type=_f32) + r_ref[...]
    y = y * (g_ref[...] * _BN_SCALE) + be_ref[...]
    y = jnp.maximum(y, 0.0)
    h0_ref[...] = y[:, :128]
    h1_ref[...] = y[:, 128:]


def _post1(xn, s0, s1, c0, c1, r, wl, g, be):
    return pl.pallas_call(
        _post1_body,
        grid=(_GRID,),
        in_specs=[_row_spec(128), _row_spec(128), _row_spec(128),
                  _row_spec(16), _row_spec(16), _row_spec(256),
                  _full_spec(128, 256), _full_spec(1, 256),
                  _full_spec(1, 256)],
        out_specs=[_row_spec(128), _row_spec(128)],
        out_shape=[jax.ShapeDtypeStruct((N, 128), _f32)] * 2,
    )(xn, s0, s1, c0, c1, r, wl, g, be)


def _post23_body(s0_ref, s1_ref, h0_ref, h1_ref, c0_ref, c1_ref, r_ref,
                 wla_ref, wlb_ref, g_ref, be_ref, o0_ref, o1_ref):
    deg = c0_ref[:, 0:1] + c1_ref[:, 0:1]
    inv = 1.0 / (deg + 1.0)
    m0 = (s0_ref[...] + h0_ref[...]) * inv
    m1 = (s1_ref[...] + h1_ref[...]) * inv
    y = (jnp.dot(m0, wla_ref[...], preferred_element_type=_f32)
         + jnp.dot(m1, wlb_ref[...], preferred_element_type=_f32)
         + r_ref[...])
    y = y * (g_ref[...] * _BN_SCALE) + be_ref[...]
    y = jnp.maximum(y, 0.0)
    o0_ref[...] = y[:, :128]
    o1_ref[...] = y[:, 128:]


def _post23(s0, s1, h0, h1, c0, c1, r, wla, wlb, g, be):
    return pl.pallas_call(
        _post23_body,
        grid=(_GRID,),
        in_specs=[_row_spec(128)] * 4 + [_row_spec(16)] * 2 +
                 [_row_spec(256)] +
                 [_full_spec(128, 256)] * 2 + [_full_spec(1, 256)] * 2,
        out_specs=[_row_spec(128), _row_spec(128)],
        out_shape=[jax.ShapeDtypeStruct((N, 128), _f32)] * 2,
    )(s0, s1, h0, h1, c0, c1, r, wla, wlb, g, be)


def _pool_body(h0_ref, h1_ref, batch_ref, wf1_ref, bf1_ref, wf2_ref, bf2_ref,
               o_ref):
    ids = lax.broadcasted_iota(jnp.int32, (G, N), 0)
    oh = (ids == batch_ref[...]).astype(_f32)
    gc = jnp.sum(oh, axis=1, keepdims=True)
    g0 = jnp.dot(oh, h0_ref[...], preferred_element_type=_f32)
    g1 = jnp.dot(oh, h1_ref[...], preferred_element_type=_f32)
    hg = jnp.concatenate([g0, g1], axis=1) / jnp.maximum(gc, 1.0)
    z1 = jnp.maximum(jnp.dot(hg, wf1_ref[...], preferred_element_type=_f32)
                     + bf1_ref[...], 0.0)
    z = jnp.dot(z1, wf2_ref[...], preferred_element_type=_f32) + bf2_ref[...]
    col = lax.broadcasted_iota(jnp.int32, (G, 128), 1)
    z = jnp.where(col < OUT, z, -jnp.inf)
    m = jnp.max(z, axis=1, keepdims=True)
    lse = jnp.log(jnp.sum(jnp.exp(z - m), axis=1, keepdims=True)) + m
    o_ref[...] = z - lse


def _pool(h0, h1, batch2d, wf1, bf1, wf2p, bf2p):
    return pl.pallas_call(
        _pool_body,
        out_shape=jax.ShapeDtypeStruct((G, 128), _f32),
    )(h0, h1, batch2d, wf1, bf1, wf2p, bf2p)



def kernel(x, edge_index, batch, Wl1, Wr1, b1, g1, be1, Wl2, Wr2, b2, g2, be2,
           Wl3, Wr3, b3, g3, be3, Wf1, bf1, Wf2, bf2):
    pad = EPAD - E
    src_f = jnp.concatenate([edge_index[0], jnp.zeros((pad,), jnp.int32)])
    src2 = jnp.concatenate([src_f, src_f + N])
    dst_f = jnp.concatenate([edge_index[1], jnp.full((pad,), N, jnp.int32)])
    zs = jnp.zeros((NPAD, 128), _f32)
    ones = jnp.ones((CHUNK, 128), _f32)

    xn = _norm_x(x)

    cntk = _make_seg(edge_split=True, gather=False)
    (cntp,) = cntk(ones, dst_f, zs)
    c0, c1 = cntp[:N, :16], cntp[NPAD:NPAD + N, :16]

    seg1 = _make_seg(edge_split=True)
    tcat = jnp.concatenate([xn, xn], axis=0)
    r1 = _pre1(xn, Wr1, b1.reshape(1, H))
    (sp,) = seg1(tcat, src2, dst_f, zs)
    h0, h1 = _post1(xn, sp[:N], sp[NPAD:NPAD + N], c0, c1, r1, Wl1,
                    g1.reshape(1, H), be1.reshape(1, H))

    seg = _make_seg(edge_split=False)

    r2 = _pre23(h0, h1, Wr2[:128], Wr2[128:], b2.reshape(1, H))
    (sp,) = seg(jnp.concatenate([h0, h1], axis=0), src2, dst_f, zs)
    h0, h1 = _post23(sp[:N], sp[NPAD:NPAD + N], h0, h1, c0, c1, r2,
                     Wl2[:128], Wl2[128:], g2.reshape(1, H),
                     be2.reshape(1, H))

    r3 = _pre23(h0, h1, Wr3[:128], Wr3[128:], b3.reshape(1, H))
    (sp,) = seg(jnp.concatenate([h0, h1], axis=0), src2, dst_f, zs)
    h0, h1 = _post23(sp[:N], sp[NPAD:NPAD + N], h0, h1, c0, c1, r3,
                     Wl3[:128], Wl3[128:], g3.reshape(1, H),
                     be3.reshape(1, H))

    wf2p = jnp.pad(Wf2, ((0, 0), (0, 128 - OUT)))
    bf2p = jnp.pad(bf2, (0, 128 - OUT)).reshape(1, 128)
    out = _pool(h0, h1, batch.reshape(1, N), Wf1, bf1.reshape(1, H // 2),
                wf2p, bf2p)
    return out[:, :OUT]

# --- scband reference (transcript-rebuilt; emitter-appended) ---
"""Pipeline reference for scband-complex-graph-sage-2894807957581 (READ-ONLY COPY).

The authoritative reference and input builder live on the scoring server;
editing this copy changes nothing except your own understanding.
"""

import jax, jax.numpy as jnp
import numpy as np

N = 10000
E = 320000
D_IN = 128
H = 256
OUT = 10
G = 64
EPS = 1e-5

def _glorot(key, fan_in, fan_out):
    limit = np.sqrt(6.0 / (fan_in + fan_out))
    return jax.random.uniform(key, (fan_in, fan_out), jnp.float32, -limit, limit)

def setup_inputs(seed: int = 0):
    key = jax.random.key(seed)
    ks = jax.random.split(key, 24)
    inp = {}
    inp["x"] = jax.random.normal(ks[0], (N, D_IN), jnp.float32)
    inp["edge_index"] = jax.random.randint(ks[1], (2, E), 0, N, dtype=jnp.int32)
    inp["batch"] = jnp.sort(jax.random.randint(ks[2], (N,), 0, G, dtype=jnp.int32))
    dims = [(D_IN, H), (H, H), (H, H)]
    for i, (fi, fo) in enumerate(dims, start=1):
        inp["Wl%d" % i] = _glorot(ks[2 + 3 * i], fi, fo)
        inp["Wr%d" % i] = _glorot(ks[3 + 3 * i], fi, fo)
        inp["b%d" % i] = jnp.zeros((fo,), jnp.float32)
        inp["g%d" % i] = jnp.ones((fo,), jnp.float32)
        inp["be%d" % i] = jnp.zeros((fo,), jnp.float32)
    inp["Wf1"] = _glorot(ks[20], H, H // 2)
    inp["bf1"] = jnp.zeros((H // 2,), jnp.float32)
    inp["Wf2"] = _glorot(ks[21], H // 2, OUT)
    inp["bf2"] = jnp.zeros((OUT,), jnp.float32)
    return inp

def _sage(x, src, dst, Wl, Wr, b):
    # PyG SAGEConv (aggr='mean'): out = lin_l(mean_{j in N(i)} x_j) + lin_r(x_i)
    msg = jnp.take(x, src, axis=0)
    s = jax.ops.segment_sum(msg, dst, num_segments=N)
    cnt = jax.ops.segment_sum(jnp.ones((src.shape[0], 1), x.dtype), dst, num_segments=N)
    mean = s / jnp.clip(cnt, 1.0)
    return mean @ Wl + x @ Wr + b

def _bn_eval(x, g, b):
    # BatchNorm1d in eval mode: running_mean=0, running_var=1
    return x * (g / jnp.sqrt(1.0 + EPS)) + b

def reference(x, edge_index, batch, Wl1, Wr1, b1, g1, be1, Wl2, Wr2, b2, g2, be2, Wl3, Wr3, b3, g3, be3, Wf1, bf1, Wf2, bf2):
    loops = jnp.arange(N, dtype=edge_index.dtype)
    src = jnp.concatenate([edge_index[0], loops])
    dst = jnp.concatenate([edge_index[1], loops])
    c0 = x[:, 0]
    c1 = x[:, 1]
    x = x.at[:, 0].set((c0 - jnp.min(c0)) / jnp.max(c0))
    x = x.at[:, 1].set((c1 - jnp.min(c1)) / jnp.max(c1))
    h = jax.nn.relu(_bn_eval(_sage(x, src, dst, Wl1, Wr1, b1), g1, be1))
    h = jax.nn.relu(_bn_eval(_sage(h, src, dst, Wl2, Wr2, b2), g2, be2))
    h = jax.nn.relu(_bn_eval(_sage(h, src, dst, Wl3, Wr3, b3), g3, be3))
    gs = jax.ops.segment_sum(h, batch, num_segments=G)
    gc = jax.ops.segment_sum(jnp.ones((N, 1), h.dtype), batch, num_segments=G)
    hg = gs / jnp.clip(gc, 1.0)
    hg = jax.nn.relu(hg @ Wf1 + bf1)
    logits = hg @ Wf2 + bf2
    return jax.nn.log_softmax(logits, axis=1)

if __name__ == "__main__":
    import jax
    _d = setup_inputs()
    print(jax.jit(kernel)(*tuple(_d.values())))

</pallas_src>

<mosaic_0001>
#map = affine_map<(d0, d1) -> (0, 0)>
#map1 = affine_map<(d0, d1) -> (0)>
module attributes {stable_mosaic.version = 14 : i64} {
  func.func @_seg_body(%arg0: i32, %arg1: i32, %arg2: memref<20000x128xf32, #tpu.memory_space<hbm>>, %arg3: memref<645120xi32, #tpu.memory_space<hbm>>, %arg4: memref<322560xi32, #tpu.memory_space<hbm>>, %arg5: memref<10112x128xf32, #tpu.memory_space<hbm>>, %arg6: memref<20224x128xf32, #tpu.memory_space<hbm>>, %arg7: memref<3x112xi32, #tpu.memory_space<vmem>>, %arg8: memref<3x112xi32, #tpu.memory_space<vmem>>, %arg9: memref<3x112x128xf32, #tpu.memory_space<vmem>>, %arg10: memref<10112x128xf32, #tpu.memory_space<vmem_shared>>, %arg11: memref<!tpu.dma_semaphore, #tpu.memory_space<semaphore_mem>>, %arg12: memref<!tpu.dma_semaphore, #tpu.memory_space<semaphore_mem>>, %arg13: memref<!tpu.dma_semaphore, #tpu.memory_space<semaphore_mem>>, %arg14: memref<!tpu.dma_semaphore, #tpu.memory_space<semaphore_mem>>, %arg15: memref<!tpu.dma_semaphore, #tpu.memory_space<semaphore_mem>>, %arg16: memref<!tpu.dma_semaphore, #tpu.memory_space<semaphore_mem>>) attributes {dimension_semantics = [#tpu.dimension_semantics<core_parallel>, #tpu.dimension_semantics<subcore_parallel>], iteration_bounds = array<i64: 2, 16>, scalar_prefetch = 0 : i64, scratch_operands = 10 : i64, tpu.core_type = #tpu.core_type<sc_vector_subcore>, window_params = [{transform_indices = #map}, {transform_indices = #map1}, {transform_indices = #map1}, {transform_indices = #map}, {transform_indices = #map}]} {
    %mul3A = arith.constant 16 : i32
    %mul3A_0 = arith.muli %arg0, %mul3A : i32
    %add3A = arith.addi %mul3A_0, %arg1 : i32
    %mul3A_1 = arith.constant 90 : i32
    %mul3A_2 = arith.muli %add3A, %mul3A_1 : i32
    %mul3A_3 = arith.constant 112 : i32
    %mul3A_4 = arith.muli %mul3A_2, %mul3A_3 : i32
    %mul3A_5 = arith.constant 322560 : i32
    %mul3A_6 = arith.muli %arg0, %mul3A_5 : i32
    %add3A_7 = arith.addi %mul3A_6, %mul3A_4 : i32
    %mul3A_8 = arith.constant 632 : i32
    %mul3A_9 = arith.muli %arg1, %mul3A_8 : i32
    "tpu.region"() ({
      %run_scoped3A_178 = tpu.sem_alloc : memref<!tpu.dma_semaphore, #tpu.memory_space<semaphore_mem>>
      %dma_start3A_179 = arith.constant 0 : i32
      %dma_start3A_180 = tpu.memref_slice %arg10[%mul3A_9, %dma_start3A_179] : memref<10112x128xf32, #tpu.memory_space<vmem_shared>> -> memref<632x128xf32, #tpu.memory_space<vmem_shared>>
      %dma_start3A_181 = arith.constant 0 : i32
      %dma_start3A_182 = tpu.memref_slice %arg5[%mul3A_9, %dma_start3A_181] : memref<10112x128xf32, #tpu.memory_space<hbm>> -> memref<632x128xf32, #tpu.memory_space<hbm>>
      tpu.enqueue_dma source(%dma_start3A_182 : memref<632x128xf32, #tpu.memory_space<hbm>>) target(%dma_start3A_180 : memref<632x128xf32, #tpu.memory_space<vmem_shared>>) target_semaphore(%run_scoped3A_178 : memref<!tpu.dma_semaphore, #tpu.memory_space<semaphore_mem>>)
      %dma_wait3A_183 = arith.constant 0 : i32
      %dma_wait3A_184 = tpu.memref_slice %arg10[%mul3A_9, %dma_wait3A_183] : memref<10112x128xf32, #tpu.memory_space<vmem_shared>> -> memref<632x128xf32, #tpu.memory_space<vmem_shared>>
      %dma_wait3A_185 = arith.constant 0 : i32
      %dma_wait3A_186 = tpu.memref_slice %arg5[%mul3A_9, %dma_wait3A_185] : memref<10112x128xf32, #tpu.memory_space<hbm>> -> memref<632x128xf32, #tpu.memory_space<hbm>>
      tpu.wait_dma2 semaphore(%run_scoped3A_178 : memref<!tpu.dma_semaphore, #tpu.memory_space<semaphore_mem>>) src(%dma_wait3A_186 : memref<632x128xf32, #tpu.memory_space<hbm>>) dst(%dma_wait3A_184 : memref<632x128xf32, #tpu.memory_space<vmem_shared>>)
      tpu.yield
    }) : () -> ()
    %barrier3A = arith.constant 0 : index
    tpu.barrier barrier_id(%barrier3A)
    %add3A_10 = arith.constant 0 : i32
    %add3A_11 = arith.addi %mul3A_4, %add3A_10 : i32
    %run_scoped3A = arith.constant 0 : i32
    "tpu.region"() ({
      %run_scoped3A_178 = tpu.sem_alloc : memref<!tpu.dma_semaphore, #tpu.memory_space<semaphore_mem>>
      %dma_start3A_179 = arith.constant 0 : i32
      %dma_start3A_180 = tpu.memref_slice %arg8[%run_scoped3A, %dma_start3A_179] : memref<3x112xi32, #tpu.memory_space<vmem>> -> memref<1x112xi32, #tpu.memory_space<vmem>>
      %dma_start3A_181 = tpu.memref_squeeze %dma_start3A_180 : memref<1x112xi32, #tpu.memory_space<vmem>> -> memref<112xi32, #tpu.memory_space<vmem>>
      %dma_start3A_182 = tpu.memref_slice %arg4[%add3A_11] : memref<322560xi32, #tpu.memory_space<hbm>> -> memref<112xi32, #tpu.memory_space<hbm>>
      %dma_start3A_183 = arith.constant 0 : i32
      %dma_start3A_184 = tpu.memref_slice %arg8[%run_scoped3A, %dma_start3A_183] : memref<3x112xi32, #tpu.memory_space<vmem>> -> memref<1x112xi32, #tpu.memory_space<vmem>>
      %dma_start3A_185 = tpu.memref_squeeze %dma_start3A_184 : memref<1x112xi32, #tpu.memory_space<vmem>> -> memref<112xi32, #tpu.memory_space<vmem>>
      %dma_start3A_186 = tpu.memref_slice %arg4[%add3A_11] : memref<322560xi32, #tpu.memory_space<hbm>> -> memref<112xi32, #tpu.memory_space<hbm>>
      tpu.enqueue_dma source(%dma_start3A_186 : memref<112xi32, #tpu.memory_space<hbm>>) target(%dma_start3A_185 : memref<112xi32, #tpu.memory_space<vmem>>) target_semaphore(%run_scoped3A_178 : memref<!tpu.dma_semaphore, #tpu.memory_space<semaphore_mem>>)
      %dma_wait3A_187 = arith.constant 0 : i32
      %dma_wait3A_188 = tpu.memref_slice %arg8[%run_scoped3A, %dma_wait3A_187] : memref<3x112xi32, #tpu.memory_space<vmem>> -> memref<1x112xi32, #tpu.memory_space<vmem>>
      %dma_wait3A_189 = tpu.memref_squeeze %dma_wait3A_188 : memref<1x112xi32, #tpu.memory_space<vmem>> -> memref<112xi32, #tpu.memory_space<vmem>>
      %dma_wait3A_190 = tpu.memref_slice %arg4[%add3A_11] : memref<322560xi32, #tpu.memory_space<hbm>> -> memref<112xi32, #tpu.memory_space<hbm>>
      %dma_wait3A_191 = arith.constant 0 : i32
      %dma_wait3A_192 = tpu.memref_slice %arg8[%run_scoped3A, %dma_wait3A_191] : memref<3x112xi32, #tpu.memory_space<vmem>> -> memref<1x112xi32, #tpu.memory_space<vmem>>
      %dma_wait3A_193 = tpu.memref_squeeze %dma_wait3A_192 : memref<1x112xi32, #tpu.memory_space<vmem>> -> memref<112xi32, #tpu.memory_space<vmem>>
      %dma_wait3A_194 = tpu.memref_slice %arg4[%add3A_11] : memref<322560xi32, #tpu.memory_space<hbm>> -> memref<112xi32, #tpu.memory_space<hbm>>
      tpu.wait_dma2 semaphore(%run_scoped3A_178 : memref<!tpu.dma_semaphore, #tpu.memory_space<semaphore_mem>>) src(%dma_wait3A_194 : memref<112xi32, #tpu.memory_space<hbm>>) dst(%dma_wait3A_193 : memref<112xi32, #tpu.memory_space<vmem>>)
      tpu.yield
    }) : () -> ()
    %add3A_12 = arith.constant 0 : i32
    %add3A_13 = arith.addi %add3A_7, %add3A_12 : i32
    %run_scoped3A_14 = arith.constant 0 : i32
    "tpu.region"() ({
      %run_scoped3A_178 = tpu.sem_alloc : memref<!tpu.dma_semaphore, #tpu.memory_space<semaphore_mem>>
      %dma_start3A_179 = arith.constant 0 : i32
      %dma_start3A_180 = tpu.memref_slice %arg7[%run_scoped3A_14, %dma_start3A_179] : memref<3x112xi32, #tpu.memory_space<vmem>> -> memref<1x112xi32, #tpu.memory_space<vmem>>
      %dma_start3A_181 = tpu.memref_squeeze %dma_start3A_180 : memref<1x112xi32, #tpu.memory_space<vmem>> -> memref<112xi32, #tpu.memory_space<vmem>>
      %dma_start3A_182 = tpu.memref_slice %arg3[%add3A_13] : memref<645120xi32, #tpu.memory_space<hbm>> -> memref<112xi32, #tpu.memory_space<hbm>>
      %dma_start3A_183 = arith.constant 0 : i32
      %dma_start3A_184 = tpu.memref_slice %arg7[%run_scoped3A_14, %dma_start3A_183] : memref<3x112xi32, #tpu.memory_space<vmem>> -> memref<1x112xi32, #tpu.memory_space<vmem>>
      %dma_start3A_185 = tpu.memref_squeeze %dma_start3A_184 : memref<1x112xi32, #tpu.memory_space<vmem>> -> memref<112xi32, #tpu.memory_space<vmem>>
      %dma_start3A_186 = tpu.memref_slice %arg3[%add3A_13] : memref<645120xi32, #tpu.memory_space<hbm>> -> memref<112xi32, #tpu.memory_space<hbm>>
      tpu.enqueue_dma source(%dma_start3A_186 : memref<112xi32, #tpu.memory_space<hbm>>) target(%dma_start3A_185 : memref<112xi32, #tpu.memory_space<vmem>>) target_semaphore(%run_scoped3A_178 : memref<!tpu.dma_semaphore, #tpu.memory_space<semaphore_mem>>)
      %dma_wait3A_187 = arith.constant 0 : i32
      %dma_wait3A_188 = tpu.memref_slice %arg7[%run_scoped3A_14, %dma_wait3A_187] : memref<3x112xi32, #tpu.memory_space<vmem>> -> memref<1x112xi32, #tpu.memory_space<vmem>>
      %dma_wait3A_189 = tpu.memref_squeeze %dma_wait3A_188 : memref<1x112xi32, #tpu.memory_space<vmem>> -> memref<112xi32, #tpu.memory_space<vmem>>
      %dma_wait3A_190 = tpu.memref_slice %arg3[%add3A_13] : memref<645120xi32, #tpu.memory_space<hbm>> -> memref<112xi32, #tpu.memory_space<hbm>>
      %dma_wait3A_191 = arith.constant 0 : i32
      %dma_wait3A_192 = tpu.memref_slice %arg7[%run_scoped3A_14, %dma_wait3A_191] : memref<3x112xi32, #tpu.memory_space<vmem>> -> memref<1x112xi32, #tpu.memory_space<vmem>>
      %dma_wait3A_193 = tpu.memref_squeeze %dma_wait3A_192 : memref<1x112xi32, #tpu.memory_space<vmem>> -> memref<112xi32, #tpu.memory_space<vmem>>
      %dma_wait3A_194 = tpu.memref_slice %arg3[%add3A_13] : memref<645120xi32, #tpu.memory_space<hbm>> -> memref<112xi32, #tpu.memory_space<hbm>>
      tpu.wait_dma2 semaphore(%run_scoped3A_178 : memref<!tpu.dma_semaphore, #tpu.memory_space<semaphore_mem>>) src(%dma_wait3A_194 : memref<112xi32, #tpu.memory_space<hbm>>) dst(%dma_wait3A_193 : memref<112xi32, #tpu.memory_space<vmem>>)
      tpu.yield
    }) : () -> ()
    %dma_start3A = arith.constant 0 : i32
    %dma_start3A_15 = arith.constant 0 : i32
    %dma_start3A_16 = arith.constant 0 : i32
    %dma_start3A_17 = arith.constant 0 : i32
    %dma_start3A_18 = tpu.memref_slice %arg9[%dma_start3A_15, %dma_start3A_16, %dma_start3A_17] : memref<3x112x128xf32, #tpu.memory_space<vmem>> -> memref<1x112x128xf32, #tpu.memory_space<vmem>>
    %dma_start3A_19 = tpu.memref_squeeze %dma_start3A_18 : memref<1x112x128xf32, #tpu.memory_space<vmem>> -> memref<112x128xf32, #tpu.memory_space<vmem>>
    %dma_start3A_20 = arith.constant 0 : i32
    %dma_start3A_21 = tpu.memref_slice %arg7[%dma_start3A, %dma_start3A_20] : memref<3x112xi32, #tpu.memory_space<vmem>> -> memref<1x112xi32, #tpu.memory_space<vmem>>
    %dma_start3A_22 = tpu.memref_squeeze %dma_start3A_21 : memref<1x112xi32, #tpu.memory_space<vmem>> -> memref<112xi32, #tpu.memory_space<vmem>>
    %dma_start3A_23 = arith.constant 0 : i32
    %dma_start3A_24 = arith.constant 0 : i32
    %dma_start3A_25 = tpu.memref_slice %arg2[%dma_start3A_23, %dma_start3A_24] : memref<20000x128xf32, #tpu.memory_space<hbm>> -> memref<20000x128xf32, #tpu.memory_space<hbm>>
    tpu.enqueue_indirect_dma source(%dma_start3A_25 : memref<20000x128xf32, #tpu.memory_space<hbm>>) target(%dma_start3A_19 : memref<112x128xf32, #tpu.memory_space<vmem>>) offsets(%dma_start3A_22 : memref<112xi32, #tpu.memory_space<vmem>>) semaphore(%arg11 : memref<!tpu.dma_semaphore, #tpu.memory_space<semaphore_mem>>)
    %add3A_26 = arith.constant 112 : i32
    %add3A_27 = arith.addi %mul3A_4, %add3A_26 : i32
    %run_scoped3A_28 = arith.constant 1 : i32
    "tpu.region"() ({
      %run_scoped3A_178 = tpu.sem_alloc : memref<!tpu.dma_semaphore, #tpu.memory_space<semaphore_mem>>
      %dma_start3A_179 = arith.constant 0 : i32
      %dma_start3A_180 = tpu.memref_slice %arg8[%run_scoped3A_28, %dma_start3A_179] : memref<3x112xi32, #tpu.memory_space<vmem>> -> memref<1x112xi32, #tpu.memory_space<vmem>>
      %dma_start3A_181 = tpu.memref_squeeze %dma_start3A_180 : memref<1x112xi32, #tpu.memory_space<vmem>> -> memref<112xi32, #tpu.memory_space<vmem>>
      %dma_start3A_182 = tpu.memref_slice %arg4[%add3A_27] : memref<322560xi32, #tpu.memory_space<hbm>> -> memref<112xi32, #tpu.memory_space<hbm>>
      %dma_start3A_183 = arith.constant 0 : i32
      %dma_start3A_184 = tpu.memref_slice %arg8[%run_scoped3A_28, %dma_start3A_183] : memref<3x112xi32, #tpu.memory_space<vmem>> -> memref<1x112xi32, #tpu.memory_space<vmem>>
      %dma_start3A_185 = tpu.memref_squeeze %dma_start3A_184 : memref<1x112xi32, #tpu.memory_space<vmem>> -> memref<112xi32, #tpu.memory_space<vmem>>
      %dma_start3A_186 = tpu.memref_slice %arg4[%add3A_27] : memref<322560xi32, #tpu.memory_space<hbm>> -> memref<112xi32, #tpu.memory_space<hbm>>
      tpu.enqueue_dma source(%dma_start3A_186 : memref<112xi32, #tpu.memory_space<hbm>>) target(%dma_start3A_185 : memref<112xi32, #tpu.memory_space<vmem>>) target_semaphore(%run_scoped3A_178 : memref<!tpu.dma_semaphore, #tpu.memory_space<semaphore_mem>>)
      %dma_wait3A_187 = arith.constant 0 : i32
      %dma_wait3A_188 = tpu.memref_slice %arg8[%run_scoped3A_28, %dma_wait3A_187] : memref<3x112xi32, #tpu.memory_space<vmem>> -> memref<1x112xi32, #tpu.memory_space<vmem>>
      %dma_wait3A_189 = tpu.memref_squeeze %dma_wait3A_188 : memref<1x112xi32, #tpu.memory_space<vmem>> -> memref<112xi32, #tpu.memory_space<vmem>>
      %dma_wait3A_190 = tpu.memref_slice %arg4[%add3A_27] : memref<322560xi32, #tpu.memory_space<hbm>> -> memref<112xi32, #tpu.memory_space<hbm>>
      %dma_wait3A_191 = arith.constant 0 : i32
      %dma_wait3A_192 = tpu.memref_slice %arg8[%run_scoped3A_28, %dma_wait3A_191] : memref<3x112xi32, #tpu.memory_space<vmem>> -> memref<1x112xi32, #tpu.memory_space<vmem>>
      %dma_wait3A_193 = tpu.memref_squeeze %dma_wait3A_192 : memref<1x112xi32, #tpu.memory_space<vmem>> -> memref<112xi32, #tpu.memory_space<vmem>>
      %dma_wait3A_194 = tpu.memref_slice %arg4[%add3A_27] : memref<322560xi32, #tpu.memory_space<hbm>> -> memref<112xi32, #tpu.memory_space<hbm>>
      tpu.wait_dma2 semaphore(%run_scoped3A_178 : memref<!tpu.dma_semaphore, #tpu.memory_space<semaphore_mem>>) src(%dma_wait3A_194 : memref<112xi32, #tpu.memory_space<hbm>>) dst(%dma_wait3A_193 : memref<112xi32, #tpu.memory_space<vmem>>)
      tpu.yield
    }) : () -> ()
    %add3A_29 = arith.constant 112 : i32
    %add3A_30 = arith.addi %add3A_7, %add3A_29 : i32
    %run_scoped3A_31 = arith.constant 1 : i32
    "tpu.region"() ({
      %run_scoped3A_178 = tpu.sem_alloc : memref<!tpu.dma_semaphore, #tpu.memory_space<semaphore_mem>>
      %dma_start3A_179 = arith.constant 0 : i32
      %dma_start3A_180 = tpu.memref_slice %arg7[%run_scoped3A_31, %dma_start3A_179] : memref<3x112xi32, #tpu.memory_space<vmem>> -> memref<1x112xi32, #tpu.memory_space<vmem>>
      %dma_start3A_181 = tpu.memref_squeeze %dma_start3A_180 : memref<1x112xi32, #tpu.memory_space<vmem>> -> memref<112xi32, #tpu.memory_space<vmem>>
      %dma_start3A_182 = tpu.memref_slice %arg3[%add3A_30] : memref<645120xi32, #tpu.memory_space<hbm>> -> memref<112xi32, #tpu.memory_space<hbm>>
      %dma_start3A_183 = arith.constant 0 : i32
      %dma_start3A_184 = tpu.memref_slice %arg7[%run_scoped3A_31, %dma_start3A_183] : memref<3x112xi32, #tpu.memory_space<vmem>> -> memref<1x112xi32, #tpu.memory_space<vmem>>
      %dma_start3A_185 = tpu.memref_squeeze %dma_start3A_184 : memref<1x112xi32, #tpu.memory_space<vmem>> -> memref<112xi32, #tpu.memory_space<vmem>>
      %dma_start3A_186 = tpu.memref_slice %arg3[%add3A_30] : memref<645120xi32, #tpu.memory_space<hbm>> -> memref<112xi32, #tpu.memory_space<hbm>>
      tpu.enqueue_dma source(%dma_start3A_186 : memref<112xi32, #tpu.memory_space<hbm>>) target(%dma_start3A_185 : memref<112xi32, #tpu.memory_space<vmem>>) target_semaphore(%run_scoped3A_178 : memref<!tpu.dma_semaphore, #tpu.memory_space<semaphore_mem>>)
      %dma_wait3A_187 = arith.constant 0 : i32
      %dma_wait3A_188 = tpu.memref_slice %arg7[%run_scoped3A_31, %dma_wait3A_187] : memref<3x112xi32, #tpu.memory_space<vmem>> -> memref<1x112xi32, #tpu.memory_space<vmem>>
      %dma_wait3A_189 = tpu.memref_squeeze %dma_wait3A_188 : memref<1x112xi32, #tpu.memory_space<vmem>> -> memref<112xi32, #tpu.memory_space<vmem>>
      %dma_wait3A_190 = tpu.memref_slice %arg3[%add3A_30] : memref<645120xi32, #tpu.memory_space<hbm>> -> memref<112xi32, #tpu.memory_space<hbm>>
      %dma_wait3A_191 = arith.constant 0 : i32
      %dma_wait3A_192 = tpu.memref_slice %arg7[%run_scoped3A_31, %dma_wait3A_191] : memref<3x112xi32, #tpu.memory_space<vmem>> -> memref<1x112xi32, #tpu.memory_space<vmem>>
      %dma_wait3A_193 = tpu.memref_squeeze %dma_wait3A_192 : memref<1x112xi32, #tpu.memory_space<vmem>> -> memref<112xi32, #tpu.memory_space<vmem>>
      %dma_wait3A_194 = tpu.memref_slice %arg3[%add3A_30] : memref<645120xi32, #tpu.memory_space<hbm>> -> memref<112xi32, #tpu.memory_space<hbm>>
      tpu.wait_dma2 semaphore(%run_scoped3A_178 : memref<!tpu.dma_semaphore, #tpu.memory_space<semaphore_mem>>) src(%dma_wait3A_194 : memref<112xi32, #tpu.memory_space<hbm>>) dst(%dma_wait3A_193 : memref<112xi32, #tpu.memory_space<vmem>>)
      tpu.yield
    }) : () -> ()
    %dma_start3A_32 = arith.constant 1 : i32
    %dma_start3A_33 = arith.constant 1 : i32
    %dma_start3A_34 = arith.constant 0 : i32
    %dma_start3A_35 = arith.constant 0 : i32
    %dma_start3A_36 = tpu.memref_slice %arg9[%dma_start3A_33, %dma_start3A_34, %dma_start3A_35] : memref<3x112x128xf32, #tpu.memory_space<vmem>> -> memref<1x112x128xf32, #tpu.memory_space<vmem>>
    %dma_start3A_37 = tpu.memref_squeeze %dma_start3A_36 : memref<1x112x128xf32, #tpu.memory_space<vmem>> -> memref<112x128xf32, #tpu.memory_space<vmem>>
    %dma_start3A_38 = arith.constant 0 : i32
    %dma_start3A_39 = tpu.memref_slice %arg7[%dma_start3A_32, %dma_start3A_38] : memref<3x112xi32, #tpu.memory_space<vmem>> -> memref<1x112xi32, #tpu.memory_space<vmem>>
    %dma_start3A_40 = tpu.memref_squeeze %dma_start3A_39 : memref<1x112xi32, #tpu.memory_space<vmem>> -> memref<112xi32, #tpu.memory_space<vmem>>
    %dma_start3A_41 = arith.constant 0 : i32
    %dma_start3A_42 = arith.constant 0 : i32
    %dma_start3A_43 = tpu.memref_slice %arg2[%dma_start3A_41, %dma_start3A_42] : memref<20000x128xf32, #tpu.memory_space<hbm>> -> memref<20000x128xf32, #tpu.memory_space<hbm>>
    tpu.enqueue_indirect_dma source(%dma_start3A_43 : memref<20000x128xf32, #tpu.memory_space<hbm>>) target(%dma_start3A_37 : memref<112x128xf32, #tpu.memory_space<vmem>>) offsets(%dma_start3A_40 : memref<112xi32, #tpu.memory_space<vmem>>) semaphore(%arg12 : memref<!tpu.dma_semaphore, #tpu.memory_space<semaphore_mem>>)
    %add3A_44 = arith.constant 224 : i32
    %add3A_45 = arith.addi %mul3A_4, %add3A_44 : i32
    %run_scoped3A_46 = arith.constant 2 : i32
    "tpu.region"() ({
      %run_scoped3A_178 = tpu.sem_alloc : memref<!tpu.dma_semaphore, #tpu.memory_space<semaphore_mem>>
      %dma_start3A_179 = arith.constant 0 : i32
      %dma_start3A_180 = tpu.memref_slice %arg8[%run_scoped3A_46, %dma_start3A_179] : memref<3x112xi32, #tpu.memory_space<vmem>> -> memref<1x112xi32, #tpu.memory_space<vmem>>
      %dma_start3A_181 = tpu.memref_squeeze %dma_start3A_180 : memref<1x112xi32, #tpu.memory_space<vmem>> -> memref<112xi32, #tpu.memory_space<vmem>>
      %dma_start3A_182 = tpu.memref_slice %arg4[%add3A_45] : memref<322560xi32, #tpu.memory_space<hbm>> -> memref<112xi32, #tpu.memory_space<hbm>>
      %dma_start3A_183 = arith.constant 0 : i32
      %dma_start3A_184 = tpu.memref_slice %arg8[%run_scoped3A_46, %dma_start3A_183] : memref<3x112xi32, #tpu.memory_space<vmem>> -> memref<1x112xi32, #tpu.memory_space<vmem>>
      %dma_start3A_185 = tpu.memref_squeeze %dma_start3A_184 : memref<1x112xi32, #tpu.memory_space<vmem>> -> memref<112xi32, #tpu.memory_space<vmem>>
      %dma_start3A_186 = tpu.memref_slice %arg4[%add3A_45] : memref<322560xi32, #tpu.memory_space<hbm>> -> memref<112xi32, #tpu.memory_space<hbm>>
      tpu.enqueue_dma source(%dma_start3A_186 : memref<112xi32, #tpu.memory_space<hbm>>) target(%dma_start3A_185 : memref<112xi32, #tpu.memory_space<vmem>>) target_semaphore(%run_scoped3A_178 : memref<!tpu.dma_semaphore, #tpu.memory_space<semaphore_mem>>)
      %dma_wait3A_187 = arith.constant 0 : i32
      %dma_wait3A_188 = tpu.memref_slice %arg8[%run_scoped3A_46, %dma_wait3A_187] : memref<3x112xi32, #tpu.memory_space<vmem>> -> memref<1x112xi32, #tpu.memory_space<vmem>>
      %dma_wait3A_189 = tpu.memref_squeeze %dma_wait3A_188 : memref<1x112xi32, #tpu.memory_space<vmem>> -> memref<112xi32, #tpu.memory_space<vmem>>
      %dma_wait3A_190 = tpu.memref_slice %arg4[%add3A_45] : memref<322560xi32, #tpu.memory_space<hbm>> -> memref<112xi32, #tpu.memory_space<hbm>>
      %dma_wait3A_191 = arith.constant 0 : i32
      %dma_wait3A_192 = tpu.memref_slice %arg8[%run_scoped3A_46, %dma_wait3A_191] : memref<3x112xi32, #tpu.memory_space<vmem>> -> memref<1x112xi32, #tpu.memory_space<vmem>>
      %dma_wait3A_193 = tpu.memref_squeeze %dma_wait3A_192 : memref<1x112xi32, #tpu.memory_space<vmem>> -> memref<112xi32, #tpu.memory_space<vmem>>
      %dma_wait3A_194 = tpu.memref_slice %arg4[%add3A_45] : memref<322560xi32, #tpu.memory_space<hbm>> -> memref<112xi32, #tpu.memory_space<hbm>>
      tpu.wait_dma2 semaphore(%run_scoped3A_178 : memref<!tpu.dma_semaphore, #tpu.memory_space<semaphore_mem>>) src(%dma_wait3A_194 : memref<112xi32, #tpu.memory_space<hbm>>) dst(%dma_wait3A_193 : memref<112xi32, #tpu.memory_space<vmem>>)
      tpu.yield
    }) : () -> ()
    %add3A_47 = arith.constant 224 : i32
    %add3A_48 = arith.addi %add3A_7, %add3A_47 : i32
    %run_scoped3A_49 = arith.constant 2 : i32
    "tpu.region"() ({
      %run_scoped3A_178 = tpu.sem_alloc : memref<!tpu.dma_semaphore, #tpu.memory_space<semaphore_mem>>
      %dma_start3A_179 = arith.constant 0 : i32
      %dma_start3A_180 = tpu.memref_slice %arg7[%run_scoped3A_49, %dma_start3A_179] : memref<3x112xi32, #tpu.memory_space<vmem>> -> memref<1x112xi32, #tpu.memory_space<vmem>>
      %dma_start3A_181 = tpu.memref_squeeze %dma_start3A_180 : memref<1x112xi32, #tpu.memory_space<vmem>> -> memref<112xi32, #tpu.memory_space<vmem>>
      %dma_start3A_182 = tpu.memref_slice %arg3[%add3A_48] : memref<645120xi32, #tpu.memory_space<hbm>> -> memref<112xi32, #tpu.memory_space<hbm>>
      %dma_start3A_183 = arith.constant 0 : i32
      %dma_start3A_184 = tpu.memref_slice %arg7[%run_scoped3A_49, %dma_start3A_183] : memref<3x112xi32, #tpu.memory_space<vmem>> -> memref<1x112xi32, #tpu.memory_space<vmem>>
      %dma_start3A_185 = tpu.memref_squeeze %dma_start3A_184 : memref<1x112xi32, #tpu.memory_space<vmem>> -> memref<112xi32, #tpu.memory_space<vmem>>
      %dma_start3A_186 = tpu.memref_slice %arg3[%add3A_48] : memref<645120xi32, #tpu.memory_space<hbm>> -> memref<112xi32, #tpu.memory_space<hbm>>
      tpu.enqueue_dma source(%dma_start3A_186 : memref<112xi32, #tpu.memory_space<hbm>>) target(%dma_start3A_185 : memref<112xi32, #tpu.memory_space<vmem>>) target_semaphore(%run_scoped3A_178 : memref<!tpu.dma_semaphore, #tpu.memory_space<semaphore_mem>>)
      %dma_wait3A_187 = arith.constant 0 : i32
      %dma_wait3A_188 = tpu.memref_slice %arg7[%run_scoped3A_49, %dma_wait3A_187] : memref<3x112xi32, #tpu.memory_space<vmem>> -> memref<1x112xi32, #tpu.memory_space<vmem>>
      %dma_wait3A_189 = tpu.memref_squeeze %dma_wait3A_188 : memref<1x112xi32, #tpu.memory_space<vmem>> -> memref<112xi32, #tpu.memory_space<vmem>>
      %dma_wait3A_190 = tpu.memref_slice %arg3[%add3A_48] : memref<645120xi32, #tpu.memory_space<hbm>> -> memref<112xi32, #tpu.memory_space<hbm>>
      %dma_wait3A_191 = arith.constant 0 : i32
      %dma_wait3A_192 = tpu.memref_slice %arg7[%run_scoped3A_49, %dma_wait3A_191] : memref<3x112xi32, #tpu.memory_space<vmem>> -> memref<1x112xi32, #tpu.memory_space<vmem>>
      %dma_wait3A_193 = tpu.memref_squeeze %dma_wait3A_192 : memref<1x112xi32, #tpu.memory_space<vmem>> -> memref<112xi32, #tpu.memory_space<vmem>>
      %dma_wait3A_194 = tpu.memref_slice %arg3[%add3A_48] : memref<645120xi32, #tpu.memory_space<hbm>> -> memref<112xi32, #tpu.memory_space<hbm>>
      tpu.wait_dma2 semaphore(%run_scoped3A_178 : memref<!tpu.dma_semaphore, #tpu.memory_space<semaphore_mem>>) src(%dma_wait3A_194 : memref<112xi32, #tpu.memory_space<hbm>>) dst(%dma_wait3A_193 : memref<112xi32, #tpu.memory_space<vmem>>)
      tpu.yield
    }) : () -> ()
    %dma_start3A_50 = arith.constant 2 : i32
    %dma_start3A_51 = arith.constant 2 : i32
    %dma_start3A_52 = arith.constant 0 : i32
    %dma_start3A_53 = arith.constant 0 : i32
    %dma_start3A_54 = tpu.memref_slice %arg9[%dma_start3A_51, %dma_start3A_52, %dma_start3A_53] : memref<3x112x128xf32, #tpu.memory_space<vmem>> -> memref<1x112x128xf32, #tpu.memory_space<vmem>>
    %dma_start3A_55 = tpu.memref_squeeze %dma_start3A_54 : memref<1x112x128xf32, #tpu.memory_space<vmem>> -> memref<112x128xf32, #tpu.memory_space<vmem>>
    %dma_start3A_56 = arith.constant 0 : i32
    %dma_start3A_57 = tpu.memref_slice %arg7[%dma_start3A_50, %dma_start3A_56] : memref<3x112xi32, #tpu.memory_space<vmem>> -> memref<1x112xi32, #tpu.memory_space<vmem>>
    %dma_start3A_58 = tpu.memref_squeeze %dma_start3A_57 : memref<1x112xi32, #tpu.memory_space<vmem>> -> memref<112xi32, #tpu.memory_space<vmem>>
    %dma_start3A_59 = arith.constant 0 : i32
    %dma_start3A_60 = arith.constant 0 : i32
    %dma_start3A_61 = tpu.memref_slice %arg2[%dma_start3A_59, %dma_start3A_60] : memref<20000x128xf32, #tpu.memory_space<hbm>> -> memref<20000x128xf32, #tpu.memory_space<hbm>>
    tpu.enqueue_indirect_dma source(%dma_start3A_61 : memref<20000x128xf32, #tpu.memory_space<hbm>>) target(%dma_start3A_55 : memref<112x128xf32, #tpu.memory_space<vmem>>) offsets(%dma_start3A_58 : memref<112xi32, #tpu.memory_space<vmem>>) semaphore(%arg13 : memref<!tpu.dma_semaphore, #tpu.memory_space<semaphore_mem>>)
    %scan3A = arith.constant 0 : i32
    %scan3A_62 = arith.constant 0 : i32
    %scan3A_63 = arith.constant 29 : i32
    %scan3A_64 = arith.addi %scan3A_62, %scan3A_63 : i32
    %scan3A_65 = arith.constant 1 : i32
    scf.for %scan3A_178 = %scan3A_62 to %scan3A_64 step %scan3A_65  : i32 {
      %mul3A_179 = arith.constant 3 : i32
      %mul3A_180 = arith.muli %scan3A_178, %mul3A_179 : i32
      %dma_wait3A_181 = arith.constant 0 : i32
      %dma_wait3A_182 = arith.constant 0 : i32
      %dma_wait3A_183 = arith.constant 0 : i32
      %dma_wait3A_184 = arith.constant 0 : i32
      %dma_wait3A_185 = tpu.memref_slice %arg9[%dma_wait3A_182, %dma_wait3A_183, %dma_wait3A_184] : memref<3x112x128xf32, #tpu.memory_space<vmem>> -> memref<1x112x128xf32, #tpu.memory_space<vmem>>
      %dma_wait3A_186 = tpu.memref_squeeze %dma_wait3A_185 : memref<1x112x128xf32, #tpu.memory_space<vmem>> -> memref<112x128xf32, #tpu.memory_space<vmem>>
      %dma_wait3A_187 = arith.constant 0 : i32
      %dma_wait3A_188 = tpu.memref_slice %arg7[%dma_wait3A_181, %dma_wait3A_187] : memref<3x112xi32, #tpu.memory_space<vmem>> -> memref<1x112xi32, #tpu.memory_space<vmem>>
      %dma_wait3A_189 = tpu.memref_squeeze %dma_wait3A_188 : memref<1x112xi32, #tpu.memory_space<vmem>> -> memref<112xi32, #tpu.memory_space<vmem>>
      %dma_wait3A_190 = arith.constant 0 : i32
      %dma_wait3A_191 = arith.constant 0 : i32
      %dma_wait3A_192 = tpu.memref_slice %arg2[%dma_wait3A_190, %dma_wait3A_191] : memref<20000x128xf32, #tpu.memory_space<hbm>> -> memref<20000x128xf32, #tpu.memory_space<hbm>>
      tpu.wait_indirect_dma semaphore(%arg11 : memref<!tpu.dma_semaphore, #tpu.memory_space<semaphore_mem>>) src(%dma_wait3A_192 : memref<20000x128xf32, #tpu.memory_space<hbm>>) dst(%dma_wait3A_186 : memref<112x128xf32, #tpu.memory_space<vmem>>)
      %dma_start3A_193 = arith.constant 0 : i32
      %dma_start3A_194 = arith.constant 0 : i32
      %dma_start3A_195 = arith.constant 0 : i32
      %dma_start3A_196 = arith.constant 0 : i32
      %dma_start3A_197 = tpu.memref_slice %arg9[%dma_start3A_193, %dma_start3A_195, %dma_start3A_196] : memref<3x112x128xf32, #tpu.memory_space<vmem>> -> memref<1x112x128xf32, #tpu.memory_space<vmem>>
      %dma_start3A_198 = tpu.memref_squeeze %dma_start3A_197 : memref<1x112x128xf32, #tpu.memory_space<vmem>> -> memref<112x128xf32, #tpu.memory_space<vmem>>
      %dma_start3A_199 = arith.constant 0 : i32
      %dma_start3A_200 = tpu.memref_slice %arg8[%dma_start3A_194, %dma_start3A_199] : memref<3x112xi32, #tpu.memory_space<vmem>> -> memref<1x112xi32, #tpu.memory_space<vmem>>
      %dma_start3A_201 = tpu.memref_squeeze %dma_start3A_200 : memref<1x112xi32, #tpu.memory_space<vmem>> -> memref<112xi32, #tpu.memory_space<vmem>>
      %dma_start3A_202 = arith.constant 0 : i32
      %dma_start3A_203 = arith.constant 0 : i32
      %dma_start3A_204 = tpu.memref_slice %arg10[%dma_start3A_202, %dma_start3A_203] : memref<10112x128xf32, #tpu.memory_space<vmem_shared>> -> memref<10112x128xf32, #tpu.memory_space<vmem_shared>>
      tpu.enqueue_indirect_dma source(%dma_start3A_198 : memref<112x128xf32, #tpu.memory_space<vmem>>) target(%dma_start3A_204 : memref<10112x128xf32, #tpu.memory_space<vmem_shared>>) offsets(%dma_start3A_201 : memref<112xi32, #tpu.memory_space<vmem>>) semaphore(%arg14 : memref<!tpu.dma_semaphore, #tpu.memory_space<semaphore_mem>>) {add = true}
      %dma_wait3A_205 = arith.constant 1 : i32
      %dma_wait3A_206 = arith.constant 1 : i32
      %dma_wait3A_207 = arith.constant 0 : i32
      %dma_wait3A_208 = arith.constant 0 : i32
      %dma_wait3A_209 = tpu.memref_slice %arg9[%dma_wait3A_206, %dma_wait3A_207, %dma_wait3A_208] : memref<3x112x128xf32, #tpu.memory_space<vmem>> -> memref<1x112x128xf32, #tpu.memory_space<vmem>>
      %dma_wait3A_210 = tpu.memref_squeeze %dma_wait3A_209 : memref<1x112x128xf32, #tpu.memory_space<vmem>> -> memref<112x128xf32, #tpu.memory_space<vmem>>
      %dma_wait3A_211 = arith.constant 0 : i32
      %dma_wait3A_212 = tpu.memref_slice %arg7[%dma_wait3A_205, %dma_wait3A_211] : memref<3x112xi32, #tpu.memory_space<vmem>> -> memref<1x112xi32, #tpu.memory_space<vmem>>
      %dma_wait3A_213 = tpu.memref_squeeze %dma_wait3A_212 : memref<1x112xi32, #tpu.memory_space<vmem>> -> memref<112xi32, #tpu.memory_space<vmem>>
      %dma_wait3A_214 = arith.constant 0 : i32
      %dma_wait3A_215 = arith.constant 0 : i32
      %dma_wait3A_216 = tpu.memref_slice %arg2[%dma_wait3A_214, %dma_wait3A_215] : memref<20000x128xf32, #tpu.memory_space<hbm>> -> memref<20000x128xf32, #tpu.memory_space<hbm>>
      tpu.wait_indirect_dma semaphore(%arg12 : memref<!tpu.dma_semaphore, #tpu.memory_space<semaphore_mem>>) src(%dma_wait3A_216 : memref<20000x128xf32, #tpu.memory_space<hbm>>) dst(%dma_wait3A_210 : memref<112x128xf32, #tpu.memory_space<vmem>>)
      %dma_start3A_217 = arith.constant 1 : i32
      %dma_start3A_218 = arith.constant 1 : i32
      %dma_start3A_219 = arith.constant 0 : i32
      %dma_start3A_220 = arith.constant 0 : i32
      %dma_start3A_221 = tpu.memref_slice %arg9[%dma_start3A_217, %dma_start3A_219, %dma_start3A_220] : memref<3x112x128xf32, #tpu.memory_space<vmem>> -> memref<1x112x128xf32, #tpu.memory_space<vmem>>
      %dma_start3A_222 = tpu.memref_squeeze %dma_start3A_221 : memref<1x112x128xf32, #tpu.memory_space<vmem>> -> memref<112x128xf32, #tpu.memory_space<vmem>>
      %dma_start3A_223 = arith.constant 0 : i32
      %dma_start3A_224 = tpu.memref_slice %arg8[%dma_start3A_218, %dma_start3A_223] : memref<3x112xi32, #tpu.memory_space<vmem>> -> memref<1x112xi32, #tpu.memory_space<vmem>>
      %dma_start3A_225 = tpu.memref_squeeze %dma_start3A_224 : memref<1x112xi32, #tpu.memory_space<vmem>> -> memref<112xi32, #tpu.memory_space<vmem>>
      %dma_start3A_226 = arith.constant 0 : i32
      %dma_start3A_227 = arith.constant 0 : i32
      %dma_start3A_228 = tpu.memref_slice %arg10[%dma_start3A_226, %dma_start3A_227] : memref<10112x128xf32, #tpu.memory_space<vmem_shared>> -> memref<10112x128xf32, #tpu.memory_space<vmem_shared>>
      tpu.enqueue_indirect_dma source(%dma_start3A_222 : memref<112x128xf32, #tpu.memory_space<vmem>>) target(%dma_start3A_228 : memref<10112x128xf32, #tpu.memory_space<vmem_shared>>) offsets(%dma_start3A_225 : memref<112xi32, #tpu.memory_space<vmem>>) semaphore(%arg15 : memref<!tpu.dma_semaphore, #tpu.memory_space<semaphore_mem>>) {add = true}
      %dma_wait3A_229 = arith.constant 2 : i32
      %dma_wait3A_230 = arith.constant 2 : i32
      %dma_wait3A_231 = arith.constant 0 : i32
      %dma_wait3A_232 = arith.constant 0 : i32
      %dma_wait3A_233 = tpu.memref_slice %arg9[%dma_wait3A_230, %dma_wait3A_231, %dma_wait3A_232] : memref<3x112x128xf32, #tpu.memory_space<vmem>> -> memref<1x112x128xf32, #tpu.memory_space<vmem>>
      %dma_wait3A_234 = tpu.memref_squeeze %dma_wait3A_233 : memref<1x112x128xf32, #tpu.memory_space<vmem>> -> memref<112x128xf32, #tpu.memory_space<vmem>>
      %dma_wait3A_235 = arith.constant 0 : i32
      %dma_wait3A_236 = tpu.memref_slice %arg7[%dma_wait3A_229, %dma_wait3A_235] : memref<3x112xi32, #tpu.memory_space<vmem>> -> memref<1x112xi32, #tpu.memory_space<vmem>>
      %dma_wait3A_237 = tpu.memref_squeeze %dma_wait3A_236 : memref<1x112xi32, #tpu.memory_space<vmem>> -> memref<112xi32, #tpu.memory_space<vmem>>
      %dma_wait3A_238 = arith.constant 0 : i32
      %dma_wait3A_239 = arith.constant 0 : i32
      %dma_wait3A_240 = tpu.memref_slice %arg2[%dma_wait3A_238, %dma_wait3A_239] : memref<20000x128xf32, #tpu.memory_space<hbm>> -> memref<20000x128xf32, #tpu.memory_space<hbm>>
      tpu.wait_indirect_dma semaphore(%arg13 : memref<!tpu.dma_semaphore, #tpu.memory_space<semaphore_mem>>) src(%dma_wait3A_240 : memref<20000x128xf32, #tpu.memory_space<hbm>>) dst(%dma_wait3A_234 : memref<112x128xf32, #tpu.memory_space<vmem>>)
      %dma_start3A_241 = arith.constant 2 : i32
      %dma_start3A_242 = arith.constant 2 : i32
      %dma_start3A_243 = arith.constant 0 : i32
      %dma_start3A_244 = arith.constant 0 : i32
      %dma_start3A_245 = tpu.memref_slice %arg9[%dma_start3A_241, %dma_start3A_243, %dma_start3A_244] : memref<3x112x128xf32, #tpu.memory_space<vmem>> -> memref<1x112x128xf32, #tpu.memory_space<vmem>>
      %dma_start3A_246 = tpu.memref_squeeze %dma_start3A_245 : memref<1x112x128xf32, #tpu.memory_space<vmem>> -> memref<112x128xf32, #tpu.memory_space<vmem>>
      %dma_start3A_247 = arith.constant 0 : i32
      %dma_start3A_248 = tpu.memref_slice %arg8[%dma_start3A_242, %dma_start3A_247] : memref<3x112xi32, #tpu.memory_space<vmem>> -> memref<1x112xi32, #tpu.memory_space<vmem>>
      %dma_start3A_249 = tpu.memref_squeeze %dma_start3A_248 : memref<1x112xi32, #tpu.memory_space<vmem>> -> memref<112xi32, #tpu.memory_space<vmem>>
      %dma_start3A_250 = arith.constant 0 : i32
      %dma_start3A_251 = arith.constant 0 : i32
      %dma_start3A_252 = tpu.memref_slice %arg10[%dma_start3A_250, %dma_start3A_251] : memref<10112x128xf32, #tpu.memory_space<vmem_shared>> -> memref<10112x128xf32, #tpu.memory_space<vmem_shared>>
      tpu.enqueue_indirect_dma source(%dma_start3A_246 : memref<112x128xf32, #tpu.memory_space<vmem>>) target(%dma_start3A_252 : memref<10112x128xf32, #tpu.memory_space<vmem_shared>>) offsets(%dma_start3A_249 : memref<112xi32, #tpu.memory_space<vmem>>) semaphore(%arg16 : memref<!tpu.dma_semaphore, #tpu.memory_space<semaphore_mem>>) {add = true}
      %dma_wait3A_253 = arith.constant 0 : i32
      %dma_wait3A_254 = arith.constant 0 : i32
      %dma_wait3A_255 = arith.constant 0 : i32
      %dma_wait3A_256 = arith.constant 0 : i32
      %dma_wait3A_257 = tpu.memref_slice %arg9[%dma_wait3A_253, %dma_wait3A_255, %dma_wait3A_256] : memref<3x112x128xf32, #tpu.memory_space<vmem>> -> memref<1x112x128xf32, #tpu.memory_space<vmem>>
      %dma_wait3A_258 = tpu.memref_squeeze %dma_wait3A_257 : memref<1x112x128xf32, #tpu.memory_space<vmem>> -> memref<112x128xf32, #tpu.memory_space<vmem>>
      %dma_wait3A_259 = arith.constant 0 : i32
      %dma_wait3A_260 = tpu.memref_slice %arg8[%dma_wait3A_254, %dma_wait3A_259] : memref<3x112xi32, #tpu.memory_space<vmem>> -> memref<1x112xi32, #tpu.memory_space<vmem>>
      %dma_wait3A_261 = tpu.memref_squeeze %dma_wait3A_260 : memref<1x112xi32, #tpu.memory_space<vmem>> -> memref<112xi32, #tpu.memory_space<vmem>>
      %dma_wait3A_262 = arith.constant 0 : i32
      %dma_wait3A_263 = arith.constant 0 : i32
      %dma_wait3A_264 = tpu.memref_slice %arg10[%dma_wait3A_262, %dma_wait3A_263] : memref<10112x128xf32, #tpu.memory_space<vmem_shared>> -> memref<10112x128xf32, #tpu.memory_space<vmem_shared>>
      tpu.wait_indirect_dma semaphore(%arg14 : memref<!tpu.dma_semaphore, #tpu.memory_space<semaphore_mem>>) src(%dma_wait3A_258 : memref<112x128xf32, #tpu.memory_space<vmem>>) dst(%dma_wait3A_264 : memref<10112x128xf32, #tpu.memory_space<vmem_shared>>)
      %add3A_265 = arith.constant 3 : i32
      %add3A_266 = arith.addi %mul3A_180, %add3A_265 : i32
      %add3A_267 = arith.constant 0 : i32
      %add3A_268 = arith.addi %add3A_266, %add3A_267 : i32
      %mul3A_269 = arith.constant 112 : i32
      %mul3A_270 = arith.muli %add3A_268, %mul3A_269 : i32
      %add3A_271 = arith.addi %mul3A_4, %mul3A_270 : i32
      %run_scoped3A_272 = arith.constant 0 : i32
      "tpu.region"() ({
        %run_scoped3A_361 = tpu.sem_alloc : memref<!tpu.dma_semaphore, #tpu.memory_space<semaphore_mem>>
        %dma_start3A_362 = arith.constant 0 : i32
        %dma_start3A_363 = tpu.memref_slice %arg8[%run_scoped3A_272, %dma_start3A_362] : memref<3x112xi32, #tpu.memory_space<vmem>> -> memref<1x112xi32, #tpu.memory_space<vmem>>
        %dma_start3A_364 = tpu.memref_squeeze %dma_start3A_363 : memref<1x112xi32, #tpu.memory_space<vmem>> -> memref<112xi32, #tpu.memory_space<vmem>>
        %dma_start3A_365 = tpu.memref_slice %arg4[%add3A_271] : memref<322560xi32, #tpu.memory_space<hbm>> -> memref<112xi32, #tpu.memory_space<hbm>>
        %dma_start3A_366 = arith.constant 0 : i32
        %dma_start3A_367 = tpu.memref_slice %arg8[%run_scoped3A_272, %dma_start3A_366] : memref<3x112xi32, #tpu.memory_space<vmem>> -> memref<1x112xi32, #tpu.memory_space<vmem>>
        %dma_start3A_368 = tpu.memref_squeeze %dma_start3A_367 : memref<1x112xi32, #tpu.memory_space<vmem>> -> memref<112xi32, #tpu.memory_space<vmem>>
        %dma_start3A_369 = tpu.memref_slice %arg4[%add3A_271] : memref<322560xi32, #tpu.memory_space<hbm>> -> memref<112xi32, #tpu.memory_space<hbm>>
        tpu.enqueue_dma source(%dma_start3A_369 : memref<112xi32, #tpu.memory_space<hbm>>) target(%dma_start3A_368 : memref<112xi32, #tpu.memory_space<vmem>>) target_semaphore(%run_scoped3A_361 : memref<!tpu.dma_semaphore, #tpu.memory_space<semaphore_mem>>)
        %dma_wait3A_370 = arith.constant 0 : i32
        %dma_wait3A_371 = tpu.memref_slice %arg8[%run_scoped3A_272, %dma_wait3A_370] : memref<3x112xi32, #tpu.memory_space<vmem>> -> memref<1x112xi32, #tpu.memory_space<vmem>>
        %dma_wait3A_372 = tpu.memref_squeeze %dma_wait3A_371 : memref<1x112xi32, #tpu.memory_space<vmem>> -> memref<112xi32, #tpu.memory_space<vmem>>
        %dma_wait3A_373 = tpu.memref_slice %arg4[%add3A_271] : memref<322560xi32, #tpu.memory_space<hbm>> -> memref<112xi32, #tpu.memory_space<hbm>>
        %dma_wait3A_374 = arith.constant 0 : i32
        %dma_wait3A_375 = tpu.memref_slice %arg8[%run_scoped3A_272, %dma_wait3A_374] : memref<3x112xi32, #tpu.memory_space<vmem>> -> memref<1x112xi32, #tpu.memory_space<vmem>>
        %dma_wait3A_376 = tpu.memref_squeeze %dma_wait3A_375 : memref<1x112xi32, #tpu.memory_space<vmem>> -> memref<112xi32, #tpu.memory_space<vmem>>
        %dma_wait3A_377 = tpu.memref_slice %arg4[%add3A_271] : memref<322560xi32, #tpu.memory_space<hbm>> -> memref<112xi32, #tpu.memory_space<hbm>>
        tpu.wait_dma2 semaphore(%run_scoped3A_361 : memref<!tpu.dma_semaphore, #tpu.memory_space<semaphore_mem>>) src(%dma_wait3A_377 : memref<112xi32, #tpu.memory_space<hbm>>) dst(%dma_wait3A_376 : memref<112xi32, #tpu.memory_space<vmem>>)
        tpu.yield
      }) : () -> ()
      %mul3A_273 = arith.constant 112 : i32
      %mul3A_274 = arith.muli %add3A_268, %mul3A_273 : i32
      %add3A_275 = arith.addi %add3A_7, %mul3A_274 : i32
      %run_scoped3A_276 = arith.constant 0 : i32
      "tpu.region"() ({
        %run_scoped3A_361 = tpu.sem_alloc : memref<!tpu.dma_semaphore, #tpu.memory_space<semaphore_mem>>
        %dma_start3A_362 = arith.constant 0 : i32
        %dma_start3A_363 = tpu.memref_slice %arg7[%run_scoped3A_276, %dma_start3A_362] : memref<3x112xi32, #tpu.memory_space<vmem>> -> memref<1x112xi32, #tpu.memory_space<vmem>>
        %dma_start3A_364 = tpu.memref_squeeze %dma_start3A_363 : memref<1x112xi32, #tpu.memory_space<vmem>> -> memref<112xi32, #tpu.memory_space<vmem>>
        %dma_start3A_365 = tpu.memref_slice %arg3[%add3A_275] : memref<645120xi32, #tpu.memory_space<hbm>> -> memref<112xi32, #tpu.memory_space<hbm>>
        %dma_start3A_366 = arith.constant 0 : i32
        %dma_start3A_367 = tpu.memref_slice %arg7[%run_scoped3A_276, %dma_start3A_366] : memref<3x112xi32, #tpu.memory_space<vmem>> -> memref<1x112xi32, #tpu.memory_space<vmem>>
        %dma_start3A_368 = tpu.memref_squeeze %dma_start3A_367 : memref<1x112xi32, #tpu.memory_space<vmem>> -> memref<112xi32, #tpu.memory_space<vmem>>
        %dma_start3A_369 = tpu.memref_slice %arg3[%add3A_275] : memref<645120xi32, #tpu.memory_space<hbm>> -> memref<112xi32, #tpu.memory_space<hbm>>
        tpu.enqueue_dma source(%dma_start3A_369 : memref<112xi32, #tpu.memory_space<hbm>>) target(%dma_start3A_368 : memref<112xi32, #tpu.memory_space<vmem>>) target_semaphore(%run_scoped3A_361 : memref<!tpu.dma_semaphore, #tpu.memory_space<semaphore_mem>>)
        %dma_wait3A_370 = arith.constant 0 : i32
        %dma_wait3A_371 = tpu.memref_slice %arg7[%run_scoped3A_276, %dma_wait3A_370] : memref<3x112xi32, #tpu.memory_space<vmem>> -> memref<1x112xi32, #tpu.memory_space<vmem>>
        %dma_wait3A_372 = tpu.memref_squeeze %dma_wait3A_371 : memref<1x112xi32, #tpu.memory_space<vmem>> -> memref<112xi32, #tpu.memory_space<vmem>>
        %dma_wait3A_373 = tpu.memref_slice %arg3[%add3A_275] : memref<645120xi32, #tpu.memory_space<hbm>> -> memref<112xi32, #tpu.memory_space<hbm>>
        %dma_wait3A_374 = arith.constant 0 : i32
        %dma_wait3A_375 = tpu.memref_slice %arg7[%run_scoped3A_276, %dma_wait3A_374] : memref<3x112xi32, #tpu.memory_space<vmem>> -> memref<1x112xi32, #tpu.memory_space<vmem>>
        %dma_wait3A_376 = tpu.memref_squeeze %dma_wait3A_375 : memref<1x112xi32, #tpu.memory_space<vmem>> -> memref<112xi32, #tpu.memory_space<vmem>>
        %dma_wait3A_377 = tpu.memref_slice %arg3[%add3A_275] : memref<645120xi32, #tpu.memory_space<hbm>> -> memref<112xi32, #tpu.memory_space<hbm>>
        tpu.wait_dma2 semaphore(%run_scoped3A_361 : memref<!tpu.dma_semaphore, #tpu.memory_space<semaphore_mem>>) src(%dma_wait3A_377 : memref<112xi32, #tpu.memory_space<hbm>>) dst(%dma_wait3A_376 : memref<112xi32, #tpu.memory_space<vmem>>)
        tpu.yield
      }) : () -> ()
      %dma_start3A_277 = arith.constant 0 : i32
      %dma_start3A_278 = arith.constant 0 : i32
      %dma_start3A_279 = arith.constant 0 : i32
      %dma_start3A_280 = arith.constant 0 : i32
      %dma_start3A_281 = tpu.memref_slice %arg9[%dma_start3A_278, %dma_start3A_279, %dma_start3A_280] : memref<3x112x128xf32, #tpu.memory_space<vmem>> -> memref<1x112x128xf32, #tpu.memory_space<vmem>>
      %dma_start3A_282 = tpu.memref_squeeze %dma_start3A_281 : memref<1x112x128xf32, #tpu.memory_space<vmem>> -> memref<112x128xf32, #tpu.memory_space<vmem>>
      %dma_start3A_283 = arith.constant 0 : i32
      %dma_start3A_284 = tpu.memref_slice %arg7[%dma_start3A_277, %dma_start3A_283] : memref<3x112xi32, #tpu.memory_space<vmem>> -> memref<1x112xi32, #tpu.memory_space<vmem>>
      %dma_start3A_285 = tpu.memref_squeeze %dma_start3A_284 : memref<1x112xi32, #tpu.memory_space<vmem>> -> memref<112xi32, #tpu.memory_space<vmem>>
      %dma_start3A_286 = arith.constant 0 : i32
      %dma_start3A_287 = arith.constant 0 : i32
      %dma_start3A_288 = tpu.memref_slice %arg2[%dma_start3A_286, %dma_start3A_287] : memref<20000x128xf32, #tpu.memory_space<hbm>> -> memref<20000x128xf32, #tpu.memory_space<hbm>>
      tpu.enqueue_indirect_dma source(%dma_start3A_288 : memref<20000x128xf32, #tpu.memory_space<hbm>>) target(%dma_start3A_282 : memref<112x128xf32, #tpu.memory_space<vmem>>) offsets(%dma_start3A_285 : memref<112xi32, #tpu.memory_space<vmem>>) semaphore(%arg11 : memref<!tpu.dma_semaphore, #tpu.memory_space<semaphore_mem>>)
      %dma_wait3A_289 = arith.constant 1 : i32
      %dma_wait3A_290 = arith.constant 1 : i32
      %dma_wait3A_291 = arith.constant 0 : i32
      %dma_wait3A_292 = arith.constant 0 : i32
      %dma_wait3A_293 = tpu.memref_slice %arg9[%dma_wait3A_289, %dma_wait3A_291, %dma_wait3A_292] : memref<3x112x128xf32, #tpu.memory_space<vmem>> -> memref<1x112x128xf32, #tpu.memory_space<vmem>>
      %dma_wait3A_294 = tpu.memref_squeeze %dma_wait3A_293 : memref<1x112x128xf32, #tpu.memory_space<vmem>> -> memref<112x128xf32, #tpu.memory_space<vmem>>
      %dma_wait3A_295 = arith.constant 0 : i32
      %dma_wait3A_296 = tpu.memref_slice %arg8[%dma_wait3A_290, %dma_wait3A_295] : memref<3x112xi32, #tpu.memory_space<vmem>> -> memref<1x112xi32, #tpu.memory_space<vmem>>
      %dma_wait3A_297 = tpu.memref_squeeze %dma_wait3A_296 : memref<1x112xi32, #tpu.memory_space<vmem>> -> memref<112xi32, #tpu.memory_space<vmem>>
      %dma_wait3A_298 = arith.constant 0 : i32
      %dma_wait3A_299 = arith.constant 0 : i32
      %dma_wait3A_300 = tpu.memref_slice %arg10[%dma_wait3A_298, %dma_wait3A_299] : memref<10112x128xf32, #tpu.memory_space<vmem_shared>> -> memref<10112x128xf32, #tpu.memory_space<vmem_shared>>
      tpu.wait_indirect_dma semaphore(%arg15 : memref<!tpu.dma_semaphore, #tpu.memory_space<semaphore_mem>>) src(%dma_wait3A_294 : memref<112x128xf32, #tpu.memory_space<vmem>>) dst(%dma_wait3A_300 : memref<10112x128xf32, #tpu.memory_space<vmem_shared>>)
      %add3A_301 = arith.constant 3 : i32
      %add3A_302 = arith.addi %mul3A_180, %add3A_301 : i32
      %add3A_303 = arith.constant 1 : i32
      %add3A_304 = arith.addi %add3A_302, %add3A_303 : i32
      %mul3A_305 = arith.constant 112 : i32
      %mul3A_306 = arith.muli %add3A_304, %mul3A_305 : i32
      %add3A_307 = arith.addi %mul3A_4, %mul3A_306 : i32
      %run_scoped3A_308 = arith.constant 1 : i32
      "tpu.region"() ({
        %run_scoped3A_361 = tpu.sem_alloc : memref<!tpu.dma_semaphore, #tpu.memory_space<semaphore_mem>>
        %dma_start3A_362 = arith.constant 0 : i32
        %dma_start3A_363 = tpu.memref_slice %arg8[%run_scoped3A_308, %dma_start3A_362] : memref<3x112xi32, #tpu.memory_space<vmem>> -> memref<1x112xi32, #tpu.memory_space<vmem>>
        %dma_start3A_364 = tpu.memref_squeeze %dma_start3A_363 : memref<1x112xi32, #tpu.memory_space<vmem>> -> memref<112xi32, #tpu.memory_space<vmem>>
        %dma_start3A_365 = tpu.memref_slice %arg4[%add3A_307] : memref<322560xi32, #tpu.memory_space<hbm>> -> memref<112xi32, #tpu.memory_space<hbm>>
        %dma_start3A_366 = arith.constant 0 : i32
        %dma_start3A_367 = tpu.memref_slice %arg8[%run_scoped3A_308, %dma_start3A_366] : memref<3x112xi32, #tpu.memory_space<vmem>> -> memref<1x112xi32, #tpu.memory_space<vmem>>
        %dma_start3A_368 = tpu.memref_squeeze %dma_start3A_367 : memref<1x112xi32, #tpu.memory_space<vmem>> -> memref<112xi32, #tpu.memory_space<vmem>>
        %dma_start3A_369 = tpu.memref_slice %arg4[%add3A_307] : memref<322560xi32, #tpu.memory_space<hbm>> -> memref<112xi32, #tpu.memory_space<hbm>>
        tpu.enqueue_dma source(%dma_start3A_369 : memref<112xi32, #tpu.memory_space<hbm>>) target(%dma_start3A_368 : memref<112xi32, #tpu.memory_space<vmem>>) target_semaphore(%run_scoped3A_361 : memref<!tpu.dma_semaphore, #tpu.memory_space<semaphore_mem>>)
        %dma_wait3A_370 = arith.constant 0 : i32
        %dma_wait3A_371 = tpu.memref_slice %arg8[%run_scoped3A_308, %dma_wait3A_370] : memref<3x112xi32, #tpu.memory_space<vmem>> -> memref<1x112xi32, #tpu.memory_space<vmem>>
        %dma_wait3A_372 = tpu.memref_squeeze %dma_wait3A_371 : memref<1x112xi32, #tpu.memory_space<vmem>> -> memref<112xi32, #tpu.memory_space<vmem>>
        %dma_wait3A_373 = tpu.memref_slice %arg4[%add3A_307] : memref<322560xi32, #tpu.memory_space<hbm>> -> memref<112xi32, #tpu.memory_space<hbm>>
        %dma_wait3A_374 = arith.constant 0 : i32
        %dma_wait3A_375 = tpu.memref_slice %arg8[%run_scoped3A_308, %dma_wait3A_374] : memref<3x112xi32, #tpu.memory_space<vmem>> -> memref<1x112xi32, #tpu.memory_space<vmem>>
        %dma_wait3A_376 = tpu.memref_squeeze %dma_wait3A_375 : memref<1x112xi32, #tpu.memory_space<vmem>> -> memref<112xi32, #tpu.memory_space<vmem>>
        %dma_wait3A_377 = tpu.memref_slice %arg4[%add3A_307] : memref<322560xi32, #tpu.memory_space<hbm>> -> memref<112xi32, #tpu.memory_space<hbm>>
        tpu.wait_dma2 semaphore(%run_scoped3A_361 : memref<!tpu.dma_semaphore, #tpu.memory_space<semaphore_mem>>) src(%dma_wait3A_377 : memref<112xi32, #tpu.memory_space<hbm>>) dst(%dma_wait3A_376 : memref<112xi32, #tpu.memory_space<vmem>>)
        tpu.yield
      }) : () -> ()
      %mul3A_309 = arith.constant 112 : i32
      %mul3A_310 = arith.muli %add3A_304, %mul3A_309 : i32
      %add3A_311 = arith.addi %add3A_7, %mul3A_310 : i32
      %run_scoped3A_312 = arith.constant 1 : i32
      "tpu.region"() ({
        %run_scoped3A_361 = tpu.sem_alloc : memref<!tpu.dma_semaphore, #tpu.memory_space<semaphore_mem>>
        %dma_start3A_362 = arith.constant 0 : i32
        %dma_start3A_363 = tpu.memref_slice %arg7[%run_scoped3A_312, %dma_start3A_362] : memref<3x112xi32, #tpu.memory_space<vmem>> -> memref<1x112xi32, #tpu.memory_space<vmem>>
        %dma_start3A_364 = tpu.memref_squeeze %dma_start3A_363 : memref<1x112xi32, #tpu.memory_space<vmem>> -> memref<112xi32, #tpu.memory_space<vmem>>
        %dma_start3A_365 = tpu.memref_slice %arg3[%add3A_311] : memref<645120xi32, #tpu.memory_space<hbm>> -> memref<112xi32, #tpu.memory_space<hbm>>
        %dma_start3A_366 = arith.constant 0 : i32
        %dma_start3A_367 = tpu.memref_slice %arg7[%run_scoped3A_312, %dma_start3A_366] : memref<3x112xi32, #tpu.memory_space<vmem>> -> memref<1x112xi32, #tpu.memory_space<vmem>>
        %dma_start3A_368 = tpu.memref_squeeze %dma_start3A_367 : memref<1x112xi32, #tpu.memory_space<vmem>> -> memref<112xi32, #tpu.memory_space<vmem>>
        %dma_start3A_369 = tpu.memref_slice %arg3[%add3A_311] : memref<645120xi32, #tpu.memory_space<hbm>> -> memref<112xi32, #tpu.memory_space<hbm>>
        tpu.enqueue_dma source(%dma_start3A_369 : memref<112xi32, #tpu.memory_space<hbm>>) target(%dma_start3A_368 : memref<112xi32, #tpu.memory_space<vmem>>) target_semaphore(%run_scoped3A_361 : memref<!tpu.dma_semaphore, #tpu.memory_space<semaphore_mem>>)
        %dma_wait3A_370 = arith.constant 0 : i32
        %dma_wait3A_371 = tpu.memref_slice %arg7[%run_scoped3A_312, %dma_wait3A_370] : memref<3x112xi32, #tpu.memory_space<vmem>> -> memref<1x112xi32, #tpu.memory_space<vmem>>
        %dma_wait3A_372 = tpu.memref_squeeze %dma_wait3A_371 : memref<1x112xi32, #tpu.memory_space<vmem>> -> memref<112xi32, #tpu.memory_space<vmem>>
        %dma_wait3A_373 = tpu.memref_slice %arg3[%add3A_311] : memref<645120xi32, #tpu.memory_space<hbm>> -> memref<112xi32, #tpu.memory_space<hbm>>
        %dma_wait3A_374 = arith.constant 0 : i32
        %dma_wait3A_375 = tpu.memref_slice %arg7[%run_scoped3A_312, %dma_wait3A_374] : memref<3x112xi32, #tpu.memory_space<vmem>> -> memref<1x112xi32, #tpu.memory_space<vmem>>
        %dma_wait3A_376 = tpu.memref_squeeze %dma_wait3A_375 : memref<1x112xi32, #tpu.memory_space<vmem>> -> memref<112xi32, #tpu.memory_space<vmem>>
        %dma_wait3A_377 = tpu.memref_slice %arg3[%add3A_311] : memref<645120xi32, #tpu.memory_space<hbm>> -> memref<112xi32, #tpu.memory_space<hbm>>
        tpu.wait_dma2 semaphore(%run_scoped3A_361 : memref<!tpu.dma_semaphore, #tpu.memory_space<semaphore_mem>>) src(%dma_wait3A_377 : memref<112xi32, #tpu.memory_space<hbm>>) dst(%dma_wait3A_376 : memref<112xi32, #tpu.memory_space<vmem>>)
        tpu.yield
      }) : () -> ()
      %dma_start3A_313 = arith.constant 1 : i32
      %dma_start3A_314 = arith.constant 1 : i32
      %dma_start3A_315 = arith.constant 0 : i32
      %dma_start3A_316 = arith.constant 0 : i32
      %dma_start3A_317 = tpu.memref_slice %arg9[%dma_start3A_314, %dma_start3A_315, %dma_start3A_316] : memref<3x112x128xf32, #tpu.memory_space<vmem>> -> memref<1x112x128xf32, #tpu.memory_space<vmem>>
      %dma_start3A_318 = tpu.memref_squeeze %dma_start3A_317 : memref<1x112x128xf32, #tpu.memory_space<vmem>> -> memref<112x128xf32, #tpu.memory_space<vmem>>
      %dma_start3A_319 = arith.constant 0 : i32
      %dma_start3A_320 = tpu.memref_slice %arg7[%dma_start3A_313, %dma_start3A_319] : memref<3x112xi32, #tpu.memory_space<vmem>> -> memref<1x112xi32, #tpu.memory_space<vmem>>
      %dma_start3A_321 = tpu.memref_squeeze %dma_start3A_320 : memref<1x112xi32, #tpu.memory_space<vmem>> -> memref<112xi32, #tpu.memory_space<vmem>>
      %dma_start3A_322 = arith.constant 0 : i32
      %dma_start3A_323 = arith.constant 0 : i32
      %dma_start3A_324 = tpu.memref_slice %arg2[%dma_start3A_322, %dma_start3A_323] : memref<20000x128xf32, #tpu.memory_space<hbm>> -> memref<20000x128xf32, #tpu.memory_space<hbm>>
      tpu.enqueue_indirect_dma source(%dma_start3A_324 : memref<20000x128xf32, #tpu.memory_space<hbm>>) target(%dma_start3A_318 : memref<112x128xf32, #tpu.memory_space<vmem>>) offsets(%dma_start3A_321 : memref<112xi32, #tpu.memory_space<vmem>>) semaphore(%arg12 : memref<!tpu.dma_semaphore, #tpu.memory_space<semaphore_mem>>)
      %dma_wait3A_325 = arith.constant 2 : i32
      %dma_wait3A_326 = arith.constant 2 : i32
      %dma_wait3A_327 = arith.constant 0 : i32
      %dma_wait3A_328 = arith.constant 0 : i32
      %dma_wait3A_329 = tpu.memref_slice %arg9[%dma_wait3A_325, %dma_wait3A_327, %dma_wait3A_328] : memref<3x112x128xf32, #tpu.memory_space<vmem>> -> memref<1x112x128xf32, #tpu.memory_space<vmem>>
      %dma_wait3A_330 = tpu.memref_squeeze %dma_wait3A_329 : memref<1x112x128xf32, #tpu.memory_space<vmem>> -> memref<112x128xf32, #tpu.memory_space<vmem>>
      %dma_wait3A_331 = arith.constant 0 : i32
      %dma_wait3A_332 = tpu.memref_slice %arg8[%dma_wait3A_326, %dma_wait3A_331] : memref<3x112xi32, #tpu.memory_space<vmem>> -> memref<1x112xi32, #tpu.memory_space<vmem>>
      %dma_wait3A_333 = tpu.memref_squeeze %dma_wait3A_332 : memref<1x112xi32, #tpu.memory_space<vmem>> -> memref<112xi32, #tpu.memory_space<vmem>>
      %dma_wait3A_334 = arith.constant 0 : i32
      %dma_wait3A_335 = arith.constant 0 : i32
      %dma_wait3A_336 = tpu.memref_slice %arg10[%dma_wait3A_334, %dma_wait3A_335] : memref<10112x128xf32, #tpu.memory_space<vmem_shared>> -> memref<10112x128xf32, #tpu.memory_space<vmem_shared>>
      tpu.wait_indirect_dma semaphore(%arg16 : memref<!tpu.dma_semaphore, #tpu.memory_space<semaphore_mem>>) src(%dma_wait3A_330 : memref<112x128xf32, #tpu.memory_space<vmem>>) dst(%dma_wait3A_336 : memref<10112x128xf32, #tpu.memory_space<vmem_shared>>)
      %add3A_337 = arith.constant 3 : i32
      %add3A_338 = arith.addi %mul3A_180, %add3A_337 : i32
      %add3A_339 = arith.constant 2 : i32
      %add3A_340 = arith.addi %add3A_338, %add3A_339 : i32
      %mul3A_341 = arith.constant 112 : i32
      %mul3A_342 = arith.muli %add3A_340, %mul3A_341 : i32
      %add3A_343 = arith.addi %mul3A_4, %mul3A_342 : i32
      %run_scoped3A_344 = arith.constant 2 : i32
      "tpu.region"() ({
        %run_scoped3A_361 = tpu.sem_alloc : memref<!tpu.dma_semaphore, #tpu.memory_space<semaphore_mem>>
        %dma_start3A_362 = arith.constant 0 : i32
        %dma_start3A_363 = tpu.memref_slice %arg8[%run_scoped3A_344, %dma_start3A_362] : memref<3x112xi32, #tpu.memory_space<vmem>> -> memref<1x112xi32, #tpu.memory_space<vmem>>
        %dma_start3A_364 = tpu.memref_squeeze %dma_start3A_363 : memref<1x112xi32, #tpu.memory_space<vmem>> -> memref<112xi32, #tpu.memory_space<vmem>>
        %dma_start3A_365 = tpu.memref_slice %arg4[%add3A_343] : memref<322560xi32, #tpu.memory_space<hbm>> -> memref<112xi32, #tpu.memory_space<hbm>>
        %dma_start3A_366 = arith.constant 0 : i32
        %dma_start3A_367 = tpu.memref_slice %arg8[%run_scoped3A_344, %dma_start3A_366] : memref<3x112xi32, #tpu.memory_space<vmem>> -> memref<1x112xi32, #tpu.memory_space<vmem>>
        %dma_start3A_368 = tpu.memref_squeeze %dma_start3A_367 : memref<1x112xi32, #tpu.memory_space<vmem>> -> memref<112xi32, #tpu.memory_space<vmem>>
        %dma_start3A_369 = tpu.memref_slice %arg4[%add3A_343] : memref<322560xi32, #tpu.memory_space<hbm>> -> memref<112xi32, #tpu.memory_space<hbm>>
        tpu.enqueue_dma source(%dma_start3A_369 : memref<112xi32, #tpu.memory_space<hbm>>) target(%dma_start3A_368 : memref<112xi32, #tpu.memory_space<vmem>>) target_semaphore(%run_scoped3A_361 : memref<!tpu.dma_semaphore, #tpu.memory_space<semaphore_mem>>)
        %dma_wait3A_370 = arith.constant 0 : i32
        %dma_wait3A_371 = tpu.memref_slice %arg8[%run_scoped3A_344, %dma_wait3A_370] : memref<3x112xi32, #tpu.memory_space<vmem>> -> memref<1x112xi32, #tpu.memory_space<vmem>>
        %dma_wait3A_372 = tpu.memref_squeeze %dma_wait3A_371 : memref<1x112xi32, #tpu.memory_space<vmem>> -> memref<112xi32, #tpu.memory_space<vmem>>
        %dma_wait3A_373 = tpu.memref_slice %arg4[%add3A_343] : memref<322560xi32, #tpu.memory_space<hbm>> -> memref<112xi32, #tpu.memory_space<hbm>>
        %dma_wait3A_374 = arith.constant 0 : i32
        %dma_wait3A_375 = tpu.memref_slice %arg8[%run_scoped3A_344, %dma_wait3A_374] : memref<3x112xi32, #tpu.memory_space<vmem>> -> memref<1x112xi32, #tpu.memory_space<vmem>>
        %dma_wait3A_376 = tpu.memref_squeeze %dma_wait3A_375 : memref<1x112xi32, #tpu.memory_space<vmem>> -> memref<112xi32, #tpu.memory_space<vmem>>
        %dma_wait3A_377 = tpu.memref_slice %arg4[%add3A_343] : memref<322560xi32, #tpu.memory_space<hbm>> -> memref<112xi32, #tpu.memory_space<hbm>>
        tpu.wait_dma2 semaphore(%run_scoped3A_361 : memref<!tpu.dma_semaphore, #tpu.memory_space<semaphore_mem>>) src(%dma_wait3A_377 : memref<112xi32, #tpu.memory_space<hbm>>) dst(%dma_wait3A_376 : memref<112xi32, #tpu.memory_space<vmem>>)
        tpu.yield
      }) : () -> ()
      %mul3A_345 = arith.constant 112 : i32
      %mul3A_346 = arith.muli %add3A_340, %mul3A_345 : i32
      %add3A_347 = arith.addi %add3A_7, %mul3A_346 : i32
      %run_scoped3A_348 = arith.constant 2 : i32
      "tpu.region"() ({
        %run_scoped3A_361 = tpu.sem_alloc : memref<!tpu.dma_semaphore, #tpu.memory_space<semaphore_mem>>
        %dma_start3A_362 = arith.constant 0 : i32
        %dma_start3A_363 = tpu.memref_slice %arg7[%run_scoped3A_348, %dma_start3A_362] : memref<3x112xi32, #tpu.memory_space<vmem>> -> memref<1x112xi32, #tpu.memory_space<vmem>>
        %dma_start3A_364 = tpu.memref_squeeze %dma_start3A_363 : memref<1x112xi32, #tpu.memory_space<vmem>> -> memref<112xi32, #tpu.memory_space<vmem>>
        %dma_start3A_365 = tpu.memref_slice %arg3[%add3A_347] : memref<645120xi32, #tpu.memory_space<hbm>> -> memref<112xi32, #tpu.memory_space<hbm>>
        %dma_start3A_366 = arith.constant 0 : i32
        %dma_start3A_367 = tpu.memref_slice %arg7[%run_scoped3A_348, %dma_start3A_366] : memref<3x112xi32, #tpu.memory_space<vmem>> -> memref<1x112xi32, #tpu.memory_space<vmem>>
        %dma_start3A_368 = tpu.memref_squeeze %dma_start3A_367 : memref<1x112xi32, #tpu.memory_space<vmem>> -> memref<112xi32, #tpu.memory_space<vmem>>
        %dma_start3A_369 = tpu.memref_slice %arg3[%add3A_347] : memref<645120xi32, #tpu.memory_space<hbm>> -> memref<112xi32, #tpu.memory_space<hbm>>
        tpu.enqueue_dma source(%dma_start3A_369 : memref<112xi32, #tpu.memory_space<hbm>>) target(%dma_start3A_368 : memref<112xi32, #tpu.memory_space<vmem>>) target_semaphore(%run_scoped3A_361 : memref<!tpu.dma_semaphore, #tpu.memory_space<semaphore_mem>>)
        %dma_wait3A_370 = arith.constant 0 : i32
        %dma_wait3A_371 = tpu.memref_slice %arg7[%run_scoped3A_348, %dma_wait3A_370] : memref<3x112xi32, #tpu.memory_space<vmem>> -> memref<1x112xi32, #tpu.memory_space<vmem>>
        %dma_wait3A_372 = tpu.memref_squeeze %dma_wait3A_371 : memref<1x112xi32, #tpu.memory_space<vmem>> -> memref<112xi32, #tpu.memory_space<vmem>>
        %dma_wait3A_373 = tpu.memref_slice %arg3[%add3A_347] : memref<645120xi32, #tpu.memory_space<hbm>> -> memref<112xi32, #tpu.memory_space<hbm>>
        %dma_wait3A_374 = arith.constant 0 : i32
        %dma_wait3A_375 = tpu.memref_slice %arg7[%run_scoped3A_348, %dma_wait3A_374] : memref<3x112xi32, #tpu.memory_space<vmem>> -> memref<1x112xi32, #tpu.memory_space<vmem>>
        %dma_wait3A_376 = tpu.memref_squeeze %dma_wait3A_375 : memref<1x112xi32, #tpu.memory_space<vmem>> -> memref<112xi32, #tpu.memory_space<vmem>>
        %dma_wait3A_377 = tpu.memref_slice %arg3[%add3A_347] : memref<645120xi32, #tpu.memory_space<hbm>> -> memref<112xi32, #tpu.memory_space<hbm>>
        tpu.wait_dma2 semaphore(%run_scoped3A_361 : memref<!tpu.dma_semaphore, #tpu.memory_space<semaphore_mem>>) src(%dma_wait3A_377 : memref<112xi32, #tpu.memory_space<hbm>>) dst(%dma_wait3A_376 : memref<112xi32, #tpu.memory_space<vmem>>)
        tpu.yield
      }) : () -> ()
      %dma_start3A_349 = arith.constant 2 : i32
      %dma_start3A_350 = arith.constant 2 : i32
      %dma_start3A_351 = arith.constant 0 : i32
      %dma_start3A_352 = arith.constant 0 : i32
      %dma_start3A_353 = tpu.memref_slice %arg9[%dma_start3A_350, %dma_start3A_351, %dma_start3A_352] : memref<3x112x128xf32, #tpu.memory_space<vmem>> -> memref<1x112x128xf32, #tpu.memory_space<vmem>>
      %dma_start3A_354 = tpu.memref_squeeze %dma_start3A_353 : memref<1x112x128xf32, #tpu.memory_space<vmem>> -> memref<112x128xf32, #tpu.memory_space<vmem>>
      %dma_start3A_355 = arith.constant 0 : i32
      %dma_start3A_356 = tpu.memref_slice %arg7[%dma_start3A_349, %dma_start3A_355] : memref<3x112xi32, #tpu.memory_space<vmem>> -> memref<1x112xi32, #tpu.memory_space<vmem>>
      %dma_start3A_357 = tpu.memref_squeeze %dma_start3A_356 : memref<1x112xi32, #tpu.memory_space<vmem>> -> memref<112xi32, #tpu.memory_space<vmem>>
      %dma_start3A_358 = arith.constant 0 : i32
      %dma_start3A_359 = arith.constant 0 : i32
      %dma_start3A_360 = tpu.memref_slice %arg2[%dma_start3A_358, %dma_start3A_359] : memref<20000x128xf32, #tpu.memory_space<hbm>> -> memref<20000x128xf32, #tpu.memory_space<hbm>>
      tpu.enqueue_indirect_dma source(%dma_start3A_360 : memref<20000x128xf32, #tpu.memory_space<hbm>>) target(%dma_start3A_354 : memref<112x128xf32, #tpu.memory_space<vmem>>) offsets(%dma_start3A_357 : memref<112xi32, #tpu.memory_space<vmem>>) semaphore(%arg13 : memref<!tpu.dma_semaphore, #tpu.memory_space<semaphore_mem>>)
    }
    %scan3A_66 = arith.constant 29 : i32
    %dma_wait3A = arith.constant 0 : i32
    %dma_wait3A_67 = arith.constant 0 : i32
    %dma_wait3A_68 = arith.constant 0 : i32
    %dma_wait3A_69 = arith.constant 0 : i32
    %dma_wait3A_70 = tpu.memref_slice %arg9[%dma_wait3A_67, %dma_wait3A_68, %dma_wait3A_69] : memref<3x112x128xf32, #tpu.memory_space<vmem>> -> memref<1x112x128xf32, #tpu.memory_space<vmem>>
    %dma_wait3A_71 = tpu.memref_squeeze %dma_wait3A_70 : memref<1x112x128xf32, #tpu.memory_space<vmem>> -> memref<112x128xf32, #tpu.memory_space<vmem>>
    %dma_wait3A_72 = arith.constant 0 : i32
    %dma_wait3A_73 = tpu.memref_slice %arg7[%dma_wait3A, %dma_wait3A_72] : memref<3x112xi32, #tpu.memory_space<vmem>> -> memref<1x112xi32, #tpu.memory_space<vmem>>
    %dma_wait3A_74 = tpu.memref_squeeze %dma_wait3A_73 : memref<1x112xi32, #tpu.memory_space<vmem>> -> memref<112xi32, #tpu.memory_space<vmem>>
    %dma_wait3A_75 = arith.constant 0 : i32
    %dma_wait3A_76 = arith.constant 0 : i32
    %dma_wait3A_77 = tpu.memref_slice %arg2[%dma_wait3A_75, %dma_wait3A_76] : memref<20000x128xf32, #tpu.memory_space<hbm>> -> memref<20000x128xf32, #tpu.memory_space<hbm>>
    tpu.wait_indirect_dma semaphore(%arg11 : memref<!tpu.dma_semaphore, #tpu.memory_space<semaphore_mem>>) src(%dma_wait3A_77 : memref<20000x128xf32, #tpu.memory_space<hbm>>) dst(%dma_wait3A_71 : memref<112x128xf32, #tpu.memory_space<vmem>>)
    %dma_start3A_78 = arith.constant 0 : i32
    %dma_start3A_79 = arith.constant 0 : i32
    %dma_start3A_80 = arith.constant 0 : i32
    %dma_start3A_81 = arith.constant 0 : i32
    %dma_start3A_82 = tpu.memref_slice %arg9[%dma_start3A_78, %dma_start3A_80, %dma_start3A_81] : memref<3x112x128xf32, #tpu.memory_space<vmem>> -> memref<1x112x128xf32, #tpu.memory_space<vmem>>
    %dma_start3A_83 = tpu.memref_squeeze %dma_start3A_82 : memref<1x112x128xf32, #tpu.memory_space<vmem>> -> memref<112x128xf32, #tpu.memory_space<vmem>>
    %dma_start3A_84 = arith.constant 0 : i32
    %dma_start3A_85 = tpu.memref_slice %arg8[%dma_start3A_79, %dma_start3A_84] : memref<3x112xi32, #tpu.memory_space<vmem>> -> memref<1x112xi32, #tpu.memory_space<vmem>>
    %dma_start3A_86 = tpu.memref_squeeze %dma_start3A_85 : memref<1x112xi32, #tpu.memory_space<vmem>> -> memref<112xi32, #tpu.memory_space<vmem>>
    %dma_start3A_87 = arith.constant 0 : i32
    %dma_start3A_88 = arith.constant 0 : i32
    %dma_start3A_89 = tpu.memref_slice %arg10[%dma_start3A_87, %dma_start3A_88] : memref<10112x128xf32, #tpu.memory_space<vmem_shared>> -> memref<10112x128xf32, #tpu.memory_space<vmem_shared>>
    tpu.enqueue_indirect_dma source(%dma_start3A_83 : memref<112x128xf32, #tpu.memory_space<vmem>>) target(%dma_start3A_89 : memref<10112x128xf32, #tpu.memory_space<vmem_shared>>) offsets(%dma_start3A_86 : memref<112xi32, #tpu.memory_space<vmem>>) semaphore(%arg14 : memref<!tpu.dma_semaphore, #tpu.memory_space<semaphore_mem>>) {add = true}
    %dma_wait3A_90 = arith.constant 1 : i32
    %dma_wait3A_91 = arith.constant 1 : i32
    %dma_wait3A_92 = arith.constant 0 : i32
    %dma_wait3A_93 = arith.constant 0 : i32
    %dma_wait3A_94 = tpu.memref_slice %arg9[%dma_wait3A_91, %dma_wait3A_92, %dma_wait3A_93] : memref<3x112x128xf32, #tpu.memory_space<vmem>> -> memref<1x112x128xf32, #tpu.memory_space<vmem>>
    %dma_wait3A_95 = tpu.memref_squeeze %dma_wait3A_94 : memref<1x112x128xf32, #tpu.memory_space<vmem>> -> memref<112x128xf32, #tpu.memory_space<vmem>>
    %dma_wait3A_96 = arith.constant 0 : i32
    %dma_wait3A_97 = tpu.memref_slice %arg7[%dma_wait3A_90, %dma_wait3A_96] : memref<3x112xi32, #tpu.memory_space<vmem>> -> memref<1x112xi32, #tpu.memory_space<vmem>>
    %dma_wait3A_98 = tpu.memref_squeeze %dma_wait3A_97 : memref<1x112xi32, #tpu.memory_space<vmem>> -> memref<112xi32, #tpu.memory_space<vmem>>
    %dma_wait3A_99 = arith.constant 0 : i32
    %dma_wait3A_100 = arith.constant 0 : i32
    %dma_wait3A_101 = tpu.memref_slice %arg2[%dma_wait3A_99, %dma_wait3A_100] : memref<20000x128xf32, #tpu.memory_space<hbm>> -> memref<20000x128xf32, #tpu.memory_space<hbm>>
    tpu.wait_indirect_dma semaphore(%arg12 : memref<!tpu.dma_semaphore, #tpu.memory_space<semaphore_mem>>) src(%dma_wait3A_101 : memref<20000x128xf32, #tpu.memory_space<hbm>>) dst(%dma_wait3A_95 : memref<112x128xf32, #tpu.memory_space<vmem>>)
    %dma_start3A_102 = arith.constant 1 : i32
    %dma_start3A_103 = arith.constant 1 : i32
    %dma_start3A_104 = arith.constant 0 : i32
    %dma_start3A_105 = arith.constant 0 : i32
    %dma_start3A_106 = tpu.memref_slice %arg9[%dma_start3A_102, %dma_start3A_104, %dma_start3A_105] : memref<3x112x128xf32, #tpu.memory_space<vmem>> -> memref<1x112x128xf32, #tpu.memory_space<vmem>>
    %dma_start3A_107 = tpu.memref_squeeze %dma_start3A_106 : memref<1x112x128xf32, #tpu.memory_space<vmem>> -> memref<112x128xf32, #tpu.memory_space<vmem>>
    %dma_start3A_108 = arith.constant 0 : i32
    %dma_start3A_109 = tpu.memref_slice %arg8[%dma_start3A_103, %dma_start3A_108] : memref<3x112xi32, #tpu.memory_space<vmem>> -> memref<1x112xi32, #tpu.memory_space<vmem>>
    %dma_start3A_110 = tpu.memref_squeeze %dma_start3A_109 : memref<1x112xi32, #tpu.memory_space<vmem>> -> memref<112xi32, #tpu.memory_space<vmem>>
    %dma_start3A_111 = arith.constant 0 : i32
    %dma_start3A_112 = arith.constant 0 : i32
    %dma_start3A_113 = tpu.memref_slice %arg10[%dma_start3A_111, %dma_start3A_112] : memref<10112x128xf32, #tpu.memory_space<vmem_shared>> -> memref<10112x128xf32, #tpu.memory_space<vmem_shared>>
    tpu.enqueue_indirect_dma source(%dma_start3A_107 : memref<112x128xf32, #tpu.memory_space<vmem>>) target(%dma_start3A_113 : memref<10112x128xf32, #tpu.memory_space<vmem_shared>>) offsets(%dma_start3A_110 : memref<112xi32, #tpu.memory_space<vmem>>) semaphore(%arg15 : memref<!tpu.dma_semaphore, #tpu.memory_space<semaphore_mem>>) {add = true}
    %dma_wait3A_114 = arith.constant 2 : i32
    %dma_wait3A_115 = arith.constant 2 : i32
    %dma_wait3A_116 = arith.constant 0 : i32
    %dma_wait3A_117 = arith.constant 0 : i32
    %dma_wait3A_118 = tpu.memref_slice %arg9[%dma_wait3A_115, %dma_wait3A_116, %dma_wait3A_117] : memref<3x112x128xf32, #tpu.memory_space<vmem>> -> memref<1x112x128xf32, #tpu.memory_space<vmem>>
    %dma_wait3A_119 = tpu.memref_squeeze %dma_wait3A_118 : memref<1x112x128xf32, #tpu.memory_space<vmem>> -> memref<112x128xf32, #tpu.memory_space<vmem>>
    %dma_wait3A_120 = arith.constant 0 : i32
    %dma_wait3A_121 = tpu.memref_slice %arg7[%dma_wait3A_114, %dma_wait3A_120] : memref<3x112xi32, #tpu.memory_space<vmem>> -> memref<1x112xi32, #tpu.memory_space<vmem>>
    %dma_wait3A_122 = tpu.memref_squeeze %dma_wait3A_121 : memref<1x112xi32, #tpu.memory_space<vmem>> -> memref<112xi32, #tpu.memory_space<vmem>>
    %dma_wait3A_123 = arith.constant 0 : i32
    %dma_wait3A_124 = arith.constant 0 : i32
    %dma_wait3A_125 = tpu.memref_slice %arg2[%dma_wait3A_123, %dma_wait3A_124] : memref<20000x128xf32, #tpu.memory_space<hbm>> -> memref<20000x128xf32, #tpu.memory_space<hbm>>
    tpu.wait_indirect_dma semaphore(%arg13 : memref<!tpu.dma_semaphore, #tpu.memory_space<semaphore_mem>>) src(%dma_wait3A_125 : memref<20000x128xf32, #tpu.memory_space<hbm>>) dst(%dma_wait3A_119 : memref<112x128xf32, #tpu.memory_space<vmem>>)
    %dma_start3A_126 = arith.constant 2 : i32
    %dma_start3A_127 = arith.constant 2 : i32
    %dma_start3A_128 = arith.constant 0 : i32
    %dma_start3A_129 = arith.constant 0 : i32
    %dma_start3A_130 = tpu.memref_slice %arg9[%dma_start3A_126, %dma_start3A_128, %dma_start3A_129] : memref<3x112x128xf32, #tpu.memory_space<vmem>> -> memref<1x112x128xf32, #tpu.memory_space<vmem>>
    %dma_start3A_131 = tpu.memref_squeeze %dma_start3A_130 : memref<1x112x128xf32, #tpu.memory_space<vmem>> -> memref<112x128xf32, #tpu.memory_space<vmem>>
    %dma_start3A_132 = arith.constant 0 : i32
    %dma_start3A_133 = tpu.memref_slice %arg8[%dma_start3A_127, %dma_start3A_132] : memref<3x112xi32, #tpu.memory_space<vmem>> -> memref<1x112xi32, #tpu.memory_space<vmem>>
    %dma_start3A_134 = tpu.memref_squeeze %dma_start3A_133 : memref<1x112xi32, #tpu.memory_space<vmem>> -> memref<112xi32, #tpu.memory_space<vmem>>
    %dma_start3A_135 = arith.constant 0 : i32
    %dma_start3A_136 = arith.constant 0 : i32
    %dma_start3A_137 = tpu.memref_slice %arg10[%dma_start3A_135, %dma_start3A_136] : memref<10112x128xf32, #tpu.memory_space<vmem_shared>> -> memref<10112x128xf32, #tpu.memory_space<vmem_shared>>
    tpu.enqueue_indirect_dma source(%dma_start3A_131 : memref<112x128xf32, #tpu.memory_space<vmem>>) target(%dma_start3A_137 : memref<10112x128xf32, #tpu.memory_space<vmem_shared>>) offsets(%dma_start3A_134 : memref<112xi32, #tpu.memory_space<vmem>>) semaphore(%arg16 : memref<!tpu.dma_semaphore, #tpu.memory_space<semaphore_mem>>) {add = true}
    %dma_wait3A_138 = arith.constant 0 : i32
    %dma_wait3A_139 = arith.constant 0 : i32
    %dma_wait3A_140 = arith.constant 0 : i32
    %dma_wait3A_141 = arith.constant 0 : i32
    %dma_wait3A_142 = tpu.memref_slice %arg9[%dma_wait3A_138, %dma_wait3A_140, %dma_wait3A_141] : memref<3x112x128xf32, #tpu.memory_space<vmem>> -> memref<1x112x128xf32, #tpu.memory_space<vmem>>
    %dma_wait3A_143 = tpu.memref_squeeze %dma_wait3A_142 : memref<1x112x128xf32, #tpu.memory_space<vmem>> -> memref<112x128xf32, #tpu.memory_space<vmem>>
    %dma_wait3A_144 = arith.constant 0 : i32
    %dma_wait3A_145 = tpu.memref_slice %arg8[%dma_wait3A_139, %dma_wait3A_144] : memref<3x112xi32, #tpu.memory_space<vmem>> -> memref<1x112xi32, #tpu.memory_space<vmem>>
    %dma_wait3A_146 = tpu.memref_squeeze %dma_wait3A_145 : memref<1x112xi32, #tpu.memory_space<vmem>> -> memref<112xi32, #tpu.memory_space<vmem>>
    %dma_wait3A_147 = arith.constant 0 : i32
    %dma_wait3A_148 = arith.constant 0 : i32
    %dma_wait3A_149 = tpu.memref_slice %arg10[%dma_wait3A_147, %dma_wait3A_148] : memref<10112x128xf32, #tpu.memory_space<vmem_shared>> -> memref<10112x128xf32, #tpu.memory_space<vmem_shared>>
    tpu.wait_indirect_dma semaphore(%arg14 : memref<!tpu.dma_semaphore, #tpu.memory_space<semaphore_mem>>) src(%dma_wait3A_143 : memref<112x128xf32, #tpu.memory_space<vmem>>) dst(%dma_wait3A_149 : memref<10112x128xf32, #tpu.memory_space<vmem_shared>>)
    %dma_wait3A_150 = arith.constant 1 : i32
    %dma_wait3A_151 = arith.constant 1 : i32
    %dma_wait3A_152 = arith.constant 0 : i32
    %dma_wait3A_153 = arith.constant 0 : i32
    %dma_wait3A_154 = tpu.memref_slice %arg9[%dma_wait3A_150, %dma_wait3A_152, %dma_wait3A_153] : memref<3x112x128xf32, #tpu.memory_space<vmem>> -> memref<1x112x128xf32, #tpu.memory_space<vmem>>
    %dma_wait3A_155 = tpu.memref_squeeze %dma_wait3A_154 : memref<1x112x128xf32, #tpu.memory_space<vmem>> -> memref<112x128xf32, #tpu.memory_space<vmem>>
    %dma_wait3A_156 = arith.constant 0 : i32
    %dma_wait3A_157 = tpu.memref_slice %arg8[%dma_wait3A_151, %dma_wait3A_156] : memref<3x112xi32, #tpu.memory_space<vmem>> -> memref<1x112xi32, #tpu.memory_space<vmem>>
    %dma_wait3A_158 = tpu.memref_squeeze %dma_wait3A_157 : memref<1x112xi32, #tpu.memory_space<vmem>> -> memref<112xi32, #tpu.memory_space<vmem>>
    %dma_wait3A_159 = arith.constant 0 : i32
    %dma_wait3A_160 = arith.constant 0 : i32
    %dma_wait3A_161 = tpu.memref_slice %arg10[%dma_wait3A_159, %dma_wait3A_160] : memref<10112x128xf32, #tpu.memory_space<vmem_shared>> -> memref<10112x128xf32, #tpu.memory_space<vmem_shared>>
    tpu.wait_indirect_dma semaphore(%arg15 : memref<!tpu.dma_semaphore, #tpu.memory_space<semaphore_mem>>) src(%dma_wait3A_155 : memref<112x128xf32, #tpu.memory_space<vmem>>) dst(%dma_wait3A_161 : memref<10112x128xf32, #tpu.memory_space<vmem_shared>>)
    %dma_wait3A_162 = arith.constant 2 : i32
    %dma_wait3A_163 = arith.constant 2 : i32
    %dma_wait3A_164 = arith.constant 0 : i32
    %dma_wait3A_165 = arith.constant 0 : i32
    %dma_wait3A_166 = tpu.memref_slice %arg9[%dma_wait3A_162, %dma_wait3A_164, %dma_wait3A_165] : memref<3x112x128xf32, #tpu.memory_space<vmem>> -> memref<1x112x128xf32, #tpu.memory_space<vmem>>
    %dma_wait3A_167 = tpu.memref_squeeze %dma_wait3A_166 : memref<1x112x128xf32, #tpu.memory_space<vmem>> -> memref<112x128xf32, #tpu.memory_space<vmem>>
    %dma_wait3A_168 = arith.constant 0 : i32
    %dma_wait3A_169 = tpu.memref_slice %arg8[%dma_wait3A_163, %dma_wait3A_168] : memref<3x112xi32, #tpu.memory_space<vmem>> -> memref<1x112xi32, #tpu.memory_space<vmem>>
    %dma_wait3A_170 = tpu.memref_squeeze %dma_wait3A_169 : memref<1x112xi32, #tpu.memory_space<vmem>> -> memref<112xi32, #tpu.memory_space<vmem>>
    %dma_wait3A_171 = arith.constant 0 : i32
    %dma_wait3A_172 = arith.constant 0 : i32
    %dma_wait3A_173 = tpu.memref_slice %arg10[%dma_wait3A_171, %dma_wait3A_172] : memref<10112x128xf32, #tpu.memory_space<vmem_shared>> -> memref<10112x128xf32, #tpu.memory_space<vmem_shared>>
    tpu.wait_indirect_dma semaphore(%arg16 : memref<!tpu.dma_semaphore, #tpu.memory_space<semaphore_mem>>) src(%dma_wait3A_167 : memref<112x128xf32, #tpu.memory_space<vmem>>) dst(%dma_wait3A_173 : memref<10112x128xf32, #tpu.memory_space<vmem_shared>>)
    %barrier3A_174 = arith.constant 0 : index
    tpu.barrier barrier_id(%barrier3A_174)
    %mul3A_175 = arith.constant 10112 : i32
    %mul3A_176 = arith.muli %arg0, %mul3A_175 : i32
    %add3A_177 = arith.addi %mul3A_176, %mul3A_9 : i32
    "tpu.region"() ({
      %run_scoped3A_178 = tpu.sem_alloc : memref<!tpu.dma_semaphore, #tpu.memory_space<semaphore_mem>>
      %dma_start3A_179 = arith.constant 0 : i32
      %dma_start3A_180 = tpu.memref_slice %arg6[%add3A_177, %dma_start3A_179] : memref<20224x128xf32, #tpu.memory_space<hbm>> -> memref<632x128xf32, #tpu.memory_space<hbm>>
      %dma_start3A_181 = arith.constant 0 : i32
      %dma_start3A_182 = tpu.memref_slice %arg10[%mul3A_9, %dma_start3A_181] : memref<10112x128xf32, #tpu.memory_space<vmem_shared>> -> memref<632x128xf32, #tpu.memory_space<vmem_shared>>
      tpu.enqueue_dma source(%dma_start3A_182 : memref<632x128xf32, #tpu.memory_space<vmem_shared>>) target(%dma_start3A_180 : memref<632x128xf32, #tpu.memory_space<hbm>>) target_semaphore(%run_scoped3A_178 : memref<!tpu.dma_semaphore, #tpu.memory_space<semaphore_mem>>)
      %dma_wait3A_183 = arith.constant 0 : i32
      %dma_wait3A_184 = tpu.memref_slice %arg6[%add3A_177, %dma_wait3A_183] : memref<20224x128xf32, #tpu.memory_space<hbm>> -> memref<632x128xf32, #tpu.memory_space<hbm>>
      %dma_wait3A_185 = arith.constant 0 : i32
      %dma_wait3A_186 = tpu.memref_slice %arg10[%mul3A_9, %dma_wait3A_185] : memref<10112x128xf32, #tpu.memory_space<vmem_shared>> -> memref<632x128xf32, #tpu.memory_space<vmem_shared>>
      tpu.wait_dma2 semaphore(%run_scoped3A_178 : memref<!tpu.dma_semaphore, #tpu.memory_space<semaphore_mem>>) src(%dma_wait3A_186 : memref<632x128xf32, #tpu.memory_space<vmem_shared>>) dst(%dma_wait3A_184 : memref<632x128xf32, #tpu.memory_space<hbm>>)
      tpu.yield
    }) : () -> ()
    return
  }
}

#map = affine_map<(d0, d1) -> (0, 0)>
#map1 = affine_map<(d0, d1) -> (0)>
module attributes {stable_mosaic.version = 14 : i64} {
  func.func @_seg_body(%arg0: i32, %arg1: i32, %arg2: memref<20000x128xf32, #tpu.memory_space<hbm>>, %arg3: memref<645120xi32, #tpu.memory_space<hbm>>, %arg4: memref<322560xi32, #tpu.memory_space<hbm>>, %arg5: memref<10112x128xf32, #tpu.memory_space<hbm>>, %arg6: memref<20224x128xf32, #tpu.memory_space<hbm>>, %arg7: memref<3x112xi32, #tpu.memory_space<vmem>>, %arg8: memref<3x112xi32, #tpu.memory_space<vmem>>, %arg9: memref<3x112x128xf32, #tpu.memory_space<vmem>>, %arg10: memref<10112x128xf32, #tpu.memory_space<vmem_shared>>, %arg11: memref<!tpu.dma_semaphore, #tpu.memory_space<semaphore_mem>>, %arg12: memref<!tpu.dma_semaphore, #tpu.memory_space<semaphore_mem>>, %arg13: memref<!tpu.dma_semaphore, #tpu.memory_space<semaphore_mem>>, %arg14: memref<!tpu.dma_semaphore, #tpu.memory_space<semaphore_mem>>, %arg15: memref<!tpu.dma_semaphore, #tpu.memory_space<semaphore_mem>>, %arg16: memref<!tpu.dma_semaphore, #tpu.memory_space<semaphore_mem>>) attributes {dimension_semantics = [#tpu.dimension_semantics<core_parallel>, #tpu.dimension_semantics<subcore_parallel>], iteration_bounds = array<i64: 2, 16>, scalar_prefetch = 0 : i64, scratch_operands = 10 : i64, tpu.core_type = #tpu.core_type<sc_vector_subcore>, window_params = [{transform_indices = #map}, {transform_indices = #map1}, {transform_indices = #map1}, {transform_indices = #map}, {transform_indices = #map}]} {
    %mul3A = arith.constant 180 : i32
    %mul3A_0 = arith.muli %arg1, %mul3A : i32
    %mul3A_1 = arith.constant 112 : i32
    %mul3A_2 = arith.muli %mul3A_0, %mul3A_1 : i32
    %mul3A_3 = arith.constant 322560 : i32
    %mul3A_4 = arith.muli %arg0, %mul3A_3 : i32
    %add3A = arith.addi %mul3A_4, %mul3A_2 : i32
    %mul3A_5 = arith.constant 632 : i32
    %mul3A_6 = arith.muli %arg1, %mul3A_5 : i32
    "tpu.region"() ({
      %run_scoped3A_175 = tpu.sem_alloc : memref<!tpu.dma_semaphore, #tpu.memory_space<semaphore_mem>>
      %dma_start3A_176 = arith.constant 0 : i32
      %dma_start3A_177 = tpu.memref_slice %arg10[%mul3A_6, %dma_start3A_176] : memref<10112x128xf32, #tpu.memory_space<vmem_shared>> -> memref<632x128xf32, #tpu.memory_space<vmem_shared>>
      %dma_start3A_178 = arith.constant 0 : i32
      %dma_start3A_179 = tpu.memref_slice %arg5[%mul3A_6, %dma_start3A_178] : memref<10112x128xf32, #tpu.memory_space<hbm>> -> memref<632x128xf32, #tpu.memory_space<hbm>>
      tpu.enqueue_dma source(%dma_start3A_179 : memref<632x128xf32, #tpu.memory_space<hbm>>) target(%dma_start3A_177 : memref<632x128xf32, #tpu.memory_space<vmem_shared>>) target_semaphore(%run_scoped3A_175 : memref<!tpu.dma_semaphore, #tpu.memory_space<semaphore_mem>>)
      %dma_wait3A_180 = arith.constant 0 : i32
      %dma_wait3A_181 = tpu.memref_slice %arg10[%mul3A_6, %dma_wait3A_180] : memref<10112x128xf32, #tpu.memory_space<vmem_shared>> -> memref<632x128xf32, #tpu.memory_space<vmem_shared>>
      %dma_wait3A_182 = arith.constant 0 : i32
      %dma_wait3A_183 = tpu.memref_slice %arg5[%mul3A_6, %dma_wait3A_182] : memref<10112x128xf32, #tpu.memory_space<hbm>> -> memref<632x128xf32, #tpu.memory_space<hbm>>
      tpu.wait_dma2 semaphore(%run_scoped3A_175 : memref<!tpu.dma_semaphore, #tpu.memory_space<semaphore_mem>>) src(%dma_wait3A_183 : memref<632x128xf32, #tpu.memory_space<hbm>>) dst(%dma_wait3A_181 : memref<632x128xf32, #tpu.memory_space<vmem_shared>>)
      tpu.yield
    }) : () -> ()
    %barrier3A = arith.constant 0 : index
    tpu.barrier barrier_id(%barrier3A)
    %add3A_7 = arith.constant 0 : i32
    %add3A_8 = arith.addi %mul3A_2, %add3A_7 : i32
    %run_scoped3A = arith.constant 0 : i32
    "tpu.region"() ({
      %run_scoped3A_175 = tpu.sem_alloc : memref<!tpu.dma_semaphore, #tpu.memory_space<semaphore_mem>>
      %dma_start3A_176 = arith.constant 0 : i32
      %dma_start3A_177 = tpu.memref_slice %arg8[%run_scoped3A, %dma_start3A_176] : memref<3x112xi32, #tpu.memory_space<vmem>> -> memref<1x112xi32, #tpu.memory_space<vmem>>
      %dma_start3A_178 = tpu.memref_squeeze %dma_start3A_177 : memref<1x112xi32, #tpu.memory_space<vmem>> -> memref<112xi32, #tpu.memory_space<vmem>>
      %dma_start3A_179 = tpu.memref_slice %arg4[%add3A_8] : memref<322560xi32, #tpu.memory_space<hbm>> -> memref<112xi32, #tpu.memory_space<hbm>>
      %dma_start3A_180 = arith.constant 0 : i32
      %dma_start3A_181 = tpu.memref_slice %arg8[%run_scoped3A, %dma_start3A_180] : memref<3x112xi32, #tpu.memory_space<vmem>> -> memref<1x112xi32, #tpu.memory_space<vmem>>
      %dma_start3A_182 = tpu.memref_squeeze %dma_start3A_181 : memref<1x112xi32, #tpu.memory_space<vmem>> -> memref<112xi32, #tpu.memory_space<vmem>>
      %dma_start3A_183 = tpu.memref_slice %arg4[%add3A_8] : memref<322560xi32, #tpu.memory_space<hbm>> -> memref<112xi32, #tpu.memory_space<hbm>>
      tpu.enqueue_dma source(%dma_start3A_183 : memref<112xi32, #tpu.memory_space<hbm>>) target(%dma_start3A_182 : memref<112xi32, #tpu.memory_space<vmem>>) target_semaphore(%run_scoped3A_175 : memref<!tpu.dma_semaphore, #tpu.memory_space<semaphore_mem>>)
      %dma_wait3A_184 = arith.constant 0 : i32
      %dma_wait3A_185 = tpu.memref_slice %arg8[%run_scoped3A, %dma_wait3A_184] : memref<3x112xi32, #tpu.memory_space<vmem>> -> memref<1x112xi32, #tpu.memory_space<vmem>>
      %dma_wait3A_186 = tpu.memref_squeeze %dma_wait3A_185 : memref<1x112xi32, #tpu.memory_space<vmem>> -> memref<112xi32, #tpu.memory_space<vmem>>
      %dma_wait3A_187 = tpu.memref_slice %arg4[%add3A_8] : memref<322560xi32, #tpu.memory_space<hbm>> -> memref<112xi32, #tpu.memory_space<hbm>>
      %dma_wait3A_188 = arith.constant 0 : i32
      %dma_wait3A_189 = tpu.memref_slice %arg8[%run_scoped3A, %dma_wait3A_188] : memref<3x112xi32, #tpu.memory_space<vmem>> -> memref<1x112xi32, #tpu.memory_space<vmem>>
      %dma_wait3A_190 = tpu.memref_squeeze %dma_wait3A_189 : memref<1x112xi32, #tpu.memory_space<vmem>> -> memref<112xi32, #tpu.memory_space<vmem>>
      %dma_wait3A_191 = tpu.memref_slice %arg4[%add3A_8] : memref<322560xi32, #tpu.memory_space<hbm>> -> memref<112xi32, #tpu.memory_space<hbm>>
      tpu.wait_dma2 semaphore(%run_scoped3A_175 : memref<!tpu.dma_semaphore, #tpu.memory_space<semaphore_mem>>) src(%dma_wait3A_191 : memref<112xi32, #tpu.memory_space<hbm>>) dst(%dma_wait3A_190 : memref<112xi32, #tpu.memory_space<vmem>>)
      tpu.yield
    }) : () -> ()
    %add3A_9 = arith.constant 0 : i32
    %add3A_10 = arith.addi %add3A, %add3A_9 : i32
    %run_scoped3A_11 = arith.constant 0 : i32
    "tpu.region"() ({
      %run_scoped3A_175 = tpu.sem_alloc : memref<!tpu.dma_semaphore, #tpu.memory_space<semaphore_mem>>
      %dma_start3A_176 = arith.constant 0 : i32
      %dma_start3A_177 = tpu.memref_slice %arg7[%run_scoped3A_11, %dma_start3A_176] : memref<3x112xi32, #tpu.memory_space<vmem>> -> memref<1x112xi32, #tpu.memory_space<vmem>>
      %dma_start3A_178 = tpu.memref_squeeze %dma_start3A_177 : memref<1x112xi32, #tpu.memory_space<vmem>> -> memref<112xi32, #tpu.memory_space<vmem>>
      %dma_start3A_179 = tpu.memref_slice %arg3[%add3A_10] : memref<645120xi32, #tpu.memory_space<hbm>> -> memref<112xi32, #tpu.memory_space<hbm>>
      %dma_start3A_180 = arith.constant 0 : i32
      %dma_start3A_181 = tpu.memref_slice %arg7[%run_scoped3A_11, %dma_start3A_180] : memref<3x112xi32, #tpu.memory_space<vmem>> -> memref<1x112xi32, #tpu.memory_space<vmem>>
      %dma_start3A_182 = tpu.memref_squeeze %dma_start3A_181 : memref<1x112xi32, #tpu.memory_space<vmem>> -> memref<112xi32, #tpu.memory_space<vmem>>
      %dma_start3A_183 = tpu.memref_slice %arg3[%add3A_10] : memref<645120xi32, #tpu.memory_space<hbm>> -> memref<112xi32, #tpu.memory_space<hbm>>
      tpu.enqueue_dma source(%dma_start3A_183 : memref<112xi32, #tpu.memory_space<hbm>>) target(%dma_start3A_182 : memref<112xi32, #tpu.memory_space<vmem>>) target_semaphore(%run_scoped3A_175 : memref<!tpu.dma_semaphore, #tpu.memory_space<semaphore_mem>>)
      %dma_wait3A_184 = arith.constant 0 : i32
      %dma_wait3A_185 = tpu.memref_slice %arg7[%run_scoped3A_11, %dma_wait3A_184] : memref<3x112xi32, #tpu.memory_space<vmem>> -> memref<1x112xi32, #tpu.memory_space<vmem>>
      %dma_wait3A_186 = tpu.memref_squeeze %dma_wait3A_185 : memref<1x112xi32, #tpu.memory_space<vmem>> -> memref<112xi32, #tpu.memory_space<vmem>>
      %dma_wait3A_187 = tpu.memref_slice %arg3[%add3A_10] : memref<645120xi32, #tpu.memory_space<hbm>> -> memref<112xi32, #tpu.memory_space<hbm>>
      %dma_wait3A_188 = arith.constant 0 : i32
      %dma_wait3A_189 = tpu.memref_slice %arg7[%run_scoped3A_11, %dma_wait3A_188] : memref<3x112xi32, #tpu.memory_space<vmem>> -> memref<1x112xi32, #tpu.memory_space<vmem>>
      %dma_wait3A_190 = tpu.memref_squeeze %dma_wait3A_189 : memref<1x112xi32, #tpu.memory_space<vmem>> -> memref<112xi32, #tpu.memory_space<vmem>>
      %dma_wait3A_191 = tpu.memref_slice %arg3[%add3A_10] : memref<645120xi32, #tpu.memory_space<hbm>> -> memref<112xi32, #tpu.memory_space<hbm>>
      tpu.wait_dma2 semaphore(%run_scoped3A_175 : memref<!tpu.dma_semaphore, #tpu.memory_space<semaphore_mem>>) src(%dma_wait3A_191 : memref<112xi32, #tpu.memory_space<hbm>>) dst(%dma_wait3A_190 : memref<112xi32, #tpu.memory_space<vmem>>)
      tpu.yield
    }) : () -> ()
    %dma_start3A = arith.constant 0 : i32
    %dma_start3A_12 = arith.constant 0 : i32
    %dma_start3A_13 = arith.constant 0 : i32
    %dma_start3A_14 = arith.constant 0 : i32
    %dma_start3A_15 = tpu.memref_slice %arg9[%dma_start3A_12, %dma_start3A_13, %dma_start3A_14] : memref<3x112x128xf32, #tpu.memory_space<vmem>> -> memref<1x112x128xf32, #tpu.memory_space<vmem>>
    %dma_start3A_16 = tpu.memref_squeeze %dma_start3A_15 : memref<1x112x128xf32, #tpu.memory_space<vmem>> -> memref<112x128xf32, #tpu.memory_space<vmem>>
    %dma_start3A_17 = arith.constant 0 : i32
    %dma_start3A_18 = tpu.memref_slice %arg7[%dma_start3A, %dma_start3A_17] : memref<3x112xi32, #tpu.memory_space<vmem>> -> memref<1x112xi32, #tpu.memory_space<vmem>>
    %dma_start3A_19 = tpu.memref_squeeze %dma_start3A_18 : memref<1x112xi32, #tpu.memory_space<vmem>> -> memref<112xi32, #tpu.memory_space<vmem>>
    %dma_start3A_20 = arith.constant 0 : i32
    %dma_start3A_21 = arith.constant 0 : i32
    %dma_start3A_22 = tpu.memref_slice %arg2[%dma_start3A_20, %dma_start3A_21] : memref<20000x128xf32, #tpu.memory_space<hbm>> -> memref<20000x128xf32, #tpu.memory_space<hbm>>
    tpu.enqueue_indirect_dma source(%dma_start3A_22 : memref<20000x128xf32, #tpu.memory_space<hbm>>) target(%dma_start3A_16 : memref<112x128xf32, #tpu.memory_space<vmem>>) offsets(%dma_start3A_19 : memref<112xi32, #tpu.memory_space<vmem>>) semaphore(%arg11 : memref<!tpu.dma_semaphore, #tpu.memory_space<semaphore_mem>>)
    %add3A_23 = arith.constant 112 : i32
    %add3A_24 = arith.addi %mul3A_2, %add3A_23 : i32
    %run_scoped3A_25 = arith.constant 1 : i32
    "tpu.region"() ({
      %run_scoped3A_175 = tpu.sem_alloc : memref<!tpu.dma_semaphore, #tpu.memory_space<semaphore_mem>>
      %dma_start3A_176 = arith.constant 0 : i32
      %dma_start3A_177 = tpu.memref_slice %arg8[%run_scoped3A_25, %dma_start3A_176] : memref<3x112xi32, #tpu.memory_space<vmem>> -> memref<1x112xi32, #tpu.memory_space<vmem>>
      %dma_start3A_178 = tpu.memref_squeeze %dma_start3A_177 : memref<1x112xi32, #tpu.memory_space<vmem>> -> memref<112xi32, #tpu.memory_space<vmem>>
      %dma_start3A_179 = tpu.memref_slice %arg4[%add3A_24] : memref<322560xi32, #tpu.memory_space<hbm>> -> memref<112xi32, #tpu.memory_space<hbm>>
      %dma_start3A_180 = arith.constant 0 : i32
      %dma_start3A_181 = tpu.memref_slice %arg8[%run_scoped3A_25, %dma_start3A_180] : memref<3x112xi32, #tpu.memory_space<vmem>> -> memref<1x112xi32, #tpu.memory_space<vmem>>
      %dma_start3A_182 = tpu.memref_squeeze %dma_start3A_181 : memref<1x112xi32, #tpu.memory_space<vmem>> -> memref<112xi32, #tpu.memory_space<vmem>>
      %dma_start3A_183 = tpu.memref_slice %arg4[%add3A_24] : memref<322560xi32, #tpu.memory_space<hbm>> -> memref<112xi32, #tpu.memory_space<hbm>>
      tpu.enqueue_dma source(%dma_start3A_183 : memref<112xi32, #tpu.memory_space<hbm>>) target(%dma_start3A_182 : memref<112xi32, #tpu.memory_space<vmem>>) target_semaphore(%run_scoped3A_175 : memref<!tpu.dma_semaphore, #tpu.memory_space<semaphore_mem>>)
      %dma_wait3A_184 = arith.constant 0 : i32
      %dma_wait3A_185 = tpu.memref_slice %arg8[%run_scoped3A_25, %dma_wait3A_184] : memref<3x112xi32, #tpu.memory_space<vmem>> -> memref<1x112xi32, #tpu.memory_space<vmem>>
      %dma_wait3A_186 = tpu.memref_squeeze %dma_wait3A_185 : memref<1x112xi32, #tpu.memory_space<vmem>> -> memref<112xi32, #tpu.memory_space<vmem>>
      %dma_wait3A_187 = tpu.memref_slice %arg4[%add3A_24] : memref<322560xi32, #tpu.memory_space<hbm>> -> memref<112xi32, #tpu.memory_space<hbm>>
      %dma_wait3A_188 = arith.constant 0 : i32
      %dma_wait3A_189 = tpu.memref_slice %arg8[%run_scoped3A_25, %dma_wait3A_188] : memref<3x112xi32, #tpu.memory_space<vmem>> -> memref<1x112xi32, #tpu.memory_space<vmem>>
      %dma_wait3A_190 = tpu.memref_squeeze %dma_wait3A_189 : memref<1x112xi32, #tpu.memory_space<vmem>> -> memref<112xi32, #tpu.memory_space<vmem>>
      %dma_wait3A_191 = tpu.memref_slice %arg4[%add3A_24] : memref<322560xi32, #tpu.memory_space<hbm>> -> memref<112xi32, #tpu.memory_space<hbm>>
      tpu.wait_dma2 semaphore(%run_scoped3A_175 : memref<!tpu.dma_semaphore, #tpu.memory_space<semaphore_mem>>) src(%dma_wait3A_191 : memref<112xi32, #tpu.memory_space<hbm>>) dst(%dma_wait3A_190 : memref<112xi32, #tpu.memory_space<vmem>>)
      tpu.yield
    }) : () -> ()
    %add3A_26 = arith.constant 112 : i32
    %add3A_27 = arith.addi %add3A, %add3A_26 : i32
    %run_scoped3A_28 = arith.constant 1 : i32
    "tpu.region"() ({
      %run_scoped3A_175 = tpu.sem_alloc : memref<!tpu.dma_semaphore, #tpu.memory_space<semaphore_mem>>
      %dma_start3A_176 = arith.constant 0 : i32
      %dma_start3A_177 = tpu.memref_slice %arg7[%run_scoped3A_28, %dma_start3A_176] : memref<3x112xi32, #tpu.memory_space<vmem>> -> memref<1x112xi32, #tpu.memory_space<vmem>>
      %dma_start3A_178 = tpu.memref_squeeze %dma_start3A_177 : memref<1x112xi32, #tpu.memory_space<vmem>> -> memref<112xi32, #tpu.memory_space<vmem>>
      %dma_start3A_179 = tpu.memref_slice %arg3[%add3A_27] : memref<645120xi32, #tpu.memory_space<hbm>> -> memref<112xi32, #tpu.memory_space<hbm>>
      %dma_start3A_180 = arith.constant 0 : i32
      %dma_start3A_181 = tpu.memref_slice %arg7[%run_scoped3A_28, %dma_start3A_180] : memref<3x112xi32, #tpu.memory_space<vmem>> -> memref<1x112xi32, #tpu.memory_space<vmem>>
      %dma_start3A_182 = tpu.memref_squeeze %dma_start3A_181 : memref<1x112xi32, #tpu.memory_space<vmem>> -> memref<112xi32, #tpu.memory_space<vmem>>
      %dma_start3A_183 = tpu.memref_slice %arg3[%add3A_27] : memref<645120xi32, #tpu.memory_space<hbm>> -> memref<112xi32, #tpu.memory_space<hbm>>
      tpu.enqueue_dma source(%dma_start3A_183 : memref<112xi32, #tpu.memory_space<hbm>>) target(%dma_start3A_182 : memref<112xi32, #tpu.memory_space<vmem>>) target_semaphore(%run_scoped3A_175 : memref<!tpu.dma_semaphore, #tpu.memory_space<semaphore_mem>>)
      %dma_wait3A_184 = arith.constant 0 : i32
      %dma_wait3A_185 = tpu.memref_slice %arg7[%run_scoped3A_28, %dma_wait3A_184] : memref<3x112xi32, #tpu.memory_space<vmem>> -> memref<1x112xi32, #tpu.memory_space<vmem>>
      %dma_wait3A_186 = tpu.memref_squeeze %dma_wait3A_185 : memref<1x112xi32, #tpu.memory_space<vmem>> -> memref<112xi32, #tpu.memory_space<vmem>>
      %dma_wait3A_187 = tpu.memref_slice %arg3[%add3A_27] : memref<645120xi32, #tpu.memory_space<hbm>> -> memref<112xi32, #tpu.memory_space<hbm>>
      %dma_wait3A_188 = arith.constant 0 : i32
      %dma_wait3A_189 = tpu.memref_slice %arg7[%run_scoped3A_28, %dma_wait3A_188] : memref<3x112xi32, #tpu.memory_space<vmem>> -> memref<1x112xi32, #tpu.memory_space<vmem>>
      %dma_wait3A_190 = tpu.memref_squeeze %dma_wait3A_189 : memref<1x112xi32, #tpu.memory_space<vmem>> -> memref<112xi32, #tpu.memory_space<vmem>>
      %dma_wait3A_191 = tpu.memref_slice %arg3[%add3A_27] : memref<645120xi32, #tpu.memory_space<hbm>> -> memref<112xi32, #tpu.memory_space<hbm>>
      tpu.wait_dma2 semaphore(%run_scoped3A_175 : memref<!tpu.dma_semaphore, #tpu.memory_space<semaphore_mem>>) src(%dma_wait3A_191 : memref<112xi32, #tpu.memory_space<hbm>>) dst(%dma_wait3A_190 : memref<112xi32, #tpu.memory_space<vmem>>)
      tpu.yield
    }) : () -> ()
    %dma_start3A_29 = arith.constant 1 : i32
    %dma_start3A_30 = arith.constant 1 : i32
    %dma_start3A_31 = arith.constant 0 : i32
    %dma_start3A_32 = arith.constant 0 : i32
    %dma_start3A_33 = tpu.memref_slice %arg9[%dma_start3A_30, %dma_start3A_31, %dma_start3A_32] : memref<3x112x128xf32, #tpu.memory_space<vmem>> -> memref<1x112x128xf32, #tpu.memory_space<vmem>>
    %dma_start3A_34 = tpu.memref_squeeze %dma_start3A_33 : memref<1x112x128xf32, #tpu.memory_space<vmem>> -> memref<112x128xf32, #tpu.memory_space<vmem>>
    %dma_start3A_35 = arith.constant 0 : i32
    %dma_start3A_36 = tpu.memref_slice %arg7[%dma_start3A_29, %dma_start3A_35] : memref<3x112xi32, #tpu.memory_space<vmem>> -> memref<1x112xi32, #tpu.memory_space<vmem>>
    %dma_start3A_37 = tpu.memref_squeeze %dma_start3A_36 : memref<1x112xi32, #tpu.memory_space<vmem>> -> memref<112xi32, #tpu.memory_space<vmem>>
    %dma_start3A_38 = arith.constant 0 : i32
    %dma_start3A_39 = arith.constant 0 : i32
    %dma_start3A_40 = tpu.memref_slice %arg2[%dma_start3A_38, %dma_start3A_39] : memref<20000x128xf32, #tpu.memory_space<hbm>> -> memref<20000x128xf32, #tpu.memory_space<hbm>>
    tpu.enqueue_indirect_dma source(%dma_start3A_40 : memref<20000x128xf32, #tpu.memory_space<hbm>>) target(%dma_start3A_34 : memref<112x128xf32, #tpu.memory_space<vmem>>) offsets(%dma_start3A_37 : memref<112xi32, #tpu.memory_space<vmem>>) semaphore(%arg12 : memref<!tpu.dma_semaphore, #tpu.memory_space<semaphore_mem>>)
    %add3A_41 = arith.constant 224 : i32
    %add3A_42 = arith.addi %mul3A_2, %add3A_41 : i32
    %run_scoped3A_43 = arith.constant 2 : i32
    "tpu.region"() ({
      %run_scoped3A_175 = tpu.sem_alloc : memref<!tpu.dma_semaphore, #tpu.memory_space<semaphore_mem>>
      %dma_start3A_176 = arith.constant 0 : i32
      %dma_start3A_177 = tpu.memref_slice %arg8[%run_scoped3A_43, %dma_start3A_176] : memref<3x112xi32, #tpu.memory_space<vmem>> -> memref<1x112xi32, #tpu.memory_space<vmem>>
      %dma_start3A_178 = tpu.memref_squeeze %dma_start3A_177 : memref<1x112xi32, #tpu.memory_space<vmem>> -> memref<112xi32, #tpu.memory_space<vmem>>
      %dma_start3A_179 = tpu.memref_slice %arg4[%add3A_42] : memref<322560xi32, #tpu.memory_space<hbm>> -> memref<112xi32, #tpu.memory_space<hbm>>
      %dma_start3A_180 = arith.constant 0 : i32
      %dma_start3A_181 = tpu.memref_slice %arg8[%run_scoped3A_43, %dma_start3A_180] : memref<3x112xi32, #tpu.memory_space<vmem>> -> memref<1x112xi32, #tpu.memory_space<vmem>>
      %dma_start3A_182 = tpu.memref_squeeze %dma_start3A_181 : memref<1x112xi32, #tpu.memory_space<vmem>> -> memref<112xi32, #tpu.memory_space<vmem>>
      %dma_start3A_183 = tpu.memref_slice %arg4[%add3A_42] : memref<322560xi32, #tpu.memory_space<hbm>> -> memref<112xi32, #tpu.memory_space<hbm>>
      tpu.enqueue_dma source(%dma_start3A_183 : memref<112xi32, #tpu.memory_space<hbm>>) target(%dma_start3A_182 : memref<112xi32, #tpu.memory_space<vmem>>) target_semaphore(%run_scoped3A_175 : memref<!tpu.dma_semaphore, #tpu.memory_space<semaphore_mem>>)
      %dma_wait3A_184 = arith.constant 0 : i32
      %dma_wait3A_185 = tpu.memref_slice %arg8[%run_scoped3A_43, %dma_wait3A_184] : memref<3x112xi32, #tpu.memory_space<vmem>> -> memref<1x112xi32, #tpu.memory_space<vmem>>
      %dma_wait3A_186 = tpu.memref_squeeze %dma_wait3A_185 : memref<1x112xi32, #tpu.memory_space<vmem>> -> memref<112xi32, #tpu.memory_space<vmem>>
      %dma_wait3A_187 = tpu.memref_slice %arg4[%add3A_42] : memref<322560xi32, #tpu.memory_space<hbm>> -> memref<112xi32, #tpu.memory_space<hbm>>
      %dma_wait3A_188 = arith.constant 0 : i32
      %dma_wait3A_189 = tpu.memref_slice %arg8[%run_scoped3A_43, %dma_wait3A_188] : memref<3x112xi32, #tpu.memory_space<vmem>> -> memref<1x112xi32, #tpu.memory_space<vmem>>
      %dma_wait3A_190 = tpu.memref_squeeze %dma_wait3A_189 : memref<1x112xi32, #tpu.memory_space<vmem>> -> memref<112xi32, #tpu.memory_space<vmem>>
      %dma_wait3A_191 = tpu.memref_slice %arg4[%add3A_42] : memref<322560xi32, #tpu.memory_space<hbm>> -> memref<112xi32, #tpu.memory_space<hbm>>
      tpu.wait_dma2 semaphore(%run_scoped3A_175 : memref<!tpu.dma_semaphore, #tpu.memory_space<semaphore_mem>>) src(%dma_wait3A_191 : memref<112xi32, #tpu.memory_space<hbm>>) dst(%dma_wait3A_190 : memref<112xi32, #tpu.memory_space<vmem>>)
      tpu.yield
    }) : () -> ()
    %add3A_44 = arith.constant 224 : i32
    %add3A_45 = arith.addi %add3A, %add3A_44 : i32
    %run_scoped3A_46 = arith.constant 2 : i32
    "tpu.region"() ({
      %run_scoped3A_175 = tpu.sem_alloc : memref<!tpu.dma_semaphore, #tpu.memory_space<semaphore_mem>>
      %dma_start3A_176 = arith.constant 0 : i32
      %dma_start3A_177 = tpu.memref_slice %arg7[%run_scoped3A_46, %dma_start3A_176] : memref<3x112xi32, #tpu.memory_space<vmem>> -> memref<1x112xi32, #tpu.memory_space<vmem>>
      %dma_start3A_178 = tpu.memref_squeeze %dma_start3A_177 : memref<1x112xi32, #tpu.memory_space<vmem>> -> memref<112xi32, #tpu.memory_space<vmem>>
      %dma_start3A_179 = tpu.memref_slice %arg3[%add3A_45] : memref<645120xi32, #tpu.memory_space<hbm>> -> memref<112xi32, #tpu.memory_space<hbm>>
      %dma_start3A_180 = arith.constant 0 : i32
      %dma_start3A_181 = tpu.memref_slice %arg7[%run_scoped3A_46, %dma_start3A_180] : memref<3x112xi32, #tpu.memory_space<vmem>> -> memref<1x112xi32, #tpu.memory_space<vmem>>
      %dma_start3A_182 = tpu.memref_squeeze %dma_start3A_181 : memref<1x112xi32, #tpu.memory_space<vmem>> -> memref<112xi32, #tpu.memory_space<vmem>>
      %dma_start3A_183 = tpu.memref_slice %arg3[%add3A_45] : memref<645120xi32, #tpu.memory_space<hbm>> -> memref<112xi32, #tpu.memory_space<hbm>>
      tpu.enqueue_dma source(%dma_start3A_183 : memref<112xi32, #tpu.memory_space<hbm>>) target(%dma_start3A_182 : memref<112xi32, #tpu.memory_space<vmem>>) target_semaphore(%run_scoped3A_175 : memref<!tpu.dma_semaphore, #tpu.memory_space<semaphore_mem>>)
      %dma_wait3A_184 = arith.constant 0 : i32
      %dma_wait3A_185 = tpu.memref_slice %arg7[%run_scoped3A_46, %dma_wait3A_184] : memref<3x112xi32, #tpu.memory_space<vmem>> -> memref<1x112xi32, #tpu.memory_space<vmem>>
      %dma_wait3A_186 = tpu.memref_squeeze %dma_wait3A_185 : memref<1x112xi32, #tpu.memory_space<vmem>> -> memref<112xi32, #tpu.memory_space<vmem>>
      %dma_wait3A_187 = tpu.memref_slice %arg3[%add3A_45] : memref<645120xi32, #tpu.memory_space<hbm>> -> memref<112xi32, #tpu.memory_space<hbm>>
      %dma_wait3A_188 = arith.constant 0 : i32
      %dma_wait3A_189 = tpu.memref_slice %arg7[%run_scoped3A_46, %dma_wait3A_188] : memref<3x112xi32, #tpu.memory_space<vmem>> -> memref<1x112xi32, #tpu.memory_space<vmem>>
      %dma_wait3A_190 = tpu.memref_squeeze %dma_wait3A_189 : memref<1x112xi32, #tpu.memory_space<vmem>> -> memref<112xi32, #tpu.memory_space<vmem>>
      %dma_wait3A_191 = tpu.memref_slice %arg3[%add3A_45] : memref<645120xi32, #tpu.memory_space<hbm>> -> memref<112xi32, #tpu.memory_space<hbm>>
      tpu.wait_dma2 semaphore(%run_scoped3A_175 : memref<!tpu.dma_semaphore, #tpu.memory_space<semaphore_mem>>) src(%dma_wait3A_191 : memref<112xi32, #tpu.memory_space<hbm>>) dst(%dma_wait3A_190 : memref<112xi32, #tpu.memory_space<vmem>>)
      tpu.yield
    }) : () -> ()
    %dma_start3A_47 = arith.constant 2 : i32
    %dma_start3A_48 = arith.constant 2 : i32
    %dma_start3A_49 = arith.constant 0 : i32
    %dma_start3A_50 = arith.constant 0 : i32
    %dma_start3A_51 = tpu.memref_slice %arg9[%dma_start3A_48, %dma_start3A_49, %dma_start3A_50] : memref<3x112x128xf32, #tpu.memory_space<vmem>> -> memref<1x112x128xf32, #tpu.memory_space<vmem>>
    %dma_start3A_52 = tpu.memref_squeeze %dma_start3A_51 : memref<1x112x128xf32, #tpu.memory_space<vmem>> -> memref<112x128xf32, #tpu.memory_space<vmem>>
    %dma_start3A_53 = arith.constant 0 : i32
    %dma_start3A_54 = tpu.memref_slice %arg7[%dma_start3A_47, %dma_start3A_53] : memref<3x112xi32, #tpu.memory_space<vmem>> -> memref<1x112xi32, #tpu.memory_space<vmem>>
    %dma_start3A_55 = tpu.memref_squeeze %dma_start3A_54 : memref<1x112xi32, #tpu.memory_space<vmem>> -> memref<112xi32, #tpu.memory_space<vmem>>
    %dma_start3A_56 = arith.constant 0 : i32
    %dma_start3A_57 = arith.constant 0 : i32
    %dma_start3A_58 = tpu.memref_slice %arg2[%dma_start3A_56, %dma_start3A_57] : memref<20000x128xf32, #tpu.memory_space<hbm>> -> memref<20000x128xf32, #tpu.memory_space<hbm>>
    tpu.enqueue_indirect_dma source(%dma_start3A_58 : memref<20000x128xf32, #tpu.memory_space<hbm>>) target(%dma_start3A_52 : memref<112x128xf32, #tpu.memory_space<vmem>>) offsets(%dma_start3A_55 : memref<112xi32, #tpu.memory_space<vmem>>) semaphore(%arg13 : memref<!tpu.dma_semaphore, #tpu.memory_space<semaphore_mem>>)
    %scan3A = arith.constant 0 : i32
    %scan3A_59 = arith.constant 0 : i32
    %scan3A_60 = arith.constant 59 : i32
    %scan3A_61 = arith.addi %scan3A_59, %scan3A_60 : i32
    %scan3A_62 = arith.constant 1 : i32
    scf.for %scan3A_175 = %scan3A_59 to %scan3A_61 step %scan3A_62  : i32 {
      %mul3A_176 = arith.constant 3 : i32
      %mul3A_177 = arith.muli %scan3A_175, %mul3A_176 : i32
      %dma_wait3A_178 = arith.constant 0 : i32
      %dma_wait3A_179 = arith.constant 0 : i32
      %dma_wait3A_180 = arith.constant 0 : i32
      %dma_wait3A_181 = arith.constant 0 : i32
      %dma_wait3A_182 = tpu.memref_slice %arg9[%dma_wait3A_179, %dma_wait3A_180, %dma_wait3A_181] : memref<3x112x128xf32, #tpu.memory_space<vmem>> -> memref<1x112x128xf32, #tpu.memory_space<vmem>>
      %dma_wait3A_183 = tpu.memref_squeeze %dma_wait3A_182 : memref<1x112x128xf32, #tpu.memory_space<vmem>> -> memref<112x128xf32, #tpu.memory_space<vmem>>
      %dma_wait3A_184 = arith.constant 0 : i32
      %dma_wait3A_185 = tpu.memref_slice %arg7[%dma_wait3A_178, %dma_wait3A_184] : memref<3x112xi32, #tpu.memory_space<vmem>> -> memref<1x112xi32, #tpu.memory_space<vmem>>
      %dma_wait3A_186 = tpu.memref_squeeze %dma_wait3A_185 : memref<1x112xi32, #tpu.memory_space<vmem>> -> memref<112xi32, #tpu.memory_space<vmem>>
      %dma_wait3A_187 = arith.constant 0 : i32
      %dma_wait3A_188 = arith.constant 0 : i32
      %dma_wait3A_189 = tpu.memref_slice %arg2[%dma_wait3A_187, %dma_wait3A_188] : memref<20000x128xf32, #tpu.memory_space<hbm>> -> memref<20000x128xf32, #tpu.memory_space<hbm>>
      tpu.wait_indirect_dma semaphore(%arg11 : memref<!tpu.dma_semaphore, #tpu.memory_space<semaphore_mem>>) src(%dma_wait3A_189 : memref<20000x128xf32, #tpu.memory_space<hbm>>) dst(%dma_wait3A_183 : memref<112x128xf32, #tpu.memory_space<vmem>>)
      %dma_start3A_190 = arith.constant 0 : i32
      %dma_start3A_191 = arith.constant 0 : i32
      %dma_start3A_192 = arith.constant 0 : i32
      %dma_start3A_193 = arith.constant 0 : i32
      %dma_start3A_194 = tpu.memref_slice %arg9[%dma_start3A_190, %dma_start3A_192, %dma_start3A_193] : memref<3x112x128xf32, #tpu.memory_space<vmem>> -> memref<1x112x128xf32, #tpu.memory_space<vmem>>
      %dma_start3A_195 = tpu.memref_squeeze %dma_start3A_194 : memref<1x112x128xf32, #tpu.memory_space<vmem>> -> memref<112x128xf32, #tpu.memory_space<vmem>>
      %dma_start3A_196 = arith.constant 0 : i32
      %dma_start3A_197 = tpu.memref_slice %arg8[%dma_start3A_191, %dma_start3A_196] : memref<3x112xi32, #tpu.memory_space<vmem>> -> memref<1x112xi32, #tpu.memory_space<vmem>>
      %dma_start3A_198 = tpu.memref_squeeze %dma_start3A_197 : memref<1x112xi32, #tpu.memory_space<vmem>> -> memref<112xi32, #tpu.memory_space<vmem>>
      %dma_start3A_199 = arith.constant 0 : i32
      %dma_start3A_200 = arith.constant 0 : i32
      %dma_start3A_201 = tpu.memref_slice %arg10[%dma_start3A_199, %dma_start3A_200] : memref<10112x128xf32, #tpu.memory_space<vmem_shared>> -> memref<10112x128xf32, #tpu.memory_space<vmem_shared>>
      tpu.enqueue_indirect_dma source(%dma_start3A_195 : memref<112x128xf32, #tpu.memory_space<vmem>>) target(%dma_start3A_201 : memref<10112x128xf32, #tpu.memory_space<vmem_shared>>) offsets(%dma_start3A_198 : memref<112xi32, #tpu.memory_space<vmem>>) semaphore(%arg14 : memref<!tpu.dma_semaphore, #tpu.memory_space<semaphore_mem>>) {add = true}
      %dma_wait3A_202 = arith.constant 1 : i32
      %dma_wait3A_203 = arith.constant 1 : i32
      %dma_wait3A_204 = arith.constant 0 : i32
      %dma_wait3A_205 = arith.constant 0 : i32
      %dma_wait3A_206 = tpu.memref_slice %arg9[%dma_wait3A_203, %dma_wait3A_204, %dma_wait3A_205] : memref<3x112x128xf32, #tpu.memory_space<vmem>> -> memref<1x112x128xf32, #tpu.memory_space<vmem>>
      %dma_wait3A_207 = tpu.memref_squeeze %dma_wait3A_206 : memref<1x112x128xf32, #tpu.memory_space<vmem>> -> memref<112x128xf32, #tpu.memory_space<vmem>>
      %dma_wait3A_208 = arith.constant 0 : i32
      %dma_wait3A_209 = tpu.memref_slice %arg7[%dma_wait3A_202, %dma_wait3A_208] : memref<3x112xi32, #tpu.memory_space<vmem>> -> memref<1x112xi32, #tpu.memory_space<vmem>>
      %dma_wait3A_210 = tpu.memref_squeeze %dma_wait3A_209 : memref<1x112xi32, #tpu.memory_space<vmem>> -> memref<112xi32, #tpu.memory_space<vmem>>
      %dma_wait3A_211 = arith.constant 0 : i32
      %dma_wait3A_212 = arith.constant 0 : i32
      %dma_wait3A_213 = tpu.memref_slice %arg2[%dma_wait3A_211, %dma_wait3A_212] : memref<20000x128xf32, #tpu.memory_space<hbm>> -> memref<20000x128xf32, #tpu.memory_space<hbm>>
      tpu.wait_indirect_dma semaphore(%arg12 : memref<!tpu.dma_semaphore, #tpu.memory_space<semaphore_mem>>) src(%dma_wait3A_213 : memref<20000x128xf32, #tpu.memory_space<hbm>>) dst(%dma_wait3A_207 : memref<112x128xf32, #tpu.memory_space<vmem>>)
      %dma_start3A_214 = arith.constant 1 : i32
      %dma_start3A_215 = arith.constant 1 : i32
      %dma_start3A_216 = arith.constant 0 : i32
      %dma_start3A_217 = arith.constant 0 : i32
      %dma_start3A_218 = tpu.memref_slice %arg9[%dma_start3A_214, %dma_start3A_216, %dma_start3A_217] : memref<3x112x128xf32, #tpu.memory_space<vmem>> -> memref<1x112x128xf32, #tpu.memory_space<vmem>>
      %dma_start3A_219 = tpu.memref_squeeze %dma_start3A_218 : memref<1x112x128xf32, #tpu.memory_space<vmem>> -> memref<112x128xf32, #tpu.memory_space<vmem>>
      %dma_start3A_220 = arith.constant 0 : i32
      %dma_start3A_221 = tpu.memref_slice %arg8[%dma_start3A_215, %dma_start3A_220] : memref<3x112xi32, #tpu.memory_space<vmem>> -> memref<1x112xi32, #tpu.memory_space<vmem>>
      %dma_start3A_222 = tpu.memref_squeeze %dma_start3A_221 : memref<1x112xi32, #tpu.memory_space<vmem>> -> memref<112xi32, #tpu.memory_space<vmem>>
      %dma_start3A_223 = arith.constant 0 : i32
      %dma_start3A_224 = arith.constant 0 : i32
      %dma_start3A_225 = tpu.memref_slice %arg10[%dma_start3A_223, %dma_start3A_224] : memref<10112x128xf32, #tpu.memory_space<vmem_shared>> -> memref<10112x128xf32, #tpu.memory_space<vmem_shared>>
      tpu.enqueue_indirect_dma source(%dma_start3A_219 : memref<112x128xf32, #tpu.memory_space<vmem>>) target(%dma_start3A_225 : memref<10112x128xf32, #tpu.memory_space<vmem_shared>>) offsets(%dma_start3A_222 : memref<112xi32, #tpu.memory_space<vmem>>) semaphore(%arg15 : memref<!tpu.dma_semaphore, #tpu.memory_space<semaphore_mem>>) {add = true}
      %dma_wait3A_226 = arith.constant 2 : i32
      %dma_wait3A_227 = arith.constant 2 : i32
      %dma_wait3A_228 = arith.constant 0 : i32
      %dma_wait3A_229 = arith.constant 0 : i32
      %dma_wait3A_230 = tpu.memref_slice %arg9[%dma_wait3A_227, %dma_wait3A_228, %dma_wait3A_229] : memref<3x112x128xf32, #tpu.memory_space<vmem>> -> memref<1x112x128xf32, #tpu.memory_space<vmem>>
      %dma_wait3A_231 = tpu.memref_squeeze %dma_wait3A_230 : memref<1x112x128xf32, #tpu.memory_space<vmem>> -> memref<112x128xf32, #tpu.memory_space<vmem>>
      %dma_wait3A_232 = arith.constant 0 : i32
      %dma_wait3A_233 = tpu.memref_slice %arg7[%dma_wait3A_226, %dma_wait3A_232] : memref<3x112xi32, #tpu.memory_space<vmem>> -> memref<1x112xi32, #tpu.memory_space<vmem>>
      %dma_wait3A_234 = tpu.memref_squeeze %dma_wait3A_233 : memref<1x112xi32, #tpu.memory_space<vmem>> -> memref<112xi32, #tpu.memory_space<vmem>>
      %dma_wait3A_235 = arith.constant 0 : i32
      %dma_wait3A_236 = arith.constant 0 : i32
      %dma_wait3A_237 = tpu.memref_slice %arg2[%dma_wait3A_235, %dma_wait3A_236] : memref<20000x128xf32, #tpu.memory_space<hbm>> -> memref<20000x128xf32, #tpu.memory_space<hbm>>
      tpu.wait_indirect_dma semaphore(%arg13 : memref<!tpu.dma_semaphore, #tpu.memory_space<semaphore_mem>>) src(%dma_wait3A_237 : memref<20000x128xf32, #tpu.memory_space<hbm>>) dst(%dma_wait3A_231 : memref<112x128xf32, #tpu.memory_space<vmem>>)
      %dma_start3A_238 = arith.constant 2 : i32
      %dma_start3A_239 = arith.constant 2 : i32
      %dma_start3A_240 = arith.constant 0 : i32
      %dma_start3A_241 = arith.constant 0 : i32
      %dma_start3A_242 = tpu.memref_slice %arg9[%dma_start3A_238, %dma_start3A_240, %dma_start3A_241] : memref<3x112x128xf32, #tpu.memory_space<vmem>> -> memref<1x112x128xf32, #tpu.memory_space<vmem>>
      %dma_start3A_243 = tpu.memref_squeeze %dma_start3A_242 : memref<1x112x128xf32, #tpu.memory_space<vmem>> -> memref<112x128xf32, #tpu.memory_space<vmem>>
      %dma_start3A_244 = arith.constant 0 : i32
      %dma_start3A_245 = tpu.memref_slice %arg8[%dma_start3A_239, %dma_start3A_244] : memref<3x112xi32, #tpu.memory_space<vmem>> -> memref<1x112xi32, #tpu.memory_space<vmem>>
      %dma_start3A_246 = tpu.memref_squeeze %dma_start3A_245 : memref<1x112xi32, #tpu.memory_space<vmem>> -> memref<112xi32, #tpu.memory_space<vmem>>
      %dma_start3A_247 = arith.constant 0 : i32
      %dma_start3A_248 = arith.constant 0 : i32
      %dma_start3A_249 = tpu.memref_slice %arg10[%dma_start3A_247, %dma_start3A_248] : memref<10112x128xf32, #tpu.memory_space<vmem_shared>> -> memref<10112x128xf32, #tpu.memory_space<vmem_shared>>
      tpu.enqueue_indirect_dma source(%dma_start3A_243 : memref<112x128xf32, #tpu.memory_space<vmem>>) target(%dma_start3A_249 : memref<10112x128xf32, #tpu.memory_space<vmem_shared>>) offsets(%dma_start3A_246 : memref<112xi32, #tpu.memory_space<vmem>>) semaphore(%arg16 : memref<!tpu.dma_semaphore, #tpu.memory_space<semaphore_mem>>) {add = true}
      %dma_wait3A_250 = arith.constant 0 : i32
      %dma_wait3A_251 = arith.constant 0 : i32
      %dma_wait3A_252 = arith.constant 0 : i32
      %dma_wait3A_253 = arith.constant 0 : i32
      %dma_wait3A_254 = tpu.memref_slice %arg9[%dma_wait3A_250, %dma_wait3A_252, %dma_wait3A_253] : memref<3x112x128xf32, #tpu.memory_space<vmem>> -> memref<1x112x128xf32, #tpu.memory_space<vmem>>
      %dma_wait3A_255 = tpu.memref_squeeze %dma_wait3A_254 : memref<1x112x128xf32, #tpu.memory_space<vmem>> -> memref<112x128xf32, #tpu.memory_space<vmem>>
      %dma_wait3A_256 = arith.constant 0 : i32
      %dma_wait3A_257 = tpu.memref_slice %arg8[%dma_wait3A_251, %dma_wait3A_256] : memref<3x112xi32, #tpu.memory_space<vmem>> -> memref<1x112xi32, #tpu.memory_space<vmem>>
      %dma_wait3A_258 = tpu.memref_squeeze %dma_wait3A_257 : memref<1x112xi32, #tpu.memory_space<vmem>> -> memref<112xi32, #tpu.memory_space<vmem>>
      %dma_wait3A_259 = arith.constant 0 : i32
      %dma_wait3A_260 = arith.constant 0 : i32
      %dma_wait3A_261 = tpu.memref_slice %arg10[%dma_wait3A_259, %dma_wait3A_260] : memref<10112x128xf32, #tpu.memory_space<vmem_shared>> -> memref<10112x128xf32, #tpu.memory_space<vmem_shared>>
      tpu.wait_indirect_dma semaphore(%arg14 : memref<!tpu.dma_semaphore, #tpu.memory_space<semaphore_mem>>) src(%dma_wait3A_255 : memref<112x128xf32, #tpu.memory_space<vmem>>) dst(%dma_wait3A_261 : memref<10112x128xf32, #tpu.memory_space<vmem_shared>>)
      %add3A_262 = arith.constant 3 : i32
      %add3A_263 = arith.addi %mul3A_177, %add3A_262 : i32
      %add3A_264 = arith.constant 0 : i32
      %add3A_265 = arith.addi %add3A_263, %add3A_264 : i32
      %mul3A_266 = arith.constant 112 : i32
      %mul3A_267 = arith.muli %add3A_265, %mul3A_266 : i32
      %add3A_268 = arith.addi %mul3A_2, %mul3A_267 : i32
      %run_scoped3A_269 = arith.constant 0 : i32
      "tpu.region"() ({
        %run_scoped3A_358 = tpu.sem_alloc : memref<!tpu.dma_semaphore, #tpu.memory_space<semaphore_mem>>
        %dma_start3A_359 = arith.constant 0 : i32
        %dma_start3A_360 = tpu.memref_slice %arg8[%run_scoped3A_269, %dma_start3A_359] : memref<3x112xi32, #tpu.memory_space<vmem>> -> memref<1x112xi32, #tpu.memory_space<vmem>>
        %dma_start3A_361 = tpu.memref_squeeze %dma_start3A_360 : memref<1x112xi32, #tpu.memory_space<vmem>> -> memref<112xi32, #tpu.memory_space<vmem>>
        %dma_start3A_362 = tpu.memref_slice %arg4[%add3A_268] : memref<322560xi32, #tpu.memory_space<hbm>> -> memref<112xi32, #tpu.memory_space<hbm>>
        %dma_start3A_363 = arith.constant 0 : i32
        %dma_start3A_364 = tpu.memref_slice %arg8[%run_scoped3A_269, %dma_start3A_363] : memref<3x112xi32, #tpu.memory_space<vmem>> -> memref<1x112xi32, #tpu.memory_space<vmem>>
        %dma_start3A_365 = tpu.memref_squeeze %dma_start3A_364 : memref<1x112xi32, #tpu.memory_space<vmem>> -> memref<112xi32, #tpu.memory_space<vmem>>
        %dma_start3A_366 = tpu.memref_slice %arg4[%add3A_268] : memref<322560xi32, #tpu.memory_space<hbm>> -> memref<112xi32, #tpu.memory_space<hbm>>
        tpu.enqueue_dma source(%dma_start3A_366 : memref<112xi32, #tpu.memory_space<hbm>>) target(%dma_start3A_365 : memref<112xi32, #tpu.memory_space<vmem>>) target_semaphore(%run_scoped3A_358 : memref<!tpu.dma_semaphore, #tpu.memory_space<semaphore_mem>>)
        %dma_wait3A_367 = arith.constant 0 : i32
        %dma_wait3A_368 = tpu.memref_slice %arg8[%run_scoped3A_269, %dma_wait3A_367] : memref<3x112xi32, #tpu.memory_space<vmem>> -> memref<1x112xi32, #tpu.memory_space<vmem>>
        %dma_wait3A_369 = tpu.memref_squeeze %dma_wait3A_368 : memref<1x112xi32, #tpu.memory_space<vmem>> -> memref<112xi32, #tpu.memory_space<vmem>>
        %dma_wait3A_370 = tpu.memref_slice %arg4[%add3A_268] : memref<322560xi32, #tpu.memory_space<hbm>> -> memref<112xi32, #tpu.memory_space<hbm>>
        %dma_wait3A_371 = arith.constant 0 : i32
        %dma_wait3A_372 = tpu.memref_slice %arg8[%run_scoped3A_269, %dma_wait3A_371] : memref<3x112xi32, #tpu.memory_space<vmem>> -> memref<1x112xi32, #tpu.memory_space<vmem>>
        %dma_wait3A_373 = tpu.memref_squeeze %dma_wait3A_372 : memref<1x112xi32, #tpu.memory_space<vmem>> -> memref<112xi32, #tpu.memory_space<vmem>>
        %dma_wait3A_374 = tpu.memref_slice %arg4[%add3A_268] : memref<322560xi32, #tpu.memory_space<hbm>> -> memref<112xi32, #tpu.memory_space<hbm>>
        tpu.wait_dma2 semaphore(%run_scoped3A_358 : memref<!tpu.dma_semaphore, #tpu.memory_space<semaphore_mem>>) src(%dma_wait3A_374 : memref<112xi32, #tpu.memory_space<hbm>>) dst(%dma_wait3A_373 : memref<112xi32, #tpu.memory_space<vmem>>)
        tpu.yield
      }) : () -> ()
      %mul3A_270 = arith.constant 112 : i32
      %mul3A_271 = arith.muli %add3A_265, %mul3A_270 : i32
      %add3A_272 = arith.addi %add3A, %mul3A_271 : i32
      %run_scoped3A_273 = arith.constant 0 : i32
      "tpu.region"() ({
        %run_scoped3A_358 = tpu.sem_alloc : memref<!tpu.dma_semaphore, #tpu.memory_space<semaphore_mem>>
        %dma_start3A_359 = arith.constant 0 : i32
        %dma_start3A_360 = tpu.memref_slice %arg7[%run_scoped3A_273, %dma_start3A_359] : memref<3x112xi32, #tpu.memory_space<vmem>> -> memref<1x112xi32, #tpu.memory_space<vmem>>
        %dma_start3A_361 = tpu.memref_squeeze %dma_start3A_360 : memref<1x112xi32, #tpu.memory_space<vmem>> -> memref<112xi32, #tpu.memory_space<vmem>>
        %dma_start3A_362 = tpu.memref_slice %arg3[%add3A_272] : memref<645120xi32, #tpu.memory_space<hbm>> -> memref<112xi32, #tpu.memory_space<hbm>>
        %dma_start3A_363 = arith.constant 0 : i32
        %dma_start3A_364 = tpu.memref_slice %arg7[%run_scoped3A_273, %dma_start3A_363] : memref<3x112xi32, #tpu.memory_space<vmem>> -> memref<1x112xi32, #tpu.memory_space<vmem>>
        %dma_start3A_365 = tpu.memref_squeeze %dma_start3A_364 : memref<1x112xi32, #tpu.memory_space<vmem>> -> memref<112xi32, #tpu.memory_space<vmem>>
        %dma_start3A_366 = tpu.memref_slice %arg3[%add3A_272] : memref<645120xi32, #tpu.memory_space<hbm>> -> memref<112xi32, #tpu.memory_space<hbm>>
        tpu.enqueue_dma source(%dma_start3A_366 : memref<112xi32, #tpu.memory_space<hbm>>) target(%dma_start3A_365 : memref<112xi32, #tpu.memory_space<vmem>>) target_semaphore(%run_scoped3A_358 : memref<!tpu.dma_semaphore, #tpu.memory_space<semaphore_mem>>)
        %dma_wait3A_367 = arith.constant 0 : i32
        %dma_wait3A_368 = tpu.memref_slice %arg7[%run_scoped3A_273, %dma_wait3A_367] : memref<3x112xi32, #tpu.memory_space<vmem>> -> memref<1x112xi32, #tpu.memory_space<vmem>>
        %dma_wait3A_369 = tpu.memref_squeeze %dma_wait3A_368 : memref<1x112xi32, #tpu.memory_space<vmem>> -> memref<112xi32, #tpu.memory_space<vmem>>
        %dma_wait3A_370 = tpu.memref_slice %arg3[%add3A_272] : memref<645120xi32, #tpu.memory_space<hbm>> -> memref<112xi32, #tpu.memory_space<hbm>>
        %dma_wait3A_371 = arith.constant 0 : i32
        %dma_wait3A_372 = tpu.memref_slice %arg7[%run_scoped3A_273, %dma_wait3A_371] : memref<3x112xi32, #tpu.memory_space<vmem>> -> memref<1x112xi32, #tpu.memory_space<vmem>>
        %dma_wait3A_373 = tpu.memref_squeeze %dma_wait3A_372 : memref<1x112xi32, #tpu.memory_space<vmem>> -> memref<112xi32, #tpu.memory_space<vmem>>
        %dma_wait3A_374 = tpu.memref_slice %arg3[%add3A_272] : memref<645120xi32, #tpu.memory_space<hbm>> -> memref<112xi32, #tpu.memory_space<hbm>>
        tpu.wait_dma2 semaphore(%run_scoped3A_358 : memref<!tpu.dma_semaphore, #tpu.memory_space<semaphore_mem>>) src(%dma_wait3A_374 : memref<112xi32, #tpu.memory_space<hbm>>) dst(%dma_wait3A_373 : memref<112xi32, #tpu.memory_space<vmem>>)
        tpu.yield
      }) : () -> ()
      %dma_start3A_274 = arith.constant 0 : i32
      %dma_start3A_275 = arith.constant 0 : i32
      %dma_start3A_276 = arith.constant 0 : i32
      %dma_start3A_277 = arith.constant 0 : i32
      %dma_start3A_278 = tpu.memref_slice %arg9[%dma_start3A_275, %dma_start3A_276, %dma_start3A_277] : memref<3x112x128xf32, #tpu.memory_space<vmem>> -> memref<1x112x128xf32, #tpu.memory_space<vmem>>
      %dma_start3A_279 = tpu.memref_squeeze %dma_start3A_278 : memref<1x112x128xf32, #tpu.memory_space<vmem>> -> memref<112x128xf32, #tpu.memory_space<vmem>>
      %dma_start3A_280 = arith.constant 0 : i32
      %dma_start3A_281 = tpu.memref_slice %arg7[%dma_start3A_274, %dma_start3A_280] : memref<3x112xi32, #tpu.memory_space<vmem>> -> memref<1x112xi32, #tpu.memory_space<vmem>>
      %dma_start3A_282 = tpu.memref_squeeze %dma_start3A_281 : memref<1x112xi32, #tpu.memory_space<vmem>> -> memref<112xi32, #tpu.memory_space<vmem>>
      %dma_start3A_283 = arith.constant 0 : i32
      %dma_start3A_284 = arith.constant 0 : i32
      %dma_start3A_285 = tpu.memref_slice %arg2[%dma_start3A_283, %dma_start3A_284] : memref<20000x128xf32, #tpu.memory_space<hbm>> -> memref<20000x128xf32, #tpu.memory_space<hbm>>
      tpu.enqueue_indirect_dma source(%dma_start3A_285 : memref<20000x128xf32, #tpu.memory_space<hbm>>) target(%dma_start3A_279 : memref<112x128xf32, #tpu.memory_space<vmem>>) offsets(%dma_start3A_282 : memref<112xi32, #tpu.memory_space<vmem>>) semaphore(%arg11 : memref<!tpu.dma_semaphore, #tpu.memory_space<semaphore_mem>>)
      %dma_wait3A_286 = arith.constant 1 : i32
      %dma_wait3A_287 = arith.constant 1 : i32
      %dma_wait3A_288 = arith.constant 0 : i32
      %dma_wait3A_289 = arith.constant 0 : i32
      %dma_wait3A_290 = tpu.memref_slice %arg9[%dma_wait3A_286, %dma_wait3A_288, %dma_wait3A_289] : memref<3x112x128xf32, #tpu.memory_space<vmem>> -> memref<1x112x128xf32, #tpu.memory_space<vmem>>
      %dma_wait3A_291 = tpu.memref_squeeze %dma_wait3A_290 : memref<1x112x128xf32, #tpu.memory_space<vmem>> -> memref<112x128xf32, #tpu.memory_space<vmem>>
      %dma_wait3A_292 = arith.constant 0 : i32
      %dma_wait3A_293 = tpu.memref_slice %arg8[%dma_wait3A_287, %dma_wait3A_292] : memref<3x112xi32, #tpu.memory_space<vmem>> -> memref<1x112xi32, #tpu.memory_space<vmem>>
      %dma_wait3A_294 = tpu.memref_squeeze %dma_wait3A_293 : memref<1x112xi32, #tpu.memory_space<vmem>> -> memref<112xi32, #tpu.memory_space<vmem>>
      %dma_wait3A_295 = arith.constant 0 : i32
      %dma_wait3A_296 = arith.constant 0 : i32
      %dma_wait3A_297 = tpu.memref_slice %arg10[%dma_wait3A_295, %dma_wait3A_296] : memref<10112x128xf32, #tpu.memory_space<vmem_shared>> -> memref<10112x128xf32, #tpu.memory_space<vmem_shared>>
      tpu.wait_indirect_dma semaphore(%arg15 : memref<!tpu.dma_semaphore, #tpu.memory_space<semaphore_mem>>) src(%dma_wait3A_291 : memref<112x128xf32, #tpu.memory_space<vmem>>) dst(%dma_wait3A_297 : memref<10112x128xf32, #tpu.memory_space<vmem_shared>>)
      %add3A_298 = arith.constant 3 : i32
      %add3A_299 = arith.addi %mul3A_177, %add3A_298 : i32
      %add3A_300 = arith.constant 1 : i32
      %add3A_301 = arith.addi %add3A_299, %add3A_300 : i32
      %mul3A_302 = arith.constant 112 : i32
      %mul3A_303 = arith.muli %add3A_301, %mul3A_302 : i32
      %add3A_304 = arith.addi %mul3A_2, %mul3A_303 : i32
      %run_scoped3A_305 = arith.constant 1 : i32
      "tpu.region"() ({
        %run_scoped3A_358 = tpu.sem_alloc : memref<!tpu.dma_semaphore, #tpu.memory_space<semaphore_mem>>
        %dma_start3A_359 = arith.constant 0 : i32
        %dma_start3A_360 = tpu.memref_slice %arg8[%run_scoped3A_305, %dma_start3A_359] : memref<3x112xi32, #tpu.memory_space<vmem>> -> memref<1x112xi32, #tpu.memory_space<vmem>>
        %dma_start3A_361 = tpu.memref_squeeze %dma_start3A_360 : memref<1x112xi32, #tpu.memory_space<vmem>> -> memref<112xi32, #tpu.memory_space<vmem>>
        %dma_start3A_362 = tpu.memref_slice %arg4[%add3A_304] : memref<322560xi32, #tpu.memory_space<hbm>> -> memref<112xi32, #tpu.memory_space<hbm>>
        %dma_start3A_363 = arith.constant 0 : i32
        %dma_start3A_364 = tpu.memref_slice %arg8[%run_scoped3A_305, %dma_start3A_363] : memref<3x112xi32, #tpu.memory_space<vmem>> -> memref<1x112xi32, #tpu.memory_space<vmem>>
        %dma_start3A_365 = tpu.memref_squeeze %dma_start3A_364 : memref<1x112xi32, #tpu.memory_space<vmem>> -> memref<112xi32, #tpu.memory_space<vmem>>
        %dma_start3A_366 = tpu.memref_slice %arg4[%add3A_304] : memref<322560xi32, #tpu.memory_space<hbm>> -> memref<112xi32, #tpu.memory_space<hbm>>
        tpu.enqueue_dma source(%dma_start3A_366 : memref<112xi32, #tpu.memory_space<hbm>>) target(%dma_start3A_365 : memref<112xi32, #tpu.memory_space<vmem>>) target_semaphore(%run_scoped3A_358 : memref<!tpu.dma_semaphore, #tpu.memory_space<semaphore_mem>>)
        %dma_wait3A_367 = arith.constant 0 : i32
        %dma_wait3A_368 = tpu.memref_slice %arg8[%run_scoped3A_305, %dma_wait3A_367] : memref<3x112xi32, #tpu.memory_space<vmem>> -> memref<1x112xi32, #tpu.memory_space<vmem>>
        %dma_wait3A_369 = tpu.memref_squeeze %dma_wait3A_368 : memref<1x112xi32, #tpu.memory_space<vmem>> -> memref<112xi32, #tpu.memory_space<vmem>>
        %dma_wait3A_370 = tpu.memref_slice %arg4[%add3A_304] : memref<322560xi32, #tpu.memory_space<hbm>> -> memref<112xi32, #tpu.memory_space<hbm>>
        %dma_wait3A_371 = arith.constant 0 : i32
        %dma_wait3A_372 = tpu.memref_slice %arg8[%run_scoped3A_305, %dma_wait3A_371] : memref<3x112xi32, #tpu.memory_space<vmem>> -> memref<1x112xi32, #tpu.memory_space<vmem>>
        %dma_wait3A_373 = tpu.memref_squeeze %dma_wait3A_372 : memref<1x112xi32, #tpu.memory_space<vmem>> -> memref<112xi32, #tpu.memory_space<vmem>>
        %dma_wait3A_374 = tpu.memref_slice %arg4[%add3A_304] : memref<322560xi32, #tpu.memory_space<hbm>> -> memref<112xi32, #tpu.memory_space<hbm>>
        tpu.wait_dma2 semaphore(%run_scoped3A_358 : memref<!tpu.dma_semaphore, #tpu.memory_space<semaphore_mem>>) src(%dma_wait3A_374 : memref<112xi32, #tpu.memory_space<hbm>>) dst(%dma_wait3A_373 : memref<112xi32, #tpu.memory_space<vmem>>)
        tpu.yield
      }) : () -> ()
      %mul3A_306 = arith.constant 112 : i32
      %mul3A_307 = arith.muli %add3A_301, %mul3A_306 : i32
      %add3A_308 = arith.addi %add3A, %mul3A_307 : i32
      %run_scoped3A_309 = arith.constant 1 : i32
      "tpu.region"() ({
        %run_scoped3A_358 = tpu.sem_alloc : memref<!tpu.dma_semaphore, #tpu.memory_space<semaphore_mem>>
        %dma_start3A_359 = arith.constant 0 : i32
        %dma_start3A_360 = tpu.memref_slice %arg7[%run_scoped3A_309, %dma_start3A_359] : memref<3x112xi32, #tpu.memory_space<vmem>> -> memref<1x112xi32, #tpu.memory_space<vmem>>
        %dma_start3A_361 = tpu.memref_squeeze %dma_start3A_360 : memref<1x112xi32, #tpu.memory_space<vmem>> -> memref<112xi32, #tpu.memory_space<vmem>>
        %dma_start3A_362 = tpu.memref_slice %arg3[%add3A_308] : memref<645120xi32, #tpu.memory_space<hbm>> -> memref<112xi32, #tpu.memory_space<hbm>>
        %dma_start3A_363 = arith.constant 0 : i32
        %dma_start3A_364 = tpu.memref_slice %arg7[%run_scoped3A_309, %dma_start3A_363] : memref<3x112xi32, #tpu.memory_space<vmem>> -> memref<1x112xi32, #tpu.memory_space<vmem>>
        %dma_start3A_365 = tpu.memref_squeeze %dma_start3A_364 : memref<1x112xi32, #tpu.memory_space<vmem>> -> memref<112xi32, #tpu.memory_space<vmem>>
        %dma_start3A_366 = tpu.memref_slice %arg3[%add3A_308] : memref<645120xi32, #tpu.memory_space<hbm>> -> memref<112xi32, #tpu.memory_space<hbm>>
        tpu.enqueue_dma source(%dma_start3A_366 : memref<112xi32, #tpu.memory_space<hbm>>) target(%dma_start3A_365 : memref<112xi32, #tpu.memory_space<vmem>>) target_semaphore(%run_scoped3A_358 : memref<!tpu.dma_semaphore, #tpu.memory_space<semaphore_mem>>)
        %dma_wait3A_367 = arith.constant 0 : i32
        %dma_wait3A_368 = tpu.memref_slice %arg7[%run_scoped3A_309, %dma_wait3A_367] : memref<3x112xi32, #tpu.memory_space<vmem>> -> memref<1x112xi32, #tpu.memory_space<vmem>>
        %dma_wait3A_369 = tpu.memref_squeeze %dma_wait3A_368 : memref<1x112xi32, #tpu.memory_space<vmem>> -> memref<112xi32, #tpu.memory_space<vmem>>
        %dma_wait3A_370 = tpu.memref_slice %arg3[%add3A_308] : memref<645120xi32, #tpu.memory_space<hbm>> -> memref<112xi32, #tpu.memory_space<hbm>>
        %dma_wait3A_371 = arith.constant 0 : i32
        %dma_wait3A_372 = tpu.memref_slice %arg7[%run_scoped3A_309, %dma_wait3A_371] : memref<3x112xi32, #tpu.memory_space<vmem>> -> memref<1x112xi32, #tpu.memory_space<vmem>>
        %dma_wait3A_373 = tpu.memref_squeeze %dma_wait3A_372 : memref<1x112xi32, #tpu.memory_space<vmem>> -> memref<112xi32, #tpu.memory_space<vmem>>
        %dma_wait3A_374 = tpu.memref_slice %arg3[%add3A_308] : memref<645120xi32, #tpu.memory_space<hbm>> -> memref<112xi32, #tpu.memory_space<hbm>>
        tpu.wait_dma2 semaphore(%run_scoped3A_358 : memref<!tpu.dma_semaphore, #tpu.memory_space<semaphore_mem>>) src(%dma_wait3A_374 : memref<112xi32, #tpu.memory_space<hbm>>) dst(%dma_wait3A_373 : memref<112xi32, #tpu.memory_space<vmem>>)
        tpu.yield
      }) : () -> ()
      %dma_start3A_310 = arith.constant 1 : i32
      %dma_start3A_311 = arith.constant 1 : i32
      %dma_start3A_312 = arith.constant 0 : i32
      %dma_start3A_313 = arith.constant 0 : i32
      %dma_start3A_314 = tpu.memref_slice %arg9[%dma_start3A_311, %dma_start3A_312, %dma_start3A_313] : memref<3x112x128xf32, #tpu.memory_space<vmem>> -> memref<1x112x128xf32, #tpu.memory_space<vmem>>
      %dma_start3A_315 = tpu.memref_squeeze %dma_start3A_314 : memref<1x112x128xf32, #tpu.memory_space<vmem>> -> memref<112x128xf32, #tpu.memory_space<vmem>>
      %dma_start3A_316 = arith.constant 0 : i32
      %dma_start3A_317 = tpu.memref_slice %arg7[%dma_start3A_310, %dma_start3A_316] : memref<3x112xi32, #tpu.memory_space<vmem>> -> memref<1x112xi32, #tpu.memory_space<vmem>>
      %dma_start3A_318 = tpu.memref_squeeze %dma_start3A_317 : memref<1x112xi32, #tpu.memory_space<vmem>> -> memref<112xi32, #tpu.memory_space<vmem>>
      %dma_start3A_319 = arith.constant 0 : i32
      %dma_start3A_320 = arith.constant 0 : i32
      %dma_start3A_321 = tpu.memref_slice %arg2[%dma_start3A_319, %dma_start3A_320] : memref<20000x128xf32, #tpu.memory_space<hbm>> -> memref<20000x128xf32, #tpu.memory_space<hbm>>
      tpu.enqueue_indirect_dma source(%dma_start3A_321 : memref<20000x128xf32, #tpu.memory_space<hbm>>) target(%dma_start3A_315 : memref<112x128xf32, #tpu.memory_space<vmem>>) offsets(%dma_start3A_318 : memref<112xi32, #tpu.memory_space<vmem>>) semaphore(%arg12 : memref<!tpu.dma_semaphore, #tpu.memory_space<semaphore_mem>>)
      %dma_wait3A_322 = arith.constant 2 : i32
      %dma_wait3A_323 = arith.constant 2 : i32
      %dma_wait3A_324 = arith.constant 0 : i32
      %dma_wait3A_325 = arith.constant 0 : i32
      %dma_wait3A_326 = tpu.memref_slice %arg9[%dma_wait3A_322, %dma_wait3A_324, %dma_wait3A_325] : memref<3x112x128xf32, #tpu.memory_space<vmem>> -> memref<1x112x128xf32, #tpu.memory_space<vmem>>
      %dma_wait3A_327 = tpu.memref_squeeze %dma_wait3A_326 : memref<1x112x128xf32, #tpu.memory_space<vmem>> -> memref<112x128xf32, #tpu.memory_space<vmem>>
      %dma_wait3A_328 = arith.constant 0 : i32
      %dma_wait3A_329 = tpu.memref_slice %arg8[%dma_wait3A_323, %dma_wait3A_328] : memref<3x112xi32, #tpu.memory_space<vmem>> -> memref<1x112xi32, #tpu.memory_space<vmem>>
      %dma_wait3A_330 = tpu.memref_squeeze %dma_wait3A_329 : memref<1x112xi32, #tpu.memory_space<vmem>> -> memref<112xi32, #tpu.memory_space<vmem>>
      %dma_wait3A_331 = arith.constant 0 : i32
      %dma_wait3A_332 = arith.constant 0 : i32
      %dma_wait3A_333 = tpu.memref_slice %arg10[%dma_wait3A_331, %dma_wait3A_332] : memref<10112x128xf32, #tpu.memory_space<vmem_shared>> -> memref<10112x128xf32, #tpu.memory_space<vmem_shared>>
      tpu.wait_indirect_dma semaphore(%arg16 : memref<!tpu.dma_semaphore, #tpu.memory_space<semaphore_mem>>) src(%dma_wait3A_327 : memref<112x128xf32, #tpu.memory_space<vmem>>) dst(%dma_wait3A_333 : memref<10112x128xf32, #tpu.memory_space<vmem_shared>>)
      %add3A_334 = arith.constant 3 : i32
      %add3A_335 = arith.addi %mul3A_177, %add3A_334 : i32
      %add3A_336 = arith.constant 2 : i32
      %add3A_337 = arith.addi %add3A_335, %add3A_336 : i32
      %mul3A_338 = arith.constant 112 : i32
      %mul3A_339 = arith.muli %add3A_337, %mul3A_338 : i32
      %add3A_340 = arith.addi %mul3A_2, %mul3A_339 : i32
      %run_scoped3A_341 = arith.constant 2 : i32
      "tpu.region"() ({
        %run_scoped3A_358 = tpu.sem_alloc : memref<!tpu.dma_semaphore, #tpu.memory_space<semaphore_mem>>
        %dma_start3A_359 = arith.constant 0 : i32
        %dma_start3A_360 = tpu.memref_slice %arg8[%run_scoped3A_341, %dma_start3A_359] : memref<3x112xi32, #tpu.memory_space<vmem>> -> memref<1x112xi32, #tpu.memory_space<vmem>>
        %dma_start3A_361 = tpu.memref_squeeze %dma_start3A_360 : memref<1x112xi32, #tpu.memory_space<vmem>> -> memref<112xi32, #tpu.memory_space<vmem>>
        %dma_start3A_362 = tpu.memref_slice %arg4[%add3A_340] : memref<322560xi32, #tpu.memory_space<hbm>> -> memref<112xi32, #tpu.memory_space<hbm>>
        %dma_start3A_363 = arith.constant 0 : i32
        %dma_start3A_364 = tpu.memref_slice %arg8[%run_scoped3A_341, %dma_start3A_363] : memref<3x112xi32, #tpu.memory_space<vmem>> -> memref<1x112xi32, #tpu.memory_space<vmem>>
        %dma_start3A_365 = tpu.memref_squeeze %dma_start3A_364 : memref<1x112xi32, #tpu.memory_space<vmem>> -> memref<112xi32, #tpu.memory_space<vmem>>
        %dma_start3A_366 = tpu.memref_slice %arg4[%add3A_340] : memref<322560xi32, #tpu.memory_space<hbm>> -> memref<112xi32, #tpu.memory_space<hbm>>
        tpu.enqueue_dma source(%dma_start3A_366 : memref<112xi32, #tpu.memory_space<hbm>>) target(%dma_start3A_365 : memref<112xi32, #tpu.memory_space<vmem>>) target_semaphore(%run_scoped3A_358 : memref<!tpu.dma_semaphore, #tpu.memory_space<semaphore_mem>>)
        %dma_wait3A_367 = arith.constant 0 : i32
        %dma_wait3A_368 = tpu.memref_slice %arg8[%run_scoped3A_341, %dma_wait3A_367] : memref<3x112xi32, #tpu.memory_space<vmem>> -> memref<1x112xi32, #tpu.memory_space<vmem>>
        %dma_wait3A_369 = tpu.memref_squeeze %dma_wait3A_368 : memref<1x112xi32, #tpu.memory_space<vmem>> -> memref<112xi32, #tpu.memory_space<vmem>>
        %dma_wait3A_370 = tpu.memref_slice %arg4[%add3A_340] : memref<322560xi32, #tpu.memory_space<hbm>> -> memref<112xi32, #tpu.memory_space<hbm>>
        %dma_wait3A_371 = arith.constant 0 : i32
        %dma_wait3A_372 = tpu.memref_slice %arg8[%run_scoped3A_341, %dma_wait3A_371] : memref<3x112xi32, #tpu.memory_space<vmem>> -> memref<1x112xi32, #tpu.memory_space<vmem>>
        %dma_wait3A_373 = tpu.memref_squeeze %dma_wait3A_372 : memref<1x112xi32, #tpu.memory_space<vmem>> -> memref<112xi32, #tpu.memory_space<vmem>>
        %dma_wait3A_374 = tpu.memref_slice %arg4[%add3A_340] : memref<322560xi32, #tpu.memory_space<hbm>> -> memref<112xi32, #tpu.memory_space<hbm>>
        tpu.wait_dma2 semaphore(%run_scoped3A_358 : memref<!tpu.dma_semaphore, #tpu.memory_space<semaphore_mem>>) src(%dma_wait3A_374 : memref<112xi32, #tpu.memory_space<hbm>>) dst(%dma_wait3A_373 : memref<112xi32, #tpu.memory_space<vmem>>)
        tpu.yield
      }) : () -> ()
      %mul3A_342 = arith.constant 112 : i32
      %mul3A_343 = arith.muli %add3A_337, %mul3A_342 : i32
      %add3A_344 = arith.addi %add3A, %mul3A_343 : i32
      %run_scoped3A_345 = arith.constant 2 : i32
      "tpu.region"() ({
        %run_scoped3A_358 = tpu.sem_alloc : memref<!tpu.dma_semaphore, #tpu.memory_space<semaphore_mem>>
        %dma_start3A_359 = arith.constant 0 : i32
        %dma_start3A_360 = tpu.memref_slice %arg7[%run_scoped3A_345, %dma_start3A_359] : memref<3x112xi32, #tpu.memory_space<vmem>> -> memref<1x112xi32, #tpu.memory_space<vmem>>
        %dma_start3A_361 = tpu.memref_squeeze %dma_start3A_360 : memref<1x112xi32, #tpu.memory_space<vmem>> -> memref<112xi32, #tpu.memory_space<vmem>>
        %dma_start3A_362 = tpu.memref_slice %arg3[%add3A_344] : memref<645120xi32, #tpu.memory_space<hbm>> -> memref<112xi32, #tpu.memory_space<hbm>>
        %dma_start3A_363 = arith.constant 0 : i32
        %dma_start3A_364 = tpu.memref_slice %arg7[%run_scoped3A_345, %dma_start3A_363] : memref<3x112xi32, #tpu.memory_space<vmem>> -> memref<1x112xi32, #tpu.memory_space<vmem>>
        %dma_start3A_365 = tpu.memref_squeeze %dma_start3A_364 : memref<1x112xi32, #tpu.memory_space<vmem>> -> memref<112xi32, #tpu.memory_space<vmem>>
        %dma_start3A_366 = tpu.memref_slice %arg3[%add3A_344] : memref<645120xi32, #tpu.memory_space<hbm>> -> memref<112xi32, #tpu.memory_space<hbm>>
        tpu.enqueue_dma source(%dma_start3A_366 : memref<112xi32, #tpu.memory_space<hbm>>) target(%dma_start3A_365 : memref<112xi32, #tpu.memory_space<vmem>>) target_semaphore(%run_scoped3A_358 : memref<!tpu.dma_semaphore, #tpu.memory_space<semaphore_mem>>)
        %dma_wait3A_367 = arith.constant 0 : i32
        %dma_wait3A_368 = tpu.memref_slice %arg7[%run_scoped3A_345, %dma_wait3A_367] : memref<3x112xi32, #tpu.memory_space<vmem>> -> memref<1x112xi32, #tpu.memory_space<vmem>>
        %dma_wait3A_369 = tpu.memref_squeeze %dma_wait3A_368 : memref<1x112xi32, #tpu.memory_space<vmem>> -> memref<112xi32, #tpu.memory_space<vmem>>
        %dma_wait3A_370 = tpu.memref_slice %arg3[%add3A_344] : memref<645120xi32, #tpu.memory_space<hbm>> -> memref<112xi32, #tpu.memory_space<hbm>>
        %dma_wait3A_371 = arith.constant 0 : i32
        %dma_wait3A_372 = tpu.memref_slice %arg7[%run_scoped3A_345, %dma_wait3A_371] : memref<3x112xi32, #tpu.memory_space<vmem>> -> memref<1x112xi32, #tpu.memory_space<vmem>>
        %dma_wait3A_373 = tpu.memref_squeeze %dma_wait3A_372 : memref<1x112xi32, #tpu.memory_space<vmem>> -> memref<112xi32, #tpu.memory_space<vmem>>
        %dma_wait3A_374 = tpu.memref_slice %arg3[%add3A_344] : memref<645120xi32, #tpu.memory_space<hbm>> -> memref<112xi32, #tpu.memory_space<hbm>>
        tpu.wait_dma2 semaphore(%run_scoped3A_358 : memref<!tpu.dma_semaphore, #tpu.memory_space<semaphore_mem>>) src(%dma_wait3A_374 : memref<112xi32, #tpu.memory_space<hbm>>) dst(%dma_wait3A_373 : memref<112xi32, #tpu.memory_space<vmem>>)
        tpu.yield
      }) : () -> ()
      %dma_start3A_346 = arith.constant 2 : i32
      %dma_start3A_347 = arith.constant 2 : i32
      %dma_start3A_348 = arith.constant 0 : i32
      %dma_start3A_349 = arith.constant 0 : i32
      %dma_start3A_350 = tpu.memref_slice %arg9[%dma_start3A_347, %dma_start3A_348, %dma_start3A_349] : memref<3x112x128xf32, #tpu.memory_space<vmem>> -> memref<1x112x128xf32, #tpu.memory_space<vmem>>
      %dma_start3A_351 = tpu.memref_squeeze %dma_start3A_350 : memref<1x112x128xf32, #tpu.memory_space<vmem>> -> memref<112x128xf32, #tpu.memory_space<vmem>>
      %dma_start3A_352 = arith.constant 0 : i32
      %dma_start3A_353 = tpu.memref_slice %arg7[%dma_start3A_346, %dma_start3A_352] : memref<3x112xi32, #tpu.memory_space<vmem>> -> memref<1x112xi32, #tpu.memory_space<vmem>>
      %dma_start3A_354 = tpu.memref_squeeze %dma_start3A_353 : memref<1x112xi32, #tpu.memory_space<vmem>> -> memref<112xi32, #tpu.memory_space<vmem>>
      %dma_start3A_355 = arith.constant 0 : i32
      %dma_start3A_356 = arith.constant 0 : i32
      %dma_start3A_357 = tpu.memref_slice %arg2[%dma_start3A_355, %dma_start3A_356] : memref<20000x128xf32, #tpu.memory_space<hbm>> -> memref<20000x128xf32, #tpu.memory_space<hbm>>
      tpu.enqueue_indirect_dma source(%dma_start3A_357 : memref<20000x128xf32, #tpu.memory_space<hbm>>) target(%dma_start3A_351 : memref<112x128xf32, #tpu.memory_space<vmem>>) offsets(%dma_start3A_354 : memref<112xi32, #tpu.memory_space<vmem>>) semaphore(%arg13 : memref<!tpu.dma_semaphore, #tpu.memory_space<semaphore_mem>>)
    }
    %scan3A_63 = arith.constant 59 : i32
    %dma_wait3A = arith.constant 0 : i32
    %dma_wait3A_64 = arith.constant 0 : i32
    %dma_wait3A_65 = arith.constant 0 : i32
    %dma_wait3A_66 = arith.constant 0 : i32
    %dma_wait3A_67 = tpu.memref_slice %arg9[%dma_wait3A_64, %dma_wait3A_65, %dma_wait3A_66] : memref<3x112x128xf32, #tpu.memory_space<vmem>> -> memref<1x112x128xf32, #tpu.memory_space<vmem>>
    %dma_wait3A_68 = tpu.memref_squeeze %dma_wait3A_67 : memref<1x112x128xf32, #tpu.memory_space<vmem>> -> memref<112x128xf32, #tpu.memory_space<vmem>>
    %dma_wait3A_69 = arith.constant 0 : i32
    %dma_wait3A_70 = tpu.memref_slice %arg7[%dma_wait3A, %dma_wait3A_69] : memref<3x112xi32, #tpu.memory_space<vmem>> -> memref<1x112xi32, #tpu.memory_space<vmem>>
    %dma_wait3A_71 = tpu.memref_squeeze %dma_wait3A_70 : memref<1x112xi32, #tpu.memory_space<vmem>> -> memref<112xi32, #tpu.memory_space<vmem>>
    %dma_wait3A_72 = arith.constant 0 : i32
    %dma_wait3A_73 = arith.constant 0 : i32
    %dma_wait3A_74 = tpu.memref_slice %arg2[%dma_wait3A_72, %dma_wait3A_73] : memref<20000x128xf32, #tpu.memory_space<hbm>> -> memref<20000x128xf32, #tpu.memory_space<hbm>>
    tpu.wait_indirect_dma semaphore(%arg11 : memref<!tpu.dma_semaphore, #tpu.memory_space<semaphore_mem>>) src(%dma_wait3A_74 : memref<20000x128xf32, #tpu.memory_space<hbm>>) dst(%dma_wait3A_68 : memref<112x128xf32, #tpu.memory_space<vmem>>)
    %dma_start3A_75 = arith.constant 0 : i32
    %dma_start3A_76 = arith.constant 0 : i32
    %dma_start3A_77 = arith.constant 0 : i32
    %dma_start3A_78 = arith.constant 0 : i32
    %dma_start3A_79 = tpu.memref_slice %arg9[%dma_start3A_75, %dma_start3A_77, %dma_start3A_78] : memref<3x112x128xf32, #tpu.memory_space<vmem>> -> memref<1x112x128xf32, #tpu.memory_space<vmem>>
    %dma_start3A_80 = tpu.memref_squeeze %dma_start3A_79 : memref<1x112x128xf32, #tpu.memory_space<vmem>> -> memref<112x128xf32, #tpu.memory_space<vmem>>
    %dma_start3A_81 = arith.constant 0 : i32
    %dma_start3A_82 = tpu.memref_slice %arg8[%dma_start3A_76, %dma_start3A_81] : memref<3x112xi32, #tpu.memory_space<vmem>> -> memref<1x112xi32, #tpu.memory_space<vmem>>
    %dma_start3A_83 = tpu.memref_squeeze %dma_start3A_82 : memref<1x112xi32, #tpu.memory_space<vmem>> -> memref<112xi32, #tpu.memory_space<vmem>>
    %dma_start3A_84 = arith.constant 0 : i32
    %dma_start3A_85 = arith.constant 0 : i32
    %dma_start3A_86 = tpu.memref_slice %arg10[%dma_start3A_84, %dma_start3A_85] : memref<10112x128xf32, #tpu.memory_space<vmem_shared>> -> memref<10112x128xf32, #tpu.memory_space<vmem_shared>>
    tpu.enqueue_indirect_dma source(%dma_start3A_80 : memref<112x128xf32, #tpu.memory_space<vmem>>) target(%dma_start3A_86 : memref<10112x128xf32, #tpu.memory_space<vmem_shared>>) offsets(%dma_start3A_83 : memref<112xi32, #tpu.memory_space<vmem>>) semaphore(%arg14 : memref<!tpu.dma_semaphore, #tpu.memory_space<semaphore_mem>>) {add = true}
    %dma_wait3A_87 = arith.constant 1 : i32
    %dma_wait3A_88 = arith.constant 1 : i32
    %dma_wait3A_89 = arith.constant 0 : i32
    %dma_wait3A_90 = arith.constant 0 : i32
    %dma_wait3A_91 = tpu.memref_slice %arg9[%dma_wait3A_88, %dma_wait3A_89, %dma_wait3A_90] : memref<3x112x128xf32, #tpu.memory_space<vmem>> -> memref<1x112x128xf32, #tpu.memory_space<vmem>>
    %dma_wait3A_92 = tpu.memref_squeeze %dma_wait3A_91 : memref<1x112x128xf32, #tpu.memory_space<vmem>> -> memref<112x128xf32, #tpu.memory_space<vmem>>
    %dma_wait3A_93 = arith.constant 0 : i32
    %dma_wait3A_94 = tpu.memref_slice %arg7[%dma_wait3A_87, %dma_wait3A_93] : memref<3x112xi32, #tpu.memory_space<vmem>> -> memref<1x112xi32, #tpu.memory_space<vmem>>
    %dma_wait3A_95 = tpu.memref_squeeze %dma_wait3A_94 : memref<1x112xi32, #tpu.memory_space<vmem>> -> memref<112xi32, #tpu.memory_space<vmem>>
    %dma_wait3A_96 = arith.constant 0 : i32
    %dma_wait3A_97 = arith.constant 0 : i32
    %dma_wait3A_98 = tpu.memref_slice %arg2[%dma_wait3A_96, %dma_wait3A_97] : memref<20000x128xf32, #tpu.memory_space<hbm>> -> memref<20000x128xf32, #tpu.memory_space<hbm>>
    tpu.wait_indirect_dma semaphore(%arg12 : memref<!tpu.dma_semaphore, #tpu.memory_space<semaphore_mem>>) src(%dma_wait3A_98 : memref<20000x128xf32, #tpu.memory_space<hbm>>) dst(%dma_wait3A_92 : memref<112x128xf32, #tpu.memory_space<vmem>>)
    %dma_start3A_99 = arith.constant 1 : i32
    %dma_start3A_100 = arith.constant 1 : i32
    %dma_start3A_101 = arith.constant 0 : i32
    %dma_start3A_102 = arith.constant 0 : i32
    %dma_start3A_103 = tpu.memref_slice %arg9[%dma_start3A_99, %dma_start3A_101, %dma_start3A_102] : memref<3x112x128xf32, #tpu.memory_space<vmem>> -> memref<1x112x128xf32, #tpu.memory_space<vmem>>
    %dma_start3A_104 = tpu.memref_squeeze %dma_start3A_103 : memref<1x112x128xf32, #tpu.memory_space<vmem>> -> memref<112x128xf32, #tpu.memory_space<vmem>>
    %dma_start3A_105 = arith.constant 0 : i32
    %dma_start3A_106 = tpu.memref_slice %arg8[%dma_start3A_100, %dma_start3A_105] : memref<3x112xi32, #tpu.memory_space<vmem>> -> memref<1x112xi32, #tpu.memory_space<vmem>>
    %dma_start3A_107 = tpu.memref_squeeze %dma_start3A_106 : memref<1x112xi32, #tpu.memory_space<vmem>> -> memref<112xi32, #tpu.memory_space<vmem>>
    %dma_start3A_108 = arith.constant 0 : i32
    %dma_start3A_109 = arith.constant 0 : i32
    %dma_start3A_110 = tpu.memref_slice %arg10[%dma_start3A_108, %dma_start3A_109] : memref<10112x128xf32, #tpu.memory_space<vmem_shared>> -> memref<10112x128xf32, #tpu.memory_space<vmem_shared>>
    tpu.enqueue_indirect_dma source(%dma_start3A_104 : memref<112x128xf32, #tpu.memory_space<vmem>>) target(%dma_start3A_110 : memref<10112x128xf32, #tpu.memory_space<vmem_shared>>) offsets(%dma_start3A_107 : memref<112xi32, #tpu.memory_space<vmem>>) semaphore(%arg15 : memref<!tpu.dma_semaphore, #tpu.memory_space<semaphore_mem>>) {add = true}
    %dma_wait3A_111 = arith.constant 2 : i32
    %dma_wait3A_112 = arith.constant 2 : i32
    %dma_wait3A_113 = arith.constant 0 : i32
    %dma_wait3A_114 = arith.constant 0 : i32
    %dma_wait3A_115 = tpu.memref_slice %arg9[%dma_wait3A_112, %dma_wait3A_113, %dma_wait3A_114] : memref<3x112x128xf32, #tpu.memory_space<vmem>> -> memref<1x112x128xf32, #tpu.memory_space<vmem>>
    %dma_wait3A_116 = tpu.memref_squeeze %dma_wait3A_115 : memref<1x112x128xf32, #tpu.memory_space<vmem>> -> memref<112x128xf32, #tpu.memory_space<vmem>>
    %dma_wait3A_117 = arith.constant 0 : i32
    %dma_wait3A_118 = tpu.memref_slice %arg7[%dma_wait3A_111, %dma_wait3A_117] : memref<3x112xi32, #tpu.memory_space<vmem>> -> memref<1x112xi32, #tpu.memory_space<vmem>>
    %dma_wait3A_119 = tpu.memref_squeeze %dma_wait3A_118 : memref<1x112xi32, #tpu.memory_space<vmem>> -> memref<112xi32, #tpu.memory_space<vmem>>
    %dma_wait3A_120 = arith.constant 0 : i32
    %dma_wait3A_121 = arith.constant 0 : i32
    %dma_wait3A_122 = tpu.memref_slice %arg2[%dma_wait3A_120, %dma_wait3A_121] : memref<20000x128xf32, #tpu.memory_space<hbm>> -> memref<20000x128xf32, #tpu.memory_space<hbm>>
    tpu.wait_indirect_dma semaphore(%arg13 : memref<!tpu.dma_semaphore, #tpu.memory_space<semaphore_mem>>) src(%dma_wait3A_122 : memref<20000x128xf32, #tpu.memory_space<hbm>>) dst(%dma_wait3A_116 : memref<112x128xf32, #tpu.memory_space<vmem>>)
    %dma_start3A_123 = arith.constant 2 : i32
    %dma_start3A_124 = arith.constant 2 : i32
    %dma_start3A_125 = arith.constant 0 : i32
    %dma_start3A_126 = arith.constant 0 : i32
    %dma_start3A_127 = tpu.memref_slice %arg9[%dma_start3A_123, %dma_start3A_125, %dma_start3A_126] : memref<3x112x128xf32, #tpu.memory_space<vmem>> -> memref<1x112x128xf32, #tpu.memory_space<vmem>>
    %dma_start3A_128 = tpu.memref_squeeze %dma_start3A_127 : memref<1x112x128xf32, #tpu.memory_space<vmem>> -> memref<112x128xf32, #tpu.memory_space<vmem>>
    %dma_start3A_129 = arith.constant 0 : i32
    %dma_start3A_130 = tpu.memref_slice %arg8[%dma_start3A_124, %dma_start3A_129] : memref<3x112xi32, #tpu.memory_space<vmem>> -> memref<1x112xi32, #tpu.memory_space<vmem>>
    %dma_start3A_131 = tpu.memref_squeeze %dma_start3A_130 : memref<1x112xi32, #tpu.memory_space<vmem>> -> memref<112xi32, #tpu.memory_space<vmem>>
    %dma_start3A_132 = arith.constant 0 : i32
    %dma_start3A_133 = arith.constant 0 : i32
    %dma_start3A_134 = tpu.memref_slice %arg10[%dma_start3A_132, %dma_start3A_133] : memref<10112x128xf32, #tpu.memory_space<vmem_shared>> -> memref<10112x128xf32, #tpu.memory_space<vmem_shared>>
    tpu.enqueue_indirect_dma source(%dma_start3A_128 : memref<112x128xf32, #tpu.memory_space<vmem>>) target(%dma_start3A_134 : memref<10112x128xf32, #tpu.memory_space<vmem_shared>>) offsets(%dma_start3A_131 : memref<112xi32, #tpu.memory_space<vmem>>) semaphore(%arg16 : memref<!tpu.dma_semaphore, #tpu.memory_space<semaphore_mem>>) {add = true}
    %dma_wait3A_135 = arith.constant 0 : i32
    %dma_wait3A_136 = arith.constant 0 : i32
    %dma_wait3A_137 = arith.constant 0 : i32
    %dma_wait3A_138 = arith.constant 0 : i32
    %dma_wait3A_139 = tpu.memref_slice %arg9[%dma_wait3A_135, %dma_wait3A_137, %dma_wait3A_138] : memref<3x112x128xf32, #tpu.memory_space<vmem>> -> memref<1x112x128xf32, #tpu.memory_space<vmem>>
    %dma_wait3A_140 = tpu.memref_squeeze %dma_wait3A_139 : memref<1x112x128xf32, #tpu.memory_space<vmem>> -> memref<112x128xf32, #tpu.memory_space<vmem>>
    %dma_wait3A_141 = arith.constant 0 : i32
    %dma_wait3A_142 = tpu.memref_slice %arg8[%dma_wait3A_136, %dma_wait3A_141] : memref<3x112xi32, #tpu.memory_space<vmem>> -> memref<1x112xi32, #tpu.memory_space<vmem>>
    %dma_wait3A_143 = tpu.memref_squeeze %dma_wait3A_142 : memref<1x112xi32, #tpu.memory_space<vmem>> -> memref<112xi32, #tpu.memory_space<vmem>>
    %dma_wait3A_144 = arith.constant 0 : i32
    %dma_wait3A_145 = arith.constant 0 : i32
    %dma_wait3A_146 = tpu.memref_slice %arg10[%dma_wait3A_144, %dma_wait3A_145] : memref<10112x128xf32, #tpu.memory_space<vmem_shared>> -> memref<10112x128xf32, #tpu.memory_space<vmem_shared>>
    tpu.wait_indirect_dma semaphore(%arg14 : memref<!tpu.dma_semaphore, #tpu.memory_space<semaphore_mem>>) src(%dma_wait3A_140 : memref<112x128xf32, #tpu.memory_space<vmem>>) dst(%dma_wait3A_146 : memref<10112x128xf32, #tpu.memory_space<vmem_shared>>)
    %dma_wait3A_147 = arith.constant 1 : i32
    %dma_wait3A_148 = arith.constant 1 : i32
    %dma_wait3A_149 = arith.constant 0 : i32
    %dma_wait3A_150 = arith.constant 0 : i32
    %dma_wait3A_151 = tpu.memref_slice %arg9[%dma_wait3A_147, %dma_wait3A_149, %dma_wait3A_150] : memref<3x112x128xf32, #tpu.memory_space<vmem>> -> memref<1x112x128xf32, #tpu.memory_space<vmem>>
    %dma_wait3A_152 = tpu.memref_squeeze %dma_wait3A_151 : memref<1x112x128xf32, #tpu.memory_space<vmem>> -> memref<112x128xf32, #tpu.memory_space<vmem>>
    %dma_wait3A_153 = arith.constant 0 : i32
    %dma_wait3A_154 = tpu.memref_slice %arg8[%dma_wait3A_148, %dma_wait3A_153] : memref<3x112xi32, #tpu.memory_space<vmem>> -> memref<1x112xi32, #tpu.memory_space<vmem>>
    %dma_wait3A_155 = tpu.memref_squeeze %dma_wait3A_154 : memref<1x112xi32, #tpu.memory_space<vmem>> -> memref<112xi32, #tpu.memory_space<vmem>>
    %dma_wait3A_156 = arith.constant 0 : i32
    %dma_wait3A_157 = arith.constant 0 : i32
    %dma_wait3A_158 = tpu.memref_slice %arg10[%dma_wait3A_156, %dma_wait3A_157] : memref<10112x128xf32, #tpu.memory_space<vmem_shared>> -> memref<10112x128xf32, #tpu.memory_space<vmem_shared>>
    tpu.wait_indirect_dma semaphore(%arg15 : memref<!tpu.dma_semaphore, #tpu.memory_space<semaphore_mem>>) src(%dma_wait3A_152 : memref<112x128xf32, #tpu.memory_space<vmem>>) dst(%dma_wait3A_158 : memref<10112x128xf32, #tpu.memory_space<vmem_shared>>)
    %dma_wait3A_159 = arith.constant 2 : i32
    %dma_wait3A_160 = arith.constant 2 : i32
    %dma_wait3A_161 = arith.constant 0 : i32
    %dma_wait3A_162 = arith.constant 0 : i32
    %dma_wait3A_163 = tpu.memref_slice %arg9[%dma_wait3A_159, %dma_wait3A_161, %dma_wait3A_162] : memref<3x112x128xf32, #tpu.memory_space<vmem>> -> memref<1x112x128xf32, #tpu.memory_space<vmem>>
    %dma_wait3A_164 = tpu.memref_squeeze %dma_wait3A_163 : memref<1x112x128xf32, #tpu.memory_space<vmem>> -> memref<112x128xf32, #tpu.memory_space<vmem>>
    %dma_wait3A_165 = arith.constant 0 : i32
    %dma_wait3A_166 = tpu.memref_slice %arg8[%dma_wait3A_160, %dma_wait3A_165] : memref<3x112xi32, #tpu.memory_space<vmem>> -> memref<1x112xi32, #tpu.memory_space<vmem>>
    %dma_wait3A_167 = tpu.memref_squeeze %dma_wait3A_166 : memref<1x112xi32, #tpu.memory_space<vmem>> -> memref<112xi32, #tpu.memory_space<vmem>>
    %dma_wait3A_168 = arith.constant 0 : i32
    %dma_wait3A_169 = arith.constant 0 : i32
    %dma_wait3A_170 = tpu.memref_slice %arg10[%dma_wait3A_168, %dma_wait3A_169] : memref<10112x128xf32, #tpu.memory_space<vmem_shared>> -> memref<10112x128xf32, #tpu.memory_space<vmem_shared>>
    tpu.wait_indirect_dma semaphore(%arg16 : memref<!tpu.dma_semaphore, #tpu.memory_space<semaphore_mem>>) src(%dma_wait3A_164 : memref<112x128xf32, #tpu.memory_space<vmem>>) dst(%dma_wait3A_170 : memref<10112x128xf32, #tpu.memory_space<vmem_shared>>)
    %barrier3A_171 = arith.constant 0 : index
    tpu.barrier barrier_id(%barrier3A_171)
    %mul3A_172 = arith.constant 10112 : i32
    %mul3A_173 = arith.muli %arg0, %mul3A_172 : i32
    %add3A_174 = arith.addi %mul3A_173, %mul3A_6 : i32
    "tpu.region"() ({
      %run_scoped3A_175 = tpu.sem_alloc : memref<!tpu.dma_semaphore, #tpu.memory_space<semaphore_mem>>
      %dma_start3A_176 = arith.constant 0 : i32
      %dma_start3A_177 = tpu.memref_slice %arg6[%add3A_174, %dma_start3A_176] : memref<20224x128xf32, #tpu.memory_space<hbm>> -> memref<632x128xf32, #tpu.memory_space<hbm>>
      %dma_start3A_178 = arith.constant 0 : i32
      %dma_start3A_179 = tpu.memref_slice %arg10[%mul3A_6, %dma_start3A_178] : memref<10112x128xf32, #tpu.memory_space<vmem_shared>> -> memref<632x128xf32, #tpu.memory_space<vmem_shared>>
      tpu.enqueue_dma source(%dma_start3A_179 : memref<632x128xf32, #tpu.memory_space<vmem_shared>>) target(%dma_start3A_177 : memref<632x128xf32, #tpu.memory_space<hbm>>) target_semaphore(%run_scoped3A_175 : memref<!tpu.dma_semaphore, #tpu.memory_space<semaphore_mem>>)
      %dma_wait3A_180 = arith.constant 0 : i32
      %dma_wait3A_181 = tpu.memref_slice %arg6[%add3A_174, %dma_wait3A_180] : memref<20224x128xf32, #tpu.memory_space<hbm>> -> memref<632x128xf32, #tpu.memory_space<hbm>>
      %dma_wait3A_182 = arith.constant 0 : i32
      %dma_wait3A_183 = tpu.memref_slice %arg10[%mul3A_6, %dma_wait3A_182] : memref<10112x128xf32, #tpu.memory_space<vmem_shared>> -> memref<632x128xf32, #tpu.memory_space<vmem_shared>>
      tpu.wait_dma2 semaphore(%run_scoped3A_175 : memref<!tpu.dma_semaphore, #tpu.memory_space<semaphore_mem>>) src(%dma_wait3A_183 : memref<632x128xf32, #tpu.memory_space<vmem_shared>>) dst(%dma_wait3A_181 : memref<632x128xf32, #tpu.memory_space<hbm>>)
      tpu.yield
    }) : () -> ()
    return
  }
}

#map = affine_map<(d0, d1) -> (0, 0)>
#map1 = affine_map<(d0, d1) -> (0)>
module attributes {stable_mosaic.version = 14 : i64} {
  func.func @_seg_body(%arg0: i32, %arg1: i32, %arg2: memref<20000x128xf32, #tpu.memory_space<hbm>>, %arg3: memref<645120xi32, #tpu.memory_space<hbm>>, %arg4: memref<322560xi32, #tpu.memory_space<hbm>>, %arg5: memref<10112x128xf32, #tpu.memory_space<hbm>>, %arg6: memref<20224x128xf32, #tpu.memory_space<hbm>>, %arg7: memref<3x112xi32, #tpu.memory_space<vmem>>, %arg8: memref<3x112xi32, #tpu.memory_space<vmem>>, %arg9: memref<3x112x128xf32, #tpu.memory_space<vmem>>, %arg10: memref<10112x128xf32, #tpu.memory_space<vmem_shared>>, %arg11: memref<!tpu.dma_semaphore, #tpu.memory_space<semaphore_mem>>, %arg12: memref<!tpu.dma_semaphore, #tpu.memory_space<semaphore_mem>>, %arg13: memref<!tpu.dma_semaphore, #tpu.memory_space<semaphore_mem>>, %arg14: memref<!tpu.dma_semaphore, #tpu.memory_space<semaphore_mem>>, %arg15: memref<!tpu.dma_semaphore, #tpu.memory_space<semaphore_mem>>, %arg16: memref<!tpu.dma_semaphore, #tpu.memory_space<semaphore_mem>>) attributes {dimension_semantics = [#tpu.dimension_semantics<core_parallel>, #tpu.dimension_semantics<subcore_parallel>], iteration_bounds = array<i64: 2, 16>, scalar_prefetch = 0 : i64, scratch_operands = 10 : i64, tpu.core_type = #tpu.core_type<sc_vector_subcore>, window_params = [{transform_indices = #map}, {transform_indices = #map1}, {transform_indices = #map1}, {transform_indices = #map}, {transform_indices = #map}]} {
    %mul3A = arith.constant 180 : i32
    %mul3A_0 = arith.muli %arg1, %mul3A : i32
    %mul3A_1 = arith.constant 112 : i32
    %mul3A_2 = arith.muli %mul3A_0, %mul3A_1 : i32
    %mul3A_3 = arith.constant 322560 : i32
    %mul3A_4 = arith.muli %arg0, %mul3A_3 : i32
    %add3A = arith.addi %mul3A_4, %mul3A_2 : i32
    %mul3A_5 = arith.constant 632 : i32
    %mul3A_6 = arith.muli %arg1, %mul3A_5 : i32
    "tpu.region"() ({
      %run_scoped3A_175 = tpu.sem_alloc : memref<!tpu.dma_semaphore, #tpu.memory_space<semaphore_mem>>
      %dma_start3A_176 = arith.constant 0 : i32
      %dma_start3A_177 = tpu.memref_slice %arg10[%mul3A_6, %dma_start3A_176] : memref<10112x128xf32, #tpu.memory_space<vmem_shared>> -> memref<632x128xf32, #tpu.memory_space<vmem_shared>>
      %dma_start3A_178 = arith.constant 0 : i32
      %dma_start3A_179 = tpu.memref_slice %arg5[%mul3A_6, %dma_start3A_178] : memref<10112x128xf32, #tpu.memory_space<hbm>> -> memref<632x128xf32, #tpu.memory_space<hbm>>
      tpu.enqueue_dma source(%dma_start3A_179 : memref<632x128xf32, #tpu.memory_space<hbm>>) target(%dma_start3A_177 : memref<632x128xf32, #tpu.memory_space<vmem_shared>>) target_semaphore(%run_scoped3A_175 : memref<!tpu.dma_semaphore, #tpu.memory_space<semaphore_mem>>)
      %dma_wait3A_180 = arith.constant 0 : i32
      %dma_wait3A_181 = tpu.memref_slice %arg10[%mul3A_6, %dma_wait3A_180] : memref<10112x128xf32, #tpu.memory_space<vmem_shared>> -> memref<632x128xf32, #tpu.memory_space<vmem_shared>>
      %dma_wait3A_182 = arith.constant 0 : i32
      %dma_wait3A_183 = tpu.memref_slice %arg5[%mul3A_6, %dma_wait3A_182] : memref<10112x128xf32, #tpu.memory_space<hbm>> -> memref<632x128xf32, #tpu.memory_space<hbm>>
      tpu.wait_dma2 semaphore(%run_scoped3A_175 : memref<!tpu.dma_semaphore, #tpu.memory_space<semaphore_mem>>) src(%dma_wait3A_183 : memref<632x128xf32, #tpu.memory_space<hbm>>) dst(%dma_wait3A_181 : memref<632x128xf32, #tpu.memory_space<vmem_shared>>)
      tpu.yield
    }) : () -> ()
    %barrier3A = arith.constant 0 : index
    tpu.barrier barrier_id(%barrier3A)
    %add3A_7 = arith.constant 0 : i32
    %add3A_8 = arith.addi %mul3A_2, %add3A_7 : i32
    %run_scoped3A = arith.constant 0 : i32
    "tpu.region"() ({
      %run_scoped3A_175 = tpu.sem_alloc : memref<!tpu.dma_semaphore, #tpu.memory_space<semaphore_mem>>
      %dma_start3A_176 = arith.constant 0 : i32
      %dma_start3A_177 = tpu.memref_slice %arg8[%run_scoped3A, %dma_start3A_176] : memref<3x112xi32, #tpu.memory_space<vmem>> -> memref<1x112xi32, #tpu.memory_space<vmem>>
      %dma_start3A_178 = tpu.memref_squeeze %dma_start3A_177 : memref<1x112xi32, #tpu.memory_space<vmem>> -> memref<112xi32, #tpu.memory_space<vmem>>
      %dma_start3A_179 = tpu.memref_slice %arg4[%add3A_8] : memref<322560xi32, #tpu.memory_space<hbm>> -> memref<112xi32, #tpu.memory_space<hbm>>
      %dma_start3A_180 = arith.constant 0 : i32
      %dma_start3A_181 = tpu.memref_slice %arg8[%run_scoped3A, %dma_start3A_180] : memref<3x112xi32, #tpu.memory_space<vmem>> -> memref<1x112xi32, #tpu.memory_space<vmem>>
      %dma_start3A_182 = tpu.memref_squeeze %dma_start3A_181 : memref<1x112xi32, #tpu.memory_space<vmem>> -> memref<112xi32, #tpu.memory_space<vmem>>
      %dma_start3A_183 = tpu.memref_slice %arg4[%add3A_8] : memref<322560xi32, #tpu.memory_space<hbm>> -> memref<112xi32, #tpu.memory_space<hbm>>
      tpu.enqueue_dma source(%dma_start3A_183 : memref<112xi32, #tpu.memory_space<hbm>>) target(%dma_start3A_182 : memref<112xi32, #tpu.memory_space<vmem>>) target_semaphore(%run_scoped3A_175 : memref<!tpu.dma_semaphore, #tpu.memory_space<semaphore_mem>>)
      %dma_wait3A_184 = arith.constant 0 : i32
      %dma_wait3A_185 = tpu.memref_slice %arg8[%run_scoped3A, %dma_wait3A_184] : memref<3x112xi32, #tpu.memory_space<vmem>> -> memref<1x112xi32, #tpu.memory_space<vmem>>
      %dma_wait3A_186 = tpu.memref_squeeze %dma_wait3A_185 : memref<1x112xi32, #tpu.memory_space<vmem>> -> memref<112xi32, #tpu.memory_space<vmem>>
      %dma_wait3A_187 = tpu.memref_slice %arg4[%add3A_8] : memref<322560xi32, #tpu.memory_space<hbm>> -> memref<112xi32, #tpu.memory_space<hbm>>
      %dma_wait3A_188 = arith.constant 0 : i32
      %dma_wait3A_189 = tpu.memref_slice %arg8[%run_scoped3A, %dma_wait3A_188] : memref<3x112xi32, #tpu.memory_space<vmem>> -> memref<1x112xi32, #tpu.memory_space<vmem>>
      %dma_wait3A_190 = tpu.memref_squeeze %dma_wait3A_189 : memref<1x112xi32, #tpu.memory_space<vmem>> -> memref<112xi32, #tpu.memory_space<vmem>>
      %dma_wait3A_191 = tpu.memref_slice %arg4[%add3A_8] : memref<322560xi32, #tpu.memory_space<hbm>> -> memref<112xi32, #tpu.memory_space<hbm>>
      tpu.wait_dma2 semaphore(%run_scoped3A_175 : memref<!tpu.dma_semaphore, #tpu.memory_space<semaphore_mem>>) src(%dma_wait3A_191 : memref<112xi32, #tpu.memory_space<hbm>>) dst(%dma_wait3A_190 : memref<112xi32, #tpu.memory_space<vmem>>)
      tpu.yield
    }) : () -> ()
    %add3A_9 = arith.constant 0 : i32
    %add3A_10 = arith.addi %add3A, %add3A_9 : i32
    %run_scoped3A_11 = arith.constant 0 : i32
    "tpu.region"() ({
      %run_scoped3A_175 = tpu.sem_alloc : memref<!tpu.dma_semaphore, #tpu.memory_space<semaphore_mem>>
      %dma_start3A_176 = arith.constant 0 : i32
      %dma_start3A_177 = tpu.memref_slice %arg7[%run_scoped3A_11, %dma_start3A_176] : memref<3x112xi32, #tpu.memory_space<vmem>> -> memref<1x112xi32, #tpu.memory_space<vmem>>
      %dma_start3A_178 = tpu.memref_squeeze %dma_start3A_177 : memref<1x112xi32, #tpu.memory_space<vmem>> -> memref<112xi32, #tpu.memory_space<vmem>>
      %dma_start3A_179 = tpu.memref_slice %arg3[%add3A_10] : memref<645120xi32, #tpu.memory_space<hbm>> -> memref<112xi32, #tpu.memory_space<hbm>>
      %dma_start3A_180 = arith.constant 0 : i32
      %dma_start3A_181 = tpu.memref_slice %arg7[%run_scoped3A_11, %dma_start3A_180] : memref<3x112xi32, #tpu.memory_space<vmem>> -> memref<1x112xi32, #tpu.memory_space<vmem>>
      %dma_start3A_182 = tpu.memref_squeeze %dma_start3A_181 : memref<1x112xi32, #tpu.memory_space<vmem>> -> memref<112xi32, #tpu.memory_space<vmem>>
      %dma_start3A_183 = tpu.memref_slice %arg3[%add3A_10] : memref<645120xi32, #tpu.memory_space<hbm>> -> memref<112xi32, #tpu.memory_space<hbm>>
      tpu.enqueue_dma source(%dma_start3A_183 : memref<112xi32, #tpu.memory_space<hbm>>) target(%dma_start3A_182 : memref<112xi32, #tpu.memory_space<vmem>>) target_semaphore(%run_scoped3A_175 : memref<!tpu.dma_semaphore, #tpu.memory_space<semaphore_mem>>)
      %dma_wait3A_184 = arith.constant 0 : i32
      %dma_wait3A_185 = tpu.memref_slice %arg7[%run_scoped3A_11, %dma_wait3A_184] : memref<3x112xi32, #tpu.memory_space<vmem>> -> memref<1x112xi32, #tpu.memory_space<vmem>>
      %dma_wait3A_186 = tpu.memref_squeeze %dma_wait3A_185 : memref<1x112xi32, #tpu.memory_space<vmem>> -> memref<112xi32, #tpu.memory_space<vmem>>
      %dma_wait3A_187 = tpu.memref_slice %arg3[%add3A_10] : memref<645120xi32, #tpu.memory_space<hbm>> -> memref<112xi32, #tpu.memory_space<hbm>>
      %dma_wait3A_188 = arith.constant 0 : i32
      %dma_wait3A_189 = tpu.memref_slice %arg7[%run_scoped3A_11, %dma_wait3A_188] : memref<3x112xi32, #tpu.memory_space<vmem>> -> memref<1x112xi32, #tpu.memory_space<vmem>>
      %dma_wait3A_190 = tpu.memref_squeeze %dma_wait3A_189 : memref<1x112xi32, #tpu.memory_space<vmem>> -> memref<112xi32, #tpu.memory_space<vmem>>
      %dma_wait3A_191 = tpu.memref_slice %arg3[%add3A_10] : memref<645120xi32, #tpu.memory_space<hbm>> -> memref<112xi32, #tpu.memory_space<hbm>>
      tpu.wait_dma2 semaphore(%run_scoped3A_175 : memref<!tpu.dma_semaphore, #tpu.memory_space<semaphore_mem>>) src(%dma_wait3A_191 : memref<112xi32, #tpu.memory_space<hbm>>) dst(%dma_wait3A_190 : memref<112xi32, #tpu.memory_space<vmem>>)
      tpu.yield
    }) : () -> ()
    %dma_start3A = arith.constant 0 : i32
    %dma_start3A_12 = arith.constant 0 : i32
    %dma_start3A_13 = arith.constant 0 : i32
    %dma_start3A_14 = arith.constant 0 : i32
    %dma_start3A_15 = tpu.memref_slice %arg9[%dma_start3A_12, %dma_start3A_13, %dma_start3A_14] : memref<3x112x128xf32, #tpu.memory_space<vmem>> -> memref<1x112x128xf32, #tpu.memory_space<vmem>>
    %dma_start3A_16 = tpu.memref_squeeze %dma_start3A_15 : memref<1x112x128xf32, #tpu.memory_space<vmem>> -> memref<112x128xf32, #tpu.memory_space<vmem>>
    %dma_start3A_17 = arith.constant 0 : i32
    %dma_start3A_18 = tpu.memref_slice %arg7[%dma_start3A, %dma_start3A_17] : memref<3x112xi32, #tpu.memory_space<vmem>> -> memref<1x112xi32, #tpu.memory_space<vmem>>
    %dma_start3A_19 = tpu.memref_squeeze %dma_start3A_18 : memref<1x112xi32, #tpu.memory_space<vmem>> -> memref<112xi32, #tpu.memory_space<vmem>>
    %dma_start3A_20 = arith.constant 0 : i32
    %dma_start3A_21 = arith.constant 0 : i32
    %dma_start3A_22 = tpu.memref_slice %arg2[%dma_start3A_20, %dma_start3A_21] : memref<20000x128xf32, #tpu.memory_space<hbm>> -> memref<20000x128xf32, #tpu.memory_space<hbm>>
    tpu.enqueue_indirect_dma source(%dma_start3A_22 : memref<20000x128xf32, #tpu.memory_space<hbm>>) target(%dma_start3A_16 : memref<112x128xf32, #tpu.memory_space<vmem>>) offsets(%dma_start3A_19 : memref<112xi32, #tpu.memory_space<vmem>>) semaphore(%arg11 : memref<!tpu.dma_semaphore, #tpu.memory_space<semaphore_mem>>)
    %add3A_23 = arith.constant 112 : i32
    %add3A_24 = arith.addi %mul3A_2, %add3A_23 : i32
    %run_scoped3A_25 = arith.constant 1 : i32
    "tpu.region"() ({
      %run_scoped3A_175 = tpu.sem_alloc : memref<!tpu.dma_semaphore, #tpu.memory_space<semaphore_mem>>
      %dma_start3A_176 = arith.constant 0 : i32
      %dma_start3A_177 = tpu.memref_slice %arg8[%run_scoped3A_25, %dma_start3A_176] : memref<3x112xi32, #tpu.memory_space<vmem>> -> memref<1x112xi32, #tpu.memory_space<vmem>>
      %dma_start3A_178 = tpu.memref_squeeze %dma_start3A_177 : memref<1x112xi32, #tpu.memory_space<vmem>> -> memref<112xi32, #tpu.memory_space<vmem>>
      %dma_start3A_179 = tpu.memref_slice %arg4[%add3A_24] : memref<322560xi32, #tpu.memory_space<hbm>> -> memref<112xi32, #tpu.memory_space<hbm>>
      %dma_start3A_180 = arith.constant 0 : i32
      %dma_start3A_181 = tpu.memref_slice %arg8[%run_scoped3A_25, %dma_start3A_180] : memref<3x112xi32, #tpu.memory_space<vmem>> -> memref<1x112xi32, #tpu.memory_space<vmem>>
      %dma_start3A_182 = tpu.memref_squeeze %dma_start3A_181 : memref<1x112xi32, #tpu.memory_space<vmem>> -> memref<112xi32, #tpu.memory_space<vmem>>
      %dma_start3A_183 = tpu.memref_slice %arg4[%add3A_24] : memref<322560xi32, #tpu.memory_space<hbm>> -> memref<112xi32, #tpu.memory_space<hbm>>
      tpu.enqueue_dma source(%dma_start3A_183 : memref<112xi32, #tpu.memory_space<hbm>>) target(%dma_start3A_182 : memref<112xi32, #tpu.memory_space<vmem>>) target_semaphore(%run_scoped3A_175 : memref<!tpu.dma_semaphore, #tpu.memory_space<semaphore_mem>>)
      %dma_wait3A_184 = arith.constant 0 : i32
      %dma_wait3A_185 = tpu.memref_slice %arg8[%run_scoped3A_25, %dma_wait3A_184] : memref<3x112xi32, #tpu.memory_space<vmem>> -> memref<1x112xi32, #tpu.memory_space<vmem>>
      %dma_wait3A_186 = tpu.memref_squeeze %dma_wait3A_185 : memref<1x112xi32, #tpu.memory_space<vmem>> -> memref<112xi32, #tpu.memory_space<vmem>>
      %dma_wait3A_187 = tpu.memref_slice %arg4[%add3A_24] : memref<322560xi32, #tpu.memory_space<hbm>> -> memref<112xi32, #tpu.memory_space<hbm>>
      %dma_wait3A_188 = arith.constant 0 : i32
      %dma_wait3A_189 = tpu.memref_slice %arg8[%run_scoped3A_25, %dma_wait3A_188] : memref<3x112xi32, #tpu.memory_space<vmem>> -> memref<1x112xi32, #tpu.memory_space<vmem>>
      %dma_wait3A_190 = tpu.memref_squeeze %dma_wait3A_189 : memref<1x112xi32, #tpu.memory_space<vmem>> -> memref<112xi32, #tpu.memory_space<vmem>>
      %dma_wait3A_191 = tpu.memref_slice %arg4[%add3A_24] : memref<322560xi32, #tpu.memory_space<hbm>> -> memref<112xi32, #tpu.memory_space<hbm>>
      tpu.wait_dma2 semaphore(%run_scoped3A_175 : memref<!tpu.dma_semaphore, #tpu.memory_space<semaphore_mem>>) src(%dma_wait3A_191 : memref<112xi32, #tpu.memory_space<hbm>>) dst(%dma_wait3A_190 : memref<112xi32, #tpu.memory_space<vmem>>)
      tpu.yield
    }) : () -> ()
    %add3A_26 = arith.constant 112 : i32
    %add3A_27 = arith.addi %add3A, %add3A_26 : i32
    %run_scoped3A_28 = arith.constant 1 : i32
    "tpu.region"() ({
      %run_scoped3A_175 = tpu.sem_alloc : memref<!tpu.dma_semaphore, #tpu.memory_space<semaphore_mem>>
      %dma_start3A_176 = arith.constant 0 : i32
      %dma_start3A_177 = tpu.memref_slice %arg7[%run_scoped3A_28, %dma_start3A_176] : memref<3x112xi32, #tpu.memory_space<vmem>> -> memref<1x112xi32, #tpu.memory_space<vmem>>
      %dma_start3A_178 = tpu.memref_squeeze %dma_start3A_177 : memref<1x112xi32, #tpu.memory_space<vmem>> -> memref<112xi32, #tpu.memory_space<vmem>>
      %dma_start3A_179 = tpu.memref_slice %arg3[%add3A_27] : memref<645120xi32, #tpu.memory_space<hbm>> -> memref<112xi32, #tpu.memory_space<hbm>>
      %dma_start3A_180 = arith.constant 0 : i32
      %dma_start3A_181 = tpu.memref_slice %arg7[%run_scoped3A_28, %dma_start3A_180] : memref<3x112xi32, #tpu.memory_space<vmem>> -> memref<1x112xi32, #tpu.memory_space<vmem>>
      %dma_start3A_182 = tpu.memref_squeeze %dma_start3A_181 : memref<1x112xi32, #tpu.memory_space<vmem>> -> memref<112xi32, #tpu.memory_space<vmem>>
      %dma_start3A_183 = tpu.memref_slice %arg3[%add3A_27] : memref<645120xi32, #tpu.memory_space<hbm>> -> memref<112xi32, #tpu.memory_space<hbm>>
      tpu.enqueue_dma source(%dma_start3A_183 : memref<112xi32, #tpu.memory_space<hbm>>) target(%dma_start3A_182 : memref<112xi32, #tpu.memory_space<vmem>>) target_semaphore(%run_scoped3A_175 : memref<!tpu.dma_semaphore, #tpu.memory_space<semaphore_mem>>)
      %dma_wait3A_184 = arith.constant 0 : i32
      %dma_wait3A_185 = tpu.memref_slice %arg7[%run_scoped3A_28, %dma_wait3A_184] : memref<3x112xi32, #tpu.memory_space<vmem>> -> memref<1x112xi32, #tpu.memory_space<vmem>>
      %dma_wait3A_186 = tpu.memref_squeeze %dma_wait3A_185 : memref<1x112xi32, #tpu.memory_space<vmem>> -> memref<112xi32, #tpu.memory_space<vmem>>
      %dma_wait3A_187 = tpu.memref_slice %arg3[%add3A_27] : memref<645120xi32, #tpu.memory_space<hbm>> -> memref<112xi32, #tpu.memory_space<hbm>>
      %dma_wait3A_188 = arith.constant 0 : i32
      %dma_wait3A_189 = tpu.memref_slice %arg7[%run_scoped3A_28, %dma_wait3A_188] : memref<3x112xi32, #tpu.memory_space<vmem>> -> memref<1x112xi32, #tpu.memory_space<vmem>>
      %dma_wait3A_190 = tpu.memref_squeeze %dma_wait3A_189 : memref<1x112xi32, #tpu.memory_space<vmem>> -> memref<112xi32, #tpu.memory_space<vmem>>
      %dma_wait3A_191 = tpu.memref_slice %arg3[%add3A_27] : memref<645120xi32, #tpu.memory_space<hbm>> -> memref<112xi32, #tpu.memory_space<hbm>>
      tpu.wait_dma2 semaphore(%run_scoped3A_175 : memref<!tpu.dma_semaphore, #tpu.memory_space<semaphore_mem>>) src(%dma_wait3A_191 : memref<112xi32, #tpu.memory_space<hbm>>) dst(%dma_wait3A_190 : memref<112xi32, #tpu.memory_space<vmem>>)
      tpu.yield
    }) : () -> ()
    %dma_start3A_29 = arith.constant 1 : i32
    %dma_start3A_30 = arith.constant 1 : i32
    %dma_start3A_31 = arith.constant 0 : i32
    %dma_start3A_32 = arith.constant 0 : i32
    %dma_start3A_33 = tpu.memref_slice %arg9[%dma_start3A_30, %dma_start3A_31, %dma_start3A_32] : memref<3x112x128xf32, #tpu.memory_space<vmem>> -> memref<1x112x128xf32, #tpu.memory_space<vmem>>
    %dma_start3A_34 = tpu.memref_squeeze %dma_start3A_33 : memref<1x112x128xf32, #tpu.memory_space<vmem>> -> memref<112x128xf32, #tpu.memory_space<vmem>>
    %dma_start3A_35 = arith.constant 0 : i32
    %dma_start3A_36 = tpu.memref_slice %arg7[%dma_start3A_29, %dma_start3A_35] : memref<3x112xi32, #tpu.memory_space<vmem>> -> memref<1x112xi32, #tpu.memory_space<vmem>>
    %dma_start3A_37 = tpu.memref_squeeze %dma_start3A_36 : memref<1x112xi32, #tpu.memory_space<vmem>> -> memref<112xi32, #tpu.memory_space<vmem>>
    %dma_start3A_38 = arith.constant 0 : i32
    %dma_start3A_39 = arith.constant 0 : i32
    %dma_start3A_40 = tpu.memref_slice %arg2[%dma_start3A_38, %dma_start3A_39] : memref<20000x128xf32, #tpu.memory_space<hbm>> -> memref<20000x128xf32, #tpu.memory_space<hbm>>
    tpu.enqueue_indirect_dma source(%dma_start3A_40 : memref<20000x128xf32, #tpu.memory_space<hbm>>) target(%dma_start3A_34 : memref<112x128xf32, #tpu.memory_space<vmem>>) offsets(%dma_start3A_37 : memref<112xi32, #tpu.memory_space<vmem>>) semaphore(%arg12 : memref<!tpu.dma_semaphore, #tpu.memory_space<semaphore_mem>>)
    %add3A_41 = arith.constant 224 : i32
    %add3A_42 = arith.addi %mul3A_2, %add3A_41 : i32
    %run_scoped3A_43 = arith.constant 2 : i32
    "tpu.region"() ({
      %run_scoped3A_175 = tpu.sem_alloc : memref<!tpu.dma_semaphore, #tpu.memory_space<semaphore_mem>>
      %dma_start3A_176 = arith.constant 0 : i32
      %dma_start3A_177 = tpu.memref_slice %arg8[%run_scoped3A_43, %dma_start3A_176] : memref<3x112xi32, #tpu.memory_space<vmem>> -> memref<1x112xi32, #tpu.memory_space<vmem>>
      %dma_start3A_178 = tpu.memref_squeeze %dma_start3A_177 : memref<1x112xi32, #tpu.memory_space<vmem>> -> memref<112xi32, #tpu.memory_space<vmem>>
      %dma_start3A_179 = tpu.memref_slice %arg4[%add3A_42] : memref<322560xi32, #tpu.memory_space<hbm>> -> memref<112xi32, #tpu.memory_space<hbm>>
      %dma_start3A_180 = arith.constant 0 : i32
      %dma_start3A_181 = tpu.memref_slice %arg8[%run_scoped3A_43, %dma_start3A_180] : memref<3x112xi32, #tpu.memory_space<vmem>> -> memref<1x112xi32, #tpu.memory_space<vmem>>
      %dma_start3A_182 = tpu.memref_squeeze %dma_start3A_181 : memref<1x112xi32, #tpu.memory_space<vmem>> -> memref<112xi32, #tpu.memory_space<vmem>>
      %dma_start3A_183 = tpu.memref_slice %arg4[%add3A_42] : memref<322560xi32, #tpu.memory_space<hbm>> -> memref<112xi32, #tpu.memory_space<hbm>>
      tpu.enqueue_dma source(%dma_start3A_183 : memref<112xi32, #tpu.memory_space<hbm>>) target(%dma_start3A_182 : memref<112xi32, #tpu.memory_space<vmem>>) target_semaphore(%run_scoped3A_175 : memref<!tpu.dma_semaphore, #tpu.memory_space<semaphore_mem>>)
      %dma_wait3A_184 = arith.constant 0 : i32
      %dma_wait3A_185 = tpu.memref_slice %arg8[%run_scoped3A_43, %dma_wait3A_184] : memref<3x112xi32, #tpu.memory_space<vmem>> -> memref<1x112xi32, #tpu.memory_space<vmem>>
      %dma_wait3A_186 = tpu.memref_squeeze %dma_wait3A_185 : memref<1x112xi32, #tpu.memory_space<vmem>> -> memref<112xi32, #tpu.memory_space<vmem>>
      %dma_wait3A_187 = tpu.memref_slice %arg4[%add3A_42] : memref<322560xi32, #tpu.memory_space<hbm>> -> memref<112xi32, #tpu.memory_space<hbm>>
      %dma_wait3A_188 = arith.constant 0 : i32
      %dma_wait3A_189 = tpu.memref_slice %arg8[%run_scoped3A_43, %dma_wait3A_188] : memref<3x112xi32, #tpu.memory_space<vmem>> -> memref<1x112xi32, #tpu.memory_space<vmem>>
      %dma_wait3A_190 = tpu.memref_squeeze %dma_wait3A_189 : memref<1x112xi32, #tpu.memory_space<vmem>> -> memref<112xi32, #tpu.memory_space<vmem>>
      %dma_wait3A_191 = tpu.memref_slice %arg4[%add3A_42] : memref<322560xi32, #tpu.memory_space<hbm>> -> memref<112xi32, #tpu.memory_space<hbm>>
      tpu.wait_dma2 semaphore(%run_scoped3A_175 : memref<!tpu.dma_semaphore, #tpu.memory_space<semaphore_mem>>) src(%dma_wait3A_191 : memref<112xi32, #tpu.memory_space<hbm>>) dst(%dma_wait3A_190 : memref<112xi32, #tpu.memory_space<vmem>>)
      tpu.yield
    }) : () -> ()
    %add3A_44 = arith.constant 224 : i32
    %add3A_45 = arith.addi %add3A, %add3A_44 : i32
    %run_scoped3A_46 = arith.constant 2 : i32
    "tpu.region"() ({
      %run_scoped3A_175 = tpu.sem_alloc : memref<!tpu.dma_semaphore, #tpu.memory_space<semaphore_mem>>
      %dma_start3A_176 = arith.constant 0 : i32
      %dma_start3A_177 = tpu.memref_slice %arg7[%run_scoped3A_46, %dma_start3A_176] : memref<3x112xi32, #tpu.memory_space<vmem>> -> memref<1x112xi32, #tpu.memory_space<vmem>>
      %dma_start3A_178 = tpu.memref_squeeze %dma_start3A_177 : memref<1x112xi32, #tpu.memory_space<vmem>> -> memref<112xi32, #tpu.memory_space<vmem>>
      %dma_start3A_179 = tpu.memref_slice %arg3[%add3A_45] : memref<645120xi32, #tpu.memory_space<hbm>> -> memref<112xi32, #tpu.memory_space<hbm>>
      %dma_start3A_180 = arith.constant 0 : i32
      %dma_start3A_181 = tpu.memref_slice %arg7[%run_scoped3A_46, %dma_start3A_180] : memref<3x112xi32, #tpu.memory_space<vmem>> -> memref<1x112xi32, #tpu.memory_space<vmem>>
      %dma_start3A_182 = tpu.memref_squeeze %dma_start3A_181 : memref<1x112xi32, #tpu.memory_space<vmem>> -> memref<112xi32, #tpu.memory_space<vmem>>
      %dma_start3A_183 = tpu.memref_slice %arg3[%add3A_45] : memref<645120xi32, #tpu.memory_space<hbm>> -> memref<112xi32, #tpu.memory_space<hbm>>
      tpu.enqueue_dma source(%dma_start3A_183 : memref<112xi32, #tpu.memory_space<hbm>>) target(%dma_start3A_182 : memref<112xi32, #tpu.memory_space<vmem>>) target_semaphore(%run_scoped3A_175 : memref<!tpu.dma_semaphore, #tpu.memory_space<semaphore_mem>>)
      %dma_wait3A_184 = arith.constant 0 : i32
      %dma_wait3A_185 = tpu.memref_slice %arg7[%run_scoped3A_46, %dma_wait3A_184] : memref<3x112xi32, #tpu.memory_space<vmem>> -> memref<1x112xi32, #tpu.memory_space<vmem>>
      %dma_wait3A_186 = tpu.memref_squeeze %dma_wait3A_185 : memref<1x112xi32, #tpu.memory_space<vmem>> -> memref<112xi32, #tpu.memory_space<vmem>>
      %dma_wait3A_187 = tpu.memref_slice %arg3[%add3A_45] : memref<645120xi32, #tpu.memory_space<hbm>> -> memref<112xi32, #tpu.memory_space<hbm>>
      %dma_wait3A_188 = arith.constant 0 : i32
      %dma_wait3A_189 = tpu.memref_slice %arg7[%run_scoped3A_46, %dma_wait3A_188] : memref<3x112xi32, #tpu.memory_space<vmem>> -> memref<1x112xi32, #tpu.memory_space<vmem>>
      %dma_wait3A_190 = tpu.memref_squeeze %dma_wait3A_189 : memref<1x112xi32, #tpu.memory_space<vmem>> -> memref<112xi32, #tpu.memory_space<vmem>>
      %dma_wait3A_191 = tpu.memref_slice %arg3[%add3A_45] : memref<645120xi32, #tpu.memory_space<hbm>> -> memref<112xi32, #tpu.memory_space<hbm>>
      tpu.wait_dma2 semaphore(%run_scoped3A_175 : memref<!tpu.dma_semaphore, #tpu.memory_space<semaphore_mem>>) src(%dma_wait3A_191 : memref<112xi32, #tpu.memory_space<hbm>>) dst(%dma_wait3A_190 : memref<112xi32, #tpu.memory_space<vmem>>)
      tpu.yield
    }) : () -> ()
    %dma_start3A_47 = arith.constant 2 : i32
    %dma_start3A_48 = arith.constant 2 : i32
    %dma_start3A_49 = arith.constant 0 : i32
    %dma_start3A_50 = arith.constant 0 : i32
    %dma_start3A_51 = tpu.memref_slice %arg9[%dma_start3A_48, %dma_start3A_49, %dma_start3A_50] : memref<3x112x128xf32, #tpu.memory_space<vmem>> -> memref<1x112x128xf32, #tpu.memory_space<vmem>>
    %dma_start3A_52 = tpu.memref_squeeze %dma_start3A_51 : memref<1x112x128xf32, #tpu.memory_space<vmem>> -> memref<112x128xf32, #tpu.memory_space<vmem>>
    %dma_start3A_53 = arith.constant 0 : i32
    %dma_start3A_54 = tpu.memref_slice %arg7[%dma_start3A_47, %dma_start3A_53] : memref<3x112xi32, #tpu.memory_space<vmem>> -> memref<1x112xi32, #tpu.memory_space<vmem>>
    %dma_start3A_55 = tpu.memref_squeeze %dma_start3A_54 : memref<1x112xi32, #tpu.memory_space<vmem>> -> memref<112xi32, #tpu.memory_space<vmem>>
    %dma_start3A_56 = arith.constant 0 : i32
    %dma_start3A_57 = arith.constant 0 : i32
    %dma_start3A_58 = tpu.memref_slice %arg2[%dma_start3A_56, %dma_start3A_57] : memref<20000x128xf32, #tpu.memory_space<hbm>> -> memref<20000x128xf32, #tpu.memory_space<hbm>>
    tpu.enqueue_indirect_dma source(%dma_start3A_58 : memref<20000x128xf32, #tpu.memory_space<hbm>>) target(%dma_start3A_52 : memref<112x128xf32, #tpu.memory_space<vmem>>) offsets(%dma_start3A_55 : memref<112xi32, #tpu.memory_space<vmem>>) semaphore(%arg13 : memref<!tpu.dma_semaphore, #tpu.memory_space<semaphore_mem>>)
    %scan3A = arith.constant 0 : i32
    %scan3A_59 = arith.constant 0 : i32
    %scan3A_60 = arith.constant 59 : i32
    %scan3A_61 = arith.addi %scan3A_59, %scan3A_60 : i32
    %scan3A_62 = arith.constant 1 : i32
    scf.for %scan3A_175 = %scan3A_59 to %scan3A_61 step %scan3A_62  : i32 {
      %mul3A_176 = arith.constant 3 : i32
      %mul3A_177 = arith.muli %scan3A_175, %mul3A_176 : i32
      %dma_wait3A_178 = arith.constant 0 : i32
      %dma_wait3A_179 = arith.constant 0 : i32
      %dma_wait3A_180 = arith.constant 0 : i32
      %dma_wait3A_181 = arith.constant 0 : i32
      %dma_wait3A_182 = tpu.memref_slice %arg9[%dma_wait3A_179, %dma_wait3A_180, %dma_wait3A_181] : memref<3x112x128xf32, #tpu.memory_space<vmem>> -> memref<1x112x128xf32, #tpu.memory_space<vmem>>
      %dma_wait3A_183 = tpu.memref_squeeze %dma_wait3A_182 : memref<1x112x128xf32, #tpu.memory_space<vmem>> -> memref<112x128xf32, #tpu.memory_space<vmem>>
      %dma_wait3A_184 = arith.constant 0 : i32
      %dma_wait3A_185 = tpu.memref_slice %arg7[%dma_wait3A_178, %dma_wait3A_184] : memref<3x112xi32, #tpu.memory_space<vmem>> -> memref<1x112xi32, #tpu.memory_space<vmem>>
      %dma_wait3A_186 = tpu.memref_squeeze %dma_wait3A_185 : memref<1x112xi32, #tpu.memory_space<vmem>> -> memref<112xi32, #tpu.memory_space<vmem>>
      %dma_wait3A_187 = arith.constant 0 : i32
      %dma_wait3A_188 = arith.constant 0 : i32
      %dma_wait3A_189 = tpu.memref_slice %arg2[%dma_wait3A_187, %dma_wait3A_188] : memref<20000x128xf32, #tpu.memory_space<hbm>> -> memref<20000x128xf32, #tpu.memory_space<hbm>>
      tpu.wait_indirect_dma semaphore(%arg11 : memref<!tpu.dma_semaphore, #tpu.memory_space<semaphore_mem>>) src(%dma_wait3A_189 : memref<20000x128xf32, #tpu.memory_space<hbm>>) dst(%dma_wait3A_183 : memref<112x128xf32, #tpu.memory_space<vmem>>)
      %dma_start3A_190 = arith.constant 0 : i32
      %dma_start3A_191 = arith.constant 0 : i32
      %dma_start3A_192 = arith.constant 0 : i32
      %dma_start3A_193 = arith.constant 0 : i32
      %dma_start3A_194 = tpu.memref_slice %arg9[%dma_start3A_190, %dma_start3A_192, %dma_start3A_193] : memref<3x112x128xf32, #tpu.memory_space<vmem>> -> memref<1x112x128xf32, #tpu.memory_space<vmem>>
      %dma_start3A_195 = tpu.memref_squeeze %dma_start3A_194 : memref<1x112x128xf32, #tpu.memory_space<vmem>> -> memref<112x128xf32, #tpu.memory_space<vmem>>
      %dma_start3A_196 = arith.constant 0 : i32
      %dma_start3A_197 = tpu.memref_slice %arg8[%dma_start3A_191, %dma_start3A_196] : memref<3x112xi32, #tpu.memory_space<vmem>> -> memref<1x112xi32, #tpu.memory_space<vmem>>
      %dma_start3A_198 = tpu.memref_squeeze %dma_start3A_197 : memref<1x112xi32, #tpu.memory_space<vmem>> -> memref<112xi32, #tpu.memory_space<vmem>>
      %dma_start3A_199 = arith.constant 0 : i32
      %dma_start3A_200 = arith.constant 0 : i32
      %dma_start3A_201 = tpu.memref_slice %arg10[%dma_start3A_199, %dma_start3A_200] : memref<10112x128xf32, #tpu.memory_space<vmem_shared>> -> memref<10112x128xf32, #tpu.memory_space<vmem_shared>>
      tpu.enqueue_indirect_dma source(%dma_start3A_195 : memref<112x128xf32, #tpu.memory_space<vmem>>) target(%dma_start3A_201 : memref<10112x128xf32, #tpu.memory_space<vmem_shared>>) offsets(%dma_start3A_198 : memref<112xi32, #tpu.memory_space<vmem>>) semaphore(%arg14 : memref<!tpu.dma_semaphore, #tpu.memory_space<semaphore_mem>>) {add = true}
      %dma_wait3A_202 = arith.constant 1 : i32
      %dma_wait3A_203 = arith.constant 1 : i32
      %dma_wait3A_204 = arith.constant 0 : i32
      %dma_wait3A_205 = arith.constant 0 : i32
      %dma_wait3A_206 = tpu.memref_slice %arg9[%dma_wait3A_203, %dma_wait3A_204, %dma_wait3A_205] : memref<3x112x128xf32, #tpu.memory_space<vmem>> -> memref<1x112x128xf32, #tpu.memory_space<vmem>>
      %dma_wait3A_207 = tpu.memref_squeeze %dma_wait3A_206 : memref<1x112x128xf32, #tpu.memory_space<vmem>> -> memref<112x128xf32, #tpu.memory_space<vmem>>
      %dma_wait3A_208 = arith.constant 0 : i32
      %dma_wait3A_209 = tpu.memref_slice %arg7[%dma_wait3A_202, %dma_wait3A_208] : memref<3x112xi32, #tpu.memory_space<vmem>> -> memref<1x112xi32, #tpu.memory_space<vmem>>
      %dma_wait3A_210 = tpu.memref_squeeze %dma_wait3A_209 : memref<1x112xi32, #tpu.memory_space<vmem>> -> memref<112xi32, #tpu.memory_space<vmem>>
      %dma_wait3A_211 = arith.constant 0 : i32
      %dma_wait3A_212 = arith.constant 0 : i32
      %dma_wait3A_213 = tpu.memref_slice %arg2[%dma_wait3A_211, %dma_wait3A_212] : memref<20000x128xf32, #tpu.memory_space<hbm>> -> memref<20000x128xf32, #tpu.memory_space<hbm>>
      tpu.wait_indirect_dma semaphore(%arg12 : memref<!tpu.dma_semaphore, #tpu.memory_space<semaphore_mem>>) src(%dma_wait3A_213 : memref<20000x128xf32, #tpu.memory_space<hbm>>) dst(%dma_wait3A_207 : memref<112x128xf32, #tpu.memory_space<vmem>>)
      %dma_start3A_214 = arith.constant 1 : i32
      %dma_start3A_215 = arith.constant 1 : i32
      %dma_start3A_216 = arith.constant 0 : i32
      %dma_start3A_217 = arith.constant 0 : i32
      %dma_start3A_218 = tpu.memref_slice %arg9[%dma_start3A_214, %dma_start3A_216, %dma_start3A_217] : memref<3x112x128xf32, #tpu.memory_space<vmem>> -> memref<1x112x128xf32, #tpu.memory_space<vmem>>
      %dma_start3A_219 = tpu.memref_squeeze %dma_start3A_218 : memref<1x112x128xf32, #tpu.memory_space<vmem>> -> memref<112x128xf32, #tpu.memory_space<vmem>>
      %dma_start3A_220 = arith.constant 0 : i32
      %dma_start3A_221 = tpu.memref_slice %arg8[%dma_start3A_215, %dma_start3A_220] : memref<3x112xi32, #tpu.memory_space<vmem>> -> memref<1x112xi32, #tpu.memory_space<vmem>>
      %dma_start3A_222 = tpu.memref_squeeze %dma_start3A_221 : memref<1x112xi32, #tpu.memory_space<vmem>> -> memref<112xi32, #tpu.memory_space<vmem>>
      %dma_start3A_223 = arith.constant 0 : i32
      %dma_start3A_224 = arith.constant 0 : i32
      %dma_start3A_225 = tpu.memref_slice %arg10[%dma_start3A_223, %dma_start3A_224] : memref<10112x128xf32, #tpu.memory_space<vmem_shared>> -> memref<10112x128xf32, #tpu.memory_space<vmem_shared>>
      tpu.enqueue_indirect_dma source(%dma_start3A_219 : memref<112x128xf32, #tpu.memory_space<vmem>>) target(%dma_start3A_225 : memref<10112x128xf32, #tpu.memory_space<vmem_shared>>) offsets(%dma_start3A_222 : memref<112xi32, #tpu.memory_space<vmem>>) semaphore(%arg15 : memref<!tpu.dma_semaphore, #tpu.memory_space<semaphore_mem>>) {add = true}
      %dma_wait3A_226 = arith.constant 2 : i32
      %dma_wait3A_227 = arith.constant 2 : i32
      %dma_wait3A_228 = arith.constant 0 : i32
      %dma_wait3A_229 = arith.constant 0 : i32
      %dma_wait3A_230 = tpu.memref_slice %arg9[%dma_wait3A_227, %dma_wait3A_228, %dma_wait3A_229] : memref<3x112x128xf32, #tpu.memory_space<vmem>> -> memref<1x112x128xf32, #tpu.memory_space<vmem>>
      %dma_wait3A_231 = tpu.memref_squeeze %dma_wait3A_230 : memref<1x112x128xf32, #tpu.memory_space<vmem>> -> memref<112x128xf32, #tpu.memory_space<vmem>>
      %dma_wait3A_232 = arith.constant 0 : i32
      %dma_wait3A_233 = tpu.memref_slice %arg7[%dma_wait3A_226, %dma_wait3A_232] : memref<3x112xi32, #tpu.memory_space<vmem>> -> memref<1x112xi32, #tpu.memory_space<vmem>>
      %dma_wait3A_234 = tpu.memref_squeeze %dma_wait3A_233 : memref<1x112xi32, #tpu.memory_space<vmem>> -> memref<112xi32, #tpu.memory_space<vmem>>
      %dma_wait3A_235 = arith.constant 0 : i32
      %dma_wait3A_236 = arith.constant 0 : i32
      %dma_wait3A_237 = tpu.memref_slice %arg2[%dma_wait3A_235, %dma_wait3A_236] : memref<20000x128xf32, #tpu.memory_space<hbm>> -> memref<20000x128xf32, #tpu.memory_space<hbm>>
      tpu.wait_indirect_dma semaphore(%arg13 : memref<!tpu.dma_semaphore, #tpu.memory_space<semaphore_mem>>) src(%dma_wait3A_237 : memref<20000x128xf32, #tpu.memory_space<hbm>>) dst(%dma_wait3A_231 : memref<112x128xf32, #tpu.memory_space<vmem>>)
      %dma_start3A_238 = arith.constant 2 : i32
      %dma_start3A_239 = arith.constant 2 : i32
      %dma_start3A_240 = arith.constant 0 : i32
      %dma_start3A_241 = arith.constant 0 : i32
      %dma_start3A_242 = tpu.memref_slice %arg9[%dma_start3A_238, %dma_start3A_240, %dma_start3A_241] : memref<3x112x128xf32, #tpu.memory_space<vmem>> -> memref<1x112x128xf32, #tpu.memory_space<vmem>>
      %dma_start3A_243 = tpu.memref_squeeze %dma_start3A_242 : memref<1x112x128xf32, #tpu.memory_space<vmem>> -> memref<112x128xf32, #tpu.memory_space<vmem>>
      %dma_start3A_244 = arith.constant 0 : i32
      %dma_start3A_245 = tpu.memref_slice %arg8[%dma_start3A_239, %dma_start3A_244] : memref<3x112xi32, #tpu.memory_space<vmem>> -> memref<1x112xi32, #tpu.memory_space<vmem>>
      %dma_start3A_246 = tpu.memref_squeeze %dma_start3A_245 : memref<1x112xi32, #tpu.memory_space<vmem>> -> memref<112xi32, #tpu.memory_space<vmem>>
      %dma_start3A_247 = arith.constant 0 : i32
      %dma_start3A_248 = arith.constant 0 : i32
      %dma_start3A_249 = tpu.memref_slice %arg10[%dma_start3A_247, %dma_start3A_248] : memref<10112x128xf32, #tpu.memory_space<vmem_shared>> -> memref<10112x128xf32, #tpu.memory_space<vmem_shared>>
      tpu.enqueue_indirect_dma source(%dma_start3A_243 : memref<112x128xf32, #tpu.memory_space<vmem>>) target(%dma_start3A_249 : memref<10112x128xf32, #tpu.memory_space<vmem_shared>>) offsets(%dma_start3A_246 : memref<112xi32, #tpu.memory_space<vmem>>) semaphore(%arg16 : memref<!tpu.dma_semaphore, #tpu.memory_space<semaphore_mem>>) {add = true}
      %dma_wait3A_250 = arith.constant 0 : i32
      %dma_wait3A_251 = arith.constant 0 : i32
      %dma_wait3A_252 = arith.constant 0 : i32
      %dma_wait3A_253 = arith.constant 0 : i32
      %dma_wait3A_254 = tpu.memref_slice %arg9[%dma_wait3A_250, %dma_wait3A_252, %dma_wait3A_253] : memref<3x112x128xf32, #tpu.memory_space<vmem>> -> memref<1x112x128xf32, #tpu.memory_space<vmem>>
      %dma_wait3A_255 = tpu.memref_squeeze %dma_wait3A_254 : memref<1x112x128xf32, #tpu.memory_space<vmem>> -> memref<112x128xf32, #tpu.memory_space<vmem>>
      %dma_wait3A_256 = arith.constant 0 : i32
      %dma_wait3A_257 = tpu.memref_slice %arg8[%dma_wait3A_251, %dma_wait3A_256] : memref<3x112xi32, #tpu.memory_space<vmem>> -> memref<1x112xi32, #tpu.memory_space<vmem>>
      %dma_wait3A_258 = tpu.memref_squeeze %dma_wait3A_257 : memref<1x112xi32, #tpu.memory_space<vmem>> -> memref<112xi32, #tpu.memory_space<vmem>>
      %dma_wait3A_259 = arith.constant 0 : i32
      %dma_wait3A_260 = arith.constant 0 : i32
      %dma_wait3A_261 = tpu.memref_slice %arg10[%dma_wait3A_259, %dma_wait3A_260] : memref<10112x128xf32, #tpu.memory_space<vmem_shared>> -> memref<10112x128xf32, #tpu.memory_space<vmem_shared>>
      tpu.wait_indirect_dma semaphore(%arg14 : memref<!tpu.dma_semaphore, #tpu.memory_space<semaphore_mem>>) src(%dma_wait3A_255 : memref<112x128xf32, #tpu.memory_space<vmem>>) dst(%dma_wait3A_261 : memref<10112x128xf32, #tpu.memory_space<vmem_shared>>)
      %add3A_262 = arith.constant 3 : i32
      %add3A_263 = arith.addi %mul3A_177, %add3A_262 : i32
      %add3A_264 = arith.constant 0 : i32
      %add3A_265 = arith.addi %add3A_263, %add3A_264 : i32
      %mul3A_266 = arith.constant 112 : i32
      %mul3A_267 = arith.muli %add3A_265, %mul3A_266 : i32
      %add3A_268 = arith.addi %mul3A_2, %mul3A_267 : i32
      %run_scoped3A_269 = arith.constant 0 : i32
      "tpu.region"() ({
        %run_scoped3A_358 = tpu.sem_alloc : memref<!tpu.dma_semaphore, #tpu.memory_space<semaphore_mem>>
        %dma_start3A_359 = arith.constant 0 : i32
        %dma_start3A_360 = tpu.memref_slice %arg8[%run_scoped3A_269, %dma_start3A_359] : memref<3x112xi32, #tpu.memory_space<vmem>> -> memref<1x112xi32, #tpu.memory_space<vmem>>
        %dma_start3A_361 = tpu.memref_squeeze %dma_start3A_360 : memref<1x112xi32, #tpu.memory_space<vmem>> -> memref<112xi32, #tpu.memory_space<vmem>>
        %dma_start3A_362 = tpu.memref_slice %arg4[%add3A_268] : memref<322560xi32, #tpu.memory_space<hbm>> -> memref<112xi32, #tpu.memory_space<hbm>>
        %dma_start3A_363 = arith.constant 0 : i32
        %dma_start3A_364 = tpu.memref_slice %arg8[%run_scoped3A_269, %dma_start3A_363] : memref<3x112xi32, #tpu.memory_space<vmem>> -> memref<1x112xi32, #tpu.memory_space<vmem>>
        %dma_start3A_365 = tpu.memref_squeeze %dma_start3A_364 : memref<1x112xi32, #tpu.memory_space<vmem>> -> memref<112xi32, #tpu.memory_space<vmem>>
        %dma_start3A_366 = tpu.memref_slice %arg4[%add3A_268] : memref<322560xi32, #tpu.memory_space<hbm>> -> memref<112xi32, #tpu.memory_space<hbm>>
        tpu.enqueue_dma source(%dma_start3A_366 : memref<112xi32, #tpu.memory_space<hbm>>) target(%dma_start3A_365 : memref<112xi32, #tpu.memory_space<vmem>>) target_semaphore(%run_scoped3A_358 : memref<!tpu.dma_semaphore, #tpu.memory_space<semaphore_mem>>)
        %dma_wait3A_367 = arith.constant 0 : i32
        %dma_wait3A_368 = tpu.memref_slice %arg8[%run_scoped3A_269, %dma_wait3A_367] : memref<3x112xi32, #tpu.memory_space<vmem>> -> memref<1x112xi32, #tpu.memory_space<vmem>>
        %dma_wait3A_369 = tpu.memref_squeeze %dma_wait3A_368 : memref<1x112xi32, #tpu.memory_space<vmem>> -> memref<112xi32, #tpu.memory_space<vmem>>
        %dma_wait3A_370 = tpu.memref_slice %arg4[%add3A_268] : memref<322560xi32, #tpu.memory_space<hbm>> -> memref<112xi32, #tpu.memory_space<hbm>>
        %dma_wait3A_371 = arith.constant 0 : i32
        %dma_wait3A_372 = tpu.memref_slice %arg8[%run_scoped3A_269, %dma_wait3A_371] : memref<3x112xi32, #tpu.memory_space<vmem>> -> memref<1x112xi32, #tpu.memory_space<vmem>>
        %dma_wait3A_373 = tpu.memref_squeeze %dma_wait3A_372 : memref<1x112xi32, #tpu.memory_space<vmem>> -> memref<112xi32, #tpu.memory_space<vmem>>
        %dma_wait3A_374 = tpu.memref_slice %arg4[%add3A_268] : memref<322560xi32, #tpu.memory_space<hbm>> -> memref<112xi32, #tpu.memory_space<hbm>>
        tpu.wait_dma2 semaphore(%run_scoped3A_358 : memref<!tpu.dma_semaphore, #tpu.memory_space<semaphore_mem>>) src(%dma_wait3A_374 : memref<112xi32, #tpu.memory_space<hbm>>) dst(%dma_wait3A_373 : memref<112xi32, #tpu.memory_space<vmem>>)
        tpu.yield
      }) : () -> ()
      %mul3A_270 = arith.constant 112 : i32
      %mul3A_271 = arith.muli %add3A_265, %mul3A_270 : i32
      %add3A_272 = arith.addi %add3A, %mul3A_271 : i32
      %run_scoped3A_273 = arith.constant 0 : i32
      "tpu.region"() ({
        %run_scoped3A_358 = tpu.sem_alloc : memref<!tpu.dma_semaphore, #tpu.memory_space<semaphore_mem>>
        %dma_start3A_359 = arith.constant 0 : i32
        %dma_start3A_360 = tpu.memref_slice %arg7[%run_scoped3A_273, %dma_start3A_359] : memref<3x112xi32, #tpu.memory_space<vmem>> -> memref<1x112xi32, #tpu.memory_space<vmem>>
        %dma_start3A_361 = tpu.memref_squeeze %dma_start3A_360 : memref<1x112xi32, #tpu.memory_space<vmem>> -> memref<112xi32, #tpu.memory_space<vmem>>
        %dma_start3A_362 = tpu.memref_slice %arg3[%add3A_272] : memref<645120xi32, #tpu.memory_space<hbm>> -> memref<112xi32, #tpu.memory_space<hbm>>
        %dma_start3A_363 = arith.constant 0 : i32
        %dma_start3A_364 = tpu.memref_slice %arg7[%run_scoped3A_273, %dma_start3A_363] : memref<3x112xi32, #tpu.memory_space<vmem>> -> memref<1x112xi32, #tpu.memory_space<vmem>>
        %dma_start3A_365 = tpu.memref_squeeze %dma_start3A_364 : memref<1x112xi32, #tpu.memory_space<vmem>> -> memref<112xi32, #tpu.memory_space<vmem>>
        %dma_start3A_366 = tpu.memref_slice %arg3[%add3A_272] : memref<645120xi32, #tpu.memory_space<hbm>> -> memref<112xi32, #tpu.memory_space<hbm>>
        tpu.enqueue_dma source(%dma_start3A_366 : memref<112xi32, #tpu.memory_space<hbm>>) target(%dma_start3A_365 : memref<112xi32, #tpu.memory_space<vmem>>) target_semaphore(%run_scoped3A_358 : memref<!tpu.dma_semaphore, #tpu.memory_space<semaphore_mem>>)
        %dma_wait3A_367 = arith.constant 0 : i32
        %dma_wait3A_368 = tpu.memref_slice %arg7[%run_scoped3A_273, %dma_wait3A_367] : memref<3x112xi32, #tpu.memory_space<vmem>> -> memref<1x112xi32, #tpu.memory_space<vmem>>
        %dma_wait3A_369 = tpu.memref_squeeze %dma_wait3A_368 : memref<1x112xi32, #tpu.memory_space<vmem>> -> memref<112xi32, #tpu.memory_space<vmem>>
        %dma_wait3A_370 = tpu.memref_slice %arg3[%add3A_272] : memref<645120xi32, #tpu.memory_space<hbm>> -> memref<112xi32, #tpu.memory_space<hbm>>
        %dma_wait3A_371 = arith.constant 0 : i32
        %dma_wait3A_372 = tpu.memref_slice %arg7[%run_scoped3A_273, %dma_wait3A_371] : memref<3x112xi32, #tpu.memory_space<vmem>> -> memref<1x112xi32, #tpu.memory_space<vmem>>
        %dma_wait3A_373 = tpu.memref_squeeze %dma_wait3A_372 : memref<1x112xi32, #tpu.memory_space<vmem>> -> memref<112xi32, #tpu.memory_space<vmem>>
        %dma_wait3A_374 = tpu.memref_slice %arg3[%add3A_272] : memref<645120xi32, #tpu.memory_space<hbm>> -> memref<112xi32, #tpu.memory_space<hbm>>
        tpu.wait_dma2 semaphore(%run_scoped3A_358 : memref<!tpu.dma_semaphore, #tpu.memory_space<semaphore_mem>>) src(%dma_wait3A_374 : memref<112xi32, #tpu.memory_space<hbm>>) dst(%dma_wait3A_373 : memref<112xi32, #tpu.memory_space<vmem>>)
        tpu.yield
      }) : () -> ()
      %dma_start3A_274 = arith.constant 0 : i32
      %dma_start3A_275 = arith.constant 0 : i32
      %dma_start3A_276 = arith.constant 0 : i32
      %dma_start3A_277 = arith.constant 0 : i32
      %dma_start3A_278 = tpu.memref_slice %arg9[%dma_start3A_275, %dma_start3A_276, %dma_start3A_277] : memref<3x112x128xf32, #tpu.memory_space<vmem>> -> memref<1x112x128xf32, #tpu.memory_space<vmem>>
      %dma_start3A_279 = tpu.memref_squeeze %dma_start3A_278 : memref<1x112x128xf32, #tpu.memory_space<vmem>> -> memref<112x128xf32, #tpu.memory_space<vmem>>
      %dma_start3A_280 = arith.constant 0 : i32
      %dma_start3A_281 = tpu.memref_slice %arg7[%dma_start3A_274, %dma_start3A_280] : memref<3x112xi32, #tpu.memory_space<vmem>> -> memref<1x112xi32, #tpu.memory_space<vmem>>
      %dma_start3A_282 = tpu.memref_squeeze %dma_start3A_281 : memref<1x112xi32, #tpu.memory_space<vmem>> -> memref<112xi32, #tpu.memory_space<vmem>>
      %dma_start3A_283 = arith.constant 0 : i32
      %dma_start3A_284 = arith.constant 0 : i32
      %dma_start3A_285 = tpu.memref_slice %arg2[%dma_start3A_283, %dma_start3A_284] : memref<20000x128xf32, #tpu.memory_space<hbm>> -> memref<20000x128xf32, #tpu.memory_space<hbm>>
      tpu.enqueue_indirect_dma source(%dma_start3A_285 : memref<20000x128xf32, #tpu.memory_space<hbm>>) target(%dma_start3A_279 : memref<112x128xf32, #tpu.memory_space<vmem>>) offsets(%dma_start3A_282 : memref<112xi32, #tpu.memory_space<vmem>>) semaphore(%arg11 : memref<!tpu.dma_semaphore, #tpu.memory_space<semaphore_mem>>)
      %dma_wait3A_286 = arith.constant 1 : i32
      %dma_wait3A_287 = arith.constant 1 : i32
      %dma_wait3A_288 = arith.constant 0 : i32
      %dma_wait3A_289 = arith.constant 0 : i32
      %dma_wait3A_290 = tpu.memref_slice %arg9[%dma_wait3A_286, %dma_wait3A_288, %dma_wait3A_289] : memref<3x112x128xf32, #tpu.memory_space<vmem>> -> memref<1x112x128xf32, #tpu.memory_space<vmem>>
      %dma_wait3A_291 = tpu.memref_squeeze %dma_wait3A_290 : memref<1x112x128xf32, #tpu.memory_space<vmem>> -> memref<112x128xf32, #tpu.memory_space<vmem>>
      %dma_wait3A_292 = arith.constant 0 : i32
      %dma_wait3A_293 = tpu.memref_slice %arg8[%dma_wait3A_287, %dma_wait3A_292] : memref<3x112xi32, #tpu.memory_space<vmem>> -> memref<1x112xi32, #tpu.memory_space<vmem>>
      %dma_wait3A_294 = tpu.memref_squeeze %dma_wait3A_293 : memref<1x112xi32, #tpu.memory_space<vmem>> -> memref<112xi32, #tpu.memory_space<vmem>>
      %dma_wait3A_295 = arith.constant 0 : i32
      %dma_wait3A_296 = arith.constant 0 : i32
      %dma_wait3A_297 = tpu.memref_slice %arg10[%dma_wait3A_295, %dma_wait3A_296] : memref<10112x128xf32, #tpu.memory_space<vmem_shared>> -> memref<10112x128xf32, #tpu.memory_space<vmem_shared>>
      tpu.wait_indirect_dma semaphore(%arg15 : memref<!tpu.dma_semaphore, #tpu.memory_space<semaphore_mem>>) src(%dma_wait3A_291 : memref<112x128xf32, #tpu.memory_space<vmem>>) dst(%dma_wait3A_297 : memref<10112x128xf32, #tpu.memory_space<vmem_shared>>)
      %add3A_298 = arith.constant 3 : i32
      %add3A_299 = arith.addi %mul3A_177, %add3A_298 : i32
      %add3A_300 = arith.constant 1 : i32
      %add3A_301 = arith.addi %add3A_299, %add3A_300 : i32
      %mul3A_302 = arith.constant 112 : i32
      %mul3A_303 = arith.muli %add3A_301, %mul3A_302 : i32
      %add3A_304 = arith.addi %mul3A_2, %mul3A_303 : i32
      %run_scoped3A_305 = arith.constant 1 : i32
      "tpu.region"() ({
        %run_scoped3A_358 = tpu.sem_alloc : memref<!tpu.dma_semaphore, #tpu.memory_space<semaphore_mem>>
        %dma_start3A_359 = arith.constant 0 : i32
        %dma_start3A_360 = tpu.memref_slice %arg8[%run_scoped3A_305, %dma_start3A_359] : memref<3x112xi32, #tpu.memory_space<vmem>> -> memref<1x112xi32, #tpu.memory_space<vmem>>
        %dma_start3A_361 = tpu.memref_squeeze %dma_start3A_360 : memref<1x112xi32, #tpu.memory_space<vmem>> -> memref<112xi32, #tpu.memory_space<vmem>>
        %dma_start3A_362 = tpu.memref_slice %arg4[%add3A_304] : memref<322560xi32, #tpu.memory_space<hbm>> -> memref<112xi32, #tpu.memory_space<hbm>>
        %dma_start3A_363 = arith.constant 0 : i32
        %dma_start3A_364 = tpu.memref_slice %arg8[%run_scoped3A_305, %dma_start3A_363] : memref<3x112xi32, #tpu.memory_space<vmem>> -> memref<1x112xi32, #tpu.memory_space<vmem>>
        %dma_start3A_365 = tpu.memref_squeeze %dma_start3A_364 : memref<1x112xi32, #tpu.memory_space<vmem>> -> memref<112xi32, #tpu.memory_space<vmem>>
        %dma_start3A_366 = tpu.memref_slice %arg4[%add3A_304] : memref<322560xi32, #tpu.memory_space<hbm>> -> memref<112xi32, #tpu.memory_space<hbm>>
        tpu.enqueue_dma source(%dma_start3A_366 : memref<112xi32, #tpu.memory_space<hbm>>) target(%dma_start3A_365 : memref<112xi32, #tpu.memory_space<vmem>>) target_semaphore(%run_scoped3A_358 : memref<!tpu.dma_semaphore, #tpu.memory_space<semaphore_mem>>)
        %dma_wait3A_367 = arith.constant 0 : i32
        %dma_wait3A_368 = tpu.memref_slice %arg8[%run_scoped3A_305, %dma_wait3A_367] : memref<3x112xi32, #tpu.memory_space<vmem>> -> memref<1x112xi32, #tpu.memory_space<vmem>>
        %dma_wait3A_369 = tpu.memref_squeeze %dma_wait3A_368 : memref<1x112xi32, #tpu.memory_space<vmem>> -> memref<112xi32, #tpu.memory_space<vmem>>
        %dma_wait3A_370 = tpu.memref_slice %arg4[%add3A_304] : memref<322560xi32, #tpu.memory_space<hbm>> -> memref<112xi32, #tpu.memory_space<hbm>>
        %dma_wait3A_371 = arith.constant 0 : i32
        %dma_wait3A_372 = tpu.memref_slice %arg8[%run_scoped3A_305, %dma_wait3A_371] : memref<3x112xi32, #tpu.memory_space<vmem>> -> memref<1x112xi32, #tpu.memory_space<vmem>>
        %dma_wait3A_373 = tpu.memref_squeeze %dma_wait3A_372 : memref<1x112xi32, #tpu.memory_space<vmem>> -> memref<112xi32, #tpu.memory_space<vmem>>
        %dma_wait3A_374 = tpu.memref_slice %arg4[%add3A_304] : memref<322560xi32, #tpu.memory_space<hbm>> -> memref<112xi32, #tpu.memory_space<hbm>>
        tpu.wait_dma2 semaphore(%run_scoped3A_358 : memref<!tpu.dma_semaphore, #tpu.memory_space<semaphore_mem>>) src(%dma_wait3A_374 : memref<112xi32, #tpu.memory_space<hbm>>) dst(%dma_wait3A_373 : memref<112xi32, #tpu.memory_space<vmem>>)
        tpu.yield
      }) : () -> ()
      %mul3A_306 = arith.constant 112 : i32
      %mul3A_307 = arith.muli %add3A_301, %mul3A_306 : i32
      %add3A_308 = arith.addi %add3A, %mul3A_307 : i32
      %run_scoped3A_309 = arith.constant 1 : i32
      "tpu.region"() ({
        %run_scoped3A_358 = tpu.sem_alloc : memref<!tpu.dma_semaphore, #tpu.memory_space<semaphore_mem>>
        %dma_start3A_359 = arith.constant 0 : i32
        %dma_start3A_360 = tpu.memref_slice %arg7[%run_scoped3A_309, %dma_start3A_359] : memref<3x112xi32, #tpu.memory_space<vmem>> -> memref<1x112xi32, #tpu.memory_space<vmem>>
        %dma_start3A_361 = tpu.memref_squeeze %dma_start3A_360 : memref<1x112xi32, #tpu.memory_space<vmem>> -> memref<112xi32, #tpu.memory_space<vmem>>
        %dma_start3A_362 = tpu.memref_slice %arg3[%add3A_308] : memref<645120xi32, #tpu.memory_space<hbm>> -> memref<112xi32, #tpu.memory_space<hbm>>
        %dma_start3A_363 = arith.constant 0 : i32
        %dma_start3A_364 = tpu.memref_slice %arg7[%run_scoped3A_309, %dma_start3A_363] : memref<3x112xi32, #tpu.memory_space<vmem>> -> memref<1x112xi32, #tpu.memory_space<vmem>>
        %dma_start3A_365 = tpu.memref_squeeze %dma_start3A_364 : memref<1x112xi32, #tpu.memory_space<vmem>> -> memref<112xi32, #tpu.memory_space<vmem>>
        %dma_start3A_366 = tpu.memref_slice %arg3[%add3A_308] : memref<645120xi32, #tpu.memory_space<hbm>> -> memref<112xi32, #tpu.memory_space<hbm>>
        tpu.enqueue_dma source(%dma_start3A_366 : memref<112xi32, #tpu.memory_space<hbm>>) target(%dma_start3A_365 : memref<112xi32, #tpu.memory_space<vmem>>) target_semaphore(%run_scoped3A_358 : memref<!tpu.dma_semaphore, #tpu.memory_space<semaphore_mem>>)
        %dma_wait3A_367 = arith.constant 0 : i32
        %dma_wait3A_368 = tpu.memref_slice %arg7[%run_scoped3A_309, %dma_wait3A_367] : memref<3x112xi32, #tpu.memory_space<vmem>> -> memref<1x112xi32, #tpu.memory_space<vmem>>
        %dma_wait3A_369 = tpu.memref_squeeze %dma_wait3A_368 : memref<1x112xi32, #tpu.memory_space<vmem>> -> memref<112xi32, #tpu.memory_space<vmem>>
        %dma_wait3A_370 = tpu.memref_slice %arg3[%add3A_308] : memref<645120xi32, #tpu.memory_space<hbm>> -> memref<112xi32, #tpu.memory_space<hbm>>
        %dma_wait3A_371 = arith.constant 0 : i32
        %dma_wait3A_372 = tpu.memref_slice %arg7[%run_scoped3A_309, %dma_wait3A_371] : memref<3x112xi32, #tpu.memory_space<vmem>> -> memref<1x112xi32, #tpu.memory_space<vmem>>
        %dma_wait3A_373 = tpu.memref_squeeze %dma_wait3A_372 : memref<1x112xi32, #tpu.memory_space<vmem>> -> memref<112xi32, #tpu.memory_space<vmem>>
        %dma_wait3A_374 = tpu.memref_slice %arg3[%add3A_308] : memref<645120xi32, #tpu.memory_space<hbm>> -> memref<112xi32, #tpu.memory_space<hbm>>
        tpu.wait_dma2 semaphore(%run_scoped3A_358 : memref<!tpu.dma_semaphore, #tpu.memory_space<semaphore_mem>>) src(%dma_wait3A_374 : memref<112xi32, #tpu.memory_space<hbm>>) dst(%dma_wait3A_373 : memref<112xi32, #tpu.memory_space<vmem>>)
        tpu.yield
      }) : () -> ()
      %dma_start3A_310 = arith.constant 1 : i32
      %dma_start3A_311 = arith.constant 1 : i32
      %dma_start3A_312 = arith.constant 0 : i32
      %dma_start3A_313 = arith.constant 0 : i32
      %dma_start3A_314 = tpu.memref_slice %arg9[%dma_start3A_311, %dma_start3A_312, %dma_start3A_313] : memref<3x112x128xf32, #tpu.memory_space<vmem>> -> memref<1x112x128xf32, #tpu.memory_space<vmem>>
      %dma_start3A_315 = tpu.memref_squeeze %dma_start3A_314 : memref<1x112x128xf32, #tpu.memory_space<vmem>> -> memref<112x128xf32, #tpu.memory_space<vmem>>
      %dma_start3A_316 = arith.constant 0 : i32
      %dma_start3A_317 = tpu.memref_slice %arg7[%dma_start3A_310, %dma_start3A_316] : memref<3x112xi32, #tpu.memory_space<vmem>> -> memref<1x112xi32, #tpu.memory_space<vmem>>
      %dma_start3A_318 = tpu.memref_squeeze %dma_start3A_317 : memref<1x112xi32, #tpu.memory_space<vmem>> -> memref<112xi32, #tpu.memory_space<vmem>>
      %dma_start3A_319 = arith.constant 0 : i32
      %dma_start3A_320 = arith.constant 0 : i32
      %dma_start3A_321 = tpu.memref_slice %arg2[%dma_start3A_319, %dma_start3A_320] : memref<20000x128xf32, #tpu.memory_space<hbm>> -> memref<20000x128xf32, #tpu.memory_space<hbm>>
      tpu.enqueue_indirect_dma source(%dma_start3A_321 : memref<20000x128xf32, #tpu.memory_space<hbm>>) target(%dma_start3A_315 : memref<112x128xf32, #tpu.memory_space<vmem>>) offsets(%dma_start3A_318 : memref<112xi32, #tpu.memory_space<vmem>>) semaphore(%arg12 : memref<!tpu.dma_semaphore, #tpu.memory_space<semaphore_mem>>)
      %dma_wait3A_322 = arith.constant 2 : i32
      %dma_wait3A_323 = arith.constant 2 : i32
      %dma_wait3A_324 = arith.constant 0 : i32
      %dma_wait3A_325 = arith.constant 0 : i32
      %dma_wait3A_326 = tpu.memref_slice %arg9[%dma_wait3A_322, %dma_wait3A_324, %dma_wait3A_325] : memref<3x112x128xf32, #tpu.memory_space<vmem>> -> memref<1x112x128xf32, #tpu.memory_space<vmem>>
      %dma_wait3A_327 = tpu.memref_squeeze %dma_wait3A_326 : memref<1x112x128xf32, #tpu.memory_space<vmem>> -> memref<112x128xf32, #tpu.memory_space<vmem>>
      %dma_wait3A_328 = arith.constant 0 : i32
      %dma_wait3A_329 = tpu.memref_slice %arg8[%dma_wait3A_323, %dma_wait3A_328] : memref<3x112xi32, #tpu.memory_space<vmem>> -> memref<1x112xi32, #tpu.memory_space<vmem>>
      %dma_wait3A_330 = tpu.memref_squeeze %dma_wait3A_329 : memref<1x112xi32, #tpu.memory_space<vmem>> -> memref<112xi32, #tpu.memory_space<vmem>>
      %dma_wait3A_331 = arith.constant 0 : i32
      %dma_wait3A_332 = arith.constant 0 : i32
      %dma_wait3A_333 = tpu.memref_slice %arg10[%dma_wait3A_331, %dma_wait3A_332] : memref<10112x128xf32, #tpu.memory_space<vmem_shared>> -> memref<10112x128xf32, #tpu.memory_space<vmem_shared>>
      tpu.wait_indirect_dma semaphore(%arg16 : memref<!tpu.dma_semaphore, #tpu.memory_space<semaphore_mem>>) src(%dma_wait3A_327 : memref<112x128xf32, #tpu.memory_space<vmem>>) dst(%dma_wait3A_333 : memref<10112x128xf32, #tpu.memory_space<vmem_shared>>)
      %add3A_334 = arith.constant 3 : i32
      %add3A_335 = arith.addi %mul3A_177, %add3A_334 : i32
      %add3A_336 = arith.constant 2 : i32
      %add3A_337 = arith.addi %add3A_335, %add3A_336 : i32
      %mul3A_338 = arith.constant 112 : i32
      %mul3A_339 = arith.muli %add3A_337, %mul3A_338 : i32
      %add3A_340 = arith.addi %mul3A_2, %mul3A_339 : i32
      %run_scoped3A_341 = arith.constant 2 : i32
      "tpu.region"() ({
        %run_scoped3A_358 = tpu.sem_alloc : memref<!tpu.dma_semaphore, #tpu.memory_space<semaphore_mem>>
        %dma_start3A_359 = arith.constant 0 : i32
        %dma_start3A_360 = tpu.memref_slice %arg8[%run_scoped3A_341, %dma_start3A_359] : memref<3x112xi32, #tpu.memory_space<vmem>> -> memref<1x112xi32, #tpu.memory_space<vmem>>
        %dma_start3A_361 = tpu.memref_squeeze %dma_start3A_360 : memref<1x112xi32, #tpu.memory_space<vmem>> -> memref<112xi32, #tpu.memory_space<vmem>>
        %dma_start3A_362 = tpu.memref_slice %arg4[%add3A_340] : memref<322560xi32, #tpu.memory_space<hbm>> -> memref<112xi32, #tpu.memory_space<hbm>>
        %dma_start3A_363 = arith.constant 0 : i32
        %dma_start3A_364 = tpu.memref_slice %arg8[%run_scoped3A_341, %dma_start3A_363] : memref<3x112xi32, #tpu.memory_space<vmem>> -> memref<1x112xi32, #tpu.memory_space<vmem>>
        %dma_start3A_365 = tpu.memref_squeeze %dma_start3A_364 : memref<1x112xi32, #tpu.memory_space<vmem>> -> memref<112xi32, #tpu.memory_space<vmem>>
        %dma_start3A_366 = tpu.memref_slice %arg4[%add3A_340] : memref<322560xi32, #tpu.memory_space<hbm>> -> memref<112xi32, #tpu.memory_space<hbm>>
        tpu.enqueue_dma source(%dma_start3A_366 : memref<112xi32, #tpu.memory_space<hbm>>) target(%dma_start3A_365 : memref<112xi32, #tpu.memory_space<vmem>>) target_semaphore(%run_scoped3A_358 : memref<!tpu.dma_semaphore, #tpu.memory_space<semaphore_mem>>)
        %dma_wait3A_367 = arith.constant 0 : i32
        %dma_wait3A_368 = tpu.memref_slice %arg8[%run_scoped3A_341, %dma_wait3A_367] : memref<3x112xi32, #tpu.memory_space<vmem>> -> memref<1x112xi32, #tpu.memory_space<vmem>>
        %dma_wait3A_369 = tpu.memref_squeeze %dma_wait3A_368 : memref<1x112xi32, #tpu.memory_space<vmem>> -> memref<112xi32, #tpu.memory_space<vmem>>
        %dma_wait3A_370 = tpu.memref_slice %arg4[%add3A_340] : memref<322560xi32, #tpu.memory_space<hbm>> -> memref<112xi32, #tpu.memory_space<hbm>>
        %dma_wait3A_371 = arith.constant 0 : i32
        %dma_wait3A_372 = tpu.memref_slice %arg8[%run_scoped3A_341, %dma_wait3A_371] : memref<3x112xi32, #tpu.memory_space<vmem>> -> memref<1x112xi32, #tpu.memory_space<vmem>>
        %dma_wait3A_373 = tpu.memref_squeeze %dma_wait3A_372 : memref<1x112xi32, #tpu.memory_space<vmem>> -> memref<112xi32, #tpu.memory_space<vmem>>
        %dma_wait3A_374 = tpu.memref_slice %arg4[%add3A_340] : memref<322560xi32, #tpu.memory_space<hbm>> -> memref<112xi32, #tpu.memory_space<hbm>>
        tpu.wait_dma2 semaphore(%run_scoped3A_358 : memref<!tpu.dma_semaphore, #tpu.memory_space<semaphore_mem>>) src(%dma_wait3A_374 : memref<112xi32, #tpu.memory_space<hbm>>) dst(%dma_wait3A_373 : memref<112xi32, #tpu.memory_space<vmem>>)
        tpu.yield
      }) : () -> ()
      %mul3A_342 = arith.constant 112 : i32
      %mul3A_343 = arith.muli %add3A_337, %mul3A_342 : i32
      %add3A_344 = arith.addi %add3A, %mul3A_343 : i32
      %run_scoped3A_345 = arith.constant 2 : i32
      "tpu.region"() ({
        %run_scoped3A_358 = tpu.sem_alloc : memref<!tpu.dma_semaphore, #tpu.memory_space<semaphore_mem>>
        %dma_start3A_359 = arith.constant 0 : i32
        %dma_start3A_360 = tpu.memref_slice %arg7[%run_scoped3A_345, %dma_start3A_359] : memref<3x112xi32, #tpu.memory_space<vmem>> -> memref<1x112xi32, #tpu.memory_space<vmem>>
        %dma_start3A_361 = tpu.memref_squeeze %dma_start3A_360 : memref<1x112xi32, #tpu.memory_space<vmem>> -> memref<112xi32, #tpu.memory_space<vmem>>
        %dma_start3A_362 = tpu.memref_slice %arg3[%add3A_344] : memref<645120xi32, #tpu.memory_space<hbm>> -> memref<112xi32, #tpu.memory_space<hbm>>
        %dma_start3A_363 = arith.constant 0 : i32
        %dma_start3A_364 = tpu.memref_slice %arg7[%run_scoped3A_345, %dma_start3A_363] : memref<3x112xi32, #tpu.memory_space<vmem>> -> memref<1x112xi32, #tpu.memory_space<vmem>>
        %dma_start3A_365 = tpu.memref_squeeze %dma_start3A_364 : memref<1x112xi32, #tpu.memory_space<vmem>> -> memref<112xi32, #tpu.memory_space<vmem>>
        %dma_start3A_366 = tpu.memref_slice %arg3[%add3A_344] : memref<645120xi32, #tpu.memory_space<hbm>> -> memref<112xi32, #tpu.memory_space<hbm>>
        tpu.enqueue_dma source(%dma_start3A_366 : memref<112xi32, #tpu.memory_space<hbm>>) target(%dma_start3A_365 : memref<112xi32, #tpu.memory_space<vmem>>) target_semaphore(%run_scoped3A_358 : memref<!tpu.dma_semaphore, #tpu.memory_space<semaphore_mem>>)
        %dma_wait3A_367 = arith.constant 0 : i32
        %dma_wait3A_368 = tpu.memref_slice %arg7[%run_scoped3A_345, %dma_wait3A_367] : memref<3x112xi32, #tpu.memory_space<vmem>> -> memref<1x112xi32, #tpu.memory_space<vmem>>
        %dma_wait3A_369 = tpu.memref_squeeze %dma_wait3A_368 : memref<1x112xi32, #tpu.memory_space<vmem>> -> memref<112xi32, #tpu.memory_space<vmem>>
        %dma_wait3A_370 = tpu.memref_slice %arg3[%add3A_344] : memref<645120xi32, #tpu.memory_space<hbm>> -> memref<112xi32, #tpu.memory_space<hbm>>
        %dma_wait3A_371 = arith.constant 0 : i32
        %dma_wait3A_372 = tpu.memref_slice %arg7[%run_scoped3A_345, %dma_wait3A_371] : memref<3x112xi32, #tpu.memory_space<vmem>> -> memref<1x112xi32, #tpu.memory_space<vmem>>
        %dma_wait3A_373 = tpu.memref_squeeze %dma_wait3A_372 : memref<1x112xi32, #tpu.memory_space<vmem>> -> memref<112xi32, #tpu.memory_space<vmem>>
        %dma_wait3A_374 = tpu.memref_slice %arg3[%add3A_344] : memref<645120xi32, #tpu.memory_space<hbm>> -> memref<112xi32, #tpu.memory_space<hbm>>
        tpu.wait_dma2 semaphore(%run_scoped3A_358 : memref<!tpu.dma_semaphore, #tpu.memory_space<semaphore_mem>>) src(%dma_wait3A_374 : memref<112xi32, #tpu.memory_space<hbm>>) dst(%dma_wait3A_373 : memref<112xi32, #tpu.memory_space<vmem>>)
        tpu.yield
      }) : () -> ()
      %dma_start3A_346 = arith.constant 2 : i32
      %dma_start3A_347 = arith.constant 2 : i32
      %dma_start3A_348 = arith.constant 0 : i32
      %dma_start3A_349 = arith.constant 0 : i32
      %dma_start3A_350 = tpu.memref_slice %arg9[%dma_start3A_347, %dma_start3A_348, %dma_start3A_349] : memref<3x112x128xf32, #tpu.memory_space<vmem>> -> memref<1x112x128xf32, #tpu.memory_space<vmem>>
      %dma_start3A_351 = tpu.memref_squeeze %dma_start3A_350 : memref<1x112x128xf32, #tpu.memory_space<vmem>> -> memref<112x128xf32, #tpu.memory_space<vmem>>
      %dma_start3A_352 = arith.constant 0 : i32
      %dma_start3A_353 = tpu.memref_slice %arg7[%dma_start3A_346, %dma_start3A_352] : memref<3x112xi32, #tpu.memory_space<vmem>> -> memref<1x112xi32, #tpu.memory_space<vmem>>
      %dma_start3A_354 = tpu.memref_squeeze %dma_start3A_353 : memref<1x112xi32, #tpu.memory_space<vmem>> -> memref<112xi32, #tpu.memory_space<vmem>>
      %dma_start3A_355 = arith.constant 0 : i32
      %dma_start3A_356 = arith.constant 0 : i32
      %dma_start3A_357 = tpu.memref_slice %arg2[%dma_start3A_355, %dma_start3A_356] : memref<20000x128xf32, #tpu.memory_space<hbm>> -> memref<20000x128xf32, #tpu.memory_space<hbm>>
      tpu.enqueue_indirect_dma source(%dma_start3A_357 : memref<20000x128xf32, #tpu.memory_space<hbm>>) target(%dma_start3A_351 : memref<112x128xf32, #tpu.memory_space<vmem>>) offsets(%dma_start3A_354 : memref<112xi32, #tpu.memory_space<vmem>>) semaphore(%arg13 : memref<!tpu.dma_semaphore, #tpu.memory_space<semaphore_mem>>)
    }
    %scan3A_63 = arith.constant 59 : i32
    %dma_wait3A = arith.constant 0 : i32
    %dma_wait3A_64 = arith.constant 0 : i32
    %dma_wait3A_65 = arith.constant 0 : i32
    %dma_wait3A_66 = arith.constant 0 : i32
    %dma_wait3A_67 = tpu.memref_slice %arg9[%dma_wait3A_64, %dma_wait3A_65, %dma_wait3A_66] : memref<3x112x128xf32, #tpu.memory_space<vmem>> -> memref<1x112x128xf32, #tpu.memory_space<vmem>>
    %dma_wait3A_68 = tpu.memref_squeeze %dma_wait3A_67 : memref<1x112x128xf32, #tpu.memory_space<vmem>> -> memref<112x128xf32, #tpu.memory_space<vmem>>
    %dma_wait3A_69 = arith.constant 0 : i32
    %dma_wait3A_70 = tpu.memref_slice %arg7[%dma_wait3A, %dma_wait3A_69] : memref<3x112xi32, #tpu.memory_space<vmem>> -> memref<1x112xi32, #tpu.memory_space<vmem>>
    %dma_wait3A_71 = tpu.memref_squeeze %dma_wait3A_70 : memref<1x112xi32, #tpu.memory_space<vmem>> -> memref<112xi32, #tpu.memory_space<vmem>>
    %dma_wait3A_72 = arith.constant 0 : i32
    %dma_wait3A_73 = arith.constant 0 : i32
    %dma_wait3A_74 = tpu.memref_slice %arg2[%dma_wait3A_72, %dma_wait3A_73] : memref<20000x128xf32, #tpu.memory_space<hbm>> -> memref<20000x128xf32, #tpu.memory_space<hbm>>
    tpu.wait_indirect_dma semaphore(%arg11 : memref<!tpu.dma_semaphore, #tpu.memory_space<semaphore_mem>>) src(%dma_wait3A_74 : memref<20000x128xf32, #tpu.memory_space<hbm>>) dst(%dma_wait3A_68 : memref<112x128xf32, #tpu.memory_space<vmem>>)
    %dma_start3A_75 = arith.constant 0 : i32
    %dma_start3A_76 = arith.constant 0 : i32
    %dma_start3A_77 = arith.constant 0 : i32
    %dma_start3A_78 = arith.constant 0 : i32
    %dma_start3A_79 = tpu.memref_slice %arg9[%dma_start3A_75, %dma_start3A_77, %dma_start3A_78] : memref<3x112x128xf32, #tpu.memory_space<vmem>> -> memref<1x112x128xf32, #tpu.memory_space<vmem>>
    %dma_start3A_80 = tpu.memref_squeeze %dma_start3A_79 : memref<1x112x128xf32, #tpu.memory_space<vmem>> -> memref<112x128xf32, #tpu.memory_space<vmem>>
    %dma_start3A_81 = arith.constant 0 : i32
    %dma_start3A_82 = tpu.memref_slice %arg8[%dma_start3A_76, %dma_start3A_81] : memref<3x112xi32, #tpu.memory_space<vmem>> -> memref<1x112xi32, #tpu.memory_space<vmem>>
    %dma_start3A_83 = tpu.memref_squeeze %dma_start3A_82 : memref<1x112xi32, #tpu.memory_space<vmem>> -> memref<112xi32, #tpu.memory_space<vmem>>
    %dma_start3A_84 = arith.constant 0 : i32
    %dma_start3A_85 = arith.constant 0 : i32
    %dma_start3A_86 = tpu.memref_slice %arg10[%dma_start3A_84, %dma_start3A_85] : memref<10112x128xf32, #tpu.memory_space<vmem_shared>> -> memref<10112x128xf32, #tpu.memory_space<vmem_shared>>
    tpu.enqueue_indirect_dma source(%dma_start3A_80 : memref<112x128xf32, #tpu.memory_space<vmem>>) target(%dma_start3A_86 : memref<10112x128xf32, #tpu.memory_space<vmem_shared>>) offsets(%dma_start3A_83 : memref<112xi32, #tpu.memory_space<vmem>>) semaphore(%arg14 : memref<!tpu.dma_semaphore, #tpu.memory_space<semaphore_mem>>) {add = true}
    %dma_wait3A_87 = arith.constant 1 : i32
    %dma_wait3A_88 = arith.constant 1 : i32
    %dma_wait3A_89 = arith.constant 0 : i32
    %dma_wait3A_90 = arith.constant 0 : i32
    %dma_wait3A_91 = tpu.memref_slice %arg9[%dma_wait3A_88, %dma_wait3A_89, %dma_wait3A_90] : memref<3x112x128xf32, #tpu.memory_space<vmem>> -> memref<1x112x128xf32, #tpu.memory_space<vmem>>
    %dma_wait3A_92 = tpu.memref_squeeze %dma_wait3A_91 : memref<1x112x128xf32, #tpu.memory_space<vmem>> -> memref<112x128xf32, #tpu.memory_space<vmem>>
    %dma_wait3A_93 = arith.constant 0 : i32
    %dma_wait3A_94 = tpu.memref_slice %arg7[%dma_wait3A_87, %dma_wait3A_93] : memref<3x112xi32, #tpu.memory_space<vmem>> -> memref<1x112xi32, #tpu.memory_space<vmem>>
    %dma_wait3A_95 = tpu.memref_squeeze %dma_wait3A_94 : memref<1x112xi32, #tpu.memory_space<vmem>> -> memref<112xi32, #tpu.memory_space<vmem>>
    %dma_wait3A_96 = arith.constant 0 : i32
    %dma_wait3A_97 = arith.constant 0 : i32
    %dma_wait3A_98 = tpu.memref_slice %arg2[%dma_wait3A_96, %dma_wait3A_97] : memref<20000x128xf32, #tpu.memory_space<hbm>> -> memref<20000x128xf32, #tpu.memory_space<hbm>>
    tpu.wait_indirect_dma semaphore(%arg12 : memref<!tpu.dma_semaphore, #tpu.memory_space<semaphore_mem>>) src(%dma_wait3A_98 : memref<20000x128xf32, #tpu.memory_space<hbm>>) dst(%dma_wait3A_92 : memref<112x128xf32, #tpu.memory_space<vmem>>)
    %dma_start3A_99 = arith.constant 1 : i32
    %dma_start3A_100 = arith.constant 1 : i32
    %dma_start3A_101 = arith.constant 0 : i32
    %dma_start3A_102 = arith.constant 0 : i32
    %dma_start3A_103 = tpu.memref_slice %arg9[%dma_start3A_99, %dma_start3A_101, %dma_start3A_102] : memref<3x112x128xf32, #tpu.memory_space<vmem>> -> memref<1x112x128xf32, #tpu.memory_space<vmem>>
    %dma_start3A_104 = tpu.memref_squeeze %dma_start3A_103 : memref<1x112x128xf32, #tpu.memory_space<vmem>> -> memref<112x128xf32, #tpu.memory_space<vmem>>
    %dma_start3A_105 = arith.constant 0 : i32
    %dma_start3A_106 = tpu.memref_slice %arg8[%dma_start3A_100, %dma_start3A_105] : memref<3x112xi32, #tpu.memory_space<vmem>> -> memref<1x112xi32, #tpu.memory_space<vmem>>
    %dma_start3A_107 = tpu.memref_squeeze %dma_start3A_106 : memref<1x112xi32, #tpu.memory_space<vmem>> -> memref<112xi32, #tpu.memory_space<vmem>>
    %dma_start3A_108 = arith.constant 0 : i32
    %dma_start3A_109 = arith.constant 0 : i32
    %dma_start3A_110 = tpu.memref_slice %arg10[%dma_start3A_108, %dma_start3A_109] : memref<10112x128xf32, #tpu.memory_space<vmem_shared>> -> memref<10112x128xf32, #tpu.memory_space<vmem_shared>>
    tpu.enqueue_indirect_dma source(%dma_start3A_104 : memref<112x128xf32, #tpu.memory_space<vmem>>) target(%dma_start3A_110 : memref<10112x128xf32, #tpu.memory_space<vmem_shared>>) offsets(%dma_start3A_107 : memref<112xi32, #tpu.memory_space<vmem>>) semaphore(%arg15 : memref<!tpu.dma_semaphore, #tpu.memory_space<semaphore_mem>>) {add = true}
    %dma_wait3A_111 = arith.constant 2 : i32
    %dma_wait3A_112 = arith.constant 2 : i32
    %dma_wait3A_113 = arith.constant 0 : i32
    %dma_wait3A_114 = arith.constant 0 : i32
    %dma_wait3A_115 = tpu.memref_slice %arg9[%dma_wait3A_112, %dma_wait3A_113, %dma_wait3A_114] : memref<3x112x128xf32, #tpu.memory_space<vmem>> -> memref<1x112x128xf32, #tpu.memory_space<vmem>>
    %dma_wait3A_116 = tpu.memref_squeeze %dma_wait3A_115 : memref<1x112x128xf32, #tpu.memory_space<vmem>> -> memref<112x128xf32, #tpu.memory_space<vmem>>
    %dma_wait3A_117 = arith.constant 0 : i32
    %dma_wait3A_118 = tpu.memref_slice %arg7[%dma_wait3A_111, %dma_wait3A_117] : memref<3x112xi32, #tpu.memory_space<vmem>> -> memref<1x112xi32, #tpu.memory_space<vmem>>
    %dma_wait3A_119 = tpu.memref_squeeze %dma_wait3A_118 : memref<1x112xi32, #tpu.memory_space<vmem>> -> memref<112xi32, #tpu.memory_space<vmem>>
    %dma_wait3A_120 = arith.constant 0 : i32
    %dma_wait3A_121 = arith.constant 0 : i32
    %dma_wait3A_122 = tpu.memref_slice %arg2[%dma_wait3A_120, %dma_wait3A_121] : memref<20000x128xf32, #tpu.memory_space<hbm>> -> memref<20000x128xf32, #tpu.memory_space<hbm>>
    tpu.wait_indirect_dma semaphore(%arg13 : memref<!tpu.dma_semaphore, #tpu.memory_space<semaphore_mem>>) src(%dma_wait3A_122 : memref<20000x128xf32, #tpu.memory_space<hbm>>) dst(%dma_wait3A_116 : memref<112x128xf32, #tpu.memory_space<vmem>>)
    %dma_start3A_123 = arith.constant 2 : i32
    %dma_start3A_124 = arith.constant 2 : i32
    %dma_start3A_125 = arith.constant 0 : i32
    %dma_start3A_126 = arith.constant 0 : i32
    %dma_start3A_127 = tpu.memref_slice %arg9[%dma_start3A_123, %dma_start3A_125, %dma_start3A_126] : memref<3x112x128xf32, #tpu.memory_space<vmem>> -> memref<1x112x128xf32, #tpu.memory_space<vmem>>
    %dma_start3A_128 = tpu.memref_squeeze %dma_start3A_127 : memref<1x112x128xf32, #tpu.memory_space<vmem>> -> memref<112x128xf32, #tpu.memory_space<vmem>>
    %dma_start3A_129 = arith.constant 0 : i32
    %dma_start3A_130 = tpu.memref_slice %arg8[%dma_start3A_124, %dma_start3A_129] : memref<3x112xi32, #tpu.memory_space<vmem>> -> memref<1x112xi32, #tpu.memory_space<vmem>>
    %dma_start3A_131 = tpu.memref_squeeze %dma_start3A_130 : memref<1x112xi32, #tpu.memory_space<vmem>> -> memref<112xi32, #tpu.memory_space<vmem>>
    %dma_start3A_132 = arith.constant 0 : i32
    %dma_start3A_133 = arith.constant 0 : i32
    %dma_start3A_134 = tpu.memref_slice %arg10[%dma_start3A_132, %dma_start3A_133] : memref<10112x128xf32, #tpu.memory_space<vmem_shared>> -> memref<10112x128xf32, #tpu.memory_space<vmem_shared>>
    tpu.enqueue_indirect_dma source(%dma_start3A_128 : memref<112x128xf32, #tpu.memory_space<vmem>>) target(%dma_start3A_134 : memref<10112x128xf32, #tpu.memory_space<vmem_shared>>) offsets(%dma_start3A_131 : memref<112xi32, #tpu.memory_space<vmem>>) semaphore(%arg16 : memref<!tpu.dma_semaphore, #tpu.memory_space<semaphore_mem>>) {add = true}
    %dma_wait3A_135 = arith.constant 0 : i32
    %dma_wait3A_136 = arith.constant 0 : i32
    %dma_wait3A_137 = arith.constant 0 : i32
    %dma_wait3A_138 = arith.constant 0 : i32
    %dma_wait3A_139 = tpu.memref_slice %arg9[%dma_wait3A_135, %dma_wait3A_137, %dma_wait3A_138] : memref<3x112x128xf32, #tpu.memory_space<vmem>> -> memref<1x112x128xf32, #tpu.memory_space<vmem>>
    %dma_wait3A_140 = tpu.memref_squeeze %dma_wait3A_139 : memref<1x112x128xf32, #tpu.memory_space<vmem>> -> memref<112x128xf32, #tpu.memory_space<vmem>>
    %dma_wait3A_141 = arith.constant 0 : i32
    %dma_wait3A_142 = tpu.memref_slice %arg8[%dma_wait3A_136, %dma_wait3A_141] : memref<3x112xi32, #tpu.memory_space<vmem>> -> memref<1x112xi32, #tpu.memory_space<vmem>>
    %dma_wait3A_143 = tpu.memref_squeeze %dma_wait3A_142 : memref<1x112xi32, #tpu.memory_space<vmem>> -> memref<112xi32, #tpu.memory_space<vmem>>
    %dma_wait3A_144 = arith.constant 0 : i32
    %dma_wait3A_145 = arith.constant 0 : i32
    %dma_wait3A_146 = tpu.memref_slice %arg10[%dma_wait3A_144, %dma_wait3A_145] : memref<10112x128xf32, #tpu.memory_space<vmem_shared>> -> memref<10112x128xf32, #tpu.memory_space<vmem_shared>>
    tpu.wait_indirect_dma semaphore(%arg14 : memref<!tpu.dma_semaphore, #tpu.memory_space<semaphore_mem>>) src(%dma_wait3A_140 : memref<112x128xf32, #tpu.memory_space<vmem>>) dst(%dma_wait3A_146 : memref<10112x128xf32, #tpu.memory_space<vmem_shared>>)
    %dma_wait3A_147 = arith.constant 1 : i32
    %dma_wait3A_148 = arith.constant 1 : i32
    %dma_wait3A_149 = arith.constant 0 : i32
    %dma_wait3A_150 = arith.constant 0 : i32
    %dma_wait3A_151 = tpu.memref_slice %arg9[%dma_wait3A_147, %dma_wait3A_149, %dma_wait3A_150] : memref<3x112x128xf32, #tpu.memory_space<vmem>> -> memref<1x112x128xf32, #tpu.memory_space<vmem>>
    %dma_wait3A_152 = tpu.memref_squeeze %dma_wait3A_151 : memref<1x112x128xf32, #tpu.memory_space<vmem>> -> memref<112x128xf32, #tpu.memory_space<vmem>>
    %dma_wait3A_153 = arith.constant 0 : i32
    %dma_wait3A_154 = tpu.memref_slice %arg8[%dma_wait3A_148, %dma_wait3A_153] : memref<3x112xi32, #tpu.memory_space<vmem>> -> memref<1x112xi32, #tpu.memory_space<vmem>>
    %dma_wait3A_155 = tpu.memref_squeeze %dma_wait3A_154 : memref<1x112xi32, #tpu.memory_space<vmem>> -> memref<112xi32, #tpu.memory_space<vmem>>
    %dma_wait3A_156 = arith.constant 0 : i32
    %dma_wait3A_157 = arith.constant 0 : i32
    %dma_wait3A_158 = tpu.memref_slice %arg10[%dma_wait3A_156, %dma_wait3A_157] : memref<10112x128xf32, #tpu.memory_space<vmem_shared>> -> memref<10112x128xf32, #tpu.memory_space<vmem_shared>>
    tpu.wait_indirect_dma semaphore(%arg15 : memref<!tpu.dma_semaphore, #tpu.memory_space<semaphore_mem>>) src(%dma_wait3A_152 : memref<112x128xf32, #tpu.memory_space<vmem>>) dst(%dma_wait3A_158 : memref<10112x128xf32, #tpu.memory_space<vmem_shared>>)
    %dma_wait3A_159 = arith.constant 2 : i32
    %dma_wait3A_160 = arith.constant 2 : i32
    %dma_wait3A_161 = arith.constant 0 : i32
    %dma_wait3A_162 = arith.constant 0 : i32
    %dma_wait3A_163 = tpu.memref_slice %arg9[%dma_wait3A_159, %dma_wait3A_161, %dma_wait3A_162] : memref<3x112x128xf32, #tpu.memory_space<vmem>> -> memref<1x112x128xf32, #tpu.memory_space<vmem>>
    %dma_wait3A_164 = tpu.memref_squeeze %dma_wait3A_163 : memref<1x112x128xf32, #tpu.memory_space<vmem>> -> memref<112x128xf32, #tpu.memory_space<vmem>>
    %dma_wait3A_165 = arith.constant 0 : i32
    %dma_wait3A_166 = tpu.memref_slice %arg8[%dma_wait3A_160, %dma_wait3A_165] : memref<3x112xi32, #tpu.memory_space<vmem>> -> memref<1x112xi32, #tpu.memory_space<vmem>>
    %dma_wait3A_167 = tpu.memref_squeeze %dma_wait3A_166 : memref<1x112xi32, #tpu.memory_space<vmem>> -> memref<112xi32, #tpu.memory_space<vmem>>
    %dma_wait3A_168 = arith.constant 0 : i32
    %dma_wait3A_169 = arith.constant 0 : i32
    %dma_wait3A_170 = tpu.memref_slice %arg10[%dma_wait3A_168, %dma_wait3A_169] : memref<10112x128xf32, #tpu.memory_space<vmem_shared>> -> memref<10112x128xf32, #tpu.memory_space<vmem_shared>>
    tpu.wait_indirect_dma semaphore(%arg16 : memref<!tpu.dma_semaphore, #tpu.memory_space<semaphore_mem>>) src(%dma_wait3A_164 : memref<112x128xf32, #tpu.memory_space<vmem>>) dst(%dma_wait3A_170 : memref<10112x128xf32, #tpu.memory_space<vmem_shared>>)
    %barrier3A_171 = arith.constant 0 : index
    tpu.barrier barrier_id(%barrier3A_171)
    %mul3A_172 = arith.constant 10112 : i32
    %mul3A_173 = arith.muli %arg0, %mul3A_172 : i32
    %add3A_174 = arith.addi %mul3A_173, %mul3A_6 : i32
    "tpu.region"() ({
      %run_scoped3A_175 = tpu.sem_alloc : memref<!tpu.dma_semaphore, #tpu.memory_space<semaphore_mem>>
      %dma_start3A_176 = arith.constant 0 : i32
      %dma_start3A_177 = tpu.memref_slice %arg6[%add3A_174, %dma_start3A_176] : memref<20224x128xf32, #tpu.memory_space<hbm>> -> memref<632x128xf32, #tpu.memory_space<hbm>>
      %dma_start3A_178 = arith.constant 0 : i32
      %dma_start3A_179 = tpu.memref_slice %arg10[%mul3A_6, %dma_start3A_178] : memref<10112x128xf32, #tpu.memory_space<vmem_shared>> -> memref<632x128xf32, #tpu.memory_space<vmem_shared>>
      tpu.enqueue_dma source(%dma_start3A_179 : memref<632x128xf32, #tpu.memory_space<vmem_shared>>) target(%dma_start3A_177 : memref<632x128xf32, #tpu.memory_space<hbm>>) target_semaphore(%run_scoped3A_175 : memref<!tpu.dma_semaphore, #tpu.memory_space<semaphore_mem>>)
      %dma_wait3A_180 = arith.constant 0 : i32
      %dma_wait3A_181 = tpu.memref_slice %arg6[%add3A_174, %dma_wait3A_180] : memref<20224x128xf32, #tpu.memory_space<hbm>> -> memref<632x128xf32, #tpu.memory_space<hbm>>
      %dma_wait3A_182 = arith.constant 0 : i32
      %dma_wait3A_183 = tpu.memref_slice %arg10[%mul3A_6, %dma_wait3A_182] : memref<10112x128xf32, #tpu.memory_space<vmem_shared>> -> memref<632x128xf32, #tpu.memory_space<vmem_shared>>
      tpu.wait_dma2 semaphore(%run_scoped3A_175 : memref<!tpu.dma_semaphore, #tpu.memory_space<semaphore_mem>>) src(%dma_wait3A_183 : memref<632x128xf32, #tpu.memory_space<vmem_shared>>) dst(%dma_wait3A_181 : memref<632x128xf32, #tpu.memory_space<hbm>>)
      tpu.yield
    }) : () -> ()
    return
  }
}

#map = affine_map<(d0, d1) -> (0, 0)>
#map1 = affine_map<(d0, d1) -> (0)>
module attributes {stable_mosaic.version = 14 : i64} {
  func.func @_seg_body(%arg0: i32, %arg1: i32, %arg2: memref<112x128xf32, #tpu.memory_space<hbm>>, %arg3: memref<322560xi32, #tpu.memory_space<hbm>>, %arg4: memref<10112x128xf32, #tpu.memory_space<hbm>>, %arg5: memref<20224x128xf32, #tpu.memory_space<hbm>>, %arg6: memref<3x112xi32, #tpu.memory_space<vmem>>, %arg7: memref<3x112xi32, #tpu.memory_space<vmem>>, %arg8: memref<3x112x128xf32, #tpu.memory_space<vmem>>, %arg9: memref<10112x128xf32, #tpu.memory_space<vmem_shared>>, %arg10: memref<!tpu.dma_semaphore, #tpu.memory_space<semaphore_mem>>, %arg11: memref<!tpu.dma_semaphore, #tpu.memory_space<semaphore_mem>>, %arg12: memref<!tpu.dma_semaphore, #tpu.memory_space<semaphore_mem>>, %arg13: memref<!tpu.dma_semaphore, #tpu.memory_space<semaphore_mem>>, %arg14: memref<!tpu.dma_semaphore, #tpu.memory_space<semaphore_mem>>, %arg15: memref<!tpu.dma_semaphore, #tpu.memory_space<semaphore_mem>>) attributes {dimension_semantics = [#tpu.dimension_semantics<core_parallel>, #tpu.dimension_semantics<subcore_parallel>], iteration_bounds = array<i64: 2, 16>, scalar_prefetch = 0 : i64, scratch_operands = 10 : i64, tpu.core_type = #tpu.core_type<sc_vector_subcore>, window_params = [{transform_indices = #map}, {transform_indices = #map1}, {transform_indices = #map}, {transform_indices = #map}]} {
    %mul3A = arith.constant 16 : i32
    %mul3A_0 = arith.muli %arg0, %mul3A : i32
    %add3A = arith.addi %mul3A_0, %arg1 : i32
    %mul3A_1 = arith.constant 90 : i32
    %mul3A_2 = arith.muli %add3A, %mul3A_1 : i32
    %mul3A_3 = arith.constant 112 : i32
    %mul3A_4 = arith.muli %mul3A_2, %mul3A_3 : i32
    %mul3A_5 = arith.constant 322560 : i32
    %mul3A_6 = arith.muli %arg0, %mul3A_5 : i32
    %add3A_7 = arith.addi %mul3A_6, %mul3A_4 : i32
    %mul3A_8 = arith.constant 632 : i32
    %mul3A_9 = arith.muli %arg1, %mul3A_8 : i32
    "tpu.region"() ({
      %run_scoped3A_100 = tpu.sem_alloc : memref<!tpu.dma_semaphore, #tpu.memory_space<semaphore_mem>>
      %dma_start3A_101 = arith.constant 0 : i32
      %dma_start3A_102 = tpu.memref_slice %arg9[%mul3A_9, %dma_start3A_101] : memref<10112x128xf32, #tpu.memory_space<vmem_shared>> -> memref<632x128xf32, #tpu.memory_space<vmem_shared>>
      %dma_start3A_103 = arith.constant 0 : i32
      %dma_start3A_104 = tpu.memref_slice %arg4[%mul3A_9, %dma_start3A_103] : memref<10112x128xf32, #tpu.memory_space<hbm>> -> memref<632x128xf32, #tpu.memory_space<hbm>>
      tpu.enqueue_dma source(%dma_start3A_104 : memref<632x128xf32, #tpu.memory_space<hbm>>) target(%dma_start3A_102 : memref<632x128xf32, #tpu.memory_space<vmem_shared>>) target_semaphore(%run_scoped3A_100 : memref<!tpu.dma_semaphore, #tpu.memory_space<semaphore_mem>>)
      %dma_wait3A_105 = arith.constant 0 : i32
      %dma_wait3A_106 = tpu.memref_slice %arg9[%mul3A_9, %dma_wait3A_105] : memref<10112x128xf32, #tpu.memory_space<vmem_shared>> -> memref<632x128xf32, #tpu.memory_space<vmem_shared>>
      %dma_wait3A_107 = arith.constant 0 : i32
      %dma_wait3A_108 = tpu.memref_slice %arg4[%mul3A_9, %dma_wait3A_107] : memref<10112x128xf32, #tpu.memory_space<hbm>> -> memref<632x128xf32, #tpu.memory_space<hbm>>
      tpu.wait_dma2 semaphore(%run_scoped3A_100 : memref<!tpu.dma_semaphore, #tpu.memory_space<semaphore_mem>>) src(%dma_wait3A_108 : memref<632x128xf32, #tpu.memory_space<hbm>>) dst(%dma_wait3A_106 : memref<632x128xf32, #tpu.memory_space<vmem_shared>>)
      tpu.yield
    }) : () -> ()
    %run_scoped3A = arith.constant 0 : i32
    "tpu.region"() ({
      %run_scoped3A_100 = tpu.sem_alloc : memref<!tpu.dma_semaphore, #tpu.memory_space<semaphore_mem>>
      %dma_start3A_101 = arith.constant 0 : i32
      %dma_start3A_102 = arith.constant 0 : i32
      %dma_start3A_103 = tpu.memref_slice %arg8[%run_scoped3A, %dma_start3A_101, %dma_start3A_102] : memref<3x112x128xf32, #tpu.memory_space<vmem>> -> memref<1x112x128xf32, #tpu.memory_space<vmem>>
      %dma_start3A_104 = tpu.memref_squeeze %dma_start3A_103 : memref<1x112x128xf32, #tpu.memory_space<vmem>> -> memref<112x128xf32, #tpu.memory_space<vmem>>
      %dma_start3A_105 = arith.constant 0 : i32
      %dma_start3A_106 = arith.constant 0 : i32
      %dma_start3A_107 = tpu.memref_slice %arg8[%run_scoped3A, %dma_start3A_105, %dma_start3A_106] : memref<3x112x128xf32, #tpu.memory_space<vmem>> -> memref<1x112x128xf32, #tpu.memory_space<vmem>>
      %dma_start3A_108 = tpu.memref_squeeze %dma_start3A_107 : memref<1x112x128xf32, #tpu.memory_space<vmem>> -> memref<112x128xf32, #tpu.memory_space<vmem>>
      tpu.enqueue_dma source(%arg2 : memref<112x128xf32, #tpu.memory_space<hbm>>) target(%dma_start3A_108 : memref<112x128xf32, #tpu.memory_space<vmem>>) target_semaphore(%run_scoped3A_100 : memref<!tpu.dma_semaphore, #tpu.memory_space<semaphore_mem>>)
      %dma_wait3A_109 = arith.constant 0 : i32
      %dma_wait3A_110 = arith.constant 0 : i32
      %dma_wait3A_111 = tpu.memref_slice %arg8[%run_scoped3A, %dma_wait3A_109, %dma_wait3A_110] : memref<3x112x128xf32, #tpu.memory_space<vmem>> -> memref<1x112x128xf32, #tpu.memory_space<vmem>>
      %dma_wait3A_112 = tpu.memref_squeeze %dma_wait3A_111 : memref<1x112x128xf32, #tpu.memory_space<vmem>> -> memref<112x128xf32, #tpu.memory_space<vmem>>
      %dma_wait3A_113 = arith.constant 0 : i32
      %dma_wait3A_114 = arith.constant 0 : i32
      %dma_wait3A_115 = tpu.memref_slice %arg8[%run_scoped3A, %dma_wait3A_113, %dma_wait3A_114] : memref<3x112x128xf32, #tpu.memory_space<vmem>> -> memref<1x112x128xf32, #tpu.memory_space<vmem>>
      %dma_wait3A_116 = tpu.memref_squeeze %dma_wait3A_115 : memref<1x112x128xf32, #tpu.memory_space<vmem>> -> memref<112x128xf32, #tpu.memory_space<vmem>>
      tpu.wait_dma2 semaphore(%run_scoped3A_100 : memref<!tpu.dma_semaphore, #tpu.memory_space<semaphore_mem>>) src(%arg2 : memref<112x128xf32, #tpu.memory_space<hbm>>) dst(%dma_wait3A_116 : memref<112x128xf32, #tpu.memory_space<vmem>>)
      tpu.yield
    }) : () -> ()
    %run_scoped3A_10 = arith.constant 1 : i32
    "tpu.region"() ({
      %run_scoped3A_100 = tpu.sem_alloc : memref<!tpu.dma_semaphore, #tpu.memory_space<semaphore_mem>>
      %dma_start3A_101 = arith.constant 0 : i32
      %dma_start3A_102 = arith.constant 0 : i32
      %dma_start3A_103 = tpu.memref_slice %arg8[%run_scoped3A_10, %dma_start3A_101, %dma_start3A_102] : memref<3x112x128xf32, #tpu.memory_space<vmem>> -> memref<1x112x128xf32, #tpu.memory_space<vmem>>
      %dma_start3A_104 = tpu.memref_squeeze %dma_start3A_103 : memref<1x112x128xf32, #tpu.memory_space<vmem>> -> memref<112x128xf32, #tpu.memory_space<vmem>>
      %dma_start3A_105 = arith.constant 0 : i32
      %dma_start3A_106 = arith.constant 0 : i32
      %dma_start3A_107 = tpu.memref_slice %arg8[%run_scoped3A_10, %dma_start3A_105, %dma_start3A_106] : memref<3x112x128xf32, #tpu.memory_space<vmem>> -> memref<1x112x128xf32, #tpu.memory_space<vmem>>
      %dma_start3A_108 = tpu.memref_squeeze %dma_start3A_107 : memref<1x112x128xf32, #tpu.memory_space<vmem>> -> memref<112x128xf32, #tpu.memory_space<vmem>>
      tpu.enqueue_dma source(%arg2 : memref<112x128xf32, #tpu.memory_space<hbm>>) target(%dma_start3A_108 : memref<112x128xf32, #tpu.memory_space<vmem>>) target_semaphore(%run_scoped3A_100 : memref<!tpu.dma_semaphore, #tpu.memory_space<semaphore_mem>>)
      %dma_wait3A_109 = arith.constant 0 : i32
      %dma_wait3A_110 = arith.constant 0 : i32
      %dma_wait3A_111 = tpu.memref_slice %arg8[%run_scoped3A_10, %dma_wait3A_109, %dma_wait3A_110] : memref<3x112x128xf32, #tpu.memory_space<vmem>> -> memref<1x112x128xf32, #tpu.memory_space<vmem>>
      %dma_wait3A_112 = tpu.memref_squeeze %dma_wait3A_111 : memref<1x112x128xf32, #tpu.memory_space<vmem>> -> memref<112x128xf32, #tpu.memory_space<vmem>>
      %dma_wait3A_113 = arith.constant 0 : i32
      %dma_wait3A_114 = arith.constant 0 : i32
      %dma_wait3A_115 = tpu.memref_slice %arg8[%run_scoped3A_10, %dma_wait3A_113, %dma_wait3A_114] : memref<3x112x128xf32, #tpu.memory_space<vmem>> -> memref<1x112x128xf32, #tpu.memory_space<vmem>>
      %dma_wait3A_116 = tpu.memref_squeeze %dma_wait3A_115 : memref<1x112x128xf32, #tpu.memory_space<vmem>> -> memref<112x128xf32, #tpu.memory_space<vmem>>
      tpu.wait_dma2 semaphore(%run_scoped3A_100 : memref<!tpu.dma_semaphore, #tpu.memory_space<semaphore_mem>>) src(%arg2 : memref<112x128xf32, #tpu.memory_space<hbm>>) dst(%dma_wait3A_116 : memref<112x128xf32, #tpu.memory_space<vmem>>)
      tpu.yield
    }) : () -> ()
    %run_scoped3A_11 = arith.constant 2 : i32
    "tpu.region"() ({
      %run_scoped3A_100 = tpu.sem_alloc : memref<!tpu.dma_semaphore, #tpu.memory_space<semaphore_mem>>
      %dma_start3A_101 = arith.constant 0 : i32
      %dma_start3A_102 = arith.constant 0 : i32
      %dma_start3A_103 = tpu.memref_slice %arg8[%run_scoped3A_11, %dma_start3A_101, %dma_start3A_102] : memref<3x112x128xf32, #tpu.memory_space<vmem>> -> memref<1x112x128xf32, #tpu.memory_space<vmem>>
      %dma_start3A_104 = tpu.memref_squeeze %dma_start3A_103 : memref<1x112x128xf32, #tpu.memory_space<vmem>> -> memref<112x128xf32, #tpu.memory_space<vmem>>
      %dma_start3A_105 = arith.constant 0 : i32
      %dma_start3A_106 = arith.constant 0 : i32
      %dma_start3A_107 = tpu.memref_slice %arg8[%run_scoped3A_11, %dma_start3A_105, %dma_start3A_106] : memref<3x112x128xf32, #tpu.memory_space<vmem>> -> memref<1x112x128xf32, #tpu.memory_space<vmem>>
      %dma_start3A_108 = tpu.memref_squeeze %dma_start3A_107 : memref<1x112x128xf32, #tpu.memory_space<vmem>> -> memref<112x128xf32, #tpu.memory_space<vmem>>
      tpu.enqueue_dma source(%arg2 : memref<112x128xf32, #tpu.memory_space<hbm>>) target(%dma_start3A_108 : memref<112x128xf32, #tpu.memory_space<vmem>>) target_semaphore(%run_scoped3A_100 : memref<!tpu.dma_semaphore, #tpu.memory_space<semaphore_mem>>)
      %dma_wait3A_109 = arith.constant 0 : i32
      %dma_wait3A_110 = arith.constant 0 : i32
      %dma_wait3A_111 = tpu.memref_slice %arg8[%run_scoped3A_11, %dma_wait3A_109, %dma_wait3A_110] : memref<3x112x128xf32, #tpu.memory_space<vmem>> -> memref<1x112x128xf32, #tpu.memory_space<vmem>>
      %dma_wait3A_112 = tpu.memref_squeeze %dma_wait3A_111 : memref<1x112x128xf32, #tpu.memory_space<vmem>> -> memref<112x128xf32, #tpu.memory_space<vmem>>
      %dma_wait3A_113 = arith.constant 0 : i32
      %dma_wait3A_114 = arith.constant 0 : i32
      %dma_wait3A_115 = tpu.memref_slice %arg8[%run_scoped3A_11, %dma_wait3A_113, %dma_wait3A_114] : memref<3x112x128xf32, #tpu.memory_space<vmem>> -> memref<1x112x128xf32, #tpu.memory_space<vmem>>
      %dma_wait3A_116 = tpu.memref_squeeze %dma_wait3A_115 : memref<1x112x128xf32, #tpu.memory_space<vmem>> -> memref<112x128xf32, #tpu.memory_space<vmem>>
      tpu.wait_dma2 semaphore(%run_scoped3A_100 : memref<!tpu.dma_semaphore, #tpu.memory_space<semaphore_mem>>) src(%arg2 : memref<112x128xf32, #tpu.memory_space<hbm>>) dst(%dma_wait3A_116 : memref<112x128xf32, #tpu.memory_space<vmem>>)
      tpu.yield
    }) : () -> ()
    %barrier3A = arith.constant 0 : index
    tpu.barrier barrier_id(%barrier3A)
    %add3A_12 = arith.constant 0 : i32
    %add3A_13 = arith.addi %mul3A_4, %add3A_12 : i32
    %run_scoped3A_14 = arith.constant 0 : i32
    "tpu.region"() ({
      %run_scoped3A_100 = tpu.sem_alloc : memref<!tpu.dma_semaphore, #tpu.memory_space<semaphore_mem>>
      %dma_start3A_101 = arith.constant 0 : i32
      %dma_start3A_102 = tpu.memref_slice %arg7[%run_scoped3A_14, %dma_start3A_101] : memref<3x112xi32, #tpu.memory_space<vmem>> -> memref<1x112xi32, #tpu.memory_space<vmem>>
      %dma_start3A_103 = tpu.memref_squeeze %dma_start3A_102 : memref<1x112xi32, #tpu.memory_space<vmem>> -> memref<112xi32, #tpu.memory_space<vmem>>
      %dma_start3A_104 = tpu.memref_slice %arg3[%add3A_13] : memref<322560xi32, #tpu.memory_space<hbm>> -> memref<112xi32, #tpu.memory_space<hbm>>
      %dma_start3A_105 = arith.constant 0 : i32
      %dma_start3A_106 = tpu.memref_slice %arg7[%run_scoped3A_14, %dma_start3A_105] : memref<3x112xi32, #tpu.memory_space<vmem>> -> memref<1x112xi32, #tpu.memory_space<vmem>>
      %dma_start3A_107 = tpu.memref_squeeze %dma_start3A_106 : memref<1x112xi32, #tpu.memory_space<vmem>> -> memref<112xi32, #tpu.memory_space<vmem>>
      %dma_start3A_108 = tpu.memref_slice %arg3[%add3A_13] : memref<322560xi32, #tpu.memory_space<hbm>> -> memref<112xi32, #tpu.memory_space<hbm>>
      tpu.enqueue_dma source(%dma_start3A_108 : memref<112xi32, #tpu.memory_space<hbm>>) target(%dma_start3A_107 : memref<112xi32, #tpu.memory_space<vmem>>) target_semaphore(%run_scoped3A_100 : memref<!tpu.dma_semaphore, #tpu.memory_space<semaphore_mem>>)
      %dma_wait3A_109 = arith.constant 0 : i32
      %dma_wait3A_110 = tpu.memref_slice %arg7[%run_scoped3A_14, %dma_wait3A_109] : memref<3x112xi32, #tpu.memory_space<vmem>> -> memref<1x112xi32, #tpu.memory_space<vmem>>
      %dma_wait3A_111 = tpu.memref_squeeze %dma_wait3A_110 : memref<1x112xi32, #tpu.memory_space<vmem>> -> memref<112xi32, #tpu.memory_space<vmem>>
      %dma_wait3A_112 = tpu.memref_slice %arg3[%add3A_13] : memref<322560xi32, #tpu.memory_space<hbm>> -> memref<112xi32, #tpu.memory_space<hbm>>
      %dma_wait3A_113 = arith.constant 0 : i32
      %dma_wait3A_114 = tpu.memref_slice %arg7[%run_scoped3A_14, %dma_wait3A_113] : memref<3x112xi32, #tpu.memory_space<vmem>> -> memref<1x112xi32, #tpu.memory_space<vmem>>
      %dma_wait3A_115 = tpu.memref_squeeze %dma_wait3A_114 : memref<1x112xi32, #tpu.memory_space<vmem>> -> memref<112xi32, #tpu.memory_space<vmem>>
      %dma_wait3A_116 = tpu.memref_slice %arg3[%add3A_13] : memref<322560xi32, #tpu.memory_space<hbm>> -> memref<112xi32, #tpu.memory_space<hbm>>
      tpu.wait_dma2 semaphore(%run_scoped3A_100 : memref<!tpu.dma_semaphore, #tpu.memory_space<semaphore_mem>>) src(%dma_wait3A_116 : memref<112xi32, #tpu.memory_space<hbm>>) dst(%dma_wait3A_115 : memref<112xi32, #tpu.memory_space<vmem>>)
      tpu.yield
    }) : () -> ()
    %add3A_15 = arith.constant 112 : i32
    %add3A_16 = arith.addi %mul3A_4, %add3A_15 : i32
    %run_scoped3A_17 = arith.constant 1 : i32
    "tpu.region"() ({
      %run_scoped3A_100 = tpu.sem_alloc : memref<!tpu.dma_semaphore, #tpu.memory_space<semaphore_mem>>
      %dma_start3A_101 = arith.constant 0 : i32
      %dma_start3A_102 = tpu.memref_slice %arg7[%run_scoped3A_17, %dma_start3A_101] : memref<3x112xi32, #tpu.memory_space<vmem>> -> memref<1x112xi32, #tpu.memory_space<vmem>>
      %dma_start3A_103 = tpu.memref_squeeze %dma_start3A_102 : memref<1x112xi32, #tpu.memory_space<vmem>> -> memref<112xi32, #tpu.memory_space<vmem>>
      %dma_start3A_104 = tpu.memref_slice %arg3[%add3A_16] : memref<322560xi32, #tpu.memory_space<hbm>> -> memref<112xi32, #tpu.memory_space<hbm>>
      %dma_start3A_105 = arith.constant 0 : i32
      %dma_start3A_106 = tpu.memref_slice %arg7[%run_scoped3A_17, %dma_start3A_105] : memref<3x112xi32, #tpu.memory_space<vmem>> -> memref<1x112xi32, #tpu.memory_space<vmem>>
      %dma_start3A_107 = tpu.memref_squeeze %dma_start3A_106 : memref<1x112xi32, #tpu.memory_space<vmem>> -> memref<112xi32, #tpu.memory_space<vmem>>
      %dma_start3A_108 = tpu.memref_slice %arg3[%add3A_16] : memref<322560xi32, #tpu.memory_space<hbm>> -> memref<112xi32, #tpu.memory_space<hbm>>
      tpu.enqueue_dma source(%dma_start3A_108 : memref<112xi32, #tpu.memory_space<hbm>>) target(%dma_start3A_107 : memref<112xi32, #tpu.memory_space<vmem>>) target_semaphore(%run_scoped3A_100 : memref<!tpu.dma_semaphore, #tpu.memory_space<semaphore_mem>>)
      %dma_wait3A_109 = arith.constant 0 : i32
      %dma_wait3A_110 = tpu.memref_slice %arg7[%run_scoped3A_17, %dma_wait3A_109] : memref<3x112xi32, #tpu.memory_space<vmem>> -> memref<1x112xi32, #tpu.memory_space<vmem>>
      %dma_wait3A_111 = tpu.memref_squeeze %dma_wait3A_110 : memref<1x112xi32, #tpu.memory_space<vmem>> -> memref<112xi32, #tpu.memory_space<vmem>>
      %dma_wait3A_112 = tpu.memref_slice %arg3[%add3A_16] : memref<322560xi32, #tpu.memory_space<hbm>> -> memref<112xi32, #tpu.memory_space<hbm>>
      %dma_wait3A_113 = arith.constant 0 : i32
      %dma_wait3A_114 = tpu.memref_slice %arg7[%run_scoped3A_17, %dma_wait3A_113] : memref<3x112xi32, #tpu.memory_space<vmem>> -> memref<1x112xi32, #tpu.memory_space<vmem>>
      %dma_wait3A_115 = tpu.memref_squeeze %dma_wait3A_114 : memref<1x112xi32, #tpu.memory_space<vmem>> -> memref<112xi32, #tpu.memory_space<vmem>>
      %dma_wait3A_116 = tpu.memref_slice %arg3[%add3A_16] : memref<322560xi32, #tpu.memory_space<hbm>> -> memref<112xi32, #tpu.memory_space<hbm>>
      tpu.wait_dma2 semaphore(%run_scoped3A_100 : memref<!tpu.dma_semaphore, #tpu.memory_space<semaphore_mem>>) src(%dma_wait3A_116 : memref<112xi32, #tpu.memory_space<hbm>>) dst(%dma_wait3A_115 : memref<112xi32, #tpu.memory_space<vmem>>)
      tpu.yield
    }) : () -> ()
    %add3A_18 = arith.constant 224 : i32
    %add3A_19 = arith.addi %mul3A_4, %add3A_18 : i32
    %run_scoped3A_20 = arith.constant 2 : i32
    "tpu.region"() ({
      %run_scoped3A_100 = tpu.sem_alloc : memref<!tpu.dma_semaphore, #tpu.memory_space<semaphore_mem>>
      %dma_start3A_101 = arith.constant 0 : i32
      %dma_start3A_102 = tpu.memref_slice %arg7[%run_scoped3A_20, %dma_start3A_101] : memref<3x112xi32, #tpu.memory_space<vmem>> -> memref<1x112xi32, #tpu.memory_space<vmem>>
      %dma_start3A_103 = tpu.memref_squeeze %dma_start3A_102 : memref<1x112xi32, #tpu.memory_space<vmem>> -> memref<112xi32, #tpu.memory_space<vmem>>
      %dma_start3A_104 = tpu.memref_slice %arg3[%add3A_19] : memref<322560xi32, #tpu.memory_space<hbm>> -> memref<112xi32, #tpu.memory_space<hbm>>
      %dma_start3A_105 = arith.constant 0 : i32
      %dma_start3A_106 = tpu.memref_slice %arg7[%run_scoped3A_20, %dma_start3A_105] : memref<3x112xi32, #tpu.memory_space<vmem>> -> memref<1x112xi32, #tpu.memory_space<vmem>>
      %dma_start3A_107 = tpu.memref_squeeze %dma_start3A_106 : memref<1x112xi32, #tpu.memory_space<vmem>> -> memref<112xi32, #tpu.memory_space<vmem>>
      %dma_start3A_108 = tpu.memref_slice %arg3[%add3A_19] : memref<322560xi32, #tpu.memory_space<hbm>> -> memref<112xi32, #tpu.memory_space<hbm>>
      tpu.enqueue_dma source(%dma_start3A_108 : memref<112xi32, #tpu.memory_space<hbm>>) target(%dma_start3A_107 : memref<112xi32, #tpu.memory_space<vmem>>) target_semaphore(%run_scoped3A_100 : memref<!tpu.dma_semaphore, #tpu.memory_space<semaphore_mem>>)
      %dma_wait3A_109 = arith.constant 0 : i32
      %dma_wait3A_110 = tpu.memref_slice %arg7[%run_scoped3A_20, %dma_wait3A_109] : memref<3x112xi32, #tpu.memory_space<vmem>> -> memref<1x112xi32, #tpu.memory_space<vmem>>
      %dma_wait3A_111 = tpu.memref_squeeze %dma_wait3A_110 : memref<1x112xi32, #tpu.memory_space<vmem>> -> memref<112xi32, #tpu.memory_space<vmem>>
      %dma_wait3A_112 = tpu.memref_slice %arg3[%add3A_19] : memref<322560xi32, #tpu.memory_space<hbm>> -> memref<112xi32, #tpu.memory_space<hbm>>
      %dma_wait3A_113 = arith.constant 0 : i32
      %dma_wait3A_114 = tpu.memref_slice %arg7[%run_scoped3A_20, %dma_wait3A_113] : memref<3x112xi32, #tpu.memory_space<vmem>> -> memref<1x112xi32, #tpu.memory_space<vmem>>
      %dma_wait3A_115 = tpu.memref_squeeze %dma_wait3A_114 : memref<1x112xi32, #tpu.memory_space<vmem>> -> memref<112xi32, #tpu.memory_space<vmem>>
      %dma_wait3A_116 = tpu.memref_slice %arg3[%add3A_19] : memref<322560xi32, #tpu.memory_space<hbm>> -> memref<112xi32, #tpu.memory_space<hbm>>
      tpu.wait_dma2 semaphore(%run_scoped3A_100 : memref<!tpu.dma_semaphore, #tpu.memory_space<semaphore_mem>>) src(%dma_wait3A_116 : memref<112xi32, #tpu.memory_space<hbm>>) dst(%dma_wait3A_115 : memref<112xi32, #tpu.memory_space<vmem>>)
      tpu.yield
    }) : () -> ()
    %scan3A = arith.constant 0 : i32
    %scan3A_21 = arith.constant 0 : i32
    %scan3A_22 = arith.constant 29 : i32
    %scan3A_23 = arith.addi %scan3A_21, %scan3A_22 : i32
    %scan3A_24 = arith.constant 1 : i32
    scf.for %scan3A_100 = %scan3A_21 to %scan3A_23 step %scan3A_24  : i32 {
      %mul3A_101 = arith.constant 3 : i32
      %mul3A_102 = arith.muli %scan3A_100, %mul3A_101 : i32
      %dma_start3A_103 = arith.constant 0 : i32
      %dma_start3A_104 = arith.constant 0 : i32
      %dma_start3A_105 = arith.constant 0 : i32
      %dma_start3A_106 = arith.constant 0 : i32
      %dma_start3A_107 = tpu.memref_slice %arg8[%dma_start3A_103, %dma_start3A_105, %dma_start3A_106] : memref<3x112x128xf32, #tpu.memory_space<vmem>> -> memref<1x112x128xf32, #tpu.memory_space<vmem>>
      %dma_start3A_108 = tpu.memref_squeeze %dma_start3A_107 : memref<1x112x128xf32, #tpu.memory_space<vmem>> -> memref<112x128xf32, #tpu.memory_space<vmem>>
      %dma_start3A_109 = arith.constant 0 : i32
      %dma_start3A_110 = tpu.memref_slice %arg7[%dma_start3A_104, %dma_start3A_109] : memref<3x112xi32, #tpu.memory_space<vmem>> -> memref<1x112xi32, #tpu.memory_space<vmem>>
      %dma_start3A_111 = tpu.memref_squeeze %dma_start3A_110 : memref<1x112xi32, #tpu.memory_space<vmem>> -> memref<112xi32, #tpu.memory_space<vmem>>
      %dma_start3A_112 = arith.constant 0 : i32
      %dma_start3A_113 = arith.constant 0 : i32
      %dma_start3A_114 = tpu.memref_slice %arg9[%dma_start3A_112, %dma_start3A_113] : memref<10112x128xf32, #tpu.memory_space<vmem_shared>> -> memref<10112x128xf32, #tpu.memory_space<vmem_shared>>
      tpu.enqueue_indirect_dma source(%dma_start3A_108 : memref<112x128xf32, #tpu.memory_space<vmem>>) target(%dma_start3A_114 : memref<10112x128xf32, #tpu.memory_space<vmem_shared>>) offsets(%dma_start3A_111 : memref<112xi32, #tpu.memory_space<vmem>>) semaphore(%arg13 : memref<!tpu.dma_semaphore, #tpu.memory_space<semaphore_mem>>) {add = true}
      %dma_start3A_115 = arith.constant 1 : i32
      %dma_start3A_116 = arith.constant 1 : i32
      %dma_start3A_117 = arith.constant 0 : i32
      %dma_start3A_118 = arith.constant 0 : i32
      %dma_start3A_119 = tpu.memref_slice %arg8[%dma_start3A_115, %dma_start3A_117, %dma_start3A_118] : memref<3x112x128xf32, #tpu.memory_space<vmem>> -> memref<1x112x128xf32, #tpu.memory_space<vmem>>
      %dma_start3A_120 = tpu.memref_squeeze %dma_start3A_119 : memref<1x112x128xf32, #tpu.memory_space<vmem>> -> memref<112x128xf32, #tpu.memory_space<vmem>>
      %dma_start3A_121 = arith.constant 0 : i32
      %dma_start3A_122 = tpu.memref_slice %arg7[%dma_start3A_116, %dma_start3A_121] : memref<3x112xi32, #tpu.memory_space<vmem>> -> memref<1x112xi32, #tpu.memory_space<vmem>>
      %dma_start3A_123 = tpu.memref_squeeze %dma_start3A_122 : memref<1x112xi32, #tpu.memory_space<vmem>> -> memref<112xi32, #tpu.memory_space<vmem>>
      %dma_start3A_124 = arith.constant 0 : i32
      %dma_start3A_125 = arith.constant 0 : i32
      %dma_start3A_126 = tpu.memref_slice %arg9[%dma_start3A_124, %dma_start3A_125] : memref<10112x128xf32, #tpu.memory_space<vmem_shared>> -> memref<10112x128xf32, #tpu.memory_space<vmem_shared>>
      tpu.enqueue_indirect_dma source(%dma_start3A_120 : memref<112x128xf32, #tpu.memory_space<vmem>>) target(%dma_start3A_126 : memref<10112x128xf32, #tpu.memory_space<vmem_shared>>) offsets(%dma_start3A_123 : memref<112xi32, #tpu.memory_space<vmem>>) semaphore(%arg14 : memref<!tpu.dma_semaphore, #tpu.memory_space<semaphore_mem>>) {add = true}
      %dma_start3A_127 = arith.constant 2 : i32
      %dma_start3A_128 = arith.constant 2 : i32
      %dma_start3A_129 = arith.constant 0 : i32
      %dma_start3A_130 = arith.constant 0 : i32
      %dma_start3A_131 = tpu.memref_slice %arg8[%dma_start3A_127, %dma_start3A_129, %dma_start3A_130] : memref<3x112x128xf32, #tpu.memory_space<vmem>> -> memref<1x112x128xf32, #tpu.memory_space<vmem>>
      %dma_start3A_132 = tpu.memref_squeeze %dma_start3A_131 : memref<1x112x128xf32, #tpu.memory_space<vmem>> -> memref<112x128xf32, #tpu.memory_space<vmem>>
      %dma_start3A_133 = arith.constant 0 : i32
      %dma_start3A_134 = tpu.memref_slice %arg7[%dma_start3A_128, %dma_start3A_133] : memref<3x112xi32, #tpu.memory_space<vmem>> -> memref<1x112xi32, #tpu.memory_space<vmem>>
      %dma_start3A_135 = tpu.memref_squeeze %dma_start3A_134 : memref<1x112xi32, #tpu.memory_space<vmem>> -> memref<112xi32, #tpu.memory_space<vmem>>
      %dma_start3A_136 = arith.constant 0 : i32
      %dma_start3A_137 = arith.constant 0 : i32
      %dma_start3A_138 = tpu.memref_slice %arg9[%dma_start3A_136, %dma_start3A_137] : memref<10112x128xf32, #tpu.memory_space<vmem_shared>> -> memref<10112x128xf32, #tpu.memory_space<vmem_shared>>
      tpu.enqueue_indirect_dma source(%dma_start3A_132 : memref<112x128xf32, #tpu.memory_space<vmem>>) target(%dma_start3A_138 : memref<10112x128xf32, #tpu.memory_space<vmem_shared>>) offsets(%dma_start3A_135 : memref<112xi32, #tpu.memory_space<vmem>>) semaphore(%arg15 : memref<!tpu.dma_semaphore, #tpu.memory_space<semaphore_mem>>) {add = true}
      %dma_wait3A_139 = arith.constant 0 : i32
      %dma_wait3A_140 = arith.constant 0 : i32
      %dma_wait3A_141 = arith.constant 0 : i32
      %dma_wait3A_142 = arith.constant 0 : i32
      %dma_wait3A_143 = tpu.memref_slice %arg8[%dma_wait3A_139, %dma_wait3A_141, %dma_wait3A_142] : memref<3x112x128xf32, #tpu.memory_space<vmem>> -> memref<1x112x128xf32, #tpu.memory_space<vmem>>
      %dma_wait3A_144 = tpu.memref_squeeze %dma_wait3A_143 : memref<1x112x128xf32, #tpu.memory_space<vmem>> -> memref<112x128xf32, #tpu.memory_space<vmem>>
      %dma_wait3A_145 = arith.constant 0 : i32
      %dma_wait3A_146 = tpu.memref_slice %arg7[%dma_wait3A_140, %dma_wait3A_145] : memref<3x112xi32, #tpu.memory_space<vmem>> -> memref<1x112xi32, #tpu.memory_space<vmem>>
      %dma_wait3A_147 = tpu.memref_squeeze %dma_wait3A_146 : memref<1x112xi32, #tpu.memory_space<vmem>> -> memref<112xi32, #tpu.memory_space<vmem>>
      %dma_wait3A_148 = arith.constant 0 : i32
      %dma_wait3A_149 = arith.constant 0 : i32
      %dma_wait3A_150 = tpu.memref_slice %arg9[%dma_wait3A_148, %dma_wait3A_149] : memref<10112x128xf32, #tpu.memory_space<vmem_shared>> -> memref<10112x128xf32, #tpu.memory_space<vmem_shared>>
      tpu.wait_indirect_dma semaphore(%arg13 : memref<!tpu.dma_semaphore, #tpu.memory_space<semaphore_mem>>) src(%dma_wait3A_144 : memref<112x128xf32, #tpu.memory_space<vmem>>) dst(%dma_wait3A_150 : memref<10112x128xf32, #tpu.memory_space<vmem_shared>>)
      %add3A_151 = arith.constant 3 : i32
      %add3A_152 = arith.addi %mul3A_102, %add3A_151 : i32
      %add3A_153 = arith.constant 0 : i32
      %add3A_154 = arith.addi %add3A_152, %add3A_153 : i32
      %mul3A_155 = arith.constant 112 : i32
      %mul3A_156 = arith.muli %add3A_154, %mul3A_155 : i32
      %add3A_157 = arith.addi %mul3A_4, %mul3A_156 : i32
      %run_scoped3A_158 = arith.constant 0 : i32
      "tpu.region"() ({
        %run_scoped3A_199 = tpu.sem_alloc : memref<!tpu.dma_semaphore, #tpu.memory_space<semaphore_mem>>
        %dma_start3A_200 = arith.constant 0 : i32
        %dma_start3A_201 = tpu.memref_slice %arg7[%run_scoped3A_158, %dma_start3A_200] : memref<3x112xi32, #tpu.memory_space<vmem>> -> memref<1x112xi32, #tpu.memory_space<vmem>>
        %dma_start3A_202 = tpu.memref_squeeze %dma_start3A_201 : memref<1x112xi32, #tpu.memory_space<vmem>> -> memref<112xi32, #tpu.memory_space<vmem>>
        %dma_start3A_203 = tpu.memref_slice %arg3[%add3A_157] : memref<322560xi32, #tpu.memory_space<hbm>> -> memref<112xi32, #tpu.memory_space<hbm>>
        %dma_start3A_204 = arith.constant 0 : i32
        %dma_start3A_205 = tpu.memref_slice %arg7[%run_scoped3A_158, %dma_start3A_204] : memref<3x112xi32, #tpu.memory_space<vmem>> -> memref<1x112xi32, #tpu.memory_space<vmem>>
        %dma_start3A_206 = tpu.memref_squeeze %dma_start3A_205 : memref<1x112xi32, #tpu.memory_space<vmem>> -> memref<112xi32, #tpu.memory_space<vmem>>
        %dma_start3A_207 = tpu.memref_slice %arg3[%add3A_157] : memref<322560xi32, #tpu.memory_space<hbm>> -> memref<112xi32, #tpu.memory_space<hbm>>
        tpu.enqueue_dma source(%dma_start3A_207 : memref<112xi32, #tpu.memory_space<hbm>>) target(%dma_start3A_206 : memref<112xi32, #tpu.memory_space<vmem>>) target_semaphore(%run_scoped3A_199 : memref<!tpu.dma_semaphore, #tpu.memory_space<semaphore_mem>>)
        %dma_wait3A_208 = arith.constant 0 : i32
        %dma_wait3A_209 = tpu.memref_slice %arg7[%run_scoped3A_158, %dma_wait3A_208] : memref<3x112xi32, #tpu.memory_space<vmem>> -> memref<1x112xi32, #tpu.memory_space<vmem>>
        %dma_wait3A_210 = tpu.memref_squeeze %dma_wait3A_209 : memref<1x112xi32, #tpu.memory_space<vmem>> -> memref<112xi32, #tpu.memory_space<vmem>>
        %dma_wait3A_211 = tpu.memref_slice %arg3[%add3A_157] : memref<322560xi32, #tpu.memory_space<hbm>> -> memref<112xi32, #tpu.memory_space<hbm>>
        %dma_wait3A_212 = arith.constant 0 : i32
        %dma_wait3A_213 = tpu.memref_slice %arg7[%run_scoped3A_158, %dma_wait3A_212] : memref<3x112xi32, #tpu.memory_space<vmem>> -> memref<1x112xi32, #tpu.memory_space<vmem>>
        %dma_wait3A_214 = tpu.memref_squeeze %dma_wait3A_213 : memref<1x112xi32, #tpu.memory_space<vmem>> -> memref<112xi32, #tpu.memory_space<vmem>>
        %dma_wait3A_215 = tpu.memref_slice %arg3[%add3A_157] : memref<322560xi32, #tpu.memory_space<hbm>> -> memref<112xi32, #tpu.memory_space<hbm>>
        tpu.wait_dma2 semaphore(%run_scoped3A_199 : memref<!tpu.dma_semaphore, #tpu.memory_space<semaphore_mem>>) src(%dma_wait3A_215 : memref<112xi32, #tpu.memory_space<hbm>>) dst(%dma_wait3A_214 : memref<112xi32, #tpu.memory_space<vmem>>)
        tpu.yield
      }) : () -> ()
      %dma_wait3A_159 = arith.constant 1 : i32
      %dma_wait3A_160 = arith.constant 1 : i32
      %dma_wait3A_161 = arith.constant 0 : i32
      %dma_wait3A_162 = arith.constant 0 : i32
      %dma_wait3A_163 = tpu.memref_slice %arg8[%dma_wait3A_159, %dma_wait3A_161, %dma_wait3A_162] : memref<3x112x128xf32, #tpu.memory_space<vmem>> -> memref<1x112x128xf32, #tpu.memory_space<vmem>>
      %dma_wait3A_164 = tpu.memref_squeeze %dma_wait3A_163 : memref<1x112x128xf32, #tpu.memory_space<vmem>> -> memref<112x128xf32, #tpu.memory_space<vmem>>
      %dma_wait3A_165 = arith.constant 0 : i32
      %dma_wait3A_166 = tpu.memref_slice %arg7[%dma_wait3A_160, %dma_wait3A_165] : memref<3x112xi32, #tpu.memory_space<vmem>> -> memref<1x112xi32, #tpu.memory_space<vmem>>
      %dma_wait3A_167 = tpu.memref_squeeze %dma_wait3A_166 : memref<1x112xi32, #tpu.memory_space<vmem>> -> memref<112xi32, #tpu.memory_space<vmem>>
      %dma_wait3A_168 = arith.constant 0 : i32
      %dma_wait3A_169 = arith.constant 0 : i32
      %dma_wait3A_170 = tpu.memref_slice %arg9[%dma_wait3A_168, %dma_wait3A_169] : memref<10112x128xf32, #tpu.memory_space<vmem_shared>> -> memref<10112x128xf32, #tpu.memory_space<vmem_shared>>
      tpu.wait_indirect_dma semaphore(%arg14 : memref<!tpu.dma_semaphore, #tpu.memory_space<semaphore_mem>>) src(%dma_wait3A_164 : memref<112x128xf32, #tpu.memory_space<vmem>>) dst(%dma_wait3A_170 : memref<10112x128xf32, #tpu.memory_space<vmem_shared>>)
      %add3A_171 = arith.constant 3 : i32
      %add3A_172 = arith.addi %mul3A_102, %add3A_171 : i32
      %add3A_173 = arith.constant 1 : i32
      %add3A_174 = arith.addi %add3A_172, %add3A_173 : i32
      %mul3A_175 = arith.constant 112 : i32
      %mul3A_176 = arith.muli %add3A_174, %mul3A_175 : i32
      %add3A_177 = arith.addi %mul3A_4, %mul3A_176 : i32
      %run_scoped3A_178 = arith.constant 1 : i32
      "tpu.region"() ({
        %run_scoped3A_199 = tpu.sem_alloc : memref<!tpu.dma_semaphore, #tpu.memory_space<semaphore_mem>>
        %dma_start3A_200 = arith.constant 0 : i32
        %dma_start3A_201 = tpu.memref_slice %arg7[%run_scoped3A_178, %dma_start3A_200] : memref<3x112xi32, #tpu.memory_space<vmem>> -> memref<1x112xi32, #tpu.memory_space<vmem>>
        %dma_start3A_202 = tpu.memref_squeeze %dma_start3A_201 : memref<1x112xi32, #tpu.memory_space<vmem>> -> memref<112xi32, #tpu.memory_space<vmem>>
        %dma_start3A_203 = tpu.memref_slice %arg3[%add3A_177] : memref<322560xi32, #tpu.memory_space<hbm>> -> memref<112xi32, #tpu.memory_space<hbm>>
        %dma_start3A_204 = arith.constant 0 : i32
        %dma_start3A_205 = tpu.memref_slice %arg7[%run_scoped3A_178, %dma_start3A_204] : memref<3x112xi32, #tpu.memory_space<vmem>> -> memref<1x112xi32, #tpu.memory_space<vmem>>
        %dma_start3A_206 = tpu.memref_squeeze %dma_start3A_205 : memref<1x112xi32, #tpu.memory_space<vmem>> -> memref<112xi32, #tpu.memory_space<vmem>>
        %dma_start3A_207 = tpu.memref_slice %arg3[%add3A_177] : memref<322560xi32, #tpu.memory_space<hbm>> -> memref<112xi32, #tpu.memory_space<hbm>>
        tpu.enqueue_dma source(%dma_start3A_207 : memref<112xi32, #tpu.memory_space<hbm>>) target(%dma_start3A_206 : memref<112xi32, #tpu.memory_space<vmem>>) target_semaphore(%run_scoped3A_199 : memref<!tpu.dma_semaphore, #tpu.memory_space<semaphore_mem>>)
        %dma_wait3A_208 = arith.constant 0 : i32
        %dma_wait3A_209 = tpu.memref_slice %arg7[%run_scoped3A_178, %dma_wait3A_208] : memref<3x112xi32, #tpu.memory_space<vmem>> -> memref<1x112xi32, #tpu.memory_space<vmem>>
        %dma_wait3A_210 = tpu.memref_squeeze %dma_wait3A_209 : memref<1x112xi32, #tpu.memory_space<vmem>> -> memref<112xi32, #tpu.memory_space<vmem>>
        %dma_wait3A_211 = tpu.memref_slice %arg3[%add3A_177] : memref<322560xi32, #tpu.memory_space<hbm>> -> memref<112xi32, #tpu.memory_space<hbm>>
        %dma_wait3A_212 = arith.constant 0 : i32
        %dma_wait3A_213 = tpu.memref_slice %arg7[%run_scoped3A_178, %dma_wait3A_212] : memref<3x112xi32, #tpu.memory_space<vmem>> -> memref<1x112xi32, #tpu.memory_space<vmem>>
        %dma_wait3A_214 = tpu.memref_squeeze %dma_wait3A_213 : memref<1x112xi32, #tpu.memory_space<vmem>> -> memref<112xi32, #tpu.memory_space<vmem>>
        %dma_wait3A_215 = tpu.memref_slice %arg3[%add3A_177] : memref<322560xi32, #tpu.memory_space<hbm>> -> memref<112xi32, #tpu.memory_space<hbm>>
        tpu.wait_dma2 semaphore(%run_scoped3A_199 : memref<!tpu.dma_semaphore, #tpu.memory_space<semaphore_mem>>) src(%dma_wait3A_215 : memref<112xi32, #tpu.memory_space<hbm>>) dst(%dma_wait3A_214 : memref<112xi32, #tpu.memory_space<vmem>>)
        tpu.yield
      }) : () -> ()
      %dma_wait3A_179 = arith.constant 2 : i32
      %dma_wait3A_180 = arith.constant 2 : i32
      %dma_wait3A_181 = arith.constant 0 : i32
      %dma_wait3A_182 = arith.constant 0 : i32
      %dma_wait3A_183 = tpu.memref_slice %arg8[%dma_wait3A_179, %dma_wait3A_181, %dma_wait3A_182] : memref<3x112x128xf32, #tpu.memory_space<vmem>> -> memref<1x112x128xf32, #tpu.memory_space<vmem>>
      %dma_wait3A_184 = tpu.memref_squeeze %dma_wait3A_183 : memref<1x112x128xf32, #tpu.memory_space<vmem>> -> memref<112x128xf32, #tpu.memory_space<vmem>>
      %dma_wait3A_185 = arith.constant 0 : i32
      %dma_wait3A_186 = tpu.memref_slice %arg7[%dma_wait3A_180, %dma_wait3A_185] : memref<3x112xi32, #tpu.memory_space<vmem>> -> memref<1x112xi32, #tpu.memory_space<vmem>>
      %dma_wait3A_187 = tpu.memref_squeeze %dma_wait3A_186 : memref<1x112xi32, #tpu.memory_space<vmem>> -> memref<112xi32, #tpu.memory_space<vmem>>
      %dma_wait3A_188 = arith.constant 0 : i32
      %dma_wait3A_189 = arith.constant 0 : i32
      %dma_wait3A_190 = tpu.memref_slice %arg9[%dma_wait3A_188, %dma_wait3A_189] : memref<10112x128xf32, #tpu.memory_space<vmem_shared>> -> memref<10112x128xf32, #tpu.memory_space<vmem_shared>>
      tpu.wait_indirect_dma semaphore(%arg15 : memref<!tpu.dma_semaphore, #tpu.memory_space<semaphore_mem>>) src(%dma_wait3A_184 : memref<112x128xf32, #tpu.memory_space<vmem>>) dst(%dma_wait3A_190 : memref<10112x128xf32, #tpu.memory_space<vmem_shared>>)
      %add3A_191 = arith.constant 3 : i32
      %add3A_192 = arith.addi %mul3A_102, %add3A_191 : i32
      %add3A_193 = arith.constant 2 : i32
      %add3A_194 = arith.addi %add3A_192, %add3A_193 : i32
      %mul3A_195 = arith.constant 112 : i32
      %mul3A_196 = arith.muli %add3A_194, %mul3A_195 : i32
      %add3A_197 = arith.addi %mul3A_4, %mul3A_196 : i32
      %run_scoped3A_198 = arith.constant 2 : i32
      "tpu.region"() ({
        %run_scoped3A_199 = tpu.sem_alloc : memref<!tpu.dma_semaphore, #tpu.memory_space<semaphore_mem>>
        %dma_start3A_200 = arith.constant 0 : i32
        %dma_start3A_201 = tpu.memref_slice %arg7[%run_scoped3A_198, %dma_start3A_200] : memref<3x112xi32, #tpu.memory_space<vmem>> -> memref<1x112xi32, #tpu.memory_space<vmem>>
        %dma_start3A_202 = tpu.memref_squeeze %dma_start3A_201 : memref<1x112xi32, #tpu.memory_space<vmem>> -> memref<112xi32, #tpu.memory_space<vmem>>
        %dma_start3A_203 = tpu.memref_slice %arg3[%add3A_197] : memref<322560xi32, #tpu.memory_space<hbm>> -> memref<112xi32, #tpu.memory_space<hbm>>
        %dma_start3A_204 = arith.constant 0 : i32
        %dma_start3A_205 = tpu.memref_slice %arg7[%run_scoped3A_198, %dma_start3A_204] : memref<3x112xi32, #tpu.memory_space<vmem>> -> memref<1x112xi32, #tpu.memory_space<vmem>>
        %dma_start3A_206 = tpu.memref_squeeze %dma_start3A_205 : memref<1x112xi32, #tpu.memory_space<vmem>> -> memref<112xi32, #tpu.memory_space<vmem>>
        %dma_start3A_207 = tpu.memref_slice %arg3[%add3A_197] : memref<322560xi32, #tpu.memory_space<hbm>> -> memref<112xi32, #tpu.memory_space<hbm>>
        tpu.enqueue_dma source(%dma_start3A_207 : memref<112xi32, #tpu.memory_space<hbm>>) target(%dma_start3A_206 : memref<112xi32, #tpu.memory_space<vmem>>) target_semaphore(%run_scoped3A_199 : memref<!tpu.dma_semaphore, #tpu.memory_space<semaphore_mem>>)
        %dma_wait3A_208 = arith.constant 0 : i32
        %dma_wait3A_209 = tpu.memref_slice %arg7[%run_scoped3A_198, %dma_wait3A_208] : memref<3x112xi32, #tpu.memory_space<vmem>> -> memref<1x112xi32, #tpu.memory_space<vmem>>
        %dma_wait3A_210 = tpu.memref_squeeze %dma_wait3A_209 : memref<1x112xi32, #tpu.memory_space<vmem>> -> memref<112xi32, #tpu.memory_space<vmem>>
        %dma_wait3A_211 = tpu.memref_slice %arg3[%add3A_197] : memref<322560xi32, #tpu.memory_space<hbm>> -> memref<112xi32, #tpu.memory_space<hbm>>
        %dma_wait3A_212 = arith.constant 0 : i32
        %dma_wait3A_213 = tpu.memref_slice %arg7[%run_scoped3A_198, %dma_wait3A_212] : memref<3x112xi32, #tpu.memory_space<vmem>> -> memref<1x112xi32, #tpu.memory_space<vmem>>
        %dma_wait3A_214 = tpu.memref_squeeze %dma_wait3A_213 : memref<1x112xi32, #tpu.memory_space<vmem>> -> memref<112xi32, #tpu.memory_space<vmem>>
        %dma_wait3A_215 = tpu.memref_slice %arg3[%add3A_197] : memref<322560xi32, #tpu.memory_space<hbm>> -> memref<112xi32, #tpu.memory_space<hbm>>
        tpu.wait_dma2 semaphore(%run_scoped3A_199 : memref<!tpu.dma_semaphore, #tpu.memory_space<semaphore_mem>>) src(%dma_wait3A_215 : memref<112xi32, #tpu.memory_space<hbm>>) dst(%dma_wait3A_214 : memref<112xi32, #tpu.memory_space<vmem>>)
        tpu.yield
      }) : () -> ()
    }
    %scan3A_25 = arith.constant 29 : i32
    %dma_start3A = arith.constant 0 : i32
    %dma_start3A_26 = arith.constant 0 : i32
    %dma_start3A_27 = arith.constant 0 : i32
    %dma_start3A_28 = arith.constant 0 : i32
    %dma_start3A_29 = tpu.memref_slice %arg8[%dma_start3A, %dma_start3A_27, %dma_start3A_28] : memref<3x112x128xf32, #tpu.memory_space<vmem>> -> memref<1x112x128xf32, #tpu.memory_space<vmem>>
    %dma_start3A_30 = tpu.memref_squeeze %dma_start3A_29 : memref<1x112x128xf32, #tpu.memory_space<vmem>> -> memref<112x128xf32, #tpu.memory_space<vmem>>
    %dma_start3A_31 = arith.constant 0 : i32
    %dma_start3A_32 = tpu.memref_slice %arg7[%dma_start3A_26, %dma_start3A_31] : memref<3x112xi32, #tpu.memory_space<vmem>> -> memref<1x112xi32, #tpu.memory_space<vmem>>
    %dma_start3A_33 = tpu.memref_squeeze %dma_start3A_32 : memref<1x112xi32, #tpu.memory_space<vmem>> -> memref<112xi32, #tpu.memory_space<vmem>>
    %dma_start3A_34 = arith.constant 0 : i32
    %dma_start3A_35 = arith.constant 0 : i32
    %dma_start3A_36 = tpu.memref_slice %arg9[%dma_start3A_34, %dma_start3A_35] : memref<10112x128xf32, #tpu.memory_space<vmem_shared>> -> memref<10112x128xf32, #tpu.memory_space<vmem_shared>>
    tpu.enqueue_indirect_dma source(%dma_start3A_30 : memref<112x128xf32, #tpu.memory_space<vmem>>) target(%dma_start3A_36 : memref<10112x128xf32, #tpu.memory_space<vmem_shared>>) offsets(%dma_start3A_33 : memref<112xi32, #tpu.memory_space<vmem>>) semaphore(%arg13 : memref<!tpu.dma_semaphore, #tpu.memory_space<semaphore_mem>>) {add = true}
    %dma_start3A_37 = arith.constant 1 : i32
    %dma_start3A_38 = arith.constant 1 : i32
    %dma_start3A_39 = arith.constant 0 : i32
    %dma_start3A_40 = arith.constant 0 : i32
    %dma_start3A_41 = tpu.memref_slice %arg8[%dma_start3A_37, %dma_start3A_39, %dma_start3A_40] : memref<3x112x128xf32, #tpu.memory_space<vmem>> -> memref<1x112x128xf32, #tpu.memory_space<vmem>>
    %dma_start3A_42 = tpu.memref_squeeze %dma_start3A_41 : memref<1x112x128xf32, #tpu.memory_space<vmem>> -> memref<112x128xf32, #tpu.memory_space<vmem>>
    %dma_start3A_43 = arith.constant 0 : i32
    %dma_start3A_44 = tpu.memref_slice %arg7[%dma_start3A_38, %dma_start3A_43] : memref<3x112xi32, #tpu.memory_space<vmem>> -> memref<1x112xi32, #tpu.memory_space<vmem>>
    %dma_start3A_45 = tpu.memref_squeeze %dma_start3A_44 : memref<1x112xi32, #tpu.memory_space<vmem>> -> memref<112xi32, #tpu.memory_space<vmem>>
    %dma_start3A_46 = arith.constant 0 : i32
    %dma_start3A_47 = arith.constant 0 : i32
    %dma_start3A_48 = tpu.memref_slice %arg9[%dma_start3A_46, %dma_start3A_47] : memref<10112x128xf32, #tpu.memory_space<vmem_shared>> -> memref<10112x128xf32, #tpu.memory_space<vmem_shared>>
    tpu.enqueue_indirect_dma source(%dma_start3A_42 : memref<112x128xf32, #tpu.memory_space<vmem>>) target(%dma_start3A_48 : memref<10112x128xf32, #tpu.memory_space<vmem_shared>>) offsets(%dma_start3A_45 : memref<112xi32, #tpu.memory_space<vmem>>) semaphore(%arg14 : memref<!tpu.dma_semaphore, #tpu.memory_space<semaphore_mem>>) {add = true}
    %dma_start3A_49 = arith.constant 2 : i32
    %dma_start3A_50 = arith.constant 2 : i32
    %dma_start3A_51 = arith.constant 0 : i32
    %dma_start3A_52 = arith.constant 0 : i32
    %dma_start3A_53 = tpu.memref_slice %arg8[%dma_start3A_49, %dma_start3A_51, %dma_start3A_52] : memref<3x112x128xf32, #tpu.memory_space<vmem>> -> memref<1x112x128xf32, #tpu.memory_space<vmem>>
    %dma_start3A_54 = tpu.memref_squeeze %dma_start3A_53 : memref<1x112x128xf32, #tpu.memory_space<vmem>> -> memref<112x128xf32, #tpu.memory_space<vmem>>
    %dma_start3A_55 = arith.constant 0 : i32
    %dma_start3A_56 = tpu.memref_slice %arg7[%dma_start3A_50, %dma_start3A_55] : memref<3x112xi32, #tpu.memory_space<vmem>> -> memref<1x112xi32, #tpu.memory_space<vmem>>
    %dma_start3A_57 = tpu.memref_squeeze %dma_start3A_56 : memref<1x112xi32, #tpu.memory_space<vmem>> -> memref<112xi32, #tpu.memory_space<vmem>>
    %dma_start3A_58 = arith.constant 0 : i32
    %dma_start3A_59 = arith.constant 0 : i32
    %dma_start3A_60 = tpu.memref_slice %arg9[%dma_start3A_58, %dma_start3A_59] : memref<10112x128xf32, #tpu.memory_space<vmem_shared>> -> memref<10112x128xf32, #tpu.memory_space<vmem_shared>>
    tpu.enqueue_indirect_dma source(%dma_start3A_54 : memref<112x128xf32, #tpu.memory_space<vmem>>) target(%dma_start3A_60 : memref<10112x128xf32, #tpu.memory_space<vmem_shared>>) offsets(%dma_start3A_57 : memref<112xi32, #tpu.memory_space<vmem>>) semaphore(%arg15 : memref<!tpu.dma_semaphore, #tpu.memory_space<semaphore_mem>>) {add = true}
    %dma_wait3A = arith.constant 0 : i32
    %dma_wait3A_61 = arith.constant 0 : i32
    %dma_wait3A_62 = arith.constant 0 : i32
    %dma_wait3A_63 = arith.constant 0 : i32
    %dma_wait3A_64 = tpu.memref_slice %arg8[%dma_wait3A, %dma_wait3A_62, %dma_wait3A_63] : memref<3x112x128xf32, #tpu.memory_space<vmem>> -> memref<1x112x128xf32, #tpu.memory_space<vmem>>
    %dma_wait3A_65 = tpu.memref_squeeze %dma_wait3A_64 : memref<1x112x128xf32, #tpu.memory_space<vmem>> -> memref<112x128xf32, #tpu.memory_space<vmem>>
    %dma_wait3A_66 = arith.constant 0 : i32
    %dma_wait3A_67 = tpu.memref_slice %arg7[%dma_wait3A_61, %dma_wait3A_66] : memref<3x112xi32, #tpu.memory_space<vmem>> -> memref<1x112xi32, #tpu.memory_space<vmem>>
    %dma_wait3A_68 = tpu.memref_squeeze %dma_wait3A_67 : memref<1x112xi32, #tpu.memory_space<vmem>> -> memref<112xi32, #tpu.memory_space<vmem>>
    %dma_wait3A_69 = arith.constant 0 : i32
    %dma_wait3A_70 = arith.constant 0 : i32
    %dma_wait3A_71 = tpu.memref_slice %arg9[%dma_wait3A_69, %dma_wait3A_70] : memref<10112x128xf32, #tpu.memory_space<vmem_shared>> -> memref<10112x128xf32, #tpu.memory_space<vmem_shared>>
    tpu.wait_indirect_dma semaphore(%arg13 : memref<!tpu.dma_semaphore, #tpu.memory_space<semaphore_mem>>) src(%dma_wait3A_65 : memref<112x128xf32, #tpu.memory_space<vmem>>) dst(%dma_wait3A_71 : memref<10112x128xf32, #tpu.memory_space<vmem_shared>>)
    %dma_wait3A_72 = arith.constant 1 : i32
    %dma_wait3A_73 = arith.constant 1 : i32
    %dma_wait3A_74 = arith.constant 0 : i32
    %dma_wait3A_75 = arith.constant 0 : i32
    %dma_wait3A_76 = tpu.memref_slice %arg8[%dma_wait3A_72, %dma_wait3A_74, %dma_wait3A_75] : memref<3x112x128xf32, #tpu.memory_space<vmem>> -> memref<1x112x128xf32, #tpu.memory_space<vmem>>
    %dma_wait3A_77 = tpu.memref_squeeze %dma_wait3A_76 : memref<1x112x128xf32, #tpu.memory_space<vmem>> -> memref<112x128xf32, #tpu.memory_space<vmem>>
    %dma_wait3A_78 = arith.constant 0 : i32
    %dma_wait3A_79 = tpu.memref_slice %arg7[%dma_wait3A_73, %dma_wait3A_78] : memref<3x112xi32, #tpu.memory_space<vmem>> -> memref<1x112xi32, #tpu.memory_space<vmem>>
    %dma_wait3A_80 = tpu.memref_squeeze %dma_wait3A_79 : memref<1x112xi32, #tpu.memory_space<vmem>> -> memref<112xi32, #tpu.memory_space<vmem>>
    %dma_wait3A_81 = arith.constant 0 : i32
    %dma_wait3A_82 = arith.constant 0 : i32
    %dma_wait3A_83 = tpu.memref_slice %arg9[%dma_wait3A_81, %dma_wait3A_82] : memref<10112x128xf32, #tpu.memory_space<vmem_shared>> -> memref<10112x128xf32, #tpu.memory_space<vmem_shared>>
    tpu.wait_indirect_dma semaphore(%arg14 : memref<!tpu.dma_semaphore, #tpu.memory_space<semaphore_mem>>) src(%dma_wait3A_77 : memref<112x128xf32, #tpu.memory_space<vmem>>) dst(%dma_wait3A_83 : memref<10112x128xf32, #tpu.memory_space<vmem_shared>>)
    %dma_wait3A_84 = arith.constant 2 : i32
    %dma_wait3A_85 = arith.constant 2 : i32
    %dma_wait3A_86 = arith.constant 0 : i32
    %dma_wait3A_87 = arith.constant 0 : i32
    %dma_wait3A_88 = tpu.memref_slice %arg8[%dma_wait3A_84, %dma_wait3A_86, %dma_wait3A_87] : memref<3x112x128xf32, #tpu.memory_space<vmem>> -> memref<1x112x128xf32, #tpu.memory_space<vmem>>
    %dma_wait3A_89 = tpu.memref_squeeze %dma_wait3A_88 : memref<1x112x128xf32, #tpu.memory_space<vmem>> -> memref<112x128xf32, #tpu.memory_space<vmem>>
    %dma_wait3A_90 = arith.constant 0 : i32
    %dma_wait3A_91 = tpu.memref_slice %arg7[%dma_wait3A_85, %dma_wait3A_90] : memref<3x112xi32, #tpu.memory_space<vmem>> -> memref<1x112xi32, #tpu.memory_space<vmem>>
    %dma_wait3A_92 = tpu.memref_squeeze %dma_wait3A_91 : memref<1x112xi32, #tpu.memory_space<vmem>> -> memref<112xi32, #tpu.memory_space<vmem>>
    %dma_wait3A_93 = arith.constant 0 : i32
    %dma_wait3A_94 = arith.constant 0 : i32
    %dma_wait3A_95 = tpu.memref_slice %arg9[%dma_wait3A_93, %dma_wait3A_94] : memref<10112x128xf32, #tpu.memory_space<vmem_shared>> -> memref<10112x128xf32, #tpu.memory_space<vmem_shared>>
    tpu.wait_indirect_dma semaphore(%arg15 : memref<!tpu.dma_semaphore, #tpu.memory_space<semaphore_mem>>) src(%dma_wait3A_89 : memref<112x128xf32, #tpu.memory_space<vmem>>) dst(%dma_wait3A_95 : memref<10112x128xf32, #tpu.memory_space<vmem_shared>>)
    %barrier3A_96 = arith.constant 0 : index
    tpu.barrier barrier_id(%barrier3A_96)
    %mul3A_97 = arith.constant 10112 : i32
    %mul3A_98 = arith.muli %arg0, %mul3A_97 : i32
    %add3A_99 = arith.addi %mul3A_98, %mul3A_9 : i32
    "tpu.region"() ({
      %run_scoped3A_100 = tpu.sem_alloc : memref<!tpu.dma_semaphore, #tpu.memory_space<semaphore_mem>>
      %dma_start3A_101 = arith.constant 0 : i32
      %dma_start3A_102 = tpu.memref_slice %arg5[%add3A_99, %dma_start3A_101] : memref<20224x128xf32, #tpu.memory_space<hbm>> -> memref<632x128xf32, #tpu.memory_space<hbm>>
      %dma_start3A_103 = arith.constant 0 : i32
      %dma_start3A_104 = tpu.memref_slice %arg9[%mul3A_9, %dma_start3A_103] : memref<10112x128xf32, #tpu.memory_space<vmem_shared>> -> memref<632x128xf32, #tpu.memory_space<vmem_shared>>
      tpu.enqueue_dma source(%dma_start3A_104 : memref<632x128xf32, #tpu.memory_space<vmem_shared>>) target(%dma_start3A_102 : memref<632x128xf32, #tpu.memory_space<hbm>>) target_semaphore(%run_scoped3A_100 : memref<!tpu.dma_semaphore, #tpu.memory_space<semaphore_mem>>)
      %dma_wait3A_105 = arith.constant 0 : i32
      %dma_wait3A_106 = tpu.memref_slice %arg5[%add3A_99, %dma_wait3A_105] : memref<20224x128xf32, #tpu.memory_space<hbm>> -> memref<632x128xf32, #tpu.memory_space<hbm>>
      %dma_wait3A_107 = arith.constant 0 : i32
      %dma_wait3A_108 = tpu.memref_slice %arg9[%mul3A_9, %dma_wait3A_107] : memref<10112x128xf32, #tpu.memory_space<vmem_shared>> -> memref<632x128xf32, #tpu.memory_space<vmem_shared>>
      tpu.wait_dma2 semaphore(%run_scoped3A_100 : memref<!tpu.dma_semaphore, #tpu.memory_space<semaphore_mem>>) src(%dma_wait3A_108 : memref<632x128xf32, #tpu.memory_space<vmem_shared>>) dst(%dma_wait3A_106 : memref<632x128xf32, #tpu.memory_space<hbm>>)
      tpu.yield
    }) : () -> ()
    return
  }
}

module attributes {stable_mosaic.version = 14 : i64} {
  func.func @_norm_body(%arg0: memref<10000x128xf32, #tpu.memory_space<vmem>>, %arg1: memref<10000x128xf32, #tpu.memory_space<vmem>>) attributes {dimension_semantics = [], scalar_prefetch = 0 : i64, scratch_operands = 0 : i64, tpu.core_type = #tpu.core_type<tc>} {
    %get3A = arith.constant 0 : index
    %get3A_0 = arith.constant 0 : index
    %get3A_1 = vector.load %arg0[%get3A, %get3A_0] : memref<10000x128xf32, #tpu.memory_space<vmem>>, vector<10000x128xf32>
    %slice3A = vector.extract_strided_slice %get3A_1 {offsets = [0, 0], sizes = [10000, 1], strides = [1, 1]} : vector<10000x128xf32> to vector<10000x1xf32>
    %slice3A_2 = vector.extract_strided_slice %get3A_1 {offsets = [0, 1], sizes = [10000, 1], strides = [1, 1]} : vector<10000x128xf32> to vector<10000x1xf32>
    %reduce_min3A = vector.shape_cast %slice3A : vector<10000x1xf32> to vector<1x10000x1xf32>
    %reduce_min3A_3 = arith.constant dense<0x7F800000> : vector<1xf32>
    %reduce_min3A_4 = vector.multi_reduction <minimumf>, %reduce_min3A, %reduce_min3A_3 [1, 2] : vector<1x10000x1xf32> to vector<1xf32>
    %reduce_min3A_5 = vector.shape_cast %reduce_min3A_4 : vector<1xf32> to vector<1x1x1xf32>
    %reduce_min3A_6 = vector.extract %reduce_min3A_5[0, 0, 0] : f32 from vector<1x1x1xf32>
    %reduce_max3A = vector.shape_cast %slice3A : vector<10000x1xf32> to vector<1x10000x1xf32>
    %reduce_max3A_7 = arith.constant dense<0xFF800000> : vector<1xf32>
    %reduce_max3A_8 = vector.multi_reduction <maximumf>, %reduce_max3A, %reduce_max3A_7 [1, 2] : vector<1x10000x1xf32> to vector<1xf32>
    %reduce_max3A_9 = vector.shape_cast %reduce_max3A_8 : vector<1xf32> to vector<1x1x1xf32>
    %reduce_max3A_10 = vector.extract %reduce_max3A_9[0, 0, 0] : f32 from vector<1x1x1xf32>
    %reduce_min3A_11 = vector.shape_cast %slice3A_2 : vector<10000x1xf32> to vector<1x10000x1xf32>
    %reduce_min3A_12 = arith.constant dense<0x7F800000> : vector<1xf32>
    %reduce_min3A_13 = vector.multi_reduction <minimumf>, %reduce_min3A_11, %reduce_min3A_12 [1, 2] : vector<1x10000x1xf32> to vector<1xf32>
    %reduce_min3A_14 = vector.shape_cast %reduce_min3A_13 : vector<1xf32> to vector<1x1x1xf32>
    %reduce_min3A_15 = vector.extract %reduce_min3A_14[0, 0, 0] : f32 from vector<1x1x1xf32>
    %reduce_max3A_16 = vector.shape_cast %slice3A_2 : vector<10000x1xf32> to vector<1x10000x1xf32>
    %reduce_max3A_17 = arith.constant dense<0xFF800000> : vector<1xf32>
    %reduce_max3A_18 = vector.multi_reduction <maximumf>, %reduce_max3A_16, %reduce_max3A_17 [1, 2] : vector<1x10000x1xf32> to vector<1xf32>
    %reduce_max3A_19 = vector.shape_cast %reduce_max3A_18 : vector<1xf32> to vector<1x1x1xf32>
    %reduce_max3A_20 = vector.extract %reduce_max3A_19[0, 0, 0] : f32 from vector<1x1x1xf32>
    %iota3A = tpu.iota {dimensions = array<i32: 1>} : vector<1x128xi32>
    %eq3A = arith.constant 0 : i32
    %eq3A_21 = vector.broadcast %eq3A : i32 to vector<1x128xi32>
    %eq3A_22 = arith.cmpi eq, %iota3A, %eq3A_21 : vector<1x128xi32>
    %div3A = arith.constant 1.000000e+00 : f32
    %div3A_23 = arith.divf %div3A, %reduce_max3A_10 : f32
    %eq3A_24 = arith.constant 1 : i32
    %eq3A_25 = vector.broadcast %eq3A_24 : i32 to vector<1x128xi32>
    %eq3A_26 = arith.cmpi eq, %iota3A, %eq3A_25 : vector<1x128xi32>
    %div3A_27 = arith.constant 1.000000e+00 : f32
    %div3A_28 = arith.divf %div3A_27, %reduce_max3A_20 : f32
    %jit3A = arith.constant 1.000000e+00 : f32
    %broadcast_in_dim3A = vector.broadcast %div3A_28 : f32 to vector<1x128xf32>
    %broadcast_in_dim3A_29 = vector.broadcast %jit3A : f32 to vector<1x128xf32>
    %select_n3A = arith.select %eq3A_26, %broadcast_in_dim3A, %broadcast_in_dim3A_29 : vector<1x128xi1>, vector<1x128xf32>
    %broadcast_in_dim3A_30 = vector.broadcast %div3A_23 : f32 to vector<1x128xf32>
    %select_n3A_31 = arith.select %eq3A_22, %broadcast_in_dim3A_30, %select_n3A : vector<1x128xi1>, vector<1x128xf32>
    %eq3A_32 = arith.constant 0 : i32
    %eq3A_33 = vector.broadcast %eq3A_32 : i32 to vector<1x128xi32>
    %eq3A_34 = arith.cmpi eq, %iota3A, %eq3A_33 : vector<1x128xi32>
    %neg3A = arith.constant 0.000000e+00 : f32
    %neg3A_35 = arith.subf %neg3A, %reduce_min3A_6 : f32
    %div3A_36 = arith.divf %neg3A_35, %reduce_max3A_10 : f32
    %eq3A_37 = arith.constant 1 : i32
    %eq3A_38 = vector.broadcast %eq3A_37 : i32 to vector<1x128xi32>
    %eq3A_39 = arith.cmpi eq, %iota3A, %eq3A_38 : vector<1x128xi32>
    %neg3A_40 = arith.constant 0.000000e+00 : f32
    %neg3A_41 = arith.subf %neg3A_40, %reduce_min3A_15 : f32
    %div3A_42 = arith.divf %neg3A_41, %reduce_max3A_20 : f32
    %jit3A_43 = arith.constant 0.000000e+00 : f32
    %broadcast_in_dim3A_44 = vector.broadcast %div3A_42 : f32 to vector<1x128xf32>
    %broadcast_in_dim3A_45 = vector.broadcast %jit3A_43 : f32 to vector<1x128xf32>
    %select_n3A_46 = arith.select %eq3A_39, %broadcast_in_dim3A_44, %broadcast_in_dim3A_45 : vector<1x128xi1>, vector<1x128xf32>
    %broadcast_in_dim3A_47 = vector.broadcast %div3A_36 : f32 to vector<1x128xf32>
    %select_n3A_48 = arith.select %eq3A_34, %broadcast_in_dim3A_47, %select_n3A_46 : vector<1x128xi1>, vector<1x128xf32>
    %mul3A = vector.broadcast %select_n3A_31 : vector<1x128xf32> to vector<10000x128xf32>
    %mul3A_49 = arith.mulf %get3A_1, %mul3A : vector<10000x128xf32>
    %add3A = vector.broadcast %select_n3A_48 : vector<1x128xf32> to vector<10000x128xf32>
    %add3A_50 = arith.addf %mul3A_49, %add3A : vector<10000x128xf32>
    %swap3A = arith.constant 0 : index
    %swap3A_51 = arith.constant 0 : index
    %swap3A_52 = vector.load %arg1[%swap3A, %swap3A_51] : memref<10000x128xf32, #tpu.memory_space<vmem>>, vector<10000x128xf32>
    tpu.vector_store %arg1[%swap3A, %swap3A_51], %add3A_50 {strides = array<i32>} : memref<10000x128xf32, #tpu.memory_space<vmem>>, vector<10000x128xf32>,
    return
  }
}

module attributes {stable_mosaic.version = 14 : i64} {
  func.func @_pre1_body(%arg0: i32, %arg1: memref<1000x128xf32, #tpu.memory_space<vmem>>, %arg2: memref<128x256xf32, #tpu.memory_space<vmem>>, %arg3: memref<1x256xf32, #tpu.memory_space<vmem>>, %arg4: memref<1000x256xf32, #tpu.memory_space<vmem>>) attributes {dimension_semantics = [#tpu.dimension_semantics<arbitrary>], iteration_bounds = array<i64: 10>, scalar_prefetch = 0 : i64, scratch_operands = 0 : i64, tpu.core_type = #tpu.core_type<tc>, window_params = [{transform_indices = @transform_0, window_bounds = array<i64: 1000, 128>}, {pipeline_mode = #tpu.pipeline_mode<synchronous>, transform_indices = @transform_1, window_bounds = array<i64: 128, 256>}, {pipeline_mode = #tpu.pipeline_mode<synchronous>, transform_indices = @transform_2, window_bounds = array<i64: 1, 256>}, {transform_indices = @transform_3, window_bounds = array<i64: 1000, 256>}]} {
    %get3A = arith.constant 0 : index
    %get3A_0 = arith.constant 0 : index
    %get3A_1 = vector.load %arg1[%get3A, %get3A_0] : memref<1000x128xf32, #tpu.memory_space<vmem>>, vector<1000x128xf32>
    %get3A_2 = arith.constant 0 : index
    %get3A_3 = arith.constant 0 : index
    %get3A_4 = vector.load %arg2[%get3A_2, %get3A_3] : memref<128x256xf32, #tpu.memory_space<vmem>>, vector<128x256xf32>
    %dot_general3A = arith.constant dense<0.000000e+00> : vector<1000x256xf32>
    %dot_general3A_5 = tpu.matmul %get3A_1, %get3A_4, %dot_general3A {dimension_numbers = #tpu.dot_dimension_numbers<[1], [0], [0], [1], [0, 0, 1, 1], [], []>, transpose_lhs_hint = false} : vector<1000x128xf32>, vector<128x256xf32>, vector<1000x256xf32> -> vector<1000x256xf32>
    %get3A_6 = arith.constant 0 : index
    %get3A_7 = arith.constant 0 : index
    %get3A_8 = vector.load %arg3[%get3A_6, %get3A_7] : memref<1x256xf32, #tpu.memory_space<vmem>>, vector<1x256xf32>
    %add3A = vector.broadcast %get3A_8 : vector<1x256xf32> to vector<1000x256xf32>
    %add3A_9 = arith.addf %dot_general3A_5, %add3A : vector<1000x256xf32>
    %swap3A = arith.constant 0 : index
    %swap3A_10 = arith.constant 0 : index
    %swap3A_11 = vector.load %arg4[%swap3A, %swap3A_10] : memref<1000x256xf32, #tpu.memory_space<vmem>>, vector<1000x256xf32>
    tpu.vector_store %arg4[%swap3A, %swap3A_10], %add3A_9 {strides = array<i32>} : memref<1000x256xf32, #tpu.memory_space<vmem>>, vector<1000x256xf32>,
    return
  }
  func.func @transform_0(%arg0: i32) -> (i32, i32) {
    %c0_i32 = arith.constant 0 : i32
    %c0_i32_0 = arith.constant 0 : i32
    return %arg0, %c0_i32 : i32, i32
  }
  func.func @transform_1(%arg0: i32) -> (i32, i32) {
    %c0_i32 = arith.constant 0 : i32
    %c0_i32_0 = arith.constant 0 : i32
    %c0_i32_1 = arith.constant 0 : i32
    return %c0_i32, %c0_i32_0 : i32, i32
  }
  func.func @transform_2(%arg0: i32) -> (i32, i32) {
    %c0_i32 = arith.constant 0 : i32
    %c0_i32_0 = arith.constant 0 : i32
    %c0_i32_1 = arith.constant 0 : i32
    return %c0_i32, %c0_i32_0 : i32, i32
  }
  func.func @transform_3(%arg0: i32) -> (i32, i32) {
    %c0_i32 = arith.constant 0 : i32
    %c0_i32_0 = arith.constant 0 : i32
    return %arg0, %c0_i32 : i32, i32
  }
}

module attributes {stable_mosaic.version = 14 : i64} {
  func.func @_post1_body(%arg0: i32, %arg1: memref<1000x128xf32, #tpu.memory_space<vmem>>, %arg2: memref<1000x128xf32, #tpu.memory_space<vmem>>, %arg3: memref<1000x128xf32, #tpu.memory_space<vmem>>, %arg4: memref<1000x16xf32, #tpu.memory_space<vmem>>, %arg5: memref<1000x16xf32, #tpu.memory_space<vmem>>, %arg6: memref<1000x256xf32, #tpu.memory_space<vmem>>, %arg7: memref<128x256xf32, #tpu.memory_space<vmem>>, %arg8: memref<1x256xf32, #tpu.memory_space<vmem>>, %arg9: memref<1x256xf32, #tpu.memory_space<vmem>>, %arg10: memref<1000x128xf32, #tpu.memory_space<vmem>>, %arg11: memref<1000x128xf32, #tpu.memory_space<vmem>>) attributes {dimension_semantics = [#tpu.dimension_semantics<arbitrary>], iteration_bounds = array<i64: 10>, scalar_prefetch = 0 : i64, scratch_operands = 0 : i64, tpu.core_type = #tpu.core_type<tc>, window_params = [{transform_indices = @transform_0, window_bounds = array<i64: 1000, 128>}, {transform_indices = @transform_1, window_bounds = array<i64: 1000, 128>}, {transform_indices = @transform_2, window_bounds = array<i64: 1000, 128>}, {transform_indices = @transform_3, window_bounds = array<i64: 1000, 16>}, {transform_indices = @transform_4, window_bounds = array<i64: 1000, 16>}, {transform_indices = @transform_5, window_bounds = array<i64: 1000, 256>}, {pipeline_mode = #tpu.pipeline_mode<synchronous>, transform_indices = @transform_6, window_bounds = array<i64: 128, 256>}, {pipeline_mode = #tpu.pipeline_mode<synchronous>, transform_indices = @transform_7, window_bounds = array<i64: 1, 256>}, {pipeline_mode = #tpu.pipeline_mode<synchronous>, transform_indices = @transform_8, window_bounds = array<i64: 1, 256>}, {transform_indices = @transform_9, window_bounds = array<i64: 1000, 128>}, {transform_indices = @transform_10, window_bounds = array<i64: 1000, 128>}]} {
    %get3A = arith.constant 0 : index
    %get3A_0 = arith.constant 0 : index
    %get3A_1 = vector.load %arg4[%get3A, %get3A_0] : memref<1000x16xf32, #tpu.memory_space<vmem>>, vector<1000x1xf32>
    %get3A_2 = arith.constant 0 : index
    %get3A_3 = arith.constant 0 : index
    %get3A_4 = vector.load %arg5[%get3A_2, %get3A_3] : memref<1000x16xf32, #tpu.memory_space<vmem>>, vector<1000x1xf32>
    %add3A = arith.addf %get3A_1, %get3A_4 : vector<1000x1xf32>
    %add3A_5 = arith.constant 1.000000e+00 : f32
    %add3A_6 = vector.broadcast %add3A_5 : f32 to vector<1000x1xf32>
    %add3A_7 = arith.addf %add3A, %add3A_6 : vector<1000x1xf32>
    %div3A = arith.constant 1.000000e+00 : f32
    %div3A_8 = vector.broadcast %div3A : f32 to vector<1000x1xf32>
    %div3A_9 = arith.divf %div3A_8, %add3A_7 : vector<1000x1xf32>
    %get3A_10 = arith.constant 0 : index
    %get3A_11 = arith.constant 0 : index
    %get3A_12 = vector.load %arg2[%get3A_10, %get3A_11] : memref<1000x128xf32, #tpu.memory_space<vmem>>, vector<1000x128xf32>
    %get3A_13 = arith.constant 0 : index
    %get3A_14 = arith.constant 0 : index
    %get3A_15 = vector.load %arg3[%get3A_13, %get3A_14] : memref<1000x128xf32, #tpu.memory_space<vmem>>, vector<1000x128xf32>
    %add3A_16 = arith.addf %get3A_12, %get3A_15 : vector<1000x128xf32>
    %get3A_17 = arith.constant 0 : index
    %get3A_18 = arith.constant 0 : index
    %get3A_19 = vector.load %arg1[%get3A_17, %get3A_18] : memref<1000x128xf32, #tpu.memory_space<vmem>>, vector<1000x128xf32>
    %add3A_20 = arith.addf %add3A_16, %get3A_19 : vector<1000x128xf32>
    %mul3A = vector.broadcast %div3A_9 : vector<1000x1xf32> to vector<1000x128xf32>
    %mul3A_21 = arith.mulf %add3A_20, %mul3A : vector<1000x128xf32>
    %get3A_22 = arith.constant 0 : index
    %get3A_23 = arith.constant 0 : index
    %get3A_24 = vector.load %arg7[%get3A_22, %get3A_23] : memref<128x256xf32, #tpu.memory_space<vmem>>, vector<128x256xf32>
    %dot_general3A = arith.constant dense<0.000000e+00> : vector<1000x256xf32>
    %dot_general3A_25 = tpu.matmul %mul3A_21, %get3A_24, %dot_general3A {dimension_numbers = #tpu.dot_dimension_numbers<[1], [0], [0], [1], [0, 0, 1, 1], [], []>, transpose_lhs_hint = false} : vector<1000x128xf32>, vector<128x256xf32>, vector<1000x256xf32> -> vector<1000x256xf32>
    %get3A_26 = arith.constant 0 : index
    %get3A_27 = arith.constant 0 : index
    %get3A_28 = vector.load %arg6[%get3A_26, %get3A_27] : memref<1000x256xf32, #tpu.memory_space<vmem>>, vector<1000x256xf32>
    %add3A_29 = arith.addf %dot_general3A_25, %get3A_28 : vector<1000x256xf32>
    %get3A_30 = arith.constant 0 : index
    %get3A_31 = arith.constant 0 : index
    %get3A_32 = vector.load %arg8[%get3A_30, %get3A_31] : memref<1x256xf32, #tpu.memory_space<vmem>>, vector<1x256xf32>
    %mul3A_33 = arith.constant 0.999994993 : f32
    %mul3A_34 = vector.broadcast %mul3A_33 : f32 to vector<1x256xf32>
    %mul3A_35 = arith.mulf %get3A_32, %mul3A_34 : vector<1x256xf32>
    %mul3A_36 = vector.broadcast %mul3A_35 : vector<1x256xf32> to vector<1000x256xf32>
    %mul3A_37 = arith.mulf %add3A_29, %mul3A_36 : vector<1000x256xf32>
    %get3A_38 = arith.constant 0 : index
    %get3A_39 = arith.constant 0 : index
    %get3A_40 = vector.load %arg9[%get3A_38, %get3A_39] : memref<1x256xf32, #tpu.memory_space<vmem>>, vector<1x256xf32>
    %add3A_41 = vector.broadcast %get3A_40 : vector<1x256xf32> to vector<1000x256xf32>
    %add3A_42 = arith.addf %mul3A_37, %add3A_41 : vector<1000x256xf32>
    %max3A = arith.constant 0.000000e+00 : f32
    %max3A_43 = vector.broadcast %max3A : f32 to vector<1000x256xf32>
    %max3A_44 = arith.maximumf %add3A_42, %max3A_43 : vector<1000x256xf32>
    %slice3A = vector.extract_strided_slice %max3A_44 {offsets = [0, 0], sizes = [1000, 128], strides = [1, 1]} : vector<1000x256xf32> to vector<1000x128xf32>
    %swap3A = arith.constant 0 : index
    %swap3A_45 = arith.constant 0 : index
    %swap3A_46 = vector.load %arg10[%swap3A, %swap3A_45] : memref<1000x128xf32, #tpu.memory_space<vmem>>, vector<1000x128xf32>
    tpu.vector_store %arg10[%swap3A, %swap3A_45], %slice3A {strides = array<i32>} : memref<1000x128xf32, #tpu.memory_space<vmem>>, vector<1000x128xf32>,
    %slice3A_47 = vector.extract_strided_slice %max3A_44 {offsets = [0, 128], sizes = [1000, 128], strides = [1, 1]} : vector<1000x256xf32> to vector<1000x128xf32>
    %swap3A_48 = arith.constant 0 : index
    %swap3A_49 = arith.constant 0 : index
    %swap3A_50 = vector.load %arg11[%swap3A_48, %swap3A_49] : memref<1000x128xf32, #tpu.memory_space<vmem>>, vector<1000x128xf32>
    tpu.vector_store %arg11[%swap3A_48, %swap3A_49], %slice3A_47 {strides = array<i32>} : memref<1000x128xf32, #tpu.memory_space<vmem>>, vector<1000x128xf32>,
    return
  }
  func.func @transform_0(%arg0: i32) -> (i32, i32) {
    %c0_i32 = arith.constant 0 : i32
    %c0_i32_0 = arith.constant 0 : i32
    return %arg0, %c0_i32 : i32, i32
  }
  func.func @transform_1(%arg0: i32) -> (i32, i32) {
    %c0_i32 = arith.constant 0 : i32
    %c0_i32_0 = arith.constant 0 : i32
    return %arg0, %c0_i32 : i32, i32
  }
  func.func @transform_2(%arg0: i32) -> (i32, i32) {
    %c0_i32 = arith.constant 0 : i32
    %c0_i32_0 = arith.constant 0 : i32
    return %arg0, %c0_i32 : i32, i32
  }
  func.func @transform_3(%arg0: i32) -> (i32, i32) {
    %c0_i32 = arith.constant 0 : i32
    %c0_i32_0 = arith.constant 0 : i32
    return %arg0, %c0_i32 : i32, i32
  }
  func.func @transform_4(%arg0: i32) -> (i32, i32) {
    %c0_i32 = arith.constant 0 : i32
    %c0_i32_0 = arith.constant 0 : i32
    return %arg0, %c0_i32 : i32, i32
  }
  func.func @transform_5(%arg0: i32) -> (i32, i32) {
    %c0_i32 = arith.constant 0 : i32
    %c0_i32_0 = arith.constant 0 : i32
    return %arg0, %c0_i32 : i32, i32
  }
  func.func @transform_6(%arg0: i32) -> (i32, i32) {
    %c0_i32 = arith.constant 0 : i32
    %c0_i32_0 = arith.constant 0 : i32
    %c0_i32_1 = arith.constant 0 : i32
    return %c0_i32, %c0_i32_0 : i32, i32
  }
  func.func @transform_7(%arg0: i32) -> (i32, i32) {
    %c0_i32 = arith.constant 0 : i32
    %c0_i32_0 = arith.constant 0 : i32
    %c0_i32_1 = arith.constant 0 : i32
    return %c0_i32, %c0_i32_0 : i32, i32
  }
  func.func @transform_8(%arg0: i32) -> (i32, i32) {
    %c0_i32 = arith.constant 0 : i32
    %c0_i32_0 = arith.constant 0 : i32
    %c0_i32_1 = arith.constant 0 : i32
    return %c0_i32, %c0_i32_0 : i32, i32
  }
  func.func @transform_9(%arg0: i32) -> (i32, i32) {
    %c0_i32 = arith.constant 0 : i32
    %c0_i32_0 = arith.constant 0 : i32
    return %arg0, %c0_i32 : i32, i32
  }
  func.func @transform_10(%arg0: i32) -> (i32, i32) {
    %c0_i32 = arith.constant 0 : i32
    %c0_i32_0 = arith.constant 0 : i32
    return %arg0, %c0_i32 : i32, i32
  }
}

module attributes {stable_mosaic.version = 14 : i64} {
  func.func @_pre23_body(%arg0: i32, %arg1: memref<1000x128xf32, #tpu.memory_space<vmem>>, %arg2: memref<1000x128xf32, #tpu.memory_space<vmem>>, %arg3: memref<128x256xf32, #tpu.memory_space<vmem>>, %arg4: memref<128x256xf32, #tpu.memory_space<vmem>>, %arg5: memref<1x256xf32, #tpu.memory_space<vmem>>, %arg6: memref<1000x256xf32, #tpu.memory_space<vmem>>) attributes {dimension_semantics = [#tpu.dimension_semantics<arbitrary>], iteration_bounds = array<i64: 10>, scalar_prefetch = 0 : i64, scratch_operands = 0 : i64, tpu.core_type = #tpu.core_type<tc>, window_params = [{transform_indices = @transform_0, window_bounds = array<i64: 1000, 128>}, {transform_indices = @transform_1, window_bounds = array<i64: 1000, 128>}, {pipeline_mode = #tpu.pipeline_mode<synchronous>, transform_indices = @transform_2, window_bounds = array<i64: 128, 256>}, {pipeline_mode = #tpu.pipeline_mode<synchronous>, transform_indices = @transform_3, window_bounds = array<i64: 128, 256>}, {pipeline_mode = #tpu.pipeline_mode<synchronous>, transform_indices = @transform_4, window_bounds = array<i64: 1, 256>}, {transform_indices = @transform_5, window_bounds = array<i64: 1000, 256>}]} {
    %get3A = arith.constant 0 : index
    %get3A_0 = arith.constant 0 : index
    %get3A_1 = vector.load %arg1[%get3A, %get3A_0] : memref<1000x128xf32, #tpu.memory_space<vmem>>, vector<1000x128xf32>
    %get3A_2 = arith.constant 0 : index
    %get3A_3 = arith.constant 0 : index
    %get3A_4 = vector.load %arg3[%get3A_2, %get3A_3] : memref<128x256xf32, #tpu.memory_space<vmem>>, vector<128x256xf32>
    %dot_general3A = arith.constant dense<0.000000e+00> : vector<1000x256xf32>
    %dot_general3A_5 = tpu.matmul %get3A_1, %get3A_4, %dot_general3A {dimension_numbers = #tpu.dot_dimension_numbers<[1], [0], [0], [1], [0, 0, 1, 1], [], []>, transpose_lhs_hint = false} : vector<1000x128xf32>, vector<128x256xf32>, vector<1000x256xf32> -> vector<1000x256xf32>
    %get3A_6 = arith.constant 0 : index
    %get3A_7 = arith.constant 0 : index
    %get3A_8 = vector.load %arg2[%get3A_6, %get3A_7] : memref<1000x128xf32, #tpu.memory_space<vmem>>, vector<1000x128xf32>
    %get3A_9 = arith.constant 0 : index
    %get3A_10 = arith.constant 0 : index
    %get3A_11 = vector.load %arg4[%get3A_9, %get3A_10] : memref<128x256xf32, #tpu.memory_space<vmem>>, vector<128x256xf32>
    %dot_general3A_12 = arith.constant dense<0.000000e+00> : vector<1000x256xf32>
    %dot_general3A_13 = tpu.matmul %get3A_8, %get3A_11, %dot_general3A_12 {dimension_numbers = #tpu.dot_dimension_numbers<[1], [0], [0], [1], [0, 0, 1, 1], [], []>, transpose_lhs_hint = false} : vector<1000x128xf32>, vector<128x256xf32>, vector<1000x256xf32> -> vector<1000x256xf32>
    %add3A = arith.addf %dot_general3A_5, %dot_general3A_13 : vector<1000x256xf32>
    %get3A_14 = arith.constant 0 : index
    %get3A_15 = arith.constant 0 : index
    %get3A_16 = vector.load %arg5[%get3A_14, %get3A_15] : memref<1x256xf32, #tpu.memory_space<vmem>>, vector<1x256xf32>
    %add3A_17 = vector.broadcast %get3A_16 : vector<1x256xf32> to vector<1000x256xf32>
    %add3A_18 = arith.addf %add3A, %add3A_17 : vector<1000x256xf32>
    %swap3A = arith.constant 0 : index
    %swap3A_19 = arith.constant 0 : index
    %swap3A_20 = vector.load %arg6[%swap3A, %swap3A_19] : memref<1000x256xf32, #tpu.memory_space<vmem>>, vector<1000x256xf32>
    tpu.vector_store %arg6[%swap3A, %swap3A_19], %add3A_18 {strides = array<i32>} : memref<1000x256xf32, #tpu.memory_space<vmem>>, vector<1000x256xf32>,
    return
  }
  func.func @transform_0(%arg0: i32) -> (i32, i32) {
    %c0_i32 = arith.constant 0 : i32
    %c0_i32_0 = arith.constant 0 : i32
    return %arg0, %c0_i32 : i32, i32
  }
  func.func @transform_1(%arg0: i32) -> (i32, i32) {
    %c0_i32 = arith.constant 0 : i32
    %c0_i32_0 = arith.constant 0 : i32
    return %arg0, %c0_i32 : i32, i32
  }
  func.func @transform_2(%arg0: i32) -> (i32, i32) {
    %c0_i32 = arith.constant 0 : i32
    %c0_i32_0 = arith.constant 0 : i32
    %c0_i32_1 = arith.constant 0 : i32
    return %c0_i32, %c0_i32_0 : i32, i32
  }
  func.func @transform_3(%arg0: i32) -> (i32, i32) {
    %c0_i32 = arith.constant 0 : i32
    %c0_i32_0 = arith.constant 0 : i32
    %c0_i32_1 = arith.constant 0 : i32
    return %c0_i32, %c0_i32_0 : i32, i32
  }
  func.func @transform_4(%arg0: i32) -> (i32, i32) {
    %c0_i32 = arith.constant 0 : i32
    %c0_i32_0 = arith.constant 0 : i32
    %c0_i32_1 = arith.constant 0 : i32
    return %c0_i32, %c0_i32_0 : i32, i32
  }
  func.func @transform_5(%arg0: i32) -> (i32, i32) {
    %c0_i32 = arith.constant 0 : i32
    %c0_i32_0 = arith.constant 0 : i32
    return %arg0, %c0_i32 : i32, i32
  }
}

module attributes {stable_mosaic.version = 14 : i64} {
  func.func @_post23_body(%arg0: i32, %arg1: memref<1000x128xf32, #tpu.memory_space<vmem>>, %arg2: memref<1000x128xf32, #tpu.memory_space<vmem>>, %arg3: memref<1000x128xf32, #tpu.memory_space<vmem>>, %arg4: memref<1000x128xf32, #tpu.memory_space<vmem>>, %arg5: memref<1000x16xf32, #tpu.memory_space<vmem>>, %arg6: memref<1000x16xf32, #tpu.memory_space<vmem>>, %arg7: memref<1000x256xf32, #tpu.memory_space<vmem>>, %arg8: memref<128x256xf32, #tpu.memory_space<vmem>>, %arg9: memref<128x256xf32, #tpu.memory_space<vmem>>, %arg10: memref<1x256xf32, #tpu.memory_space<vmem>>, %arg11: memref<1x256xf32, #tpu.memory_space<vmem>>, %arg12: memref<1000x128xf32, #tpu.memory_space<vmem>>, %arg13: memref<1000x128xf32, #tpu.memory_space<vmem>>) attributes {dimension_semantics = [#tpu.dimension_semantics<arbitrary>], iteration_bounds = array<i64: 10>, scalar_prefetch = 0 : i64, scratch_operands = 0 : i64, tpu.core_type = #tpu.core_type<tc>, window_params = [{transform_indices = @transform_0, window_bounds = array<i64: 1000, 128>}, {transform_indices = @transform_1, window_bounds = array<i64: 1000, 128>}, {transform_indices = @transform_2, window_bounds = array<i64: 1000, 128>}, {transform_indices = @transform_3, window_bounds = array<i64: 1000, 128>}, {transform_indices = @transform_4, window_bounds = array<i64: 1000, 16>}, {transform_indices = @transform_5, window_bounds = array<i64: 1000, 16>}, {transform_indices = @transform_6, window_bounds = array<i64: 1000, 256>}, {pipeline_mode = #tpu.pipeline_mode<synchronous>, transform_indices = @transform_7, window_bounds = array<i64: 128, 256>}, {pipeline_mode = #tpu.pipeline_mode<synchronous>, transform_indices = @transform_8, window_bounds = array<i64: 128, 256>}, {pipeline_mode = #tpu.pipeline_mode<synchronous>, transform_indices = @transform_9, window_bounds = array<i64: 1, 256>}, {pipeline_mode = #tpu.pipeline_mode<synchronous>, transform_indices = @transform_10, window_bounds = array<i64: 1, 256>}, {transform_indices = @transform_11, window_bounds = array<i64: 1000, 128>}, {transform_indices = @transform_12, window_bounds = array<i64: 1000, 128>}]} {
    %get3A = arith.constant 0 : index
    %get3A_0 = arith.constant 0 : index
    %get3A_1 = vector.load %arg5[%get3A, %get3A_0] : memref<1000x16xf32, #tpu.memory_space<vmem>>, vector<1000x1xf32>
    %get3A_2 = arith.constant 0 : index
    %get3A_3 = arith.constant 0 : index
    %get3A_4 = vector.load %arg6[%get3A_2, %get3A_3] : memref<1000x16xf32, #tpu.memory_space<vmem>>, vector<1000x1xf32>
    %add3A = arith.addf %get3A_1, %get3A_4 : vector<1000x1xf32>
    %add3A_5 = arith.constant 1.000000e+00 : f32
    %add3A_6 = vector.broadcast %add3A_5 : f32 to vector<1000x1xf32>
    %add3A_7 = arith.addf %add3A, %add3A_6 : vector<1000x1xf32>
    %div3A = arith.constant 1.000000e+00 : f32
    %div3A_8 = vector.broadcast %div3A : f32 to vector<1000x1xf32>
    %div3A_9 = arith.divf %div3A_8, %add3A_7 : vector<1000x1xf32>
    %get3A_10 = arith.constant 0 : index
    %get3A_11 = arith.constant 0 : index
    %get3A_12 = vector.load %arg1[%get3A_10, %get3A_11] : memref<1000x128xf32, #tpu.memory_space<vmem>>, vector<1000x128xf32>
    %get3A_13 = arith.constant 0 : index
    %get3A_14 = arith.constant 0 : index
    %get3A_15 = vector.load %arg3[%get3A_13, %get3A_14] : memref<1000x128xf32, #tpu.memory_space<vmem>>, vector<1000x128xf32>
    %add3A_16 = arith.addf %get3A_12, %get3A_15 : vector<1000x128xf32>
    %mul3A = vector.broadcast %div3A_9 : vector<1000x1xf32> to vector<1000x128xf32>
    %mul3A_17 = arith.mulf %add3A_16, %mul3A : vector<1000x128xf32>
    %get3A_18 = arith.constant 0 : index
    %get3A_19 = arith.constant 0 : index
    %get3A_20 = vector.load %arg2[%get3A_18, %get3A_19] : memref<1000x128xf32, #tpu.memory_space<vmem>>, vector<1000x128xf32>
    %get3A_21 = arith.constant 0 : index
    %get3A_22 = arith.constant 0 : index
    %get3A_23 = vector.load %arg4[%get3A_21, %get3A_22] : memref<1000x128xf32, #tpu.memory_space<vmem>>, vector<1000x128xf32>
    %add3A_24 = arith.addf %get3A_20, %get3A_23 : vector<1000x128xf32>
    %mul3A_25 = vector.broadcast %div3A_9 : vector<1000x1xf32> to vector<1000x128xf32>
    %mul3A_26 = arith.mulf %add3A_24, %mul3A_25 : vector<1000x128xf32>
    %get3A_27 = arith.constant 0 : index
    %get3A_28 = arith.constant 0 : index
    %get3A_29 = vector.load %arg8[%get3A_27, %get3A_28] : memref<128x256xf32, #tpu.memory_space<vmem>>, vector<128x256xf32>
    %dot_general3A = arith.constant dense<0.000000e+00> : vector<1000x256xf32>
    %dot_general3A_30 = tpu.matmul %mul3A_17, %get3A_29, %dot_general3A {dimension_numbers = #tpu.dot_dimension_numbers<[1], [0], [0], [1], [0, 0, 1, 1], [], []>, transpose_lhs_hint = false} : vector<1000x128xf32>, vector<128x256xf32>, vector<1000x256xf32> -> vector<1000x256xf32>
    %get3A_31 = arith.constant 0 : index
    %get3A_32 = arith.constant 0 : index
    %get3A_33 = vector.load %arg9[%get3A_31, %get3A_32] : memref<128x256xf32, #tpu.memory_space<vmem>>, vector<128x256xf32>
    %dot_general3A_34 = arith.constant dense<0.000000e+00> : vector<1000x256xf32>
    %dot_general3A_35 = tpu.matmul %mul3A_26, %get3A_33, %dot_general3A_34 {dimension_numbers = #tpu.dot_dimension_numbers<[1], [0], [0], [1], [0, 0, 1, 1], [], []>, transpose_lhs_hint = false} : vector<1000x128xf32>, vector<128x256xf32>, vector<1000x256xf32> -> vector<1000x256xf32>
    %add3A_36 = arith.addf %dot_general3A_30, %dot_general3A_35 : vector<1000x256xf32>
    %get3A_37 = arith.constant 0 : index
    %get3A_38 = arith.constant 0 : index
    %get3A_39 = vector.load %arg7[%get3A_37, %get3A_38] : memref<1000x256xf32, #tpu.memory_space<vmem>>, vector<1000x256xf32>
    %add3A_40 = arith.addf %add3A_36, %get3A_39 : vector<1000x256xf32>
    %get3A_41 = arith.constant 0 : index
    %get3A_42 = arith.constant 0 : index
    %get3A_43 = vector.load %arg10[%get3A_41, %get3A_42] : memref<1x256xf32, #tpu.memory_space<vmem>>, vector<1x256xf32>
    %mul3A_44 = arith.constant 0.999994993 : f32
    %mul3A_45 = vector.broadcast %mul3A_44 : f32 to vector<1x256xf32>
    %mul3A_46 = arith.mulf %get3A_43, %mul3A_45 : vector<1x256xf32>
    %mul3A_47 = vector.broadcast %mul3A_46 : vector<1x256xf32> to vector<1000x256xf32>
    %mul3A_48 = arith.mulf %add3A_40, %mul3A_47 : vector<1000x256xf32>
    %get3A_49 = arith.constant 0 : index
    %get3A_50 = arith.constant 0 : index
    %get3A_51 = vector.load %arg11[%get3A_49, %get3A_50] : memref<1x256xf32, #tpu.memory_space<vmem>>, vector<1x256xf32>
    %add3A_52 = vector.broadcast %get3A_51 : vector<1x256xf32> to vector<1000x256xf32>
    %add3A_53 = arith.addf %mul3A_48, %add3A_52 : vector<1000x256xf32>
    %max3A = arith.constant 0.000000e+00 : f32
    %max3A_54 = vector.broadcast %max3A : f32 to vector<1000x256xf32>
    %max3A_55 = arith.maximumf %add3A_53, %max3A_54 : vector<1000x256xf32>
    %slice3A = vector.extract_strided_slice %max3A_55 {offsets = [0, 0], sizes = [1000, 128], strides = [1, 1]} : vector<1000x256xf32> to vector<1000x128xf32>
    %swap3A = arith.constant 0 : index
    %swap3A_56 = arith.constant 0 : index
    %swap3A_57 = vector.load %arg12[%swap3A, %swap3A_56] : memref<1000x128xf32, #tpu.memory_space<vmem>>, vector<1000x128xf32>
    tpu.vector_store %arg12[%swap3A, %swap3A_56], %slice3A {strides = array<i32>} : memref<1000x128xf32, #tpu.memory_space<vmem>>, vector<1000x128xf32>,
    %slice3A_58 = vector.extract_strided_slice %max3A_55 {offsets = [0, 128], sizes = [1000, 128], strides = [1, 1]} : vector<1000x256xf32> to vector<1000x128xf32>
    %swap3A_59 = arith.constant 0 : index
    %swap3A_60 = arith.constant 0 : index
    %swap3A_61 = vector.load %arg13[%swap3A_59, %swap3A_60] : memref<1000x128xf32, #tpu.memory_space<vmem>>, vector<1000x128xf32>
    tpu.vector_store %arg13[%swap3A_59, %swap3A_60], %slice3A_58 {strides = array<i32>} : memref<1000x128xf32, #tpu.memory_space<vmem>>, vector<1000x128xf32>,
    return
  }
  func.func @transform_0(%arg0: i32) -> (i32, i32) {
    %c0_i32 = arith.constant 0 : i32
    %c0_i32_0 = arith.constant 0 : i32
    return %arg0, %c0_i32 : i32, i32
  }
  func.func @transform_1(%arg0: i32) -> (i32, i32) {
    %c0_i32 = arith.constant 0 : i32
    %c0_i32_0 = arith.constant 0 : i32
    return %arg0, %c0_i32 : i32, i32
  }
  func.func @transform_2(%arg0: i32) -> (i32, i32) {
    %c0_i32 = arith.constant 0 : i32
    %c0_i32_0 = arith.constant 0 : i32
    return %arg0, %c0_i32 : i32, i32
  }
  func.func @transform_3(%arg0: i32) -> (i32, i32) {
    %c0_i32 = arith.constant 0 : i32
    %c0_i32_0 = arith.constant 0 : i32
    return %arg0, %c0_i32 : i32, i32
  }
  func.func @transform_4(%arg0: i32) -> (i32, i32) {
    %c0_i32 = arith.constant 0 : i32
    %c0_i32_0 = arith.constant 0 : i32
    return %arg0, %c0_i32 : i32, i32
  }
  func.func @transform_5(%arg0: i32) -> (i32, i32) {
    %c0_i32 = arith.constant 0 : i32
    %c0_i32_0 = arith.constant 0 : i32
    return %arg0, %c0_i32 : i32, i32
  }
  func.func @transform_6(%arg0: i32) -> (i32, i32) {
    %c0_i32 = arith.constant 0 : i32
    %c0_i32_0 = arith.constant 0 : i32
    return %arg0, %c0_i32 : i32, i32
  }
  func.func @transform_7(%arg0: i32) -> (i32, i32) {
    %c0_i32 = arith.constant 0 : i32
    %c0_i32_0 = arith.constant 0 : i32
    %c0_i32_1 = arith.constant 0 : i32
    return %c0_i32, %c0_i32_0 : i32, i32
  }
  func.func @transform_8(%arg0: i32) -> (i32, i32) {
    %c0_i32 = arith.constant 0 : i32
    %c0_i32_0 = arith.constant 0 : i32
    %c0_i32_1 = arith.constant 0 : i32
    return %c0_i32, %c0_i32_0 : i32, i32
  }
  func.func @transform_9(%arg0: i32) -> (i32, i32) {
    %c0_i32 = arith.constant 0 : i32
    %c0_i32_0 = arith.constant 0 : i32
    %c0_i32_1 = arith.constant 0 : i32
    return %c0_i32, %c0_i32_0 : i32, i32
  }
  func.func @transform_10(%arg0: i32) -> (i32, i32) {
    %c0_i32 = arith.constant 0 : i32
    %c0_i32_0 = arith.constant 0 : i32
    %c0_i32_1 = arith.constant 0 : i32
    return %c0_i32, %c0_i32_0 : i32, i32
  }
  func.func @transform_11(%arg0: i32) -> (i32, i32) {
    %c0_i32 = arith.constant 0 : i32
    %c0_i32_0 = arith.constant 0 : i32
    return %arg0, %c0_i32 : i32, i32
  }
  func.func @transform_12(%arg0: i32) -> (i32, i32) {
    %c0_i32 = arith.constant 0 : i32
    %c0_i32_0 = arith.constant 0 : i32
    return %arg0, %c0_i32 : i32, i32
  }
}

module attributes {stable_mosaic.version = 14 : i64} {
  func.func @_pool_body(%arg0: memref<10000x128xf32, #tpu.memory_space<vmem>>, %arg1: memref<10000x128xf32, #tpu.memory_space<vmem>>, %arg2: memref<1x10000xi32, #tpu.memory_space<vmem>>, %arg3: memref<256x128xf32, #tpu.memory_space<vmem>>, %arg4: memref<1x128xf32, #tpu.memory_space<vmem>>, %arg5: memref<128x128xf32, #tpu.memory_space<vmem>>, %arg6: memref<1x128xf32, #tpu.memory_space<vmem>>, %arg7: memref<64x128xf32, #tpu.memory_space<vmem>>) attributes {dimension_semantics = [], scalar_prefetch = 0 : i64, scratch_operands = 0 : i64, tpu.core_type = #tpu.core_type<tc>} {
    %iota3A = tpu.iota {dimensions = array<i32: 0>} : vector<64x10000xi32>
    %get3A = arith.constant 0 : index
    %get3A_0 = arith.constant 0 : index
    %get3A_1 = vector.load %arg2[%get3A, %get3A_0] : memref<1x10000xi32, #tpu.memory_space<vmem>>, vector<1x10000xi32>
    %eq3A = vector.broadcast %get3A_1 : vector<1x10000xi32> to vector<64x10000xi32>
    %eq3A_2 = arith.cmpi eq, %iota3A, %eq3A : vector<64x10000xi32>
    %convert_element_type3A = arith.extui %eq3A_2 : vector<64x10000xi1> to vector<64x10000xi32>
    %convert_element_type3A_3 = arith.sitofp %convert_element_type3A : vector<64x10000xi32> to vector<64x10000xf32>
    %reduce_sum3A = arith.constant dense<0.000000e+00> : vector<64xf32>
    %reduce_sum3A_4 = vector.multi_reduction <add>, %convert_element_type3A_3, %reduce_sum3A [1] : vector<64x10000xf32> to vector<64xf32>
    %broadcast_in_dim3A = vector.shape_cast %reduce_sum3A_4 : vector<64xf32> to vector<64x1xf32>
    %get3A_5 = arith.constant 0 : index
    %get3A_6 = arith.constant 0 : index
    %get3A_7 = vector.load %arg0[%get3A_5, %get3A_6] : memref<10000x128xf32, #tpu.memory_space<vmem>>, vector<10000x128xf32>
    %dot_general3A = arith.constant dense<0.000000e+00> : vector<64x128xf32>
    %dot_general3A_8 = tpu.matmul %convert_element_type3A_3, %get3A_7, %dot_general3A {dimension_numbers = #tpu.dot_dimension_numbers<[1], [0], [0], [1], [0, 0, 1, 1], [], []>, transpose_lhs_hint = false} : vector<64x10000xf32>, vector<10000x128xf32>, vector<64x128xf32> -> vector<64x128xf32>
    %get3A_9 = arith.constant 0 : index
    %get3A_10 = arith.constant 0 : index
    %get3A_11 = vector.load %arg1[%get3A_9, %get3A_10] : memref<10000x128xf32, #tpu.memory_space<vmem>>, vector<10000x128xf32>
    %dot_general3A_12 = arith.constant dense<0.000000e+00> : vector<64x128xf32>
    %dot_general3A_13 = tpu.matmul %convert_element_type3A_3, %get3A_11, %dot_general3A_12 {dimension_numbers = #tpu.dot_dimension_numbers<[1], [0], [0], [1], [0, 0, 1, 1], [], []>, transpose_lhs_hint = false} : vector<64x10000xf32>, vector<10000x128xf32>, vector<64x128xf32> -> vector<64x128xf32>
    %concatenate3A = tpu.concatenate %dot_general3A_8, %dot_general3A_13 in 1 : vector<64x128xf32>, vector<64x128xf32> -> vector<64x256xf32>
    %max3A = arith.constant 1.000000e+00 : f32
    %max3A_14 = vector.broadcast %max3A : f32 to vector<64x1xf32>
    %max3A_15 = arith.maximumf %broadcast_in_dim3A, %max3A_14 : vector<64x1xf32>
    %div3A = vector.broadcast %max3A_15 : vector<64x1xf32> to vector<64x256xf32>
    %div3A_16 = arith.divf %concatenate3A, %div3A : vector<64x256xf32>
    %get3A_17 = arith.constant 0 : index
    %get3A_18 = arith.constant 0 : index
    %get3A_19 = vector.load %arg3[%get3A_17, %get3A_18] : memref<256x128xf32, #tpu.memory_space<vmem>>, vector<256x128xf32>
    %dot_general3A_20 = arith.constant dense<0.000000e+00> : vector<64x128xf32>
    %dot_general3A_21 = tpu.matmul %div3A_16, %get3A_19, %dot_general3A_20 {dimension_numbers = #tpu.dot_dimension_numbers<[1], [0], [0], [1], [0, 0, 1, 1], [], []>, transpose_lhs_hint = false} : vector<64x256xf32>, vector<256x128xf32>, vector<64x128xf32> -> vector<64x128xf32>
    %get3A_22 = arith.constant 0 : index
    %get3A_23 = arith.constant 0 : index
    %get3A_24 = vector.load %arg4[%get3A_22, %get3A_23] : memref<1x128xf32, #tpu.memory_space<vmem>>, vector<1x128xf32>
    %add3A = vector.broadcast %get3A_24 : vector<1x128xf32> to vector<64x128xf32>
    %add3A_25 = arith.addf %dot_general3A_21, %add3A : vector<64x128xf32>
    %max3A_26 = arith.constant 0.000000e+00 : f32
    %max3A_27 = vector.broadcast %max3A_26 : f32 to vector<64x128xf32>
    %max3A_28 = arith.maximumf %add3A_25, %max3A_27 : vector<64x128xf32>
    %get3A_29 = arith.constant 0 : index
    %get3A_30 = arith.constant 0 : index
    %get3A_31 = vector.load %arg5[%get3A_29, %get3A_30] : memref<128x128xf32, #tpu.memory_space<vmem>>, vector<128x128xf32>
    %dot_general3A_32 = arith.constant dense<0.000000e+00> : vector<64x128xf32>
    %dot_general3A_33 = tpu.matmul %max3A_28, %get3A_31, %dot_general3A_32 {dimension_numbers = #tpu.dot_dimension_numbers<[1], [0], [0], [1], [0, 0, 1, 1], [], []>, transpose_lhs_hint = false} : vector<64x128xf32>, vector<128x128xf32>, vector<64x128xf32> -> vector<64x128xf32>
    %get3A_34 = arith.constant 0 : index
    %get3A_35 = arith.constant 0 : index
    %get3A_36 = vector.load %arg6[%get3A_34, %get3A_35] : memref<1x128xf32, #tpu.memory_space<vmem>>, vector<1x128xf32>
    %add3A_37 = vector.broadcast %get3A_36 : vector<1x128xf32> to vector<64x128xf32>
    %add3A_38 = arith.addf %dot_general3A_33, %add3A_37 : vector<64x128xf32>
    %iota3A_39 = tpu.iota {dimensions = array<i32: 1>} : vector<64x128xi32>
    %lt3A = arith.constant 10 : i32
    %lt3A_40 = vector.broadcast %lt3A : i32 to vector<64x128xi32>
    %lt3A_41 = arith.cmpi slt, %iota3A_39, %lt3A_40 : vector<64x128xi32>
    %jit3A = arith.constant 0xFF800000 : f32
    %broadcast_in_dim3A_42 = vector.broadcast %jit3A : f32 to vector<64x128xf32>
    %select_n3A = arith.select %lt3A_41, %add3A_38, %broadcast_in_dim3A_42 : vector<64x128xi1>, vector<64x128xf32>
    %reduce_max3A = arith.constant dense<0xFF800000> : vector<64xf32>
    %reduce_max3A_43 = vector.multi_reduction <maximumf>, %select_n3A, %reduce_max3A [1] : vector<64x128xf32> to vector<64xf32>
    %broadcast_in_dim3A_44 = vector.shape_cast %reduce_max3A_43 : vector<64xf32> to vector<64x1xf32>
    %sub3A = vector.broadcast %broadcast_in_dim3A_44 : vector<64x1xf32> to vector<64x128xf32>
    %sub3A_45 = arith.subf %select_n3A, %sub3A : vector<64x128xf32>
    %exp3A = math.exp %sub3A_45 : vector<64x128xf32>
    %reduce_sum3A_46 = arith.constant dense<0.000000e+00> : vector<64xf32>
    %reduce_sum3A_47 = vector.multi_reduction <add>, %exp3A, %reduce_sum3A_46 [1] : vector<64x128xf32> to vector<64xf32>
    %broadcast_in_dim3A_48 = vector.shape_cast %reduce_sum3A_47 : vector<64xf32> to vector<64x1xf32>
    %log3A = math.log %broadcast_in_dim3A_48 : vector<64x1xf32>
    %add3A_49 = arith.addf %log3A, %broadcast_in_dim3A_44 : vector<64x1xf32>
    %sub3A_50 = vector.broadcast %add3A_49 : vector<64x1xf32> to vector<64x128xf32>
    %sub3A_51 = arith.subf %select_n3A, %sub3A_50 : vector<64x128xf32>
    %swap3A = arith.constant 0 : index
    %swap3A_52 = arith.constant 0 : index
    %swap3A_53 = vector.load %arg7[%swap3A, %swap3A_52] : memref<64x128xf32, #tpu.memory_space<vmem>>, vector<64x128xf32>
    tpu.vector_store %arg7[%swap3A, %swap3A_52], %sub3A_51 {strides = array<i32>} : memref<64x128xf32, #tpu.memory_space<vmem>>, vector<64x128xf32>,
    return
  }
}

</mosaic_0001>

<sc_bundles>
// kernel: kernel.14.cloned.1.call-start
scs
__scs_entry_jumppad:
0x0: {  	(pc) =	sbr.rel $0x88, $3  }
0x1: {  	(tag) =	ssettag $0x0;
	lr =	simm.s32 $0x1  }
0x2: {  	[smem:$0x3F8B] =	sst lr;
	_ =	strace $0xD0000000  }
0x3: {  	_ = 	snop  }
0x4: {  	_ = 	snop  }
0x5: {  	_ = 	snop  }
0x6: {  	_ = 	snop  }
0x7: {  	_ = 	snop  }
__scs_overlays_trampoline_lowered:
0x8: {  	[smem:$0x3F9A] =	sst s0  }
0x9: {  	[smem:$0x3F9B] =	sst s1  }
0xa: {  	[smem:$0x3F9C] =	sst s2  }
0xb: {  	[smem:$0x3F9D] =	sst s3  }
0xc: {  	[smem:$0x3F9E] =	sst s4  }
0xd: {  	[smem:$0x3F9F] =	sst s5  }
0xe: {  	[smem:$0x3FA0] =	sst s6  }
0xf: {  	[smem:$0x3FA1] =	sst s7  }
0x10: {  	[smem:$0x3FA2] =	sst s8  }
0x11: {  	[smem:$0x3FA3] =	sst s9;
	s0 =	simm.s32 @!p0 $0x0  }
0x12: {  	s1 =	sld [smem:$0x3F89];
	s0 =	simm.s32 @p0 $0x1  }
0x13: {  	[smem:$0x3FA4] =	sst s0;
	s0 =	simm.s32 @!p1 $0x0  }
0x14: {  	s2 =	sld [smem:$0x3F88];
	s0 =	simm.s32 @p1 $0x1  }
0x15: {  	[smem:$0x3FA5] =	sst s0;
	s0 =	simm.s32 @!p2 $0x0  }
0x16: {  	s3 =	sld [smem:$0x3FDB];
	s0 =	simm.s32 @p2 $0x1  }
0x17: {  	s4 =	simm.s32 $0x1BF5;
	[smem:$0x3FA7] =	sst s0  }
0x18: {  	s0 =	sld [smem:$0x3F8A];
	_ =	swait.ge [sflag:s4], $0x0  }
0x19: {  	s7 =	sld [smem:$0x3F8B]  }
0x1a: {  	s8 =	sadd.s32 $0xFFFFE003, lr  }
0x1b: {  	s9 =	sadd.s32 $0xFFFFFEF7, lr;
	s5 =	simm.s32 $0xFFFFFFFF;
	p2 =	slt.u32 s8, $0xFFFFF086  }
0x1c: {  	p1 =	slt.u32 s9, $0xF7A;
	s5 =	simm.s32 @!p2 $0x0  }
0x1d: {  	s5 =	simm.s32 @p1 $0x1;
	p0 =	seq.s32 s7, s2  }
0x1e: {  	s7 =	smul.u32 @!p0 $0xF7A, s2;
	p2 =	seq.s32 @!p0 s5, $0x0  }
0x1f: {  	s9 =	smul.u32 $0xF7A, s1;
	s8 =	simm.s32 @!p0 $0x1BF5;
	p2 =	por !p2, p0  }
0x20: {  	[sflag:s8] =	ssyncset.s32 @!p0 $0xFFFFF086;
	s6 =	sadd.s32 @!p0 s3, s7;
	s7 =	simm.s32 @!p0 $0x108  }
0x21: {  	s3 =	sadd.s32 s3, s9;
	s6 =	sadd.s32 @!p0 $0x88, s6;
	s7 =	simm.s32 @p2 $0x1082  }
0x22: {  	[simem:s7], [sflag:s8] =	dma.local @!p0 [hbm:s6], $0xF7A  }
0x23: {  	s9 =	sor.u32 $0xD0000000, s2;
	s6 =	simm.s32 $0x108;
	_ =	swait.ge @!p0 [sflag:s8], $0x0  }
0x24: {  	s3 =	sadd.s32 $0x88, s3;
	s6 =	simm.s32 @!p1 $0x1082;
	[sflag:s4] =	ssyncset.s32 $0xFFFFF086  }
0x25: {  	[simem:s6], [sflag:s4] =	dma.local [hbm:s3], $0xF7A  }
0x26: {  	[smem:$0x3F8B] =	sst s1;
	(tag) =	ssettag s2;
	_ =	strace s9  }
0x27: {  	s1 =	sld [smem:$0x3F9B]  }
0x28: {  	s2 =	sld [smem:$0x3F9C]  }
0x29: {  	s4 =	sld [smem:$0x3F9E]  }
0x2a: {  	p0 =	seq.s32 s5, $0x0;
	s5 =	sld [smem:$0x3F9F]  }
0x2b: {  	s6 =	sld [smem:$0x3FA0]  }
0x2c: {  	s7 =	sld [smem:$0x3FA1]  }
0x2d: {  	s3 =	simm.s32 $0x108;
	s8 =	sld [smem:$0x3FA2]  }
0x2e: {  	s3 =	simm.s32 @!p0 $0x1082;
	s9 =	sld [smem:$0x3FA3]  }
0x2f: {  	lr =	sadd.s32 s0, s3;
	s0 =	sld [smem:$0x3F9A]  }
0x30: {  	s3 =	sld [smem:$0x3F9D]  }
0x31: {  	[smem:$0x3FA6] =	sst s10  }
0x32: {  	s10 =	sld [smem:$0x3FA4];
	_ =	sdelay $0x3  }
0x33: {  	p0 =	seq.s32 s10, $0x1;
	s10 =	sld [smem:$0x3FA6];
	_ =	sdelay $0x3  }
0x34: {  	[smem:$0x3FA6] =	sst s10  }
0x35: {  	s10 =	sld [smem:$0x3FA5];
	_ =	sdelay $0x3  }
0x36: {  	p1 =	seq.s32 s10, $0x1;
	s10 =	sld [smem:$0x3FA6];
	_ =	sdelay $0x3  }
0x37: {  	[smem:$0x3FA6] =	sst s10  }
0x38: {  	s10 =	sld [smem:$0x3FA7]  }
0x39: {  	_ = 	snop;
	(pc) =	sbr.ind lr, $3  }
0x3a: {  	_ = 	snop  }
0x3b: {  	_ = 	snop  }
0x3c: {  	p2 =	seq.s32 s10, $0x1;
	s10 =	sld [smem:$0x3FA6]  }
0x3d: {  	_ =	shalt  }
0x3e: {  	_ =	shalt  }
0x3f: {  	_ =	shalt  }
0x40: {  	_ =	shalt  }
0x41: {  	_ =	shalt  }
0x42: {  	_ =	shalt  }
0x43: {  	_ =	shalt  }
0x44: {  	_ =	shalt  }
0x45: {  	_ =	shalt  }
0x46: {  	_ =	shalt  }
0x47: {  	_ =	shalt  }
0x48: {  	_ =	shalt  }
0x49: {  	_ =	shalt  }
0x4a: {  	_ =	shalt  }
0x4b: {  	_ =	shalt  }
0x4c: {  	_ =	shalt  }
0x4d: {  	_ =	shalt  }
0x4e: {  	_ =	shalt  }
0x4f: {  	_ =	shalt  }
0x50: {  	_ =	shalt  }
0x51: {  	_ =	shalt  }
0x52: {  	_ =	shalt  }
0x53: {  	_ =	shalt  }
0x54: {  	_ =	shalt  }
0x55: {  	_ =	shalt  }
0x56: {  	_ =	shalt  }
0x57: {  	_ =	shalt  }
0x58: {  	_ =	shalt  }
0x59: {  	_ =	shalt  }
0x5a: {  	_ =	shalt  }
0x5b: {  	_ =	shalt  }
0x5c: {  	_ =	shalt  }
0x5d: {  	_ =	shalt  }
0x5e: {  	_ =	shalt  }
0x5f: {  	_ =	shalt  }
0x60: {  	_ =	shalt  }
0x61: {  	_ =	shalt  }
0x62: {  	_ =	shalt  }
0x63: {  	_ =	shalt  }
0x64: {  	_ =	shalt  }
0x65: {  	_ =	shalt  }
0x66: {  	_ =	shalt  }
0x67: {  	_ =	shalt  }
0x68: {  	_ =	shalt  }
0x69: {  	_ =	shalt  }
0x6a: {  	_ =	shalt  }
0x6b: {  	_ =	shalt  }
0x6c: {  	_ =	shalt  }
0x6d: {  	_ =	shalt  }
0x6e: {  	_ =	shalt  }
0x6f: {  	_ =	shalt  }
0x70: {  	_ =	shalt  }
0x71: {  	_ =	shalt  }
0x72: {  	_ =	shalt  }
0x73: {  	_ =	shalt  }
0x74: {  	_ =	shalt  }
0x75: {  	_ =	shalt  }
0x76: {  	_ =	shalt  }
0x77: {  	_ =	shalt  }
0x78: {  	_ =	shalt  }
0x79: {  	_ =	shalt  }
0x7a: {  	_ =	shalt  }
0x7b: {  	_ =	shalt  }
0x7c: {  	_ =	shalt  }
0x7d: {  	_ =	shalt  }
0x7e: {  	_ =	shalt  }
0x7f: {  	_ =	shalt  }
0x80: {  	_ =	shalt  }
0x81: {  	_ =	shalt  }
0x82: {  	_ =	shalt  }
0x83: {  	_ =	shalt  }
0x84: {  	_ =	shalt  }
0x85: {  	_ =	shalt  }
0x86: {  	_ =	shalt  }
0x87: {  	_ =	shalt  }
.Lfunc_end0:
.L_simem_size_0:
called_computation_lowered:
.L_overlay_start_0:
0x88: {  	s2 =	sld [smem:$0x3FD9]  }
0x89: {  	s3 =	sld [smem:$0x3FFE];
	_ =	sdelay $0x1  }
0x8a: {  	s1 =	srdreg.scid  }
0x8b: {  	s0 =	sand.u32 $0x1, s1  }
0x8c: {  	s17 =	sshll.u32 s0, $0xA;
	s2 =	sadd.s32 s3, s2  }
0x8d: {  	s2 =	sadd.s32 s2, s17  }
0x8e: {  	[smem:$0x3FB2] =	sst s2  }
0x8f: {  	_ = 	snop  }
0x90: {  	(tm) =	ssettm $0x1  }
0x91: {  	s18 =	sld [smem:$0x3FFB];
	_ =	sdelay $0x3  }
0x92: {  	_ =	strace s18  }
0x93: {  	s2 =	sld [smem:$0x3FFC];
	_ =	sdelay $0x3  }
0x94: {  	_ =	strace s2  }
0x95: {  	s2 =	sld [smem:$0x3FFD];
	_ =	sdelay $0x3  }
0x96: {  	_ =	strace s2  }
0x97: {  	_ =	strace $0x8FFFFFFF  }
0x98: {  	s19 =	sld [smem:$0x3FDB];
	_ =	sdelay $0x1  }
0x99: {  	s20 =	simm.s32 $_scs_section_size  }
0x9a: {  	s4 =	simm.s32 $_size__tile_overlayer_lowered;
	s5 =	simm.s32 $_tile_overlayer_lowered  }
0x9b: {  	s6 =	simm.s32 $0x1BFF;
	s21 =	sshll.u32 s5, $0x1;
	s3 =	sadd.s32 s20, s19  }
0x9c: {  	s22 =	simm.s32 $0x0;
	s4 =	sshll.u32 s4, $0x1;
	s5 =	sadd.s32 s21, s3  }
0x9d: {  	[timem:s22], [sflag:s6] =	dma.local [hbm:s5], s4  }
0x9e: {  	_ =	swait.ge [sflag:s6], s4  }
0x9f: {  	s4 =	ssub.s32 $0x0, s4;
	[sflag:s6] =	ssyncset.done $0x0  }
0xa0: {  	[sflag:s6] =	ssyncadd.s32 s4;
	_ =	sdelay $0x1  }
0xa1: {  	s23 =	simm.s32 $0x1B8B  }
0xa2: {  	_ =	swait.ge [sflag:s23], $0x1  }
0xa3: {  	[sflag:s23] =	ssyncset.done $0x0  }
0xa4: {  	[sflag:s23] =	ssyncadd.s32 $0xFFFFFFFF  }
0xa5: {  	s4 =	sld [smem:$0x0]  }
0xa6: {  	s5 =	sand.u32 $0xFFFFFFFE, s1  }
0xa7: {  	p0 =	sne.s32 s1, s5  }
0xa8: {  	s5 =	sshll.u32 @p0 s5, $0xE  }
0xa9: {  	s5 =	sadd.s32 @p0 $0x11B8D, s5;
	s6 =	sshll.u32 @p0 s4, $0x11  }
0xaa: {  	s5 =	sor.u32 @p0 s6, s5  }
0xab: {  	[sflag:s5] =	ssyncadd.remote.s32 @p0 $0x1;
	_ =	sdelay $0x1  }
0xac: {  	s5 =	simm.s32 @p0 $0x1B8D  }
0xad: {  	_ =	swait.eq @p0 [sflag:s5], $0x1  }
0xae: {  	[sflag:s5] =	ssyncadd.s32 @p0 $0xFFFFFFFF  }
0xaf: {  	s6 =	sshll.u32 @!p0 s1, $0xE  }
0xb0: {  	s6 =	sor.u32 @!p0 $0x4000, s6;
	s5 =	simm.s32 @!p0 $0x1B8D  }
0xb1: {  	s4 =	sshll.u32 @!p0 s4, $0x11;
	s6 =	sadd.s32 @!p0 $0x11B8D, s6;
	_ =	swait.eq @!p0 [sflag:s5], $0x1  }
0xb2: {  	s4 =	sor.u32 @!p0 s4, s6;
	[sflag:s5] =	ssyncadd.s32 @!p0 $0xFFFFFFFF  }
0xb3: {  	s25 =	simm.s32 $0x1B8E;
	s24 =	sld [smem:$0x3FFE];
	[sflag:s4] =	ssyncadd.remote.s32 @!p0 $0x1  }
0xb4: {  	s26 =	simm.s32 $execute0_lowered;
	[smem:$0x3FD2] =	sst s25  }
0xb5: {  	s5 =	sshll.u32 s26, $0x1;
	_ =	strace $0x80000049;
	[dreg:$0x1] =	wrdreg $0xFFFFFFFF  }
0xb6: {  	s28 =	simm.s32 $_size_execute0_lowered;
	s3 =	sadd.s32 s3, s5;
	[dreg:$0x0] =	wrdreg $0x0  }
0xb7: {  	s5 =	sshll.u32 s28, $0x1;
	[dreg:$0x2] =	wrdreg s3  }
0xb8: {  	[dreg:$0x3] =	wrdreg s5  }
0xb9: {  	[dreg:$0x4] =	wrdreg $0xC0  }
0xba: {  	_ =	task [dreg:s22], $0x5FFFF  }
0xbb: {  	[dreg:$0x1] =	wrdreg $0xFFFFFFFF  }
0xbc: {  	[dreg:$0x0] =	wrdreg $0x60  }
0xbd: {  	[dreg:$0x2] =	wrdreg s24  }
0xbe: {  	[dreg:$0x3] =	wrdreg $0xAA000  }
0xbf: {  	[dreg:$0x4] =	wrdreg $0x9  }
0xc0: {  	_ =	task.clear_ibuf [dreg:s22], $0x5FFFF;
	_ =	strace $0x90000049  }
0xc1: {  	s29 =	simm.s32 $0x9;
	_ =	strace $0x8000004B  }
0xc2: {  	_ =	swait.ge [sflag:s29], $0x1  }
0xc3: {  	[sflag:s29] =	ssyncadd.s32 $0xFFFFFFFF  }
0xc4: {  	_ =	strace $0x9000004B  }
0xc5: {  	_ =	sfence  }
0xc6: {  	s30 =	sld [smem:$0x0];
	_ =	sdelay $0x2  }
0xc7: {  	s31 =	sshll.u32 s1, $0xD;
	s1 =	sshrl.u32 s1, $0x2  }
0xc8: {  	s4 =	sand.u32 $0x4000, s31;
	s1 =	sadd.s32 s1, s30  }
0xc9: {  	s0 =	sor.u32 s4, s0;
	s1 =	sshll.u32 s1, $0x11  }
0xca: {  	s0 =	sor.u32 s1, s0  }
0xcb: {  	s0 =	sadd.s32 $0x8F2B, s0  }
0xcc: {  	[sflag:s0] =	ssyncadd.remote.s32 $0x1  }
0xcd: {  	_ =	sfence.sel $0xFFFF  }
0xce: {  	[dreg:$0x0] =	wrdreg $0xFFFFFFFF;
	(pc) =	sbr.abs _section_cstart, $3  }
0xcf: {  	[dreg:$0x1] =	wrdreg $0xFFFFFFFF  }
0xd0: {  	_ =	task.clear_ibuf [dreg:s22], $0x2FFFF;
	_ =	strace $0x9FFFFFFF  }
0xd1: {  	(tm) =	ssettm $0x7FFFFFFF  }
tec
execute0_lowered:
.L_overlay_start_1:
0x0: {  	(tag) =	ssettag $0x1  }
0x1: {  	s6 =	rddreg [dreg:$0x0]  }
0x2: {  	s2 =	rddreg [dreg:$0x1];
	s3 =	simm.s32 $0x0;
	s1 =	stileid.u32  }
0x3: {  	s4 =	srdreg.scid;
	s18 =	simm.s32 $0x200;
	s19 =	simm.s32 $0x3A00  }
0x4: {  	s20 =	simm.s32 $0x7200;
	s28 =	simm.s32 $0x0;
	s7 =	smul.u32 $0x2780, s1  }
0x5: {  	[smem:$0x7FF] =	sst s3;
	s8 =	sand.u32 $0x1, s4;
	s11 =	smul.u32 $0x4F000, s1  }
0x6: {  	s4 =	sadd.s32 $0xE7A00, s6;
	s5 =	sadd.s32 $0x67400, s6;
	s14 =	smul.u32 $0x2760, s1  }
0x7: {  	s26 =	sshll.u32 s1, $0x6;
	_ =	strace $0x8000004A;
	s9 =	smul.u32 $0x27800, s8  }
0x8: {  	s21 =	sshll.u32 s8, $0x4;
	s22 =	ssub.s32 $0x2, s8;
	s25 =	smul.u32 $0x27600, s8  }
0x9: {  	s10 =	sadd.s32 s7, s6;
	s23 =	sor.u32 s1, s21;
	s24 =	sshrl.u32 s22, $0x1  }
0xa: {  	s11 =	sshrl.u32 s11, $0x2;
	s21 =	simm.s32 $0x80;
	s7 =	sadd.s32 s7, s9  }
0xb: {  	s13 =	ssub.s32 s22, s24;
	s16 =	sadd.s32 s11, s2;
	s15 =	sadd.s32 s14, s25  }
0xc: {  	s22 =	simm.s32 $0x100;
	s24 =	simm.s32 $0x1;
	s25 =	simm.s32 $0x2  }
0xd: {  	s12 =	sadd.s32 s7, s6;
	s7 =	smul.u32 $0x2760, s23;
	s6 =	sadd.s32 $0x71200, s10  }
0xe: {  	s14 =	sadd.s32 $0x230, s15;
	s17 =	sadd.s32 $0x1C0, s15;
	s15 =	sadd.s32 $0x150, s15  }
0xf: {  	s16 =	sshrl.u32 s16, $0x3;
	s23 =	simm.s32 $0x70;
	s11 =	sadd.s32 $0xE8200, s12  }
0x10: {  	s12 =	smax.u32 s13, $0x1;
	s30 =	sshrl.u32 s14, $0x3;
	s31 =	sshrl.u32 s17, $0x3  }
0x11: {  	s17 =	simm.s32 $0x4;
	s29 =	sshrl.u32 s7, $0x3;
	s7 =	sor.u32 $0x1C04, s26  }
0x12: {  	s13 =	sadd.s32 s30, s5;
	s14 =	sadd.s32 s31, s5;
	s8 =	sadd.s32 s5, s29  }
0x13: {  	s26 =	simm.s32 $0x3;
	s9 =	sadd.s32 $0xE, s8;
	s10 =	sadd.s32 $0x1C, s8  }
.LBB2_1:
0x14: {  	[spmem:s16], [sflag:s7] =	dma.local [hbm:s6], $0x2780  }
0x15: {  	_ =	swait.ge [sflag:s17], $0x2780  }
0x16: {  	[sflag:s17] =	ssyncset.done $0x0  }
0x17: {  	[sflag:s17] =	ssyncadd.s32 $0xFFFFD880  }
0x18: {  	[tilespmem:s18], [sflag:$0x4] =	stream.linear.gather [hbm4b:s4+s3], $0x3800, $0x38;
	[tilespmem:$0x1E600] =	vst v63  }
0x19: {  	_ =	swait.ge [sflag:s17], $0x3800  }
0x1a: {  	[sflag:s17] =	ssyncset.done $0x0  }
0x1b: {  	[sflag:s17] =	ssyncadd.s32 $0xFFFFC800  }
0x1c: {  	[tilespmem:s19], [sflag:$0x4] =	stream.linear.gather [hbm4b:s4+s3], $0x3800, $0x38;
	[tilespmem:$0x1E600] =	vst v63  }
0x1d: {  	_ =	swait.ge [sflag:s17], $0x3800  }
0x1e: {  	[sflag:s17] =	ssyncset.done $0x0  }
0x1f: {  	[sflag:s17] =	ssyncadd.s32 $0xFFFFC800  }
0x20: {  	[tilespmem:s20], [sflag:$0x4] =	stream.linear.gather [hbm4b:s4+s3], $0x3800, $0x38;
	[tilespmem:$0x1E600] =	vst v63  }
0x21: {  	_ =	swait.ge [sflag:s17], $0x3800  }
0x22: {  	[sflag:s17] =	ssyncset.done $0x0  }
0x23: {  	[sflag:s17] =	ssyncadd.s32 $0xFFFFC800  }
0x24: {  	[bflag:$0x0] =	sbarrier.arrive $0xFFFF  }
0x25: {  	[tilespmem:s3], [sflag:$0x4] =	stream.linear.gather [hbm4b:s8+s3], $0x70, $0x38;
	[tilespmem:$0x1E600] =	vst v63  }
0x26: {  	_ =	swait.ge [sflag:s17], $0x70  }
0x27: {  	[sflag:s17] =	ssyncset.done $0x0  }
0x28: {  	[sflag:s17] =	ssyncadd.s32 $0xFFFFFF90  }
0x29: {  	[tilespmem:s21], [sflag:$0x4] =	stream.linear.gather [hbm4b:s9+s3], $0x70, $0x38;
	[tilespmem:$0x1E600] =	vst v63  }
0x2a: {  	_ =	swait.ge [sflag:s17], $0x70  }
0x2b: {  	[sflag:s17] =	ssyncset.done $0x0  }
0x2c: {  	[sflag:s17] =	ssyncadd.s32 $0xFFFFFF90  }
0x2d: {  	[tilespmem:s22], [sflag:$0x4] =	stream.linear.gather [hbm4b:s10+s3], $0x70, $0x38;
	[tilespmem:$0x1E600] =	vst v63  }
0x2e: {  	_ =	swait.ge [sflag:s17], $0x70  }
0x2f: {  	[sflag:s17] =	ssyncset.done $0x0  }
0x30: {  	[sflag:s17] =	ssyncadd.s32 $0xFFFFFF90  }
0x31: {  	[spmem:s2] =	stream.indirect.scatter.add.f32 [tilespmem:s18], [sflag:$0x1], $0x80, s3, s23, $0xb8;
	[tilespmem:$0x1E600] =	vst v63  }
0x32: {  	_ = 	snop  }
0x33: {  	[spmem:s2] =	stream.indirect.scatter.add.f32 [tilespmem:s19], [sflag:$0x2], $0x80, s21, s23, $0xb8;
	[tilespmem:$0x1E600] =	vst v63  }
0x34: {  	_ = 	snop  }
0x35: {  	[spmem:s2] =	stream.indirect.scatter.add.f32 [tilespmem:s20], [sflag:$0x3], $0x80, s22, s23, $0xb8;
	[tilespmem:$0x1E600] =	vst v63  }
0x36: {  	_ =	swait.ge [sflag:s24], $0x3800  }
0x37: {  	s29 =	sshrl.u32 s15, $0x3;
	[sflag:s24] =	ssyncset.done $0x0  }
0x38: {  	s29 =	sadd.s32 s5, s29;
	[sflag:s24] =	ssyncadd.s32 $0xFFFFC800  }
0x39: {  	[tilespmem:s3], [sflag:$0x4] =	stream.linear.gather [hbm4b:s29+s3], $0x70, $0x38;
	[tilespmem:$0x1E600] =	vst v63  }
0x3a: {  	_ =	swait.ge [sflag:s17], $0x70  }
0x3b: {  	[sflag:s17] =	ssyncset.done $0x0  }
0x3c: {  	[sflag:s17] =	ssyncadd.s32 $0xFFFFFF90  }
0x3d: {  	_ =	swait.ge [sflag:s25], $0x3800  }
0x3e: {  	[sflag:s25] =	ssyncset.done $0x0  }
0x3f: {  	s29 =	sadd.s32 $0x0, s14;
	[sflag:s25] =	ssyncadd.s32 $0xFFFFC800  }
0x40: {  	[tilespmem:s21], [sflag:$0x4] =	stream.linear.gather [hbm4b:s29+s3], $0x70, $0x38;
	[tilespmem:$0x1E600] =	vst v63  }
0x41: {  	_ =	swait.ge [sflag:s17], $0x70  }
0x42: {  	[sflag:s17] =	ssyncset.done $0x0  }
0x43: {  	[sflag:s17] =	ssyncadd.s32 $0xFFFFFF90  }
0x44: {  	_ =	swait.ge [sflag:s26], $0x3800  }
0x45: {  	[sflag:s26] =	ssyncset.done $0x0  }
0x46: {  	s29 =	sadd.s32 $0x0, s13;
	[sflag:s26] =	ssyncadd.s32 $0xFFFFC800  }
0x47: {  	[tilespmem:s22], [sflag:$0x4] =	stream.linear.gather [hbm4b:s29+s3], $0x70, $0x38;
	[tilespmem:$0x1E600] =	vst v63  }
0x48: {  	_ =	swait.ge [sflag:s17], $0x70  }
0x49: {  	s30 =	smov.u32 s15;
	s29 =	simm.s32 $0x2A;
	[sflag:s17] =	ssyncset.done $0x0  }
.LBB2_2:
0x4a: {  	p0 =	sne.s32 s29, $0x498;
	[sflag:s17] =	ssyncadd.s32 $0xFFFFFF90;
	s30 =	sadd.s32 $0x150, s30  }
0x4b: {  	[spmem:s2] =	stream.indirect.scatter.add.f32 [tilespmem:s18], [sflag:$0x1], $0x80, s3, s23, $0xb8;
	[tilespmem:$0x1E600] =	vst v63  }
0x4c: {  	s31 =	smov.u32 s29;
	s29 =	sadd.s32 $0x2A, s29  }
0x4d: {  	[spmem:s2] =	stream.indirect.scatter.add.f32 [tilespmem:s19], [sflag:$0x2], $0x80, s21, s23, $0xb8;
	[tilespmem:$0x1E600] =	vst v63  }
0x4e: {  	_ = 	snop  }
0x4f: {  	[spmem:s2] =	stream.indirect.scatter.add.f32 [tilespmem:s20], [sflag:$0x3], $0x80, s22, s23, $0xb8;
	[tilespmem:$0x1E600] =	vst v63  }
0x50: {  	_ =	swait.ge [sflag:s24], $0x3800  }
0x51: {  	s0 =	sshrl.u32 s30, $0x3;
	[sflag:s24] =	ssyncset.done $0x0  }
0x52: {  	s0 =	sadd.s32 s5, s0;
	[sflag:s24] =	ssyncadd.s32 $0xFFFFC800  }
0x53: {  	[tilespmem:s3], [sflag:$0x4] =	stream.linear.gather [hbm4b:s0+s3], $0x70, $0x38;
	[tilespmem:$0x1E600] =	vst v63  }
0x54: {  	_ =	swait.ge [sflag:s17], $0x70  }
0x55: {  	[sflag:s17] =	ssyncset.done $0x0  }
0x56: {  	[sflag:s17] =	ssyncadd.s32 $0xFFFFFF90  }
0x57: {  	_ =	swait.ge [sflag:s25], $0x3800  }
0x58: {  	[sflag:s25] =	ssyncset.done $0x0  }
0x59: {  	s0 =	sadd.s32 s31, s14;
	[sflag:s25] =	ssyncadd.s32 $0xFFFFC800  }
0x5a: {  	[tilespmem:s21], [sflag:$0x4] =	stream.linear.gather [hbm4b:s0+s3], $0x70, $0x38;
	[tilespmem:$0x1E600] =	vst v63  }
0x5b: {  	_ =	swait.ge [sflag:s17], $0x70  }
0x5c: {  	[sflag:s17] =	ssyncset.done $0x0  }
0x5d: {  	[sflag:s17] =	ssyncadd.s32 $0xFFFFFF90  }
0x5e: {  	_ =	swait.ge [sflag:s26], $0x3800  }
.Ltmp0:
0x5f: {  	[sflag:s26] =	ssyncset.done $0x0;
	(pc) =	sbr.rel @p0 .LBB2_2-.Ltmp0, $4  }
0x60: {  	s0 =	sadd.s32 s31, s13;
	[sflag:s26] =	ssyncadd.s32 $0xFFFFC800  }
0x61: {  	[tilespmem:s22], [sflag:$0x4] =	stream.linear.gather [hbm4b:s0+s3], $0x70, $0x38;
	[tilespmem:$0x1E600] =	vst v63  }
0x62: {  	_ =	swait.ge [sflag:s17], $0x70  }
0x63: {  	[sflag:s17] =	ssyncset.done $0x0  }
0x64: {  	[sflag:s17] =	ssyncadd.s32 $0xFFFFFF90  }
0x65: {  	[spmem:s2] =	stream.indirect.scatter.add.f32 [tilespmem:s18], [sflag:$0x1], $0x80, s3, s23, $0xb8;
	[tilespmem:$0x1E600] =	vst v63  }
0x66: {  	_ = 	snop  }
0x67: {  	[spmem:s2] =	stream.indirect.scatter.add.f32 [tilespmem:s19], [sflag:$0x2], $0x80, s21, s23, $0xb8;
	[tilespmem:$0x1E600] =	vst v63  }
0x68: {  	_ = 	snop  }
0x69: {  	[spmem:s2] =	stream.indirect.scatter.add.f32 [tilespmem:s20], [sflag:$0x3], $0x80, s22, s23, $0xb8;
	[tilespmem:$0x1E600] =	vst v63  }
0x6a: {  	_ =	swait.ge [sflag:s24], $0x3800  }
0x6b: {  	[sflag:s24] =	ssyncset.done $0x0  }
0x6c: {  	[sflag:s24] =	ssyncadd.s32 $0xFFFFC800  }
0x6d: {  	_ =	swait.ge [sflag:s25], $0x3800  }
0x6e: {  	[sflag:s25] =	ssyncset.done $0x0  }
0x6f: {  	[sflag:s25] =	ssyncadd.s32 $0xFFFFC800  }
0x70: {  	_ =	swait.ge [sflag:s26], $0x3800  }
0x71: {  	s28 =	sadd.s32 $0x1, s28;
	[sflag:s26] =	ssyncset.done $0x0  }
0x72: {  	p0 =	sne.s32 s28, s12;
	[sflag:s26] =	ssyncadd.s32 $0xFFFFC800  }
.Ltmp1:
0x73: {  	[bflag:$0x0] =	sbarrier.arrive $0xFFFF;
	(pc) =	sbr.rel @p0 .LBB2_1-.Ltmp1, $4  }
0x74: {  	[hbm:s11], [sflag:s7] =	dma.local [spmem:s16], $0x2780  }
0x75: {  	_ =	swait.ge [sflag:s17], $0x2780  }
0x76: {  	[sflag:s17] =	ssyncset.done $0x0  }
0x77: {  	[sflag:s17] =	ssyncadd.s32 $0xFFFFD880  }
0x78: {  	_ =	sfence.sel $0x180000  }
0x79: {  	[bflag:$0x0] =	sbarrier.arrive $0xFFFF  }
0x7a: {  	_ =	strace $0x9000004A  }
0x7b: {  	[bflag:$0x2] =	sbarrier.arrive $0xFFFF  }
0x7c: {  	p0 =	sne.s32 s1, $0x0;
	s0 =	rddreg [dreg:$0x2]  }
0x7d: {  	s0 =	sadd.s32 @!p0 $0x100000, s0  }
0x7e: {  	[sflag:s0] =	ssyncadd.tile.s32 @!p0 $0x1;
	_ =	shalt  }
.Lfunc_end2:
_tile_overlayer_lowered:
.L_overlay_start_2:
0x7f: {  	(tag) =	ssettag $0x2  }
0x80: {  	s0 =	rddreg [dreg:$0x0];
	s2 =	stileid.u32  }
0x81: {  	s1 =	rddreg [dreg:$0x1];
	p0 =	sne.s32 s2, $0x0  }
0x82: {  	s3 =	rddreg [dreg:$0x2];
	[bflag:$0x3] =	sbarrier.arrive $0xFFFF;
	s2 =	simm.s32 @!p0 $0x1C04  }
0x83: {  	[timem:s3], [sflag:s2] =	dma.local @!p0 [hbm:s0], s1  }
0x84: {  	s0 =	simm.s32 @!p0 $0x4  }
0x85: {  	_ =	swait.ge @!p0 [sflag:s0], s1  }
0x86: {  	s1 =	ssub.s32 @!p0 $0x0, s1;
	[sflag:s0] =	ssyncset.done @!p0 $0x0  }
0x87: {  	[sflag:s0] =	ssyncadd.s32 @!p0 s1  }
0x88: {  	[bflag:$0x3] =	sbarrier.arrive $0xFFFF  }
0x89: {  	_ =	shalt  }

// kernel: kernel.17.cloned.1.call-start
scs
__scs_entry_jumppad:
0x0: {  	(pc) =	sbr.rel $0x88, $3  }
0x1: {  	(tag) =	ssettag $0x0;
	lr =	simm.s32 $0x1  }
0x2: {  	[smem:$0x3F8B] =	sst lr;
	_ =	strace $0xD0000000  }
0x3: {  	_ = 	snop  }
0x4: {  	_ = 	snop  }
0x5: {  	_ = 	snop  }
0x6: {  	_ = 	snop  }
0x7: {  	_ = 	snop  }
__scs_overlays_trampoline_lowered:
0x8: {  	[smem:$0x3F9A] =	sst s0  }
0x9: {  	[smem:$0x3F9B] =	sst s1  }
0xa: {  	[smem:$0x3F9C] =	sst s2  }
0xb: {  	[smem:$0x3F9D] =	sst s3  }
0xc: {  	[smem:$0x3F9E] =	sst s4  }
0xd: {  	[smem:$0x3F9F] =	sst s5  }
0xe: {  	[smem:$0x3FA0] =	sst s6  }
0xf: {  	[smem:$0x3FA1] =	sst s7  }
0x10: {  	[smem:$0x3FA2] =	sst s8  }
0x11: {  	[smem:$0x3FA3] =	sst s9;
	s0 =	simm.s32 @!p0 $0x0  }
0x12: {  	s1 =	sld [smem:$0x3F89];
	s0 =	simm.s32 @p0 $0x1  }
0x13: {  	[smem:$0x3FA4] =	sst s0;
	s0 =	simm.s32 @!p1 $0x0  }
0x14: {  	s2 =	sld [smem:$0x3F88];
	s0 =	simm.s32 @p1 $0x1  }
0x15: {  	[smem:$0x3FA5] =	sst s0;
	s0 =	simm.s32 @!p2 $0x0  }
0x16: {  	s3 =	sld [smem:$0x3FDB];
	s0 =	simm.s32 @p2 $0x1  }
0x17: {  	s4 =	simm.s32 $0x1BF5;
	[smem:$0x3FA7] =	sst s0  }
0x18: {  	s0 =	sld [smem:$0x3F8A];
	_ =	swait.ge [sflag:s4], $0x0  }
0x19: {  	s7 =	sld [smem:$0x3F8B]  }
0x1a: {  	s8 =	sadd.s32 $0xFFFFE003, lr  }
0x1b: {  	s9 =	sadd.s32 $0xFFFFFEF7, lr;
	s5 =	simm.s32 $0xFFFFFFFF;
	p2 =	slt.u32 s8, $0xFFFFF086  }
0x1c: {  	p1 =	slt.u32 s9, $0xF7A;
	s5 =	simm.s32 @!p2 $0x0  }
0x1d: {  	s5 =	simm.s32 @p1 $0x1;
	p0 =	seq.s32 s7, s2  }
0x1e: {  	s7 =	smul.u32 @!p0 $0xF7A, s2;
	p2 =	seq.s32 @!p0 s5, $0x0  }
0x1f: {  	s9 =	smul.u32 $0xF7A, s1;
	s8 =	simm.s32 @!p0 $0x1BF5;
	p2 =	por !p2, p0  }
0x20: {  	[sflag:s8] =	ssyncset.s32 @!p0 $0xFFFFF086;
	s6 =	sadd.s32 @!p0 s3, s7;
	s7 =	simm.s32 @!p0 $0x108  }
0x21: {  	s3 =	sadd.s32 s3, s9;
	s6 =	sadd.s32 @!p0 $0x88, s6;
	s7 =	simm.s32 @p2 $0x1082  }
0x22: {  	[simem:s7], [sflag:s8] =	dma.local @!p0 [hbm:s6], $0xF7A  }
0x23: {  	s9 =	sor.u32 $0xD0000000, s2;
	s6 =	simm.s32 $0x108;
	_ =	swait.ge @!p0 [sflag:s8], $0x0  }
0x24: {  	s3 =	sadd.s32 $0x88, s3;
	s6 =	simm.s32 @!p1 $0x1082;
	[sflag:s4] =	ssyncset.s32 $0xFFFFF086  }
0x25: {  	[simem:s6], [sflag:s4] =	dma.local [hbm:s3], $0xF7A  }
0x26: {  	[smem:$0x3F8B] =	sst s1;
	(tag) =	ssettag s2;
	_ =	strace s9  }
0x27: {  	s1 =	sld [smem:$0x3F9B]  }
0x28: {  	s2 =	sld [smem:$0x3F9C]  }
0x29: {  	s4 =	sld [smem:$0x3F9E]  }
0x2a: {  	p0 =	seq.s32 s5, $0x0;
	s5 =	sld [smem:$0x3F9F]  }
0x2b: {  	s6 =	sld [smem:$0x3FA0]  }
0x2c: {  	s7 =	sld [smem:$0x3FA1]  }
0x2d: {  	s3 =	simm.s32 $0x108;
	s8 =	sld [smem:$0x3FA2]  }
0x2e: {  	s3 =	simm.s32 @!p0 $0x1082;
	s9 =	sld [smem:$0x3FA3]  }
0x2f: {  	lr =	sadd.s32 s0, s3;
	s0 =	sld [smem:$0x3F9A]  }
0x30: {  	s3 =	sld [smem:$0x3F9D]  }
0x31: {  	[smem:$0x3FA6] =	sst s10  }
0x32: {  	s10 =	sld [smem:$0x3FA4];
	_ =	sdelay $0x3  }
0x33: {  	p0 =	seq.s32 s10, $0x1;
	s10 =	sld [smem:$0x3FA6];
	_ =	sdelay $0x3  }
0x34: {  	[smem:$0x3FA6] =	sst s10  }
0x35: {  	s10 =	sld [smem:$0x3FA5];
	_ =	sdelay $0x3  }
0x36: {  	p1 =	seq.s32 s10, $0x1;
	s10 =	sld [smem:$0x3FA6];
	_ =	sdelay $0x3  }
0x37: {  	[smem:$0x3FA6] =	sst s10  }
0x38: {  	s10 =	sld [smem:$0x3FA7]  }
0x39: {  	_ = 	snop;
	(pc) =	sbr.ind lr, $3  }
0x3a: {  	_ = 	snop  }
0x3b: {  	_ = 	snop  }
0x3c: {  	p2 =	seq.s32 s10, $0x1;
	s10 =	sld [smem:$0x3FA6]  }
0x3d: {  	_ =	shalt  }
0x3e: {  	_ =	shalt  }
0x3f: {  	_ =	shalt  }
0x40: {  	_ =	shalt  }
0x41: {  	_ =	shalt  }
0x42: {  	_ =	shalt  }
0x43: {  	_ =	shalt  }
0x44: {  	_ =	shalt  }
0x45: {  	_ =	shalt  }
0x46: {  	_ =	shalt  }
0x47: {  	_ =	shalt  }
0x48: {  	_ =	shalt  }
0x49: {  	_ =	shalt  }
0x4a: {  	_ =	shalt  }
0x4b: {  	_ =	shalt  }
0x4c: {  	_ =	shalt  }
0x4d: {  	_ =	shalt  }
0x4e: {  	_ =	shalt  }
0x4f: {  	_ =	shalt  }
0x50: {  	_ =	shalt  }
0x51: {  	_ =	shalt  }
0x52: {  	_ =	shalt  }
0x53: {  	_ =	shalt  }
0x54: {  	_ =	shalt  }
0x55: {  	_ =	shalt  }
0x56: {  	_ =	shalt  }
0x57: {  	_ =	shalt  }
0x58: {  	_ =	shalt  }
0x59: {  	_ =	shalt  }
0x5a: {  	_ =	shalt  }
0x5b: {  	_ =	shalt  }
0x5c: {  	_ =	shalt  }
0x5d: {  	_ =	shalt  }
0x5e: {  	_ =	shalt  }
0x5f: {  	_ =	shalt  }
0x60: {  	_ =	shalt  }
0x61: {  	_ =	shalt  }
0x62: {  	_ =	shalt  }
0x63: {  	_ =	shalt  }
0x64: {  	_ =	shalt  }
0x65: {  	_ =	shalt  }
0x66: {  	_ =	shalt  }
0x67: {  	_ =	shalt  }
0x68: {  	_ =	shalt  }
0x69: {  	_ =	shalt  }
0x6a: {  	_ =	shalt  }
0x6b: {  	_ =	shalt  }
0x6c: {  	_ =	shalt  }
0x6d: {  	_ =	shalt  }
0x6e: {  	_ =	shalt  }
0x6f: {  	_ =	shalt  }
0x70: {  	_ =	shalt  }
0x71: {  	_ =	shalt  }
0x72: {  	_ =	shalt  }
0x73: {  	_ =	shalt  }
0x74: {  	_ =	shalt  }
0x75: {  	_ =	shalt  }
0x76: {  	_ =	shalt  }
0x77: {  	_ =	shalt  }
0x78: {  	_ =	shalt  }
0x79: {  	_ =	shalt  }
0x7a: {  	_ =	shalt  }
0x7b: {  	_ =	shalt  }
0x7c: {  	_ =	shalt  }
0x7d: {  	_ =	shalt  }
0x7e: {  	_ =	shalt  }
0x7f: {  	_ =	shalt  }
0x80: {  	_ =	shalt  }
0x81: {  	_ =	shalt  }
0x82: {  	_ =	shalt  }
0x83: {  	_ =	shalt  }
0x84: {  	_ =	shalt  }
0x85: {  	_ =	shalt  }
0x86: {  	_ =	shalt  }
0x87: {  	_ =	shalt  }
.Lfunc_end0:
.L_simem_size_0:
called_computation.1_lowered:
.L_overlay_start_0:
0x88: {  	s2 =	sld [smem:$0x3FD9]  }
0x89: {  	s3 =	sld [smem:$0x3FFE];
	_ =	sdelay $0x1  }
0x8a: {  	s1 =	srdreg.scid  }
0x8b: {  	s0 =	sand.u32 $0x1, s1  }
0x8c: {  	s16 =	sshll.u32 s0, $0xA;
	s2 =	sadd.s32 s3, s2  }
0x8d: {  	s2 =	sadd.s32 s2, s16  }
0x8e: {  	[smem:$0x3FB2] =	sst s2  }
0x8f: {  	_ = 	snop  }
0x90: {  	(tm) =	ssettm $0x1  }
0x91: {  	s17 =	sld [smem:$0x3FFB];
	_ =	sdelay $0x3  }
0x92: {  	_ =	strace s17  }
0x93: {  	s2 =	sld [smem:$0x3FFC];
	_ =	sdelay $0x3  }
0x94: {  	_ =	strace s2  }
0x95: {  	s2 =	sld [smem:$0x3FFD];
	_ =	sdelay $0x3  }
0x96: {  	_ =	strace s2  }
0x97: {  	_ =	strace $0x8FFFFFFF  }
0x98: {  	s18 =	sld [smem:$0x3FDB];
	_ =	sdelay $0x1  }
0x99: {  	s19 =	simm.s32 $_scs_section_size  }
0x9a: {  	s4 =	simm.s32 $_size__tile_overlayer_lowered;
	s5 =	simm.s32 $_tile_overlayer_lowered  }
0x9b: {  	s22 =	simm.s32 $0x1BFF;
	s21 =	sshll.u32 s5, $0x1;
	s2 =	sadd.s32 s19, s18  }
0x9c: {  	s6 =	simm.s32 $0x0;
	s20 =	sshll.u32 s4, $0x1;
	s4 =	sadd.s32 s21, s2  }
0x9d: {  	[timem:s6], [sflag:s22] =	dma.local [hbm:s4], s20  }
0x9e: {  	_ =	swait.ge [sflag:s22], s20  }
0x9f: {  	s3 =	ssub.s32 $0x0, s20;
	[sflag:s22] =	ssyncset.done $0x0  }
0xa0: {  	[sflag:s22] =	ssyncadd.s32 s3;
	_ =	sdelay $0x1  }
0xa1: {  	s23 =	simm.s32 $0x1B8B  }
0xa2: {  	_ =	swait.ge [sflag:s23], $0x1  }
0xa3: {  	[sflag:s23] =	ssyncset.done $0x0  }
0xa4: {  	s25 =	simm.s32 $0x1B8E;
	s24 =	sld [smem:$0x3FFE];
	[sflag:s23] =	ssyncadd.s32 $0xFFFFFFFF  }
0xa5: {  	s26 =	simm.s32 $execute0_lowered;
	[smem:$0x3FD2] =	sst s25  }
0xa6: {  	s4 =	sshll.u32 s26, $0x1;
	_ =	strace $0x80000046;
	[dreg:$0x1] =	wrdreg $0xFFFFFFFF  }
0xa7: {  	s28 =	simm.s32 $_size_execute0_lowered;
	s2 =	sadd.s32 s2, s4;
	[dreg:$0x0] =	wrdreg $0x0  }
0xa8: {  	s4 =	sshll.u32 s28, $0x1;
	[dreg:$0x2] =	wrdreg s2  }
0xa9: {  	[dreg:$0x3] =	wrdreg s4  }
0xaa: {  	[dreg:$0x4] =	wrdreg $0xC0  }
0xab: {  	_ =	task [dreg:s6], $0x5FFFF  }
0xac: {  	[dreg:$0x1] =	wrdreg $0xFFFFFFFF  }
0xad: {  	[dreg:$0x0] =	wrdreg $0x60  }
0xae: {  	[dreg:$0x2] =	wrdreg s24  }
0xaf: {  	[dreg:$0x3] =	wrdreg $0xAC000  }
0xb0: {  	[dreg:$0x4] =	wrdreg $0xA  }
0xb1: {  	_ =	task.clear_ibuf [dreg:s6], $0x5FFFF;
	_ =	strace $0x90000046  }
0xb2: {  	s29 =	simm.s32 $0xA;
	_ =	strace $0x80000048  }
0xb3: {  	_ =	swait.ge [sflag:s29], $0x1  }
0xb4: {  	[sflag:s29] =	ssyncadd.s32 $0xFFFFFFFF  }
0xb5: {  	_ =	strace $0x90000048  }
0xb6: {  	_ =	sfence  }
0xb7: {  	s30 =	sld [smem:$0x0];
	_ =	sdelay $0x2  }
0xb8: {  	s31 =	sshll.u32 s1, $0xD;
	s1 =	sshrl.u32 s1, $0x2  }
0xb9: {  	s3 =	sand.u32 $0x4000, s31;
	s1 =	sadd.s32 s1, s30  }
0xba: {  	s0 =	sor.u32 s3, s0;
	s1 =	sshll.u32 s1, $0x11  }
0xbb: {  	s0 =	sor.u32 s1, s0  }
0xbc: {  	s0 =	sadd.s32 $0x8F2B, s0  }
0xbd: {  	[sflag:s0] =	ssyncadd.remote.s32 $0x1  }
0xbe: {  	_ =	sfence.sel $0xFFFF  }
0xbf: {  	[dreg:$0x0] =	wrdreg $0xFFFFFFFF;
	(pc) =	sbr.abs _section_cstart, $3  }
0xc0: {  	[dreg:$0x1] =	wrdreg $0xFFFFFFFF  }
0xc1: {  	_ =	task.clear_ibuf [dreg:s6], $0x2FFFF;
	_ =	strace $0x9FFFFFFF  }
0xc2: {  	(tm) =	ssettm $0x7FFFFFFF  }
0xc3: {  	_ =	shalt  }
tec
execute0_lowered:
.L_overlay_start_1:
0x0: {  	(tag) =	ssettag $0x1  }
0x1: {  	s0 =	rddreg [dreg:$0x0]  }
0x2: {  	s2 =	rddreg [dreg:$0x1];
	s1 =	srdreg.scid  }
0x3: {  	s13 =	stileid.u32;
	s3 =	simm.s32 $0x0;
	s28 =	simm.s32 $0x300  }
0x4: {  	s29 =	simm.s32 $0x100;
	s30 =	simm.s32 $0x7400;
	s7 =	smul.u32 $0x2780, s13  }
0x5: {  	s31 =	simm.s32 $0x1;
	s1 =	sand.u32 $0x1, s1;
	s12 =	smul.u32 $0x4F000, s13  }
0x6: {  	[smem:$0x7FF] =	sst s3;
	s6 =	sadd.s32 $0x67400, s0;
	s8 =	smul.u32 $0x27800, s1  }
0x7: {  	s25 =	sshll.u32 s13, $0x6;
	s4 =	sshll.u32 s1, $0x4;
	s10 =	smul.u32 $0x4EC00, s1  }
0x8: {  	_ =	strace $0x80000047;
	s11 =	ssub.s32 $0x2, s1;
	s24 =	smul.u32 $0x27600, s1  }
0x9: {  	s1 =	smul.u32 $0x76200, s1;
	s5 =	sor.u32 s13, s4;
	s4 =	sadd.s32 $0x5600, s0  }
0xa: {  	s22 =	sshrl.u32 s11, $0x1;
	s23 =	sshrl.u32 s12, $0x2;
	s13 =	smul.u32 $0x2760, s13  }
0xb: {  	s12 =	simm.s32 $0x6;
	s9 =	smul.u32 $0x2760, s5;
	s8 =	sadd.s32 s7, s8  }
0xc: {  	s5 =	sadd.s32 $0x53800, s0;
	s7 =	sadd.s32 s7, s0;
	s0 =	sadd.s32 s8, s0  }
0xd: {  	s8 =	ssub.s32 s11, s22;
	s11 =	sadd.s32 s23, s2;
	s7 =	sadd.s32 $0x71200, s7  }
0xe: {  	s1 =	sadd.s32 s13, s1;
	s10 =	sadd.s32 s10, s9;
	[dreg:$0x7] =	wrdreg s11  }
0xf: {  	[dreg:$0x8] =	wrdreg s7;
	s26 =	sshrl.u32 s9, $0x3;
	s9 =	sor.u32 $0x1C07, s25  }
0x10: {  	s7 =	sadd.s32 s13, s24;
	s20 =	sadd.s32 $0x230, s1;
	s23 =	sadd.s32 $0x1C0, s1  }
0x11: {  	s0 =	sadd.s32 $0x98A00, s0;
	s8 =	smax.u32 s8, $0x1;
	s13 =	simm.s32 $0x0  }
0x12: {  	s14 =	sadd.s32 s6, s26;
	s10 =	sshrl.u32 s10, $0x3;
	s18 =	sadd.s32 $0x230, s7  }
0x13: {  	s21 =	sshrl.u32 s20, $0x3;
	s22 =	sadd.s32 $0x1C0, s7;
	[dreg:$0xf] =	wrdreg s0  }
0x14: {  	s25 =	sshrl.u32 s23, $0x3;
	[dreg:$0x10] =	wrdreg s8;
	s20 =	simm.s32 $0x7  }
0x15: {  	s23 =	simm.s32 $0x400;
	s0 =	simm.s32 $0x2;
	s8 =	simm.s32 $0x5  }
0x16: {  	s15 =	sadd.s32 s5, s10;
	s16 =	sadd.s32 $0xE, s14;
	[dreg:$0x9] =	wrdreg s14  }
0x17: {  	s11 =	sadd.s32 $0x1C, s14;
	s10 =	sshrl.u32 s18, $0x3;
	[dreg:$0xb] =	wrdreg s16  }
0x18: {  	s26 =	sadd.s32 s25, s5;
	s18 =	sadd.s32 $0x150, s7;
	[dreg:$0xd] =	wrdreg s11  }
0x19: {  	s25 =	simm.s32 $0x80;
	s7 =	simm.s32 $0x4;
	[dreg:$0xa] =	wrdreg s15  }
0x1a: {  	s17 =	sadd.s32 $0xE, s15;
	s19 =	sadd.s32 $0x1C, s15;
	[dreg:$0x6] =	wrdreg s26  }
0x1b: {  	s10 =	sadd.s32 s10, s6;
	s11 =	sshrl.u32 s22, $0x3;
	[dreg:$0xc] =	wrdreg s17  }
0x1c: {  	s22 =	simm.s32 $0x70;
	s26 =	simm.s32 $0x3C00;
	[dreg:$0xe] =	wrdreg s19  }
0x1d: {  	[dreg:$0x3] =	wrdreg s10;
	s10 =	sadd.s32 s21, s5;
	s24 =	sadd.s32 s11, s6  }
0x1e: {  	s19 =	sadd.s32 $0x150, s1;
	s21 =	simm.s32 $0x200;
	[dreg:$0x4] =	wrdreg s10  }
0x1f: {  	s1 =	simm.s32 $0x3;
	[dreg:$0x5] =	wrdreg s24;
	s24 =	simm.s32 $0x280  }
.LBB2_1:
0x20: {  	s10 =	rddreg [dreg:$0x7]  }
0x21: {  	s17 =	rddreg [dreg:$0x8];
	s14 =	sshrl.u32 s10, $0x3  }
0x22: {  	[spmem:s14], [sflag:s9] =	dma.local [hbm:s17], $0x2780  }
0x23: {  	_ =	swait.ge [sflag:s20], $0x2780  }
0x24: {  	[sflag:s20] =	ssyncset.done $0x0  }
0x25: {  	[sflag:s20] =	ssyncadd.s32 $0xFFFFD880  }
0x26: {  	[bflag:$0x0] =	sbarrier.arrive $0xFFFF  }
0x27: {  	s11 =	rddreg [dreg:$0x9]  }
0x28: {  	[tilespmem:s21], [sflag:$0x7] =	stream.linear.gather [hbm4b:s11+s3], $0x70, $0x38;
	[tilespmem:$0x1E800] =	vst v63  }
0x29: {  	_ =	swait.ge [sflag:s20], $0x70  }
0x2a: {  	[sflag:s20] =	ssyncset.done $0x0  }
0x2b: {  	s15 =	rddreg [dreg:$0xa];
	[sflag:s20] =	ssyncadd.s32 $0xFFFFFF90  }
0x2c: {  	[tilespmem:s3], [sflag:$0x7] =	stream.linear.gather [hbm4b:s15+s3], $0x70, $0x38;
	[tilespmem:$0x1E800] =	vst v63  }
0x2d: {  	_ =	swait.ge [sflag:s20], $0x70  }
0x2e: {  	[sflag:s20] =	ssyncset.done $0x0  }
0x2f: {  	[sflag:s20] =	ssyncadd.s32 $0xFFFFFF90  }
0x30: {  	[tilespmem:s23], [sflag:$0x1] =	stream.indirect.gather [hbm4b:s4+s22], $0x80, s3, s22, $0xb8;
	[tilespmem:$0x1E800] =	vst v63  }
0x31: {  	s16 =	rddreg [dreg:$0xb]  }
0x32: {  	[tilespmem:s24], [sflag:$0x7] =	stream.linear.gather [hbm4b:s16+s3], $0x70, $0x38;
	[tilespmem:$0x1E800] =	vst v63  }
0x33: {  	_ =	swait.ge [sflag:s20], $0x70  }
0x34: {  	[sflag:s20] =	ssyncset.done $0x0  }
0x35: {  	s17 =	rddreg [dreg:$0xc];
	[sflag:s20] =	ssyncadd.s32 $0xFFFFFF90  }
0x36: {  	[tilespmem:s25], [sflag:$0x7] =	stream.linear.gather [hbm4b:s17+s3], $0x70, $0x38;
	[tilespmem:$0x1E800] =	vst v63  }
0x37: {  	_ =	swait.ge [sflag:s20], $0x70  }
0x38: {  	[sflag:s20] =	ssyncset.done $0x0  }
0x39: {  	[sflag:s20] =	ssyncadd.s32 $0xFFFFFF90  }
0x3a: {  	[tilespmem:s26], [sflag:$0x2] =	stream.indirect.gather [hbm4b:s4+s22], $0x80, s25, s22, $0xb8;
	[tilespmem:$0x1E800] =	vst v63  }
0x3b: {  	s11 =	rddreg [dreg:$0xd]  }
0x3c: {  	[tilespmem:s28], [sflag:$0x7] =	stream.linear.gather [hbm4b:s11+s3], $0x70, $0x38;
	[tilespmem:$0x1E800] =	vst v63  }
0x3d: {  	_ =	swait.ge [sflag:s20], $0x70  }
0x3e: {  	[sflag:s20] =	ssyncset.done $0x0  }
0x3f: {  	s15 =	rddreg [dreg:$0xe];
	[sflag:s20] =	ssyncadd.s32 $0xFFFFFF90  }
0x40: {  	[tilespmem:s29], [sflag:$0x7] =	stream.linear.gather [hbm4b:s15+s3], $0x70, $0x38;
	[tilespmem:$0x1E800] =	vst v63  }
0x41: {  	_ =	swait.ge [sflag:s20], $0x70  }
0x42: {  	[sflag:s20] =	ssyncset.done $0x0  }
0x43: {  	[sflag:s20] =	ssyncadd.s32 $0xFFFFFF90  }
0x44: {  	[tilespmem:s30], [sflag:$0x3] =	stream.indirect.gather [hbm4b:s4+s22], $0x80, s29, s22, $0xb8;
	[tilespmem:$0x1E800] =	vst v63  }
0x45: {  	_ =	swait.ge [sflag:s31], $0x3800  }
0x46: {  	[sflag:s31] =	ssyncset.done $0x0  }
0x47: {  	[sflag:s31] =	ssyncadd.s32 $0xFFFFC800  }
0x48: {  	[spmem:s2] =	stream.indirect.scatter.add.f32 [tilespmem:s23], [sflag:$0x4], $0x80, s21, s22, $0xb8;
	[tilespmem:$0x1E800] =	vst v63  }
0x49: {  	_ =	swait.ge [sflag:s0], $0x3800  }
0x4a: {  	[sflag:s0] =	ssyncset.done $0x0  }
0x4b: {  	[sflag:s0] =	ssyncadd.s32 $0xFFFFC800  }
0x4c: {  	[spmem:s2] =	stream.indirect.scatter.add.f32 [tilespmem:s26], [sflag:$0x5], $0x80, s24, s22, $0xb8;
	[tilespmem:$0x1E800] =	vst v63  }
0x4d: {  	_ =	swait.ge [sflag:s1], $0x3800  }
0x4e: {  	[sflag:s1] =	ssyncset.done $0x0  }
0x4f: {  	[sflag:s1] =	ssyncadd.s32 $0xFFFFC800  }
0x50: {  	[spmem:s2] =	stream.indirect.scatter.add.f32 [tilespmem:s30], [sflag:$0x6], $0x80, s28, s22, $0xb8;
	[tilespmem:$0x1E800] =	vst v63  }
0x51: {  	_ =	swait.ge [sflag:s7], $0x3800  }
0x52: {  	s16 =	sshrl.u32 s18, $0x3;
	[sflag:s7] =	ssyncset.done $0x0  }
0x53: {  	s10 =	sadd.s32 s6, s16;
	[sflag:s7] =	ssyncadd.s32 $0xFFFFC800  }
0x54: {  	[tilespmem:s21], [sflag:$0x7] =	stream.linear.gather [hbm4b:s10+s3], $0x70, $0x38;
	[tilespmem:$0x1E800] =	vst v63  }
0x55: {  	_ =	swait.ge [sflag:s20], $0x70  }
0x56: {  	s17 =	sshrl.u32 s19, $0x3;
	[sflag:s20] =	ssyncset.done $0x0  }
0x57: {  	s10 =	sadd.s32 s5, s17;
	[sflag:s20] =	ssyncadd.s32 $0xFFFFFF90  }
0x58: {  	[tilespmem:s3], [sflag:$0x7] =	stream.linear.gather [hbm4b:s10+s3], $0x70, $0x38;
	[tilespmem:$0x1E800] =	vst v63  }
0x59: {  	_ =	swait.ge [sflag:s20], $0x70  }
0x5a: {  	[sflag:s20] =	ssyncset.done $0x0  }
0x5b: {  	[sflag:s20] =	ssyncadd.s32 $0xFFFFFF90  }
0x5c: {  	[tilespmem:s23], [sflag:$0x1] =	stream.indirect.gather [hbm4b:s4+s22], $0x80, s3, s22, $0xb8;
	[tilespmem:$0x1E800] =	vst v63  }
0x5d: {  	_ =	swait.ge [sflag:s8], $0x3800  }
0x5e: {  	s11 =	rddreg [dreg:$0x5];
	[sflag:s8] =	ssyncset.done $0x0  }
0x5f: {  	[sflag:s8] =	ssyncadd.s32 $0xFFFFC800;
	s10 =	sadd.s32 $0x0, s11  }
0x60: {  	[tilespmem:s24], [sflag:$0x7] =	stream.linear.gather [hbm4b:s10+s3], $0x70, $0x38;
	[tilespmem:$0x1E800] =	vst v63  }
0x61: {  	_ =	swait.ge [sflag:s20], $0x70  }
0x62: {  	s15 =	rddreg [dreg:$0x6];
	[sflag:s20] =	ssyncset.done $0x0  }
0x63: {  	[sflag:s20] =	ssyncadd.s32 $0xFFFFFF90;
	s10 =	sadd.s32 $0x0, s15  }
0x64: {  	[tilespmem:s25], [sflag:$0x7] =	stream.linear.gather [hbm4b:s10+s3], $0x70, $0x38;
	[tilespmem:$0x1E800] =	vst v63  }
0x65: {  	_ =	swait.ge [sflag:s20], $0x70  }
0x66: {  	[sflag:s20] =	ssyncset.done $0x0  }
0x67: {  	[sflag:s20] =	ssyncadd.s32 $0xFFFFFF90  }
0x68: {  	[tilespmem:s26], [sflag:$0x2] =	stream.indirect.gather [hbm4b:s4+s22], $0x80, s25, s22, $0xb8;
	[tilespmem:$0x1E800] =	vst v63  }
0x69: {  	_ =	swait.ge [sflag:s12], $0x3800  }
0x6a: {  	s16 =	rddreg [dreg:$0x3];
	[sflag:s12] =	ssyncset.done $0x0  }
0x6b: {  	[sflag:s12] =	ssyncadd.s32 $0xFFFFC800;
	s10 =	sadd.s32 $0x0, s16  }
0x6c: {  	[tilespmem:s28], [sflag:$0x7] =	stream.linear.gather [hbm4b:s10+s3], $0x70, $0x38;
	[tilespmem:$0x1E800] =	vst v63  }
0x6d: {  	_ =	swait.ge [sflag:s20], $0x70  }
0x6e: {  	s17 =	rddreg [dreg:$0x4];
	[sflag:s20] =	ssyncset.done $0x0  }
0x6f: {  	[sflag:s20] =	ssyncadd.s32 $0xFFFFFF90;
	s10 =	sadd.s32 $0x0, s17  }
0x70: {  	[tilespmem:s29], [sflag:$0x7] =	stream.linear.gather [hbm4b:s10+s3], $0x70, $0x38;
	[tilespmem:$0x1E800] =	vst v63  }
0x71: {  	_ =	swait.ge [sflag:s20], $0x70  }
0x72: {  	s11 =	sadd.s32 $0x150, s19;
	[sflag:s20] =	ssyncset.done $0x0  }
0x73: {  	s15 =	simm.s32 $0x2A;
	s10 =	sadd.s32 $0x150, s18;
	[sflag:s20] =	ssyncadd.s32 $0xFFFFFF90  }
.LBB2_2:
0x74: {  	[tilespmem:s30], [sflag:$0x3] =	stream.indirect.gather [hbm4b:s4+s22], $0x80, s29, s22, $0xb8;
	[tilespmem:$0x1E800] =	vst v63  }
0x75: {  	_ =	swait.ge [sflag:s31], $0x3800  }
0x76: {  	[sflag:s31] =	ssyncset.done $0x0  }
0x77: {  	[sflag:s31] =	ssyncadd.s32 $0xFFFFC800  }
0x78: {  	[spmem:s2] =	stream.indirect.scatter.add.f32 [tilespmem:s23], [sflag:$0x4], $0x80, s21, s22, $0xb8;
	[tilespmem:$0x1E800] =	vst v63  }
0x79: {  	_ =	swait.ge [sflag:s0], $0x3800  }
0x7a: {  	[sflag:s0] =	ssyncset.done $0x0  }
0x7b: {  	[sflag:s0] =	ssyncadd.s32 $0xFFFFC800  }
0x7c: {  	[spmem:s2] =	stream.indirect.scatter.add.f32 [tilespmem:s26], [sflag:$0x5], $0x80, s24, s22, $0xb8;
	[tilespmem:$0x1E800] =	vst v63  }
0x7d: {  	_ =	swait.ge [sflag:s1], $0x3800  }
0x7e: {  	[sflag:s1] =	ssyncset.done $0x0  }
0x7f: {  	[sflag:s1] =	ssyncadd.s32 $0xFFFFC800  }
0x80: {  	[spmem:s2] =	stream.indirect.scatter.add.f32 [tilespmem:s30], [sflag:$0x6], $0x80, s28, s22, $0xb8;
	[tilespmem:$0x1E800] =	vst v63  }
0x81: {  	_ =	swait.ge [sflag:s7], $0x3800  }
0x82: {  	s17 =	sshrl.u32 s10, $0x3;
	[sflag:s7] =	ssyncset.done $0x0  }
0x83: {  	s17 =	sadd.s32 s6, s17;
	[sflag:s7] =	ssyncadd.s32 $0xFFFFC800  }
0x84: {  	[tilespmem:s21], [sflag:$0x7] =	stream.linear.gather [hbm4b:s17+s3], $0x70, $0x38;
	[tilespmem:$0x1E800] =	vst v63  }
0x85: {  	_ =	swait.ge [sflag:s20], $0x70  }
0x86: {  	s17 =	sshrl.u32 s11, $0x3;
	[sflag:s20] =	ssyncset.done $0x0  }
0x87: {  	s17 =	sadd.s32 s5, s17;
	[sflag:s20] =	ssyncadd.s32 $0xFFFFFF90  }
0x88: {  	[tilespmem:s3], [sflag:$0x7] =	stream.linear.gather [hbm4b:s17+s3], $0x70, $0x38;
	[tilespmem:$0x1E800] =	vst v63  }
0x89: {  	_ =	swait.ge [sflag:s20], $0x70  }
0x8a: {  	[sflag:s20] =	ssyncset.done $0x0  }
0x8b: {  	[sflag:s20] =	ssyncadd.s32 $0xFFFFFF90  }
0x8c: {  	[tilespmem:s23], [sflag:$0x1] =	stream.indirect.gather [hbm4b:s4+s22], $0x80, s3, s22, $0xb8;
	[tilespmem:$0x1E800] =	vst v63  }
0x8d: {  	_ =	swait.ge [sflag:s8], $0x3800  }
0x8e: {  	s16 =	smov.u32 s15;
	s17 =	rddreg [dreg:$0x5];
	[sflag:s8] =	ssyncset.done $0x0  }
0x8f: {  	[sflag:s8] =	ssyncadd.s32 $0xFFFFC800;
	s17 =	sadd.s32 s16, s17  }
0x90: {  	[tilespmem:s24], [sflag:$0x7] =	stream.linear.gather [hbm4b:s17+s3], $0x70, $0x38;
	[tilespmem:$0x1E800] =	vst v63  }
0x91: {  	_ =	swait.ge [sflag:s20], $0x70  }
0x92: {  	s17 =	rddreg [dreg:$0x6];
	[sflag:s20] =	ssyncset.done $0x0  }
0x93: {  	[sflag:s20] =	ssyncadd.s32 $0xFFFFFF90;
	s17 =	sadd.s32 s16, s17  }
0x94: {  	[tilespmem:s25], [sflag:$0x7] =	stream.linear.gather [hbm4b:s17+s3], $0x70, $0x38;
	[tilespmem:$0x1E800] =	vst v63  }
0x95: {  	_ =	swait.ge [sflag:s20], $0x70  }
0x96: {  	[sflag:s20] =	ssyncset.done $0x0  }
0x97: {  	[sflag:s20] =	ssyncadd.s32 $0xFFFFFF90  }
0x98: {  	[tilespmem:s26], [sflag:$0x2] =	stream.indirect.gather [hbm4b:s4+s22], $0x80, s25, s22, $0xb8;
	[tilespmem:$0x1E800] =	vst v63  }
0x99: {  	_ =	swait.ge [sflag:s12], $0x3800  }
0x9a: {  	s17 =	rddreg [dreg:$0x3];
	[sflag:s12] =	ssyncset.done $0x0  }
0x9b: {  	[sflag:s12] =	ssyncadd.s32 $0xFFFFC800;
	s17 =	sadd.s32 s16, s17  }
0x9c: {  	[tilespmem:s28], [sflag:$0x7] =	stream.linear.gather [hbm4b:s17+s3], $0x70, $0x38;
	[tilespmem:$0x1E800] =	vst v63  }
0x9d: {  	_ =	swait.ge [sflag:s20], $0x70  }
0x9e: {  	p0 =	sne.s32 s15, $0x498;
	s17 =	rddreg [dreg:$0x4];
	[sflag:s20] =	ssyncset.done $0x0  }
.Ltmp0:
0x9f: {  	[sflag:s20] =	ssyncadd.s32 $0xFFFFFF90;
	s16 =	sadd.s32 s16, s17;
	(pc) =	sbr.rel @p0 .LBB2_2-.Ltmp0, $4  }
0xa0: {  	[tilespmem:s29], [sflag:$0x7] =	stream.linear.gather [hbm4b:s16+s3], $0x70, $0x38;
	[tilespmem:$0x1E800] =	vst v63  }
0xa1: {  	_ =	swait.ge [sflag:s20], $0x70  }
0xa2: {  	s15 =	sadd.s32 $0x2A, s15;
	[sflag:s20] =	ssyncset.done $0x0  }
0xa3: {  	s10 =	sadd.s32 $0x150, s10;
	s11 =	sadd.s32 $0x150, s11;
	[sflag:s20] =	ssyncadd.s32 $0xFFFFFF90  }
0xa4: {  	[tilespmem:s30], [sflag:$0x3] =	stream.indirect.gather [hbm4b:s4+s22], $0x80, s29, s22, $0xb8;
	[tilespmem:$0x1E800] =	vst v63  }
0xa5: {  	_ =	swait.ge [sflag:s31], $0x3800  }
0xa6: {  	[sflag:s31] =	ssyncset.done $0x0  }
0xa7: {  	[sflag:s31] =	ssyncadd.s32 $0xFFFFC800  }
0xa8: {  	[spmem:s2] =	stream.indirect.scatter.add.f32 [tilespmem:s23], [sflag:$0x4], $0x80, s21, s22, $0xb8;
	[tilespmem:$0x1E800] =	vst v63  }
0xa9: {  	_ =	swait.ge [sflag:s0], $0x3800  }
0xaa: {  	[sflag:s0] =	ssyncset.done $0x0  }
0xab: {  	[sflag:s0] =	ssyncadd.s32 $0xFFFFC800  }
0xac: {  	[spmem:s2] =	stream.indirect.scatter.add.f32 [tilespmem:s26], [sflag:$0x5], $0x80, s24, s22, $0xb8;
	[tilespmem:$0x1E800] =	vst v63  }
0xad: {  	_ =	swait.ge [sflag:s1], $0x3800  }
0xae: {  	[sflag:s1] =	ssyncset.done $0x0  }
0xaf: {  	[sflag:s1] =	ssyncadd.s32 $0xFFFFC800  }
0xb0: {  	[spmem:s2] =	stream.indirect.scatter.add.f32 [tilespmem:s30], [sflag:$0x6], $0x80, s28, s22, $0xb8;
	[tilespmem:$0x1E800] =	vst v63  }
0xb1: {  	_ =	swait.ge [sflag:s7], $0x3800  }
0xb2: {  	[sflag:s7] =	ssyncset.done $0x0  }
0xb3: {  	[sflag:s7] =	ssyncadd.s32 $0xFFFFC800  }
0xb4: {  	_ =	swait.ge [sflag:s8], $0x3800  }
0xb5: {  	[sflag:s8] =	ssyncset.done $0x0  }
0xb6: {  	[sflag:s8] =	ssyncadd.s32 $0xFFFFC800  }
0xb7: {  	_ =	swait.ge [sflag:s12], $0x3800  }
0xb8: {  	[sflag:s12] =	ssyncset.done $0x0  }
0xb9: {  	[sflag:s12] =	ssyncadd.s32 $0xFFFFC800  }
0xba: {  	[bflag:$0x0] =	sbarrier.arrive $0xFFFF  }
0xbb: {  	s10 =	rddreg [dreg:$0xf]  }
0xbc: {  	[hbm:s10], [sflag:s9] =	dma.local [spmem:s14], $0x2780  }
0xbd: {  	_ =	swait.ge [sflag:s20], $0x2780  }
0xbe: {  	s13 =	sadd.s32 $0x1, s13;
	s17 =	rddreg [dreg:$0x10]  }
0xbf: {  	p0 =	sne.s32 s13, s17  }
.Ltmp1:
0xc0: {  	_ = 	snop;
	(pc) =	sbr.rel @p0 .LBB2_1-.Ltmp1, $3  }
0xc1: {  	_ =	sdelay $0x1  }
0xc2: {  	[sflag:s20] =	ssyncset.done $0x0  }
0xc3: {  	[sflag:s20] =	ssyncadd.s32 $0xFFFFD880  }
0xc4: {  	_ =	sfence.sel $0x180000  }
0xc5: {  	[bflag:$0x0] =	sbarrier.arrive $0xFFFF  }
0xc6: {  	_ =	strace $0x90000047  }
0xc7: {  	s0 =	stileid.u32;
	[bflag:$0x2] =	sbarrier.arrive $0xFFFF  }
0xc8: {  	p0 =	sne.s32 s0, $0x0;
	s0 =	rddreg [dreg:$0x2]  }
0xc9: {  	s0 =	sadd.s32 @!p0 $0x100000, s0  }
0xca: {  	[sflag:s0] =	ssyncadd.tile.s32 @!p0 $0x1;
	_ =	shalt  }
.Lfunc_end2:
_tile_overlayer_lowered:
.L_overlay_start_2:
0xcb: {  	(tag) =	ssettag $0x2  }
0xcc: {  	s0 =	rddreg [dreg:$0x0];
	s2 =	stileid.u32  }
0xcd: {  	s1 =	rddreg [dreg:$0x1];
	p0 =	sne.s32 s2, $0x0  }
0xce: {  	s3 =	rddreg [dreg:$0x2];
	[bflag:$0x3] =	sbarrier.arrive $0xFFFF;
	s2 =	simm.s32 @!p0 $0x1C07  }
0xcf: {  	[timem:s3], [sflag:s2] =	dma.local @!p0 [hbm:s0], s1  }
0xd0: {  	s0 =	simm.s32 @!p0 $0x7  }
0xd1: {  	_ =	swait.ge @!p0 [sflag:s0], s1  }
0xd2: {  	s1 =	ssub.s32 @!p0 $0x0, s1;
	[sflag:s0] =	ssyncset.done @!p0 $0x0  }
0xd3: {  	[sflag:s0] =	ssyncadd.s32 @!p0 s1  }
0xd4: {  	[bflag:$0x3] =	sbarrier.arrive $0xFFFF  }
0xd5: {  	_ =	shalt  }

// kernel: kernel.20.cloned.1.call-start
scs
__scs_entry_jumppad:
0x0: {  	(pc) =	sbr.rel $0x88, $3  }
0x1: {  	(tag) =	ssettag $0x0;
	lr =	simm.s32 $0x1  }
0x2: {  	[smem:$0x3F8B] =	sst lr;
	_ =	strace $0xD0000000  }
0x3: {  	_ = 	snop  }
0x4: {  	_ = 	snop  }
0x5: {  	_ = 	snop  }
0x6: {  	_ = 	snop  }
0x7: {  	_ = 	snop  }
__scs_overlays_trampoline_lowered:
0x8: {  	[smem:$0x3F9A] =	sst s0  }
0x9: {  	[smem:$0x3F9B] =	sst s1  }
0xa: {  	[smem:$0x3F9C] =	sst s2  }
0xb: {  	[smem:$0x3F9D] =	sst s3  }
0xc: {  	[smem:$0x3F9E] =	sst s4  }
0xd: {  	[smem:$0x3F9F] =	sst s5  }
0xe: {  	[smem:$0x3FA0] =	sst s6  }
0xf: {  	[smem:$0x3FA1] =	sst s7  }
0x10: {  	[smem:$0x3FA2] =	sst s8  }
0x11: {  	[smem:$0x3FA3] =	sst s9;
	s0 =	simm.s32 @!p0 $0x0  }
0x12: {  	s1 =	sld [smem:$0x3F89];
	s0 =	simm.s32 @p0 $0x1  }
0x13: {  	[smem:$0x3FA4] =	sst s0;
	s0 =	simm.s32 @!p1 $0x0  }
0x14: {  	s2 =	sld [smem:$0x3F88];
	s0 =	simm.s32 @p1 $0x1  }
0x15: {  	[smem:$0x3FA5] =	sst s0;
	s0 =	simm.s32 @!p2 $0x0  }
0x16: {  	s3 =	sld [smem:$0x3FDB];
	s0 =	simm.s32 @p2 $0x1  }
0x17: {  	s4 =	simm.s32 $0x1BF5;
	[smem:$0x3FA7] =	sst s0  }
0x18: {  	s0 =	sld [smem:$0x3F8A];
	_ =	swait.ge [sflag:s4], $0x0  }
0x19: {  	s7 =	sld [smem:$0x3F8B]  }
0x1a: {  	s8 =	sadd.s32 $0xFFFFE003, lr  }
0x1b: {  	s9 =	sadd.s32 $0xFFFFFEF7, lr;
	s5 =	simm.s32 $0xFFFFFFFF;
	p2 =	slt.u32 s8, $0xFFFFF086  }
0x1c: {  	p1 =	slt.u32 s9, $0xF7A;
	s5 =	simm.s32 @!p2 $0x0  }
0x1d: {  	s5 =	simm.s32 @p1 $0x1;
	p0 =	seq.s32 s7, s2  }
0x1e: {  	s7 =	smul.u32 @!p0 $0xF7A, s2;
	p2 =	seq.s32 @!p0 s5, $0x0  }
0x1f: {  	s9 =	smul.u32 $0xF7A, s1;
	s8 =	simm.s32 @!p0 $0x1BF5;
	p2 =	por !p2, p0  }
0x20: {  	[sflag:s8] =	ssyncset.s32 @!p0 $0xFFFFF086;
	s6 =	sadd.s32 @!p0 s3, s7;
	s7 =	simm.s32 @!p0 $0x108  }
0x21: {  	s3 =	sadd.s32 s3, s9;
	s6 =	sadd.s32 @!p0 $0x88, s6;
	s7 =	simm.s32 @p2 $0x1082  }
0x22: {  	[simem:s7], [sflag:s8] =	dma.local @!p0 [hbm:s6], $0xF7A  }
0x23: {  	s9 =	sor.u32 $0xD0000000, s2;
	s6 =	simm.s32 $0x108;
	_ =	swait.ge @!p0 [sflag:s8], $0x0  }
0x24: {  	s3 =	sadd.s32 $0x88, s3;
	s6 =	simm.s32 @!p1 $0x1082;
	[sflag:s4] =	ssyncset.s32 $0xFFFFF086  }
0x25: {  	[simem:s6], [sflag:s4] =	dma.local [hbm:s3], $0xF7A  }
0x26: {  	[smem:$0x3F8B] =	sst s1;
	(tag) =	ssettag s2;
	_ =	strace s9  }
0x27: {  	s1 =	sld [smem:$0x3F9B]  }
0x28: {  	s2 =	sld [smem:$0x3F9C]  }
0x29: {  	s4 =	sld [smem:$0x3F9E]  }
0x2a: {  	p0 =	seq.s32 s5, $0x0;
	s5 =	sld [smem:$0x3F9F]  }
0x2b: {  	s6 =	sld [smem:$0x3FA0]  }
0x2c: {  	s7 =	sld [smem:$0x3FA1]  }
0x2d: {  	s3 =	simm.s32 $0x108;
	s8 =	sld [smem:$0x3FA2]  }
0x2e: {  	s3 =	simm.s32 @!p0 $0x1082;
	s9 =	sld [smem:$0x3FA3]  }
0x2f: {  	lr =	sadd.s32 s0, s3;
	s0 =	sld [smem:$0x3F9A]  }
0x30: {  	s3 =	sld [smem:$0x3F9D]  }
0x31: {  	[smem:$0x3FA6] =	sst s10  }
0x32: {  	s10 =	sld [smem:$0x3FA4];
	_ =	sdelay $0x3  }
0x33: {  	p0 =	seq.s32 s10, $0x1;
	s10 =	sld [smem:$0x3FA6];
	_ =	sdelay $0x3  }
0x34: {  	[smem:$0x3FA6] =	sst s10  }
0x35: {  	s10 =	sld [smem:$0x3FA5];
	_ =	sdelay $0x3  }
0x36: {  	p1 =	seq.s32 s10, $0x1;
	s10 =	sld [smem:$0x3FA6];
	_ =	sdelay $0x3  }
0x37: {  	[smem:$0x3FA6] =	sst s10  }
0x38: {  	s10 =	sld [smem:$0x3FA7]  }
0x39: {  	_ = 	snop;
	(pc) =	sbr.ind lr, $3  }
0x3a: {  	_ = 	snop  }
0x3b: {  	_ = 	snop  }
0x3c: {  	p2 =	seq.s32 s10, $0x1;
	s10 =	sld [smem:$0x3FA6]  }
0x3d: {  	_ =	shalt  }
0x3e: {  	_ =	shalt  }
0x3f: {  	_ =	shalt  }
0x40: {  	_ =	shalt  }
0x41: {  	_ =	shalt  }
0x42: {  	_ =	shalt  }
0x43: {  	_ =	shalt  }
0x44: {  	_ =	shalt  }
0x45: {  	_ =	shalt  }
0x46: {  	_ =	shalt  }
0x47: {  	_ =	shalt  }
0x48: {  	_ =	shalt  }
0x49: {  	_ =	shalt  }
0x4a: {  	_ =	shalt  }
0x4b: {  	_ =	shalt  }
0x4c: {  	_ =	shalt  }
0x4d: {  	_ =	shalt  }
0x4e: {  	_ =	shalt  }
0x4f: {  	_ =	shalt  }
0x50: {  	_ =	shalt  }
0x51: {  	_ =	shalt  }
0x52: {  	_ =	shalt  }
0x53: {  	_ =	shalt  }
0x54: {  	_ =	shalt  }
0x55: {  	_ =	shalt  }
0x56: {  	_ =	shalt  }
0x57: {  	_ =	shalt  }
0x58: {  	_ =	shalt  }
0x59: {  	_ =	shalt  }
0x5a: {  	_ =	shalt  }
0x5b: {  	_ =	shalt  }
0x5c: {  	_ =	shalt  }
0x5d: {  	_ =	shalt  }
0x5e: {  	_ =	shalt  }
0x5f: {  	_ =	shalt  }
0x60: {  	_ =	shalt  }
0x61: {  	_ =	shalt  }
0x62: {  	_ =	shalt  }
0x63: {  	_ =	shalt  }
0x64: {  	_ =	shalt  }
0x65: {  	_ =	shalt  }
0x66: {  	_ =	shalt  }
0x67: {  	_ =	shalt  }
0x68: {  	_ =	shalt  }
0x69: {  	_ =	shalt  }
0x6a: {  	_ =	shalt  }
0x6b: {  	_ =	shalt  }
0x6c: {  	_ =	shalt  }
0x6d: {  	_ =	shalt  }
0x6e: {  	_ =	shalt  }
0x6f: {  	_ =	shalt  }
0x70: {  	_ =	shalt  }
0x71: {  	_ =	shalt  }
0x72: {  	_ =	shalt  }
0x73: {  	_ =	shalt  }
0x74: {  	_ =	shalt  }
0x75: {  	_ =	shalt  }
0x76: {  	_ =	shalt  }
0x77: {  	_ =	shalt  }
0x78: {  	_ =	shalt  }
0x79: {  	_ =	shalt  }
0x7a: {  	_ =	shalt  }
0x7b: {  	_ =	shalt  }
0x7c: {  	_ =	shalt  }
0x7d: {  	_ =	shalt  }
0x7e: {  	_ =	shalt  }
0x7f: {  	_ =	shalt  }
0x80: {  	_ =	shalt  }
0x81: {  	_ =	shalt  }
0x82: {  	_ =	shalt  }
0x83: {  	_ =	shalt  }
0x84: {  	_ =	shalt  }
0x85: {  	_ =	shalt  }
0x86: {  	_ =	shalt  }
0x87: {  	_ =	shalt  }
.Lfunc_end0:
.L_simem_size_0:
called_computation.2_lowered:
.L_overlay_start_0:
0x88: {  	s2 =	sld [smem:$0x3FD9]  }
0x89: {  	s3 =	sld [smem:$0x3FFE];
	_ =	sdelay $0x1  }
0x8a: {  	s1 =	srdreg.scid  }
0x8b: {  	s0 =	sand.u32 $0x1, s1  }
0x8c: {  	s16 =	sshll.u32 s0, $0xA;
	s2 =	sadd.s32 s3, s2  }
0x8d: {  	s2 =	sadd.s32 s2, s16  }
0x8e: {  	[smem:$0x3FB2] =	sst s2  }
0x8f: {  	_ = 	snop  }
0x90: {  	(tm) =	ssettm $0x1  }
0x91: {  	s17 =	sld [smem:$0x3FFB];
	_ =	sdelay $0x3  }
0x92: {  	_ =	strace s17  }
0x93: {  	s2 =	sld [smem:$0x3FFC];
	_ =	sdelay $0x3  }
0x94: {  	_ =	strace s2  }
0x95: {  	s2 =	sld [smem:$0x3FFD];
	_ =	sdelay $0x3  }
0x96: {  	_ =	strace s2  }
0x97: {  	_ =	strace $0x8FFFFFFF  }
0x98: {  	s18 =	sld [smem:$0x3FDB];
	_ =	sdelay $0x1  }
0x99: {  	s19 =	simm.s32 $_scs_section_size  }
0x9a: {  	s4 =	simm.s32 $_size__tile_overlayer_lowered;
	s5 =	simm.s32 $_tile_overlayer_lowered  }
0x9b: {  	s22 =	simm.s32 $0x1BFF;
	s21 =	sshll.u32 s5, $0x1;
	s2 =	sadd.s32 s19, s18  }
0x9c: {  	s6 =	simm.s32 $0x0;
	s20 =	sshll.u32 s4, $0x1;
	s4 =	sadd.s32 s21, s2  }
0x9d: {  	[timem:s6], [sflag:s22] =	dma.local [hbm:s4], s20  }
0x9e: {  	_ =	swait.ge [sflag:s22], s20  }
0x9f: {  	s3 =	ssub.s32 $0x0, s20;
	[sflag:s22] =	ssyncset.done $0x0  }
0xa0: {  	[sflag:s22] =	ssyncadd.s32 s3;
	_ =	sdelay $0x1  }
0xa1: {  	s23 =	simm.s32 $0x1B8B  }
0xa2: {  	_ =	swait.ge [sflag:s23], $0x1  }
0xa3: {  	[sflag:s23] =	ssyncset.done $0x0  }
0xa4: {  	s25 =	simm.s32 $0x1B8E;
	s24 =	sld [smem:$0x3FFE];
	[sflag:s23] =	ssyncadd.s32 $0xFFFFFFFF  }
0xa5: {  	s26 =	simm.s32 $execute0_lowered;
	[smem:$0x3FD2] =	sst s25  }
0xa6: {  	s4 =	sshll.u32 s26, $0x1;
	_ =	strace $0x8000004C;
	[dreg:$0x1] =	wrdreg $0xFFFFFFFF  }
0xa7: {  	s28 =	simm.s32 $_size_execute0_lowered;
	s2 =	sadd.s32 s2, s4;
	[dreg:$0x0] =	wrdreg $0x0  }
0xa8: {  	s4 =	sshll.u32 s28, $0x1;
	[dreg:$0x2] =	wrdreg s2  }
0xa9: {  	[dreg:$0x3] =	wrdreg s4  }
0xaa: {  	[dreg:$0x4] =	wrdreg $0xC0  }
0xab: {  	_ =	task [dreg:s6], $0x5FFFF  }
0xac: {  	[dreg:$0x1] =	wrdreg $0xFFFFFFFF  }
0xad: {  	[dreg:$0x0] =	wrdreg $0x60  }
0xae: {  	[dreg:$0x2] =	wrdreg s24  }
0xaf: {  	[dreg:$0x3] =	wrdreg $0xAC000  }
0xb0: {  	[dreg:$0x4] =	wrdreg $0x9  }
0xb1: {  	_ =	task.clear_ibuf [dreg:s6], $0x5FFFF;
	_ =	strace $0x9000004C  }
0xb2: {  	s29 =	simm.s32 $0x9;
	_ =	strace $0x8000004E  }
0xb3: {  	_ =	swait.ge [sflag:s29], $0x1  }
0xb4: {  	[sflag:s29] =	ssyncadd.s32 $0xFFFFFFFF  }
0xb5: {  	_ =	strace $0x9000004E  }
0xb6: {  	_ =	sfence  }
0xb7: {  	s30 =	sld [smem:$0x0];
	_ =	sdelay $0x2  }
0xb8: {  	s31 =	sshll.u32 s1, $0xD;
	s1 =	sshrl.u32 s1, $0x2  }
0xb9: {  	s3 =	sand.u32 $0x4000, s31;
	s1 =	sadd.s32 s1, s30  }
0xba: {  	s0 =	sor.u32 s3, s0;
	s1 =	sshll.u32 s1, $0x11  }
0xbb: {  	s0 =	sor.u32 s1, s0  }
0xbc: {  	s0 =	sadd.s32 $0x8F2B, s0  }
0xbd: {  	[sflag:s0] =	ssyncadd.remote.s32 $0x1  }
0xbe: {  	_ =	sfence.sel $0xFFFF  }
0xbf: {  	[dreg:$0x0] =	wrdreg $0xFFFFFFFF;
	(pc) =	sbr.abs _section_cstart, $3  }
0xc0: {  	[dreg:$0x1] =	wrdreg $0xFFFFFFFF  }
0xc1: {  	_ =	task.clear_ibuf [dreg:s6], $0x2FFFF;
	_ =	strace $0x9FFFFFFF  }
0xc2: {  	(tm) =	ssettm $0x7FFFFFFF  }
0xc3: {  	_ =	shalt  }
tec
execute0_lowered:
.L_overlay_start_1:
0x0: {  	(tag) =	ssettag $0x1  }
0x1: {  	s0 =	rddreg [dreg:$0x0]  }
0x2: {  	s2 =	rddreg [dreg:$0x1];
	s3 =	simm.s32 $0x0  }
0x3: {  	s13 =	stileid.u32;
	s1 =	srdreg.scid;
	s28 =	simm.s32 $0x7400  }
0x4: {  	s29 =	simm.s32 $0x1;
	s30 =	simm.s32 $0x2;
	s6 =	smul.u32 $0x2780, s13  }
0x5: {  	s31 =	simm.s32 $0x3;
	[smem:$0x7FF] =	sst s3;
	s8 =	smul.u32 $0x4EC0, s13  }
0x6: {  	s1 =	sand.u32 $0x1, s1;
	s4 =	sadd.s32 $0x10E000, s0;
	s12 =	smul.u32 $0x4F000, s13  }
0x7: {  	s5 =	sadd.s32 $0x53800, s0;
	s10 =	sadd.s32 $0x67400, s0;
	s7 =	smul.u32 $0x27800, s1  }
0x8: {  	s14 =	sshll.u32 s13, $0x6;
	s11 =	ssub.s32 $0x2, s1;
	s1 =	smul.u32 $0x4EC00, s1  }
0x9: {  	s18 =	smul.u32 $0x9D8, s13;
	_ =	strace $0x8000004D;
	s9 =	sadd.s32 s6, s0  }
0xa: {  	s26 =	sshrl.u32 s11, $0x1;
	s6 =	sadd.s32 s6, s7;
	s1 =	sadd.s32 s8, s1  }
0xb: {  	s8 =	sshrl.u32 s8, $0x3;
	s7 =	sor.u32 $0x1C07, s14;
	s0 =	sadd.s32 s6, s0  }
0xc: {  	s6 =	ssub.s32 s11, s26;
	s11 =	sshrl.u32 s12, $0x2;
	s12 =	sadd.s32 $0x71200, s9  }
0xd: {  	s15 =	sshrl.u32 s1, $0x3;
	s8 =	sadd.s32 s10, s8;
	s21 =	sadd.s32 $0x230, s1  }
0xe: {  	s10 =	sadd.s32 s18, s10;
	s23 =	sadd.s32 $0x1C0, s1;
	s18 =	simm.s32 $0x7  }
0xf: {  	s11 =	sadd.s32 s11, s2;
	[dreg:$0x6] =	wrdreg s12;
	s9 =	sadd.s32 s5, s15  }
0x10: {  	s16 =	sadd.s32 $0xE, s8;
	s19 =	sadd.s32 $0x1C, s8;
	s22 =	sshrl.u32 s21, $0x3  }
0x11: {  	[dreg:$0x3] =	wrdreg s10;
	s25 =	sshrl.u32 s23, $0x3;
	s0 =	sadd.s32 $0x15C200, s0  }
0x12: {  	s6 =	smax.u32 s6, $0x1;
	s21 =	simm.s32 $0x400;
	[dreg:$0x7] =	wrdreg s16  }
0x13: {  	s23 =	simm.s32 $0x80;
	s10 =	simm.s32 $0x0;
	[dreg:$0x9] =	wrdreg s19  }
0x14: {  	s17 =	sadd.s32 $0xE, s9;
	s20 =	sadd.s32 $0x1C, s9;
	[dreg:$0xb] =	wrdreg s0  }
0x15: {  	s24 =	sadd.s32 s22, s5;
	s26 =	sadd.s32 s25, s5;
	[dreg:$0xc] =	wrdreg s6  }
0x16: {  	s16 =	sadd.s32 $0x150, s1;
	s19 =	simm.s32 $0x200;
	[dreg:$0x8] =	wrdreg s17  }
0x17: {  	s22 =	simm.s32 $0x280;
	s25 =	simm.s32 $0x300;
	[dreg:$0xa] =	wrdreg s20  }
0x18: {  	s0 =	simm.s32 $0x4;
	s1 =	simm.s32 $0x5;
	[dreg:$0x4] =	wrdreg s24  }
0x19: {  	s6 =	simm.s32 $0x6;
	[dreg:$0x5] =	wrdreg s26;
	s17 =	sshrl.u32 s11, $0x3  }
0x1a: {  	s20 =	simm.s32 $0x70;
	s24 =	simm.s32 $0x3C00;
	s26 =	simm.s32 $0x100  }
.LBB2_1:
0x1b: {  	s11 =	rddreg [dreg:$0x6]  }
0x1c: {  	[spmem:s17], [sflag:s7] =	dma.local [hbm:s11], $0x2780  }
0x1d: {  	_ =	swait.ge [sflag:s18], $0x2780  }
0x1e: {  	[sflag:s18] =	ssyncset.done $0x0  }
0x1f: {  	[sflag:s18] =	ssyncadd.s32 $0xFFFFD880  }
0x20: {  	[bflag:$0x0] =	sbarrier.arrive $0xFFFF  }
0x21: {  	[tilespmem:s19], [sflag:$0x7] =	stream.linear.gather [hbm4b:s8+s3], $0x70, $0x38;
	[tilespmem:$0x1E800] =	vst v63  }
0x22: {  	_ =	swait.ge [sflag:s18], $0x70  }
0x23: {  	[sflag:s18] =	ssyncset.done $0x0  }
0x24: {  	[sflag:s18] =	ssyncadd.s32 $0xFFFFFF90  }
0x25: {  	[tilespmem:s3], [sflag:$0x7] =	stream.linear.gather [hbm4b:s9+s3], $0x70, $0x38;
	[tilespmem:$0x1E800] =	vst v63  }
0x26: {  	_ =	swait.ge [sflag:s18], $0x70  }
0x27: {  	[sflag:s18] =	ssyncset.done $0x0  }
0x28: {  	[sflag:s18] =	ssyncadd.s32 $0xFFFFFF90  }
0x29: {  	[tilespmem:s21], [sflag:$0x1] =	stream.indirect.gather [hbm4b:s4+s20], $0x80, s3, s20, $0xb8;
	[tilespmem:$0x1E800] =	vst v63  }
0x2a: {  	s14 =	rddreg [dreg:$0x7]  }
0x2b: {  	[tilespmem:s22], [sflag:$0x7] =	stream.linear.gather [hbm4b:s14+s3], $0x70, $0x38;
	[tilespmem:$0x1E800] =	vst v63  }
0x2c: {  	_ =	swait.ge [sflag:s18], $0x70  }
0x2d: {  	[sflag:s18] =	ssyncset.done $0x0  }
0x2e: {  	s15 =	rddreg [dreg:$0x8];
	[sflag:s18] =	ssyncadd.s32 $0xFFFFFF90  }
0x2f: {  	[tilespmem:s23], [sflag:$0x7] =	stream.linear.gather [hbm4b:s15+s3], $0x70, $0x38;
	[tilespmem:$0x1E800] =	vst v63  }
0x30: {  	_ =	swait.ge [sflag:s18], $0x70  }
0x31: {  	[sflag:s18] =	ssyncset.done $0x0  }
0x32: {  	[sflag:s18] =	ssyncadd.s32 $0xFFFFFF90  }
0x33: {  	[tilespmem:s24], [sflag:$0x2] =	stream.indirect.gather [hbm4b:s4+s20], $0x80, s23, s20, $0xb8;
	[tilespmem:$0x1E800] =	vst v63  }
0x34: {  	s12 =	rddreg [dreg:$0x9]  }
0x35: {  	[tilespmem:s25], [sflag:$0x7] =	stream.linear.gather [hbm4b:s12+s3], $0x70, $0x38;
	[tilespmem:$0x1E800] =	vst v63  }
0x36: {  	_ =	swait.ge [sflag:s18], $0x70  }
0x37: {  	[sflag:s18] =	ssyncset.done $0x0  }
0x38: {  	s13 =	rddreg [dreg:$0xa];
	[sflag:s18] =	ssyncadd.s32 $0xFFFFFF90  }
0x39: {  	[tilespmem:s26], [sflag:$0x7] =	stream.linear.gather [hbm4b:s13+s3], $0x70, $0x38;
	[tilespmem:$0x1E800] =	vst v63  }
0x3a: {  	_ =	swait.ge [sflag:s18], $0x70  }
0x3b: {  	[sflag:s18] =	ssyncset.done $0x0  }
0x3c: {  	[sflag:s18] =	ssyncadd.s32 $0xFFFFFF90  }
0x3d: {  	[tilespmem:s28], [sflag:$0x3] =	stream.indirect.gather [hbm4b:s4+s20], $0x80, s26, s20, $0xb8;
	[tilespmem:$0x1E800] =	vst v63  }
0x3e: {  	_ =	swait.ge [sflag:s29], $0x3800  }
0x3f: {  	[sflag:s29] =	ssyncset.done $0x0  }
0x40: {  	[sflag:s29] =	ssyncadd.s32 $0xFFFFC800  }
0x41: {  	[spmem:s2] =	stream.indirect.scatter.add.f32 [tilespmem:s21], [sflag:$0x4], $0x80, s19, s20, $0xb8;
	[tilespmem:$0x1E800] =	vst v63  }
0x42: {  	_ =	swait.ge [sflag:s30], $0x3800  }
0x43: {  	[sflag:s30] =	ssyncset.done $0x0  }
0x44: {  	[sflag:s30] =	ssyncadd.s32 $0xFFFFC800  }
0x45: {  	[spmem:s2] =	stream.indirect.scatter.add.f32 [tilespmem:s24], [sflag:$0x5], $0x80, s22, s20, $0xb8;
	[tilespmem:$0x1E800] =	vst v63  }
0x46: {  	_ =	swait.ge [sflag:s31], $0x3800  }
0x47: {  	[sflag:s31] =	ssyncset.done $0x0  }
0x48: {  	[sflag:s31] =	ssyncadd.s32 $0xFFFFC800  }
0x49: {  	[spmem:s2] =	stream.indirect.scatter.add.f32 [tilespmem:s28], [sflag:$0x6], $0x80, s25, s20, $0xb8;
	[tilespmem:$0x1E800] =	vst v63  }
0x4a: {  	_ =	swait.ge [sflag:s0], $0x3800  }
0x4b: {  	s14 =	rddreg [dreg:$0x3]  }
0x4c: {  	[sflag:s0] =	ssyncset.done $0x0;
	s11 =	sadd.s32 $0x0, s14  }
0x4d: {  	[sflag:s0] =	ssyncadd.s32 $0xFFFFC800;
	s12 =	sadd.s32 $0x2A, s11  }
0x4e: {  	[tilespmem:s19], [sflag:$0x7] =	stream.linear.gather [hbm4b:s12+s3], $0x70, $0x38;
	[tilespmem:$0x1E800] =	vst v63  }
0x4f: {  	_ =	swait.ge [sflag:s18], $0x70  }
0x50: {  	s15 =	sshrl.u32 s16, $0x3;
	[sflag:s18] =	ssyncset.done $0x0  }
0x51: {  	s12 =	sadd.s32 s5, s15;
	[sflag:s18] =	ssyncadd.s32 $0xFFFFFF90  }
0x52: {  	[tilespmem:s3], [sflag:$0x7] =	stream.linear.gather [hbm4b:s12+s3], $0x70, $0x38;
	[tilespmem:$0x1E800] =	vst v63  }
0x53: {  	_ =	swait.ge [sflag:s18], $0x70  }
0x54: {  	[sflag:s18] =	ssyncset.done $0x0  }
0x55: {  	[sflag:s18] =	ssyncadd.s32 $0xFFFFFF90  }
0x56: {  	[tilespmem:s21], [sflag:$0x1] =	stream.indirect.gather [hbm4b:s4+s20], $0x80, s3, s20, $0xb8;
	[tilespmem:$0x1E800] =	vst v63  }
0x57: {  	_ =	swait.ge [sflag:s1], $0x3800  }
0x58: {  	[sflag:s1] =	ssyncset.done $0x0  }
0x59: {  	s13 =	sadd.s32 $0x38, s11;
	[sflag:s1] =	ssyncadd.s32 $0xFFFFC800  }
0x5a: {  	[tilespmem:s22], [sflag:$0x7] =	stream.linear.gather [hbm4b:s13+s3], $0x70, $0x38;
	[tilespmem:$0x1E800] =	vst v63  }
0x5b: {  	_ =	swait.ge [sflag:s18], $0x70  }
0x5c: {  	s14 =	rddreg [dreg:$0x5];
	[sflag:s18] =	ssyncset.done $0x0  }
0x5d: {  	[sflag:s18] =	ssyncadd.s32 $0xFFFFFF90;
	s12 =	sadd.s32 $0x0, s14  }
0x5e: {  	[tilespmem:s23], [sflag:$0x7] =	stream.linear.gather [hbm4b:s12+s3], $0x70, $0x38;
	[tilespmem:$0x1E800] =	vst v63  }
0x5f: {  	_ =	swait.ge [sflag:s18], $0x70  }
0x60: {  	[sflag:s18] =	ssyncset.done $0x0  }
0x61: {  	[sflag:s18] =	ssyncadd.s32 $0xFFFFFF90  }
0x62: {  	[tilespmem:s24], [sflag:$0x2] =	stream.indirect.gather [hbm4b:s4+s20], $0x80, s23, s20, $0xb8;
	[tilespmem:$0x1E800] =	vst v63  }
0x63: {  	_ =	swait.ge [sflag:s6], $0x3800  }
0x64: {  	[sflag:s6] =	ssyncset.done $0x0  }
0x65: {  	s11 =	sadd.s32 $0x46, s11;
	[sflag:s6] =	ssyncadd.s32 $0xFFFFC800  }
0x66: {  	[tilespmem:s25], [sflag:$0x7] =	stream.linear.gather [hbm4b:s11+s3], $0x70, $0x38;
	[tilespmem:$0x1E800] =	vst v63  }
0x67: {  	_ =	swait.ge [sflag:s18], $0x70  }
0x68: {  	s15 =	rddreg [dreg:$0x4];
	[sflag:s18] =	ssyncset.done $0x0  }
0x69: {  	[sflag:s18] =	ssyncadd.s32 $0xFFFFFF90;
	s11 =	sadd.s32 $0x0, s15  }
0x6a: {  	[tilespmem:s26], [sflag:$0x7] =	stream.linear.gather [hbm4b:s11+s3], $0x70, $0x38;
	[tilespmem:$0x1E800] =	vst v63  }
0x6b: {  	_ =	swait.ge [sflag:s18], $0x70  }
0x6c: {  	[sflag:s18] =	ssyncset.done $0x0  }
0x6d: {  	s12 =	sadd.s32 $0x150, s16;
	s11 =	simm.s32 $0x2A;
	[sflag:s18] =	ssyncadd.s32 $0xFFFFFF90  }
.LBB2_2:
0x6e: {  	[tilespmem:s28], [sflag:$0x3] =	stream.indirect.gather [hbm4b:s4+s20], $0x80, s26, s20, $0xb8;
	[tilespmem:$0x1E800] =	vst v63  }
0x6f: {  	_ =	swait.ge [sflag:s29], $0x3800  }
0x70: {  	[sflag:s29] =	ssyncset.done $0x0  }
0x71: {  	[sflag:s29] =	ssyncadd.s32 $0xFFFFC800  }
0x72: {  	[spmem:s2] =	stream.indirect.scatter.add.f32 [tilespmem:s21], [sflag:$0x4], $0x80, s19, s20, $0xb8;
	[tilespmem:$0x1E800] =	vst v63  }
0x73: {  	_ =	swait.ge [sflag:s30], $0x3800  }
0x74: {  	[sflag:s30] =	ssyncset.done $0x0  }
0x75: {  	[sflag:s30] =	ssyncadd.s32 $0xFFFFC800  }
0x76: {  	[spmem:s2] =	stream.indirect.scatter.add.f32 [tilespmem:s24], [sflag:$0x5], $0x80, s22, s20, $0xb8;
	[tilespmem:$0x1E800] =	vst v63  }
0x77: {  	_ =	swait.ge [sflag:s31], $0x3800  }
0x78: {  	[sflag:s31] =	ssyncset.done $0x0  }
0x79: {  	[sflag:s31] =	ssyncadd.s32 $0xFFFFC800  }
0x7a: {  	[spmem:s2] =	stream.indirect.scatter.add.f32 [tilespmem:s28], [sflag:$0x6], $0x80, s25, s20, $0xb8;
	[tilespmem:$0x1E800] =	vst v63  }
0x7b: {  	_ =	swait.ge [sflag:s0], $0x3800  }
0x7c: {  	s13 =	smov.u32 s11;
	s14 =	rddreg [dreg:$0x3]  }
0x7d: {  	[sflag:s0] =	ssyncset.done $0x0;
	s14 =	sadd.s32 s13, s14  }
0x7e: {  	[sflag:s0] =	ssyncadd.s32 $0xFFFFC800;
	s15 =	sadd.s32 $0x2A, s14  }
0x7f: {  	[tilespmem:s19], [sflag:$0x7] =	stream.linear.gather [hbm4b:s15+s3], $0x70, $0x38;
	[tilespmem:$0x1E800] =	vst v63  }
0x80: {  	_ =	swait.ge [sflag:s18], $0x70  }
0x81: {  	s15 =	sshrl.u32 s12, $0x3;
	[sflag:s18] =	ssyncset.done $0x0  }
0x82: {  	s15 =	sadd.s32 s5, s15;
	[sflag:s18] =	ssyncadd.s32 $0xFFFFFF90  }
0x83: {  	[tilespmem:s3], [sflag:$0x7] =	stream.linear.gather [hbm4b:s15+s3], $0x70, $0x38;
	[tilespmem:$0x1E800] =	vst v63  }
0x84: {  	_ =	swait.ge [sflag:s18], $0x70  }
0x85: {  	[sflag:s18] =	ssyncset.done $0x0  }
0x86: {  	[sflag:s18] =	ssyncadd.s32 $0xFFFFFF90  }
0x87: {  	[tilespmem:s21], [sflag:$0x1] =	stream.indirect.gather [hbm4b:s4+s20], $0x80, s3, s20, $0xb8;
	[tilespmem:$0x1E800] =	vst v63  }
0x88: {  	_ =	swait.ge [sflag:s1], $0x3800  }
0x89: {  	[sflag:s1] =	ssyncset.done $0x0  }
0x8a: {  	s15 =	sadd.s32 $0x38, s14;
	[sflag:s1] =	ssyncadd.s32 $0xFFFFC800  }
0x8b: {  	[tilespmem:s22], [sflag:$0x7] =	stream.linear.gather [hbm4b:s15+s3], $0x70, $0x38;
	[tilespmem:$0x1E800] =	vst v63  }
0x8c: {  	_ =	swait.ge [sflag:s18], $0x70  }
0x8d: {  	s15 =	rddreg [dreg:$0x5];
	[sflag:s18] =	ssyncset.done $0x0  }
0x8e: {  	[sflag:s18] =	ssyncadd.s32 $0xFFFFFF90;
	s15 =	sadd.s32 s13, s15  }
0x8f: {  	[tilespmem:s23], [sflag:$0x7] =	stream.linear.gather [hbm4b:s15+s3], $0x70, $0x38;
	[tilespmem:$0x1E800] =	vst v63  }
0x90: {  	_ =	swait.ge [sflag:s18], $0x70  }
0x91: {  	[sflag:s18] =	ssyncset.done $0x0  }
0x92: {  	[sflag:s18] =	ssyncadd.s32 $0xFFFFFF90  }
0x93: {  	[tilespmem:s24], [sflag:$0x2] =	stream.indirect.gather [hbm4b:s4+s20], $0x80, s23, s20, $0xb8;
	[tilespmem:$0x1E800] =	vst v63  }
0x94: {  	_ =	swait.ge [sflag:s6], $0x3800  }
0x95: {  	[sflag:s6] =	ssyncset.done $0x0  }
0x96: {  	s14 =	sadd.s32 $0x46, s14;
	[sflag:s6] =	ssyncadd.s32 $0xFFFFC800  }
0x97: {  	[tilespmem:s25], [sflag:$0x7] =	stream.linear.gather [hbm4b:s14+s3], $0x70, $0x38;
	[tilespmem:$0x1E800] =	vst v63  }
0x98: {  	_ =	swait.ge [sflag:s18], $0x70  }
0x99: {  	p0 =	sne.s32 s11, $0x984;
	s15 =	rddreg [dreg:$0x4];
	[sflag:s18] =	ssyncset.done $0x0  }
.Ltmp0:
0x9a: {  	[sflag:s18] =	ssyncadd.s32 $0xFFFFFF90;
	s13 =	sadd.s32 s13, s15;
	(pc) =	sbr.rel @p0 .LBB2_2-.Ltmp0, $4  }
0x9b: {  	[tilespmem:s26], [sflag:$0x7] =	stream.linear.gather [hbm4b:s13+s3], $0x70, $0x38;
	[tilespmem:$0x1E800] =	vst v63  }
0x9c: {  	_ =	swait.ge [sflag:s18], $0x70  }
0x9d: {  	[sflag:s18] =	ssyncset.done $0x0  }
0x9e: {  	s11 =	sadd.s32 $0x2A, s11;
	s12 =	sadd.s32 $0x150, s12;
	[sflag:s18] =	ssyncadd.s32 $0xFFFFFF90  }
0x9f: {  	[tilespmem:s28], [sflag:$0x3] =	stream.indirect.gather [hbm4b:s4+s20], $0x80, s26, s20, $0xb8;
	[tilespmem:$0x1E800] =	vst v63  }
0xa0: {  	_ =	swait.ge [sflag:s29], $0x3800  }
0xa1: {  	[sflag:s29] =	ssyncset.done $0x0  }
0xa2: {  	[sflag:s29] =	ssyncadd.s32 $0xFFFFC800  }
0xa3: {  	[spmem:s2] =	stream.indirect.scatter.add.f32 [tilespmem:s21], [sflag:$0x4], $0x80, s19, s20, $0xb8;
	[tilespmem:$0x1E800] =	vst v63  }
0xa4: {  	_ =	swait.ge [sflag:s30], $0x3800  }
0xa5: {  	[sflag:s30] =	ssyncset.done $0x0  }
0xa6: {  	[sflag:s30] =	ssyncadd.s32 $0xFFFFC800  }
0xa7: {  	[spmem:s2] =	stream.indirect.scatter.add.f32 [tilespmem:s24], [sflag:$0x5], $0x80, s22, s20, $0xb8;
	[tilespmem:$0x1E800] =	vst v63  }
0xa8: {  	_ =	swait.ge [sflag:s31], $0x3800  }
0xa9: {  	[sflag:s31] =	ssyncset.done $0x0  }
0xaa: {  	[sflag:s31] =	ssyncadd.s32 $0xFFFFC800  }
0xab: {  	[spmem:s2] =	stream.indirect.scatter.add.f32 [tilespmem:s28], [sflag:$0x6], $0x80, s25, s20, $0xb8;
	[tilespmem:$0x1E800] =	vst v63  }
0xac: {  	_ =	swait.ge [sflag:s0], $0x3800  }
0xad: {  	[sflag:s0] =	ssyncset.done $0x0  }
0xae: {  	[sflag:s0] =	ssyncadd.s32 $0xFFFFC800  }
0xaf: {  	_ =	swait.ge [sflag:s1], $0x3800  }
0xb0: {  	[sflag:s1] =	ssyncset.done $0x0  }
0xb1: {  	[sflag:s1] =	ssyncadd.s32 $0xFFFFC800  }
0xb2: {  	_ =	swait.ge [sflag:s6], $0x3800  }
0xb3: {  	[sflag:s6] =	ssyncset.done $0x0  }
0xb4: {  	[sflag:s6] =	ssyncadd.s32 $0xFFFFC800  }
0xb5: {  	[bflag:$0x0] =	sbarrier.arrive $0xFFFF  }
0xb6: {  	s11 =	rddreg [dreg:$0xb]  }
0xb7: {  	[hbm:s11], [sflag:s7] =	dma.local [spmem:s17], $0x2780  }
0xb8: {  	_ =	swait.ge [sflag:s18], $0x2780  }
0xb9: {  	s10 =	sadd.s32 $0x1, s10;
	s15 =	rddreg [dreg:$0xc]  }
0xba: {  	p0 =	sne.s32 s10, s15  }
.Ltmp1:
0xbb: {  	_ = 	snop;
	(pc) =	sbr.rel @p0 .LBB2_1-.Ltmp1, $3  }
0xbc: {  	_ =	sdelay $0x1  }
0xbd: {  	[sflag:s18] =	ssyncset.done $0x0  }
0xbe: {  	[sflag:s18] =	ssyncadd.s32 $0xFFFFD880  }
0xbf: {  	_ =	sfence.sel $0x180000  }
0xc0: {  	[bflag:$0x0] =	sbarrier.arrive $0xFFFF  }
0xc1: {  	_ =	strace $0x9000004D  }
0xc2: {  	s0 =	stileid.u32;
	[bflag:$0x2] =	sbarrier.arrive $0xFFFF  }
0xc3: {  	p0 =	sne.s32 s0, $0x0;
	s0 =	rddreg [dreg:$0x2]  }
0xc4: {  	s0 =	sadd.s32 @!p0 $0x100000, s0  }
0xc5: {  	[sflag:s0] =	ssyncadd.tile.s32 @!p0 $0x1;
	_ =	shalt  }
.Lfunc_end2:
_tile_overlayer_lowered:
.L_overlay_start_2:
0xc6: {  	(tag) =	ssettag $0x2  }
0xc7: {  	s0 =	rddreg [dreg:$0x0];
	s2 =	stileid.u32  }
0xc8: {  	s1 =	rddreg [dreg:$0x1];
	p0 =	sne.s32 s2, $0x0  }
0xc9: {  	s3 =	rddreg [dreg:$0x2];
	[bflag:$0x3] =	sbarrier.arrive $0xFFFF;
	s2 =	simm.s32 @!p0 $0x1C07  }
0xca: {  	[timem:s3], [sflag:s2] =	dma.local @!p0 [hbm:s0], s1  }
0xcb: {  	s0 =	simm.s32 @!p0 $0x7  }
0xcc: {  	_ =	swait.ge @!p0 [sflag:s0], s1  }
0xcd: {  	s1 =	ssub.s32 @!p0 $0x0, s1;
	[sflag:s0] =	ssyncset.done @!p0 $0x0  }
0xce: {  	[sflag:s0] =	ssyncadd.s32 @!p0 s1  }
0xcf: {  	[bflag:$0x3] =	sbarrier.arrive $0xFFFF  }
0xd0: {  	_ =	shalt  }

// kernel: kernel.23.cloned.1.call-start
scs
__scs_entry_jumppad:
0x0: {  	(pc) =	sbr.rel $0x88, $3  }
0x1: {  	(tag) =	ssettag $0x0;
	lr =	simm.s32 $0x1  }
0x2: {  	[smem:$0x3F8B] =	sst lr;
	_ =	strace $0xD0000000  }
0x3: {  	_ = 	snop  }
0x4: {  	_ = 	snop  }
0x5: {  	_ = 	snop  }
0x6: {  	_ = 	snop  }
0x7: {  	_ = 	snop  }
__scs_overlays_trampoline_lowered:
0x8: {  	[smem:$0x3F9A] =	sst s0  }
0x9: {  	[smem:$0x3F9B] =	sst s1  }
0xa: {  	[smem:$0x3F9C] =	sst s2  }
0xb: {  	[smem:$0x3F9D] =	sst s3  }
0xc: {  	[smem:$0x3F9E] =	sst s4  }
0xd: {  	[smem:$0x3F9F] =	sst s5  }
0xe: {  	[smem:$0x3FA0] =	sst s6  }
0xf: {  	[smem:$0x3FA1] =	sst s7  }
0x10: {  	[smem:$0x3FA2] =	sst s8  }
0x11: {  	[smem:$0x3FA3] =	sst s9;
	s0 =	simm.s32 @!p0 $0x0  }
0x12: {  	s1 =	sld [smem:$0x3F89];
	s0 =	simm.s32 @p0 $0x1  }
0x13: {  	[smem:$0x3FA4] =	sst s0;
	s0 =	simm.s32 @!p1 $0x0  }
0x14: {  	s2 =	sld [smem:$0x3F88];
	s0 =	simm.s32 @p1 $0x1  }
0x15: {  	[smem:$0x3FA5] =	sst s0;
	s0 =	simm.s32 @!p2 $0x0  }
0x16: {  	s3 =	sld [smem:$0x3FDB];
	s0 =	simm.s32 @p2 $0x1  }
0x17: {  	s4 =	simm.s32 $0x1BF5;
	[smem:$0x3FA7] =	sst s0  }
0x18: {  	s0 =	sld [smem:$0x3F8A];
	_ =	swait.ge [sflag:s4], $0x0  }
0x19: {  	s7 =	sld [smem:$0x3F8B]  }
0x1a: {  	s8 =	sadd.s32 $0xFFFFE003, lr  }
0x1b: {  	s9 =	sadd.s32 $0xFFFFFEF7, lr;
	s5 =	simm.s32 $0xFFFFFFFF;
	p2 =	slt.u32 s8, $0xFFFFF086  }
0x1c: {  	p1 =	slt.u32 s9, $0xF7A;
	s5 =	simm.s32 @!p2 $0x0  }
0x1d: {  	s5 =	simm.s32 @p1 $0x1;
	p0 =	seq.s32 s7, s2  }
0x1e: {  	s7 =	smul.u32 @!p0 $0xF7A, s2;
	p2 =	seq.s32 @!p0 s5, $0x0  }
0x1f: {  	s9 =	smul.u32 $0xF7A, s1;
	s8 =	simm.s32 @!p0 $0x1BF5;
	p2 =	por !p2, p0  }
0x20: {  	[sflag:s8] =	ssyncset.s32 @!p0 $0xFFFFF086;
	s6 =	sadd.s32 @!p0 s3, s7;
	s7 =	simm.s32 @!p0 $0x108  }
0x21: {  	s3 =	sadd.s32 s3, s9;
	s6 =	sadd.s32 @!p0 $0x88, s6;
	s7 =	simm.s32 @p2 $0x1082  }
0x22: {  	[simem:s7], [sflag:s8] =	dma.local @!p0 [hbm:s6], $0xF7A  }
0x23: {  	s9 =	sor.u32 $0xD0000000, s2;
	s6 =	simm.s32 $0x108;
	_ =	swait.ge @!p0 [sflag:s8], $0x0  }
0x24: {  	s3 =	sadd.s32 $0x88, s3;
	s6 =	simm.s32 @!p1 $0x1082;
	[sflag:s4] =	ssyncset.s32 $0xFFFFF086  }
0x25: {  	[simem:s6], [sflag:s4] =	dma.local [hbm:s3], $0xF7A  }
0x26: {  	[smem:$0x3F8B] =	sst s1;
	(tag) =	ssettag s2;
	_ =	strace s9  }
0x27: {  	s1 =	sld [smem:$0x3F9B]  }
0x28: {  	s2 =	sld [smem:$0x3F9C]  }
0x29: {  	s4 =	sld [smem:$0x3F9E]  }
0x2a: {  	p0 =	seq.s32 s5, $0x0;
	s5 =	sld [smem:$0x3F9F]  }
0x2b: {  	s6 =	sld [smem:$0x3FA0]  }
0x2c: {  	s7 =	sld [smem:$0x3FA1]  }
0x2d: {  	s3 =	simm.s32 $0x108;
	s8 =	sld [smem:$0x3FA2]  }
0x2e: {  	s3 =	simm.s32 @!p0 $0x1082;
	s9 =	sld [smem:$0x3FA3]  }
0x2f: {  	lr =	sadd.s32 s0, s3;
	s0 =	sld [smem:$0x3F9A]  }
0x30: {  	s3 =	sld [smem:$0x3F9D]  }
0x31: {  	[smem:$0x3FA6] =	sst s10  }
0x32: {  	s10 =	sld [smem:$0x3FA4];
	_ =	sdelay $0x3  }
0x33: {  	p0 =	seq.s32 s10, $0x1;
	s10 =	sld [smem:$0x3FA6];
	_ =	sdelay $0x3  }
0x34: {  	[smem:$0x3FA6] =	sst s10  }
0x35: {  	s10 =	sld [smem:$0x3FA5];
	_ =	sdelay $0x3  }
0x36: {  	p1 =	seq.s32 s10, $0x1;
	s10 =	sld [smem:$0x3FA6];
	_ =	sdelay $0x3  }
0x37: {  	[smem:$0x3FA6] =	sst s10  }
0x38: {  	s10 =	sld [smem:$0x3FA7]  }
0x39: {  	_ = 	snop;
	(pc) =	sbr.ind lr, $3  }
0x3a: {  	_ = 	snop  }
0x3b: {  	_ = 	snop  }
0x3c: {  	p2 =	seq.s32 s10, $0x1;
	s10 =	sld [smem:$0x3FA6]  }
0x3d: {  	_ =	shalt  }
0x3e: {  	_ =	shalt  }
0x3f: {  	_ =	shalt  }
0x40: {  	_ =	shalt  }
0x41: {  	_ =	shalt  }
0x42: {  	_ =	shalt  }
0x43: {  	_ =	shalt  }
0x44: {  	_ =	shalt  }
0x45: {  	_ =	shalt  }
0x46: {  	_ =	shalt  }
0x47: {  	_ =	shalt  }
0x48: {  	_ =	shalt  }
0x49: {  	_ =	shalt  }
0x4a: {  	_ =	shalt  }
0x4b: {  	_ =	shalt  }
0x4c: {  	_ =	shalt  }
0x4d: {  	_ =	shalt  }
0x4e: {  	_ =	shalt  }
0x4f: {  	_ =	shalt  }
0x50: {  	_ =	shalt  }
0x51: {  	_ =	shalt  }
0x52: {  	_ =	shalt  }
0x53: {  	_ =	shalt  }
0x54: {  	_ =	shalt  }
0x55: {  	_ =	shalt  }
0x56: {  	_ =	shalt  }
0x57: {  	_ =	shalt  }
0x58: {  	_ =	shalt  }
0x59: {  	_ =	shalt  }
0x5a: {  	_ =	shalt  }
0x5b: {  	_ =	shalt  }
0x5c: {  	_ =	shalt  }
0x5d: {  	_ =	shalt  }
0x5e: {  	_ =	shalt  }
0x5f: {  	_ =	shalt  }
0x60: {  	_ =	shalt  }
0x61: {  	_ =	shalt  }
0x62: {  	_ =	shalt  }
0x63: {  	_ =	shalt  }
0x64: {  	_ =	shalt  }
0x65: {  	_ =	shalt  }
0x66: {  	_ =	shalt  }
0x67: {  	_ =	shalt  }
0x68: {  	_ =	shalt  }
0x69: {  	_ =	shalt  }
0x6a: {  	_ =	shalt  }
0x6b: {  	_ =	shalt  }
0x6c: {  	_ =	shalt  }
0x6d: {  	_ =	shalt  }
0x6e: {  	_ =	shalt  }
0x6f: {  	_ =	shalt  }
0x70: {  	_ =	shalt  }
0x71: {  	_ =	shalt  }
0x72: {  	_ =	shalt  }
0x73: {  	_ =	shalt  }
0x74: {  	_ =	shalt  }
0x75: {  	_ =	shalt  }
0x76: {  	_ =	shalt  }
0x77: {  	_ =	shalt  }
0x78: {  	_ =	shalt  }
0x79: {  	_ =	shalt  }
0x7a: {  	_ =	shalt  }
0x7b: {  	_ =	shalt  }
0x7c: {  	_ =	shalt  }
0x7d: {  	_ =	shalt  }
0x7e: {  	_ =	shalt  }
0x7f: {  	_ =	shalt  }
0x80: {  	_ =	shalt  }
0x81: {  	_ =	shalt  }
0x82: {  	_ =	shalt  }
0x83: {  	_ =	shalt  }
0x84: {  	_ =	shalt  }
0x85: {  	_ =	shalt  }
0x86: {  	_ =	shalt  }
0x87: {  	_ =	shalt  }
.Lfunc_end0:
.L_simem_size_0:
called_computation.3_lowered:
.L_overlay_start_0:
0x88: {  	s2 =	sld [smem:$0x3FD9]  }
0x89: {  	s3 =	sld [smem:$0x3FFE];
	_ =	sdelay $0x1  }
0x8a: {  	s1 =	srdreg.scid  }
0x8b: {  	s0 =	sand.u32 $0x1, s1  }
0x8c: {  	s16 =	sshll.u32 s0, $0xA;
	s2 =	sadd.s32 s3, s2  }
0x8d: {  	s2 =	sadd.s32 s2, s16  }
0x8e: {  	[smem:$0x3FB2] =	sst s2  }
0x8f: {  	_ = 	snop  }
0x90: {  	(tm) =	ssettm $0x1  }
0x91: {  	s17 =	sld [smem:$0x3FFB];
	_ =	sdelay $0x3  }
0x92: {  	_ =	strace s17  }
0x93: {  	s2 =	sld [smem:$0x3FFC];
	_ =	sdelay $0x3  }
0x94: {  	_ =	strace s2  }
0x95: {  	s2 =	sld [smem:$0x3FFD];
	_ =	sdelay $0x3  }
0x96: {  	_ =	strace s2  }
0x97: {  	_ =	strace $0x8FFFFFFF  }
0x98: {  	s18 =	sld [smem:$0x3FDB];
	_ =	sdelay $0x1  }
0x99: {  	s19 =	simm.s32 $_scs_section_size  }
0x9a: {  	s4 =	simm.s32 $_size__tile_overlayer_lowered;
	s5 =	simm.s32 $_tile_overlayer_lowered  }
0x9b: {  	s22 =	simm.s32 $0x1BFF;
	s21 =	sshll.u32 s5, $0x1;
	s2 =	sadd.s32 s19, s18  }
0x9c: {  	s6 =	simm.s32 $0x0;
	s20 =	sshll.u32 s4, $0x1;
	s4 =	sadd.s32 s21, s2  }
0x9d: {  	[timem:s6], [sflag:s22] =	dma.local [hbm:s4], s20  }
0x9e: {  	_ =	swait.ge [sflag:s22], s20  }
0x9f: {  	s3 =	ssub.s32 $0x0, s20;
	[sflag:s22] =	ssyncset.done $0x0  }
0xa0: {  	[sflag:s22] =	ssyncadd.s32 s3;
	_ =	sdelay $0x1  }
0xa1: {  	s23 =	simm.s32 $0x1B8B  }
0xa2: {  	_ =	swait.ge [sflag:s23], $0x1  }
0xa3: {  	[sflag:s23] =	ssyncset.done $0x0  }
0xa4: {  	s25 =	simm.s32 $0x1B8E;
	s24 =	sld [smem:$0x3FFE];
	[sflag:s23] =	ssyncadd.s32 $0xFFFFFFFF  }
0xa5: {  	s26 =	simm.s32 $execute0_lowered;
	[smem:$0x3FD2] =	sst s25  }
0xa6: {  	s4 =	sshll.u32 s26, $0x1;
	_ =	strace $0x8000004F;
	[dreg:$0x1] =	wrdreg $0xFFFFFFFF  }
0xa7: {  	s28 =	simm.s32 $_size_execute0_lowered;
	s2 =	sadd.s32 s2, s4;
	[dreg:$0x0] =	wrdreg $0x0  }
0xa8: {  	s4 =	sshll.u32 s28, $0x1;
	[dreg:$0x2] =	wrdreg s2  }
0xa9: {  	[dreg:$0x3] =	wrdreg s4  }
0xaa: {  	[dreg:$0x4] =	wrdreg $0xC0  }
0xab: {  	_ =	task [dreg:s6], $0x5FFFF  }
0xac: {  	[dreg:$0x1] =	wrdreg $0xFFFFFFFF  }
0xad: {  	[dreg:$0x0] =	wrdreg $0x60  }
0xae: {  	[dreg:$0x2] =	wrdreg s24  }
0xaf: {  	[dreg:$0x3] =	wrdreg $0xAC000  }
0xb0: {  	[dreg:$0x4] =	wrdreg $0x9  }
0xb1: {  	_ =	task.clear_ibuf [dreg:s6], $0x5FFFF;
	_ =	strace $0x9000004F  }
0xb2: {  	s29 =	simm.s32 $0x9;
	_ =	strace $0x80000051  }
0xb3: {  	_ =	swait.ge [sflag:s29], $0x1  }
0xb4: {  	[sflag:s29] =	ssyncadd.s32 $0xFFFFFFFF  }
0xb5: {  	_ =	strace $0x90000051  }
0xb6: {  	_ =	sfence  }
0xb7: {  	s30 =	sld [smem:$0x0];
	_ =	sdelay $0x2  }
0xb8: {  	s31 =	sshll.u32 s1, $0xD;
	s1 =	sshrl.u32 s1, $0x2  }
0xb9: {  	s3 =	sand.u32 $0x4000, s31;
	s1 =	sadd.s32 s1, s30  }
0xba: {  	s0 =	sor.u32 s3, s0;
	s1 =	sshll.u32 s1, $0x11  }
0xbb: {  	s0 =	sor.u32 s1, s0  }
0xbc: {  	s0 =	sadd.s32 $0x8F2B, s0  }
0xbd: {  	[sflag:s0] =	ssyncadd.remote.s32 $0x1  }
0xbe: {  	_ =	sfence.sel $0xFFFF  }
0xbf: {  	[dreg:$0x0] =	wrdreg $0xFFFFFFFF;
	(pc) =	sbr.abs _section_cstart, $3  }
0xc0: {  	[dreg:$0x1] =	wrdreg $0xFFFFFFFF  }
0xc1: {  	_ =	task.clear_ibuf [dreg:s6], $0x2FFFF;
	_ =	strace $0x9FFFFFFF  }
0xc2: {  	(tm) =	ssettm $0x7FFFFFFF  }
0xc3: {  	_ =	shalt  }
tec
execute0_lowered:
.L_overlay_start_1:
0x0: {  	(tag) =	ssettag $0x1  }
0x1: {  	s0 =	rddreg [dreg:$0x0]  }
0x2: {  	s2 =	rddreg [dreg:$0x1];
	s3 =	simm.s32 $0x0  }
0x3: {  	s13 =	stileid.u32;
	s1 =	srdreg.scid;
	s28 =	simm.s32 $0x7400  }
0x4: {  	s29 =	simm.s32 $0x1;
	s30 =	simm.s32 $0x2;
	s6 =	smul.u32 $0x2780, s13  }
0x5: {  	s31 =	simm.s32 $0x3;
	[smem:$0x7FF] =	sst s3;
	s8 =	smul.u32 $0x4EC0, s13  }
0x6: {  	s1 =	sand.u32 $0x1, s1;
	s4 =	sadd.s32 $0x10E000, s0;
	s12 =	smul.u32 $0x4F000, s13  }
0x7: {  	s5 =	sadd.s32 $0x53800, s0;
	s10 =	sadd.s32 $0x67400, s0;
	s7 =	smul.u32 $0x27800, s1  }
0x8: {  	s14 =	sshll.u32 s13, $0x6;
	s11 =	ssub.s32 $0x2, s1;
	s1 =	smul.u32 $0x4EC00, s1  }
0x9: {  	s18 =	smul.u32 $0x9D8, s13;
	_ =	strace $0x80000050;
	s9 =	sadd.s32 s6, s0  }
0xa: {  	s26 =	sshrl.u32 s11, $0x1;
	s6 =	sadd.s32 s6, s7;
	s1 =	sadd.s32 s8, s1  }
0xb: {  	s8 =	sshrl.u32 s8, $0x3;
	s7 =	sor.u32 $0x1C07, s14;
	s0 =	sadd.s32 s6, s0  }
0xc: {  	s6 =	ssub.s32 s11, s26;
	s11 =	sshrl.u32 s12, $0x2;
	s12 =	sadd.s32 $0x71200, s9  }
0xd: {  	s15 =	sshrl.u32 s1, $0x3;
	s8 =	sadd.s32 s10, s8;
	s21 =	sadd.s32 $0x230, s1  }
0xe: {  	s10 =	sadd.s32 s18, s10;
	s23 =	sadd.s32 $0x1C0, s1;
	s18 =	simm.s32 $0x7  }
0xf: {  	s11 =	sadd.s32 s11, s2;
	[dreg:$0x6] =	wrdreg s12;
	s9 =	sadd.s32 s5, s15  }
0x10: {  	s16 =	sadd.s32 $0xE, s8;
	s19 =	sadd.s32 $0x1C, s8;
	s22 =	sshrl.u32 s21, $0x3  }
0x11: {  	[dreg:$0x3] =	wrdreg s10;
	s25 =	sshrl.u32 s23, $0x3;
	s0 =	sadd.s32 $0x15C200, s0  }
0x12: {  	s6 =	smax.u32 s6, $0x1;
	s21 =	simm.s32 $0x400;
	[dreg:$0x7] =	wrdreg s16  }
0x13: {  	s23 =	simm.s32 $0x80;
	s10 =	simm.s32 $0x0;
	[dreg:$0x9] =	wrdreg s19  }
0x14: {  	s17 =	sadd.s32 $0xE, s9;
	s20 =	sadd.s32 $0x1C, s9;
	[dreg:$0xb] =	wrdreg s0  }
0x15: {  	s24 =	sadd.s32 s22, s5;
	s26 =	sadd.s32 s25, s5;
	[dreg:$0xc] =	wrdreg s6  }
0x16: {  	s16 =	sadd.s32 $0x150, s1;
	s19 =	simm.s32 $0x200;
	[dreg:$0x8] =	wrdreg s17  }
0x17: {  	s22 =	simm.s32 $0x280;
	s25 =	simm.s32 $0x300;
	[dreg:$0xa] =	wrdreg s20  }
0x18: {  	s0 =	simm.s32 $0x4;
	s1 =	simm.s32 $0x5;
	[dreg:$0x4] =	wrdreg s24  }
0x19: {  	s6 =	simm.s32 $0x6;
	[dreg:$0x5] =	wrdreg s26;
	s17 =	sshrl.u32 s11, $0x3  }
0x1a: {  	s20 =	simm.s32 $0x70;
	s24 =	simm.s32 $0x3C00;
	s26 =	simm.s32 $0x100  }
.LBB2_1:
0x1b: {  	s11 =	rddreg [dreg:$0x6]  }
0x1c: {  	[spmem:s17], [sflag:s7] =	dma.local [hbm:s11], $0x2780  }
0x1d: {  	_ =	swait.ge [sflag:s18], $0x2780  }
0x1e: {  	[sflag:s18] =	ssyncset.done $0x0  }
0x1f: {  	[sflag:s18] =	ssyncadd.s32 $0xFFFFD880  }
0x20: {  	[bflag:$0x0] =	sbarrier.arrive $0xFFFF  }
0x21: {  	[tilespmem:s19], [sflag:$0x7] =	stream.linear.gather [hbm4b:s8+s3], $0x70, $0x38;
	[tilespmem:$0x1E800] =	vst v63  }
0x22: {  	_ =	swait.ge [sflag:s18], $0x70  }
0x23: {  	[sflag:s18] =	ssyncset.done $0x0  }
0x24: {  	[sflag:s18] =	ssyncadd.s32 $0xFFFFFF90  }
0x25: {  	[tilespmem:s3], [sflag:$0x7] =	stream.linear.gather [hbm4b:s9+s3], $0x70, $0x38;
	[tilespmem:$0x1E800] =	vst v63  }
0x26: {  	_ =	swait.ge [sflag:s18], $0x70  }
0x27: {  	[sflag:s18] =	ssyncset.done $0x0  }
0x28: {  	[sflag:s18] =	ssyncadd.s32 $0xFFFFFF90  }
0x29: {  	[tilespmem:s21], [sflag:$0x1] =	stream.indirect.gather [hbm4b:s4+s20], $0x80, s3, s20, $0xb8;
	[tilespmem:$0x1E800] =	vst v63  }
0x2a: {  	s14 =	rddreg [dreg:$0x7]  }
0x2b: {  	[tilespmem:s22], [sflag:$0x7] =	stream.linear.gather [hbm4b:s14+s3], $0x70, $0x38;
	[tilespmem:$0x1E800] =	vst v63  }
0x2c: {  	_ =	swait.ge [sflag:s18], $0x70  }
0x2d: {  	[sflag:s18] =	ssyncset.done $0x0  }
0x2e: {  	s15 =	rddreg [dreg:$0x8];
	[sflag:s18] =	ssyncadd.s32 $0xFFFFFF90  }
0x2f: {  	[tilespmem:s23], [sflag:$0x7] =	stream.linear.gather [hbm4b:s15+s3], $0x70, $0x38;
	[tilespmem:$0x1E800] =	vst v63  }
0x30: {  	_ =	swait.ge [sflag:s18], $0x70  }
0x31: {  	[sflag:s18] =	ssyncset.done $0x0  }
0x32: {  	[sflag:s18] =	ssyncadd.s32 $0xFFFFFF90  }
0x33: {  	[tilespmem:s24], [sflag:$0x2] =	stream.indirect.gather [hbm4b:s4+s20], $0x80, s23, s20, $0xb8;
	[tilespmem:$0x1E800] =	vst v63  }
0x34: {  	s12 =	rddreg [dreg:$0x9]  }
0x35: {  	[tilespmem:s25], [sflag:$0x7] =	stream.linear.gather [hbm4b:s12+s3], $0x70, $0x38;
	[tilespmem:$0x1E800] =	vst v63  }
0x36: {  	_ =	swait.ge [sflag:s18], $0x70  }
0x37: {  	[sflag:s18] =	ssyncset.done $0x0  }
0x38: {  	s13 =	rddreg [dreg:$0xa];
	[sflag:s18] =	ssyncadd.s32 $0xFFFFFF90  }
0x39: {  	[tilespmem:s26], [sflag:$0x7] =	stream.linear.gather [hbm4b:s13+s3], $0x70, $0x38;
	[tilespmem:$0x1E800] =	vst v63  }
0x3a: {  	_ =	swait.ge [sflag:s18], $0x70  }
0x3b: {  	[sflag:s18] =	ssyncset.done $0x0  }
0x3c: {  	[sflag:s18] =	ssyncadd.s32 $0xFFFFFF90  }
0x3d: {  	[tilespmem:s28], [sflag:$0x3] =	stream.indirect.gather [hbm4b:s4+s20], $0x80, s26, s20, $0xb8;
	[tilespmem:$0x1E800] =	vst v63  }
0x3e: {  	_ =	swait.ge [sflag:s29], $0x3800  }
0x3f: {  	[sflag:s29] =	ssyncset.done $0x0  }
0x40: {  	[sflag:s29] =	ssyncadd.s32 $0xFFFFC800  }
0x41: {  	[spmem:s2] =	stream.indirect.scatter.add.f32 [tilespmem:s21], [sflag:$0x4], $0x80, s19, s20, $0xb8;
	[tilespmem:$0x1E800] =	vst v63  }
0x42: {  	_ =	swait.ge [sflag:s30], $0x3800  }
0x43: {  	[sflag:s30] =	ssyncset.done $0x0  }
0x44: {  	[sflag:s30] =	ssyncadd.s32 $0xFFFFC800  }
0x45: {  	[spmem:s2] =	stream.indirect.scatter.add.f32 [tilespmem:s24], [sflag:$0x5], $0x80, s22, s20, $0xb8;
	[tilespmem:$0x1E800] =	vst v63  }
0x46: {  	_ =	swait.ge [sflag:s31], $0x3800  }
0x47: {  	[sflag:s31] =	ssyncset.done $0x0  }
0x48: {  	[sflag:s31] =	ssyncadd.s32 $0xFFFFC800  }
0x49: {  	[spmem:s2] =	stream.indirect.scatter.add.f32 [tilespmem:s28], [sflag:$0x6], $0x80, s25, s20, $0xb8;
	[tilespmem:$0x1E800] =	vst v63  }
0x4a: {  	_ =	swait.ge [sflag:s0], $0x3800  }
0x4b: {  	s14 =	rddreg [dreg:$0x3]  }
0x4c: {  	[sflag:s0] =	ssyncset.done $0x0;
	s11 =	sadd.s32 $0x0, s14  }
0x4d: {  	[sflag:s0] =	ssyncadd.s32 $0xFFFFC800;
	s12 =	sadd.s32 $0x2A, s11  }
0x4e: {  	[tilespmem:s19], [sflag:$0x7] =	stream.linear.gather [hbm4b:s12+s3], $0x70, $0x38;
	[tilespmem:$0x1E800] =	vst v63  }
0x4f: {  	_ =	swait.ge [sflag:s18], $0x70  }
0x50: {  	s15 =	sshrl.u32 s16, $0x3;
	[sflag:s18] =	ssyncset.done $0x0  }
0x51: {  	s12 =	sadd.s32 s5, s15;
	[sflag:s18] =	ssyncadd.s32 $0xFFFFFF90  }
0x52: {  	[tilespmem:s3], [sflag:$0x7] =	stream.linear.gather [hbm4b:s12+s3], $0x70, $0x38;
	[tilespmem:$0x1E800] =	vst v63  }
0x53: {  	_ =	swait.ge [sflag:s18], $0x70  }
0x54: {  	[sflag:s18] =	ssyncset.done $0x0  }
0x55: {  	[sflag:s18] =	ssyncadd.s32 $0xFFFFFF90  }
0x56: {  	[tilespmem:s21], [sflag:$0x1] =	stream.indirect.gather [hbm4b:s4+s20], $0x80, s3, s20, $0xb8;
	[tilespmem:$0x1E800] =	vst v63  }
0x57: {  	_ =	swait.ge [sflag:s1], $0x3800  }
0x58: {  	[sflag:s1] =	ssyncset.done $0x0  }
0x59: {  	s13 =	sadd.s32 $0x38, s11;
	[sflag:s1] =	ssyncadd.s32 $0xFFFFC800  }
0x5a: {  	[tilespmem:s22], [sflag:$0x7] =	stream.linear.gather [hbm4b:s13+s3], $0x70, $0x38;
	[tilespmem:$0x1E800] =	vst v63  }
0x5b: {  	_ =	swait.ge [sflag:s18], $0x70  }
0x5c: {  	s14 =	rddreg [dreg:$0x5];
	[sflag:s18] =	ssyncset.done $0x0  }
0x5d: {  	[sflag:s18] =	ssyncadd.s32 $0xFFFFFF90;
	s12 =	sadd.s32 $0x0, s14  }
0x5e: {  	[tilespmem:s23], [sflag:$0x7] =	stream.linear.gather [hbm4b:s12+s3], $0x70, $0x38;
	[tilespmem:$0x1E800] =	vst v63  }
0x5f: {  	_ =	swait.ge [sflag:s18], $0x70  }
0x60: {  	[sflag:s18] =	ssyncset.done $0x0  }
0x61: {  	[sflag:s18] =	ssyncadd.s32 $0xFFFFFF90  }
0x62: {  	[tilespmem:s24], [sflag:$0x2] =	stream.indirect.gather [hbm4b:s4+s20], $0x80, s23, s20, $0xb8;
	[tilespmem:$0x1E800] =	vst v63  }
0x63: {  	_ =	swait.ge [sflag:s6], $0x3800  }
0x64: {  	[sflag:s6] =	ssyncset.done $0x0  }
0x65: {  	s11 =	sadd.s32 $0x46, s11;
	[sflag:s6] =	ssyncadd.s32 $0xFFFFC800  }
0x66: {  	[tilespmem:s25], [sflag:$0x7] =	stream.linear.gather [hbm4b:s11+s3], $0x70, $0x38;
	[tilespmem:$0x1E800] =	vst v63  }
0x67: {  	_ =	swait.ge [sflag:s18], $0x70  }
0x68: {  	s15 =	rddreg [dreg:$0x4];
	[sflag:s18] =	ssyncset.done $0x0  }
0x69: {  	[sflag:s18] =	ssyncadd.s32 $0xFFFFFF90;
	s11 =	sadd.s32 $0x0, s15  }
0x6a: {  	[tilespmem:s26], [sflag:$0x7] =	stream.linear.gather [hbm4b:s11+s3], $0x70, $0x38;
	[tilespmem:$0x1E800] =	vst v63  }
0x6b: {  	_ =	swait.ge [sflag:s18], $0x70  }
0x6c: {  	[sflag:s18] =	ssyncset.done $0x0  }
0x6d: {  	s12 =	sadd.s32 $0x150, s16;
	s11 =	simm.s32 $0x2A;
	[sflag:s18] =	ssyncadd.s32 $0xFFFFFF90  }
.LBB2_2:
0x6e: {  	[tilespmem:s28], [sflag:$0x3] =	stream.indirect.gather [hbm4b:s4+s20], $0x80, s26, s20, $0xb8;
	[tilespmem:$0x1E800] =	vst v63  }
0x6f: {  	_ =	swait.ge [sflag:s29], $0x3800  }
0x70: {  	[sflag:s29] =	ssyncset.done $0x0  }
0x71: {  	[sflag:s29] =	ssyncadd.s32 $0xFFFFC800  }
0x72: {  	[spmem:s2] =	stream.indirect.scatter.add.f32 [tilespmem:s21], [sflag:$0x4], $0x80, s19, s20, $0xb8;
	[tilespmem:$0x1E800] =	vst v63  }
0x73: {  	_ =	swait.ge [sflag:s30], $0x3800  }
0x74: {  	[sflag:s30] =	ssyncset.done $0x0  }
0x75: {  	[sflag:s30] =	ssyncadd.s32 $0xFFFFC800  }
0x76: {  	[spmem:s2] =	stream.indirect.scatter.add.f32 [tilespmem:s24], [sflag:$0x5], $0x80, s22, s20, $0xb8;
	[tilespmem:$0x1E800] =	vst v63  }
0x77: {  	_ =	swait.ge [sflag:s31], $0x3800  }
0x78: {  	[sflag:s31] =	ssyncset.done $0x0  }
0x79: {  	[sflag:s31] =	ssyncadd.s32 $0xFFFFC800  }
0x7a: {  	[spmem:s2] =	stream.indirect.scatter.add.f32 [tilespmem:s28], [sflag:$0x6], $0x80, s25, s20, $0xb8;
	[tilespmem:$0x1E800] =	vst v63  }
0x7b: {  	_ =	swait.ge [sflag:s0], $0x3800  }
0x7c: {  	s13 =	smov.u32 s11;
	s14 =	rddreg [dreg:$0x3]  }
0x7d: {  	[sflag:s0] =	ssyncset.done $0x0;
	s14 =	sadd.s32 s13, s14  }
0x7e: {  	[sflag:s0] =	ssyncadd.s32 $0xFFFFC800;
	s15 =	sadd.s32 $0x2A, s14  }
0x7f: {  	[tilespmem:s19], [sflag:$0x7] =	stream.linear.gather [hbm4b:s15+s3], $0x70, $0x38;
	[tilespmem:$0x1E800] =	vst v63  }
0x80: {  	_ =	swait.ge [sflag:s18], $0x70  }
0x81: {  	s15 =	sshrl.u32 s12, $0x3;
	[sflag:s18] =	ssyncset.done $0x0  }
0x82: {  	s15 =	sadd.s32 s5, s15;
	[sflag:s18] =	ssyncadd.s32 $0xFFFFFF90  }
0x83: {  	[tilespmem:s3], [sflag:$0x7] =	stream.linear.gather [hbm4b:s15+s3], $0x70, $0x38;
	[tilespmem:$0x1E800] =	vst v63  }
0x84: {  	_ =	swait.ge [sflag:s18], $0x70  }
0x85: {  	[sflag:s18] =	ssyncset.done $0x0  }
0x86: {  	[sflag:s18] =	ssyncadd.s32 $0xFFFFFF90  }
0x87: {  	[tilespmem:s21], [sflag:$0x1] =	stream.indirect.gather [hbm4b:s4+s20], $0x80, s3, s20, $0xb8;
	[tilespmem:$0x1E800] =	vst v63  }
0x88: {  	_ =	swait.ge [sflag:s1], $0x3800  }
0x89: {  	[sflag:s1] =	ssyncset.done $0x0  }
0x8a: {  	s15 =	sadd.s32 $0x38, s14;
	[sflag:s1] =	ssyncadd.s32 $0xFFFFC800  }
0x8b: {  	[tilespmem:s22], [sflag:$0x7] =	stream.linear.gather [hbm4b:s15+s3], $0x70, $0x38;
	[tilespmem:$0x1E800] =	vst v63  }
0x8c: {  	_ =	swait.ge [sflag:s18], $0x70  }
0x8d: {  	s15 =	rddreg [dreg:$0x5];
	[sflag:s18] =	ssyncset.done $0x0  }
0x8e: {  	[sflag:s18] =	ssyncadd.s32 $0xFFFFFF90;
	s15 =	sadd.s32 s13, s15  }
0x8f: {  	[tilespmem:s23], [sflag:$0x7] =	stream.linear.gather [hbm4b:s15+s3], $0x70, $0x38;
	[tilespmem:$0x1E800] =	vst v63  }
0x90: {  	_ =	swait.ge [sflag:s18], $0x70  }
0x91: {  	[sflag:s18] =	ssyncset.done $0x0  }
0x92: {  	[sflag:s18] =	ssyncadd.s32 $0xFFFFFF90  }
0x93: {  	[tilespmem:s24], [sflag:$0x2] =	stream.indirect.gather [hbm4b:s4+s20], $0x80, s23, s20, $0xb8;
	[tilespmem:$0x1E800] =	vst v63  }
0x94: {  	_ =	swait.ge [sflag:s6], $0x3800  }
0x95: {  	[sflag:s6] =	ssyncset.done $0x0  }
0x96: {  	s14 =	sadd.s32 $0x46, s14;
	[sflag:s6] =	ssyncadd.s32 $0xFFFFC800  }
0x97: {  	[tilespmem:s25], [sflag:$0x7] =	stream.linear.gather [hbm4b:s14+s3], $0x70, $0x38;
	[tilespmem:$0x1E800] =	vst v63  }
0x98: {  	_ =	swait.ge [sflag:s18], $0x70  }
0x99: {  	p0 =	sne.s32 s11, $0x984;
	s15 =	rddreg [dreg:$0x4];
	[sflag:s18] =	ssyncset.done $0x0  }
.Ltmp0:
0x9a: {  	[sflag:s18] =	ssyncadd.s32 $0xFFFFFF90;
	s13 =	sadd.s32 s13, s15;
	(pc) =	sbr.rel @p0 .LBB2_2-.Ltmp0, $4  }
0x9b: {  	[tilespmem:s26], [sflag:$0x7] =	stream.linear.gather [hbm4b:s13+s3], $0x70, $0x38;
	[tilespmem:$0x1E800] =	vst v63  }
0x9c: {  	_ =	swait.ge [sflag:s18], $0x70  }
0x9d: {  	[sflag:s18] =	ssyncset.done $0x0  }
0x9e: {  	s11 =	sadd.s32 $0x2A, s11;
	s12 =	sadd.s32 $0x150, s12;
	[sflag:s18] =	ssyncadd.s32 $0xFFFFFF90  }
0x9f: {  	[tilespmem:s28], [sflag:$0x3] =	stream.indirect.gather [hbm4b:s4+s20], $0x80, s26, s20, $0xb8;
	[tilespmem:$0x1E800] =	vst v63  }
0xa0: {  	_ =	swait.ge [sflag:s29], $0x3800  }
0xa1: {  	[sflag:s29] =	ssyncset.done $0x0  }
0xa2: {  	[sflag:s29] =	ssyncadd.s32 $0xFFFFC800  }
0xa3: {  	[spmem:s2] =	stream.indirect.scatter.add.f32 [tilespmem:s21], [sflag:$0x4], $0x80, s19, s20, $0xb8;
	[tilespmem:$0x1E800] =	vst v63  }
0xa4: {  	_ =	swait.ge [sflag:s30], $0x3800  }
0xa5: {  	[sflag:s30] =	ssyncset.done $0x0  }
0xa6: {  	[sflag:s30] =	ssyncadd.s32 $0xFFFFC800  }
0xa7: {  	[spmem:s2] =	stream.indirect.scatter.add.f32 [tilespmem:s24], [sflag:$0x5], $0x80, s22, s20, $0xb8;
	[tilespmem:$0x1E800] =	vst v63  }
0xa8: {  	_ =	swait.ge [sflag:s31], $0x3800  }
0xa9: {  	[sflag:s31] =	ssyncset.done $0x0  }
0xaa: {  	[sflag:s31] =	ssyncadd.s32 $0xFFFFC800  }
0xab: {  	[spmem:s2] =	stream.indirect.scatter.add.f32 [tilespmem:s28], [sflag:$0x6], $0x80, s25, s20, $0xb8;
	[tilespmem:$0x1E800] =	vst v63  }
0xac: {  	_ =	swait.ge [sflag:s0], $0x3800  }
0xad: {  	[sflag:s0] =	ssyncset.done $0x0  }
0xae: {  	[sflag:s0] =	ssyncadd.s32 $0xFFFFC800  }
0xaf: {  	_ =	swait.ge [sflag:s1], $0x3800  }
0xb0: {  	[sflag:s1] =	ssyncset.done $0x0  }
0xb1: {  	[sflag:s1] =	ssyncadd.s32 $0xFFFFC800  }
0xb2: {  	_ =	swait.ge [sflag:s6], $0x3800  }
0xb3: {  	[sflag:s6] =	ssyncset.done $0x0  }
0xb4: {  	[sflag:s6] =	ssyncadd.s32 $0xFFFFC800  }
0xb5: {  	[bflag:$0x0] =	sbarrier.arrive $0xFFFF  }
0xb6: {  	s11 =	rddreg [dreg:$0xb]  }
0xb7: {  	[hbm:s11], [sflag:s7] =	dma.local [spmem:s17], $0x2780  }
0xb8: {  	_ =	swait.ge [sflag:s18], $0x2780  }
0xb9: {  	s10 =	sadd.s32 $0x1, s10;
	s15 =	rddreg [dreg:$0xc]  }
0xba: {  	p0 =	sne.s32 s10, s15  }
.Ltmp1:
0xbb: {  	_ = 	snop;
	(pc) =	sbr.rel @p0 .LBB2_1-.Ltmp1, $3  }
0xbc: {  	_ =	sdelay $0x1  }
0xbd: {  	[sflag:s18] =	ssyncset.done $0x0  }
0xbe: {  	[sflag:s18] =	ssyncadd.s32 $0xFFFFD880  }
0xbf: {  	_ =	sfence.sel $0x180000  }
0xc0: {  	[bflag:$0x0] =	sbarrier.arrive $0xFFFF  }
0xc1: {  	_ =	strace $0x90000050  }
0xc2: {  	s0 =	stileid.u32;
	[bflag:$0x2] =	sbarrier.arrive $0xFFFF  }
0xc3: {  	p0 =	sne.s32 s0, $0x0;
	s0 =	rddreg [dreg:$0x2]  }
0xc4: {  	s0 =	sadd.s32 @!p0 $0x100000, s0  }
0xc5: {  	[sflag:s0] =	ssyncadd.tile.s32 @!p0 $0x1;
	_ =	shalt  }
.Lfunc_end2:
_tile_overlayer_lowered:
.L_overlay_start_2:
0xc6: {  	(tag) =	ssettag $0x2  }
0xc7: {  	s0 =	rddreg [dreg:$0x0];
	s2 =	stileid.u32  }
0xc8: {  	s1 =	rddreg [dreg:$0x1];
	p0 =	sne.s32 s2, $0x0  }
0xc9: {  	s3 =	rddreg [dreg:$0x2];
	[bflag:$0x3] =	sbarrier.arrive $0xFFFF;
	s2 =	simm.s32 @!p0 $0x1C07  }
0xca: {  	[timem:s3], [sflag:s2] =	dma.local @!p0 [hbm:s0], s1  }
0xcb: {  	s0 =	simm.s32 @!p0 $0x7  }
0xcc: {  	_ =	swait.ge @!p0 [sflag:s0], s1  }
0xcd: {  	s1 =	ssub.s32 @!p0 $0x0, s1;
	[sflag:s0] =	ssyncset.done @!p0 $0x0  }
0xce: {  	[sflag:s0] =	ssyncadd.s32 @!p0 s1  }
0xcf: {  	[bflag:$0x3] =	sbarrier.arrive $0xFFFF  }
0xd0: {  	_ =	shalt  }

</sc_bundles>
